<compile_context>
chip_gen: v7x
topology: tpu7x:2x2x1
jax: 0.10.2.dev20260603
libtpu: 0.0.44.dev20260713+nightly
codegen_flags: <defaults>
</compile_context>

<pallas_src>
import functools

import jax
import jax.numpy as jnp
from jax import lax
from jax.experimental import pallas as pl
from jax.experimental.pallas import tpu as pltpu
from jax.experimental.pallas import tpu_sc as plsc

N = 10000
E = 320000
D = 128
NGRAPH = 64

NC = 2
NS = 16
NW = NC * NS

NROW = 10112
RPT = NROW // NS

CW = 125
EPW = E // NW
EWP = 18000
NCHUNK = EWP // CW
PC = 24
NPIECE = NCHUNK // PC
DEAD = 10016


def _sc_segment_body(h_hbm, zeros_hbm, src_hbm, dst_hbm, out_hbm,
                     src_v, dst_v, rows_v, acc_sh, gsem):
    c = lax.axis_index("c")
    s = lax.axis_index("s")

    pltpu.sync_copy(zeros_hbm.at[pl.ds(s * RPT, RPT)],
                    acc_sh.at[pl.ds(s * RPT, RPT)])
    plsc.subcore_barrier()

    wid = c * NS + s

    def piece(p, carry):
        pltpu.sync_copy(src_hbm.at[wid, pl.ds(p * PC, PC)], src_v)
        pltpu.sync_copy(dst_hbm.at[wid, pl.ds(p * PC, PC)], dst_v)

        def body(j, carry2):
            pltpu.async_copy(h_hbm.at[src_v.at[j]], rows_v, gsem).wait()
            pltpu.sync_copy(rows_v, acc_sh.at[dst_v.at[j]], add=True)
            return carry2

        return lax.fori_loop(0, PC, body, carry)

    lax.fori_loop(0, NPIECE, piece, 0)

    plsc.subcore_barrier()
    pltpu.sync_copy(acc_sh.at[pl.ds(s * RPT, RPT)],
                    out_hbm.at[c, pl.ds(s * RPT, RPT)])


_sc_segment = functools.partial(
    pl.kernel,
    out_type=jax.ShapeDtypeStruct((NC, NROW, D), jnp.float32),
    mesh=plsc.VectorSubcoreMesh(core_axis_name="c", subcore_axis_name="s"),
    scratch_types=[
        pltpu.VMEM((PC, CW), jnp.int32),
        pltpu.VMEM((PC, CW), jnp.int32),
        pltpu.VMEM((CW, D), jnp.float32),
        pltpu.VMEM_SHARED((NROW, D), jnp.float32),
        pltpu.SemaphoreType.DMA,
    ],
)(_sc_segment_body)


def _dot(a, b):
    return lax.dot_general(a, b, (((1,), (0,)), ((), ())),
                           preferred_element_type=jnp.float32)


def _tc_pre_body(h_ref, parts_ref, w1_ref, b1_ref, w2_ref, b2_ref, out_ref):
    z = h_ref[...] + (parts_ref[0, 0:N, :] + parts_ref[1, 0:N, :])
    z = _dot(z, w1_ref[...]) + b1_ref[...]
    z = jnp.maximum(z, 0.0)
    z = _dot(z, w2_ref[...]) + b2_ref[...]
    out_ref[...] = jnp.maximum(z, 0.0)


def _bn_apply(h, mean, var, g_ref, beta_ref):
    return (h - mean) / jnp.sqrt(var + 1e-5) * g_ref[...] + beta_ref[...]


def _tc_bn_body(h_ref, mean_ref, var_ref, g_ref, beta_ref, out_ref):
    out_ref[...] = _bn_apply(h_ref[...], mean_ref[...], var_ref[...],
                             g_ref, beta_ref)


def _tc_final_body(h_ref, mean_ref, var_ref, g_ref, beta_ref,
                   onehot_ref, fc1w_ref, fc1b_ref, fc2w_ref, fc2b_ref,
                   out_ref):
    h = _bn_apply(h_ref[...], mean_ref[...], var_ref[...], g_ref, beta_ref)
    pooled = lax.dot_general(onehot_ref[...], h, (((0,), (0,)), ((), ())),
                             preferred_element_type=jnp.float32)
    o = _dot(pooled, fc1w_ref[...]) + fc1b_ref[...]
    o = jnp.maximum(o, 0.0)
    out_ref[...] = _dot(o, fc2w_ref[...]) + fc2b_ref[...]


def _tc_pre(h, parts, w1, b1, w2, b2):
    return pl.pallas_call(
        _tc_pre_body,
        out_shape=jax.ShapeDtypeStruct((N, D), jnp.float32),
    )(h, parts, w1, b1.reshape(1, D), w2, b2.reshape(1, D))


def _tc_bn(hp, mean, var, g, beta):
    return pl.pallas_call(
        _tc_bn_body,
        out_shape=jax.ShapeDtypeStruct((N, D), jnp.float32),
    )(hp, mean.reshape(1, D), var.reshape(1, D),
      g.reshape(1, D), beta.reshape(1, D))


def _tc_final(hp, mean, var, g, beta, onehot, fc1_w, fc1_b, fc2_w, fc2_b):
    return pl.pallas_call(
        _tc_final_body,
        out_shape=jax.ShapeDtypeStruct((NGRAPH, D), jnp.float32),
    )(hp, mean.reshape(1, D), var.reshape(1, D),
      g.reshape(1, D), beta.reshape(1, D), onehot,
      fc1_w, fc1_b.reshape(1, D), fc2_w, fc2_b.reshape(1, D))


def kernel(x, edge_index, batch, conv_w1, conv_b1, conv_w2, conv_b2,
           bn_g, bn_b, fc1_w, fc1_b, fc2_w, fc2_b):
    src = edge_index[0]
    dst = edge_index[1]
    order1 = jnp.argsort(dst, stable=True)
    ds1 = dst[order1]
    ss1 = src[order1]
    first = jnp.searchsorted(ds1, ds1, side="left").astype(jnp.int32)
    rank = jnp.arange(E, dtype=jnp.int32) - first
    wid = (jnp.arange(E, dtype=jnp.int32) // EPW)
    key = wid * jnp.int32(16384) + jnp.minimum(rank, 16383)
    order2 = jnp.argsort(key, stable=True)
    k2 = key[order2]
    ds2 = ds1[order2]
    ss2 = ss1[order2]
    gfirst = jnp.searchsorted(k2, k2, side="left").astype(jnp.int32)
    glast = jnp.searchsorted(k2, k2, side="right").astype(jnp.int32)
    gidx = jnp.arange(E, dtype=jnp.int32) - gfirst
    gcount = glast - gfirst
    psize = ((gcount + (CW - 1)) // CW) * CW
    contrib = jnp.where(jnp.arange(E, dtype=jnp.int32) == gfirst, psize, 0)
    csum = jnp.cumsum(contrib)
    before_group = csum - psize
    wbase = before_group[jnp.arange(NW) * EPW]
    pos = wid * jnp.int32(EWP) + (before_group - wbase[wid]) + gidx
    src_flat = jnp.zeros((NW * EWP,), jnp.int32).at[pos].set(
        ss2, mode="drop")
    dst_flat = jnp.full((NW * EWP,), DEAD, jnp.int32).at[pos].set(
        ds2, mode="drop")
    src_p = src_flat.reshape(NW, NCHUNK, CW)
    dst_p = dst_flat.reshape(NW, NCHUNK, CW)
    zeros = jnp.zeros((NROW, D), jnp.float32)
    onehot = (batch[:, None] == jnp.arange(NGRAPH, dtype=jnp.int32)[None, :]
              ).astype(jnp.float32)

    h = x.astype(jnp.float32)
    for i in range(5):
        parts = _sc_segment(h, zeros, src_p, dst_p)
        hp = _tc_pre(h, parts, conv_w1[i], conv_b1[i], conv_w2[i],
                     conv_b2[i])
        mean = jnp.mean(hp, axis=0)
        var = jnp.var(hp, axis=0)
        if i < 4:
            h = _tc_bn(hp, mean, var, bn_g[i], bn_b[i])
        else:
            return _tc_final(hp, mean, var, bn_g[4], bn_b[4], onehot,
                             fc1_w, fc1_b, fc2_w, fc2_b)

# --- scband reference (transcript-rebuilt; emitter-appended) ---
"""Pipeline reference for scband-graph-isomorphism-network-31009663877671 (READ-ONLY COPY).

The authoritative reference and input builder live on the scoring server;
editing this copy changes nothing except your own understanding.
"""

import jax, jax.numpy as jnp
import numpy as np

N = 10000
E = 320000
D = 128
HID = 128
OUT = 128
NGRAPH = 64


def setup_inputs(seed: int = 0) -> dict:
    key = jax.random.key(seed)
    ks = jax.random.split(key, 16)
    x = jax.random.normal(ks[0], (N, D), dtype=jnp.float32)
    edge_index = jax.random.randint(ks[1], (2, E), 0, N, dtype=jnp.int32)
    batch = jnp.sort(jax.random.randint(ks[2], (N,), 0, NGRAPH, dtype=jnp.int32))
    s = 0.05
    conv_w1 = jax.random.normal(ks[3], (5, D, HID), dtype=jnp.float32) * s
    conv_b1 = jax.random.normal(ks[4], (5, HID), dtype=jnp.float32) * s
    conv_w2 = jax.random.normal(ks[5], (5, HID, HID), dtype=jnp.float32) * s
    conv_b2 = jax.random.normal(ks[6], (5, HID), dtype=jnp.float32) * s
    bn_g = jnp.ones((5, HID), dtype=jnp.float32)
    bn_b = jnp.zeros((5, HID), dtype=jnp.float32)
    fc1_w = jax.random.normal(ks[7], (HID, HID), dtype=jnp.float32) * s
    fc1_b = jax.random.normal(ks[8], (HID,), dtype=jnp.float32) * s
    fc2_w = jax.random.normal(ks[9], (HID, OUT), dtype=jnp.float32) * s
    fc2_b = jax.random.normal(ks[10], (OUT,), dtype=jnp.float32) * s
    return {"x": x, "edge_index": edge_index, "batch": batch,
            "conv_w1": conv_w1, "conv_b1": conv_b1, "conv_w2": conv_w2, "conv_b2": conv_b2,
            "bn_g": bn_g, "bn_b": bn_b,
            "fc1_w": fc1_w, "fc1_b": fc1_b, "fc2_w": fc2_w, "fc2_b": fc2_b}


def reference(x, edge_index, batch, conv_w1, conv_b1, conv_w2, conv_b2, bn_g, bn_b, fc1_w, fc1_b, fc2_w, fc2_b):
    src = edge_index[0]
    dst = edge_index[1]
    h = x.astype(jnp.float32)
    for i in range(5):
        # GINConv with eps=0 (PyG default, train_eps=False):
        # out = MLP((1+eps)*x + sum_{j in N(i)} x_j)
        agg = jax.ops.segment_sum(h[src], dst, num_segments=N)
        z = h + agg
        z = z @ conv_w1[i] + conv_b1[i]
        z = jax.nn.relu(z)
        z = z @ conv_w2[i] + conv_b2[i]
        # outer ReLU activation from forward()
        h = jax.nn.relu(z)
        # BatchNorm1d (training-mode batch statistics)
        mean = jnp.mean(h, axis=0)
        var = jnp.var(h, axis=0)
        h = (h - mean) / jnp.sqrt(var + 1e-5) * bn_g[i] + bn_b[i]
    pooled = jax.ops.segment_sum(h, batch, num_segments=NGRAPH)
    out = pooled @ fc1_w + fc1_b
    out = jax.nn.relu(out)
    # dropout is identity in inference reference
    out = out @ fc2_w + fc2_b
    return out

if __name__ == "__main__":
    import jax
    _d = setup_inputs()
    print(jax.jit(kernel)(*tuple(_d.values())))

</pallas_src>

<mosaic_0001>
#map = affine_map<(d0, d1) -> (0, 0)>
#map1 = affine_map<(d0, d1) -> (0, 0, 0)>
module attributes {stable_mosaic.version = 14 : i64} {
  func.func @_sc_segment_body(%arg0: i32, %arg1: i32, %arg2: memref<10000x128xf32, #tpu.memory_space<hbm>>, %arg3: memref<10112x128xf32, #tpu.memory_space<hbm>>, %arg4: memref<32x144x125xi32, #tpu.memory_space<hbm>>, %arg5: memref<32x144x125xi32, #tpu.memory_space<hbm>>, %arg6: memref<2x10112x128xf32, #tpu.memory_space<hbm>>, %arg7: memref<24x125xi32, #tpu.memory_space<vmem>>, %arg8: memref<24x125xi32, #tpu.memory_space<vmem>>, %arg9: memref<125x128xf32, #tpu.memory_space<vmem>>, %arg10: memref<10112x128xf32, #tpu.memory_space<vmem_shared>>, %arg11: memref<!tpu.dma_semaphore, #tpu.memory_space<semaphore_mem>>) attributes {dimension_semantics = [#tpu.dimension_semantics<core_parallel>, #tpu.dimension_semantics<subcore_parallel>], iteration_bounds = array<i64: 2, 16>, scalar_prefetch = 0 : i64, scratch_operands = 5 : i64, tpu.core_type = #tpu.core_type<sc_vector_subcore>, window_params = [{transform_indices = #map}, {transform_indices = #map}, {transform_indices = #map1}, {transform_indices = #map1}, {transform_indices = #map1}]} {
    %mul3A = arith.constant 632 : i32
    %mul3A_0 = arith.muli %arg1, %mul3A : i32
    %mul3A_1 = arith.constant 632 : i32
    %mul3A_2 = arith.muli %arg1, %mul3A_1 : i32
    "tpu.region"() ({
      %run_scoped3A = tpu.sem_alloc : memref<!tpu.dma_semaphore, #tpu.memory_space<semaphore_mem>>
      %dma_start3A = arith.constant 0 : i32
      %dma_start3A_15 = tpu.memref_slice %arg10[%mul3A_2, %dma_start3A] : memref<10112x128xf32, #tpu.memory_space<vmem_shared>> -> memref<632x128xf32, #tpu.memory_space<vmem_shared>>
      %dma_start3A_16 = arith.constant 0 : i32
      %dma_start3A_17 = tpu.memref_slice %arg3[%mul3A_0, %dma_start3A_16] : memref<10112x128xf32, #tpu.memory_space<hbm>> -> memref<632x128xf32, #tpu.memory_space<hbm>>
      tpu.enqueue_dma source(%dma_start3A_17 : memref<632x128xf32, #tpu.memory_space<hbm>>) target(%dma_start3A_15 : memref<632x128xf32, #tpu.memory_space<vmem_shared>>) target_semaphore(%run_scoped3A : memref<!tpu.dma_semaphore, #tpu.memory_space<semaphore_mem>>)
      %dma_wait3A = arith.constant 0 : i32
      %dma_wait3A_18 = tpu.memref_slice %arg10[%mul3A_2, %dma_wait3A] : memref<10112x128xf32, #tpu.memory_space<vmem_shared>> -> memref<632x128xf32, #tpu.memory_space<vmem_shared>>
      %dma_wait3A_19 = arith.constant 0 : i32
      %dma_wait3A_20 = tpu.memref_slice %arg3[%mul3A_0, %dma_wait3A_19] : memref<10112x128xf32, #tpu.memory_space<hbm>> -> memref<632x128xf32, #tpu.memory_space<hbm>>
      tpu.wait_dma2 semaphore(%run_scoped3A : memref<!tpu.dma_semaphore, #tpu.memory_space<semaphore_mem>>) src(%dma_wait3A_20 : memref<632x128xf32, #tpu.memory_space<hbm>>) dst(%dma_wait3A_18 : memref<632x128xf32, #tpu.memory_space<vmem_shared>>)
      tpu.yield
    }) : () -> ()
    %barrier3A = arith.constant 0 : index
    tpu.barrier barrier_id(%barrier3A)
    %mul3A_3 = arith.constant 16 : i32
    %mul3A_4 = arith.muli %arg0, %mul3A_3 : i32
    %add3A = arith.addi %mul3A_4, %arg1 : i32
    %scan3A = arith.constant 0 : i32
    %scan3A_5 = arith.constant 0 : i32
    %scan3A_6 = arith.constant 6 : i32
    %scan3A_7 = arith.addi %scan3A_5, %scan3A_6 : i32
    %scan3A_8 = arith.constant 1 : i32
    scf.for %scan3A_15 = %scan3A_5 to %scan3A_7 step %scan3A_8  : i32 {
      %mul3A_16 = arith.constant 24 : i32
      %mul3A_17 = arith.muli %scan3A_15, %mul3A_16 : i32
      "tpu.region"() ({
        %run_scoped3A = tpu.sem_alloc : memref<!tpu.dma_semaphore, #tpu.memory_space<semaphore_mem>>
        %dma_start3A = arith.constant 0 : i32
        %dma_start3A_25 = tpu.memref_slice %arg4[%add3A, %mul3A_17, %dma_start3A] : memref<32x144x125xi32, #tpu.memory_space<hbm>> -> memref<1x24x125xi32, #tpu.memory_space<hbm>>
        %dma_start3A_26 = tpu.memref_squeeze %dma_start3A_25 : memref<1x24x125xi32, #tpu.memory_space<hbm>> -> memref<24x125xi32, #tpu.memory_space<hbm>>
        %dma_start3A_27 = arith.constant 0 : i32
        %dma_start3A_28 = tpu.memref_slice %arg4[%add3A, %mul3A_17, %dma_start3A_27] : memref<32x144x125xi32, #tpu.memory_space<hbm>> -> memref<1x24x125xi32, #tpu.memory_space<hbm>>
        %dma_start3A_29 = tpu.memref_squeeze %dma_start3A_28 : memref<1x24x125xi32, #tpu.memory_space<hbm>> -> memref<24x125xi32, #tpu.memory_space<hbm>>
        tpu.enqueue_dma source(%dma_start3A_29 : memref<24x125xi32, #tpu.memory_space<hbm>>) target(%arg7 : memref<24x125xi32, #tpu.memory_space<vmem>>) target_semaphore(%run_scoped3A : memref<!tpu.dma_semaphore, #tpu.memory_space<semaphore_mem>>)
        %dma_wait3A = arith.constant 0 : i32
        %dma_wait3A_30 = tpu.memref_slice %arg4[%add3A, %mul3A_17, %dma_wait3A] : memref<32x144x125xi32, #tpu.memory_space<hbm>> -> memref<1x24x125xi32, #tpu.memory_space<hbm>>
        %dma_wait3A_31 = tpu.memref_squeeze %dma_wait3A_30 : memref<1x24x125xi32, #tpu.memory_space<hbm>> -> memref<24x125xi32, #tpu.memory_space<hbm>>
        %dma_wait3A_32 = arith.constant 0 : i32
        %dma_wait3A_33 = tpu.memref_slice %arg4[%add3A, %mul3A_17, %dma_wait3A_32] : memref<32x144x125xi32, #tpu.memory_space<hbm>> -> memref<1x24x125xi32, #tpu.memory_space<hbm>>
        %dma_wait3A_34 = tpu.memref_squeeze %dma_wait3A_33 : memref<1x24x125xi32, #tpu.memory_space<hbm>> -> memref<24x125xi32, #tpu.memory_space<hbm>>
        tpu.wait_dma2 semaphore(%run_scoped3A : memref<!tpu.dma_semaphore, #tpu.memory_space<semaphore_mem>>) src(%dma_wait3A_34 : memref<24x125xi32, #tpu.memory_space<hbm>>) dst(%arg7 : memref<24x125xi32, #tpu.memory_space<vmem>>)
        tpu.yield
      }) : () -> ()
      %mul3A_18 = arith.constant 24 : i32
      %mul3A_19 = arith.muli %scan3A_15, %mul3A_18 : i32
      "tpu.region"() ({
        %run_scoped3A = tpu.sem_alloc : memref<!tpu.dma_semaphore, #tpu.memory_space<semaphore_mem>>
        %dma_start3A = arith.constant 0 : i32
        %dma_start3A_25 = tpu.memref_slice %arg5[%add3A, %mul3A_19, %dma_start3A] : memref<32x144x125xi32, #tpu.memory_space<hbm>> -> memref<1x24x125xi32, #tpu.memory_space<hbm>>
        %dma_start3A_26 = tpu.memref_squeeze %dma_start3A_25 : memref<1x24x125xi32, #tpu.memory_space<hbm>> -> memref<24x125xi32, #tpu.memory_space<hbm>>
        %dma_start3A_27 = arith.constant 0 : i32
        %dma_start3A_28 = tpu.memref_slice %arg5[%add3A, %mul3A_19, %dma_start3A_27] : memref<32x144x125xi32, #tpu.memory_space<hbm>> -> memref<1x24x125xi32, #tpu.memory_space<hbm>>
        %dma_start3A_29 = tpu.memref_squeeze %dma_start3A_28 : memref<1x24x125xi32, #tpu.memory_space<hbm>> -> memref<24x125xi32, #tpu.memory_space<hbm>>
        tpu.enqueue_dma source(%dma_start3A_29 : memref<24x125xi32, #tpu.memory_space<hbm>>) target(%arg8 : memref<24x125xi32, #tpu.memory_space<vmem>>) target_semaphore(%run_scoped3A : memref<!tpu.dma_semaphore, #tpu.memory_space<semaphore_mem>>)
        %dma_wait3A = arith.constant 0 : i32
        %dma_wait3A_30 = tpu.memref_slice %arg5[%add3A, %mul3A_19, %dma_wait3A] : memref<32x144x125xi32, #tpu.memory_space<hbm>> -> memref<1x24x125xi32, #tpu.memory_space<hbm>>
        %dma_wait3A_31 = tpu.memref_squeeze %dma_wait3A_30 : memref<1x24x125xi32, #tpu.memory_space<hbm>> -> memref<24x125xi32, #tpu.memory_space<hbm>>
        %dma_wait3A_32 = arith.constant 0 : i32
        %dma_wait3A_33 = tpu.memref_slice %arg5[%add3A, %mul3A_19, %dma_wait3A_32] : memref<32x144x125xi32, #tpu.memory_space<hbm>> -> memref<1x24x125xi32, #tpu.memory_space<hbm>>
        %dma_wait3A_34 = tpu.memref_squeeze %dma_wait3A_33 : memref<1x24x125xi32, #tpu.memory_space<hbm>> -> memref<24x125xi32, #tpu.memory_space<hbm>>
        tpu.wait_dma2 semaphore(%run_scoped3A : memref<!tpu.dma_semaphore, #tpu.memory_space<semaphore_mem>>) src(%dma_wait3A_34 : memref<24x125xi32, #tpu.memory_space<hbm>>) dst(%arg8 : memref<24x125xi32, #tpu.memory_space<vmem>>)
        tpu.yield
      }) : () -> ()
      %scan3A_20 = arith.constant 0 : i32
      %scan3A_21 = arith.constant 24 : i32
      %scan3A_22 = arith.addi %scan3A_20, %scan3A_21 : i32
      %scan3A_23 = arith.constant 1 : i32
      scf.for %scan3A_25 = %scan3A_20 to %scan3A_22 step %scan3A_23  : i32 {
        %dma_start3A = arith.constant 0 : i32
        %dma_start3A_26 = tpu.memref_slice %arg7[%scan3A_25, %dma_start3A] : memref<24x125xi32, #tpu.memory_space<vmem>> -> memref<1x125xi32, #tpu.memory_space<vmem>>
        %dma_start3A_27 = tpu.memref_squeeze %dma_start3A_26 : memref<1x125xi32, #tpu.memory_space<vmem>> -> memref<125xi32, #tpu.memory_space<vmem>>
        %dma_start3A_28 = arith.constant 0 : i32
        %dma_start3A_29 = arith.constant 0 : i32
        %dma_start3A_30 = tpu.memref_slice %arg2[%dma_start3A_28, %dma_start3A_29] : memref<10000x128xf32, #tpu.memory_space<hbm>> -> memref<10000x128xf32, #tpu.memory_space<hbm>>
        tpu.enqueue_indirect_dma source(%dma_start3A_30 : memref<10000x128xf32, #tpu.memory_space<hbm>>) target(%arg9 : memref<125x128xf32, #tpu.memory_space<vmem>>) offsets(%dma_start3A_27 : memref<125xi32, #tpu.memory_space<vmem>>) semaphore(%arg11 : memref<!tpu.dma_semaphore, #tpu.memory_space<semaphore_mem>>)
        %dma_wait3A = arith.constant 0 : i32
        %dma_wait3A_31 = tpu.memref_slice %arg7[%scan3A_25, %dma_wait3A] : memref<24x125xi32, #tpu.memory_space<vmem>> -> memref<1x125xi32, #tpu.memory_space<vmem>>
        %dma_wait3A_32 = tpu.memref_squeeze %dma_wait3A_31 : memref<1x125xi32, #tpu.memory_space<vmem>> -> memref<125xi32, #tpu.memory_space<vmem>>
        %dma_wait3A_33 = arith.constant 0 : i32
        %dma_wait3A_34 = arith.constant 0 : i32
        %dma_wait3A_35 = tpu.memref_slice %arg2[%dma_wait3A_33, %dma_wait3A_34] : memref<10000x128xf32, #tpu.memory_space<hbm>> -> memref<10000x128xf32, #tpu.memory_space<hbm>>
        tpu.wait_indirect_dma semaphore(%arg11 : memref<!tpu.dma_semaphore, #tpu.memory_space<semaphore_mem>>) src(%dma_wait3A_35 : memref<10000x128xf32, #tpu.memory_space<hbm>>) dst(%arg9 : memref<125x128xf32, #tpu.memory_space<vmem>>)
        "tpu.region"() ({
          %run_scoped3A = tpu.sem_alloc : memref<!tpu.dma_semaphore, #tpu.memory_space<semaphore_mem>>
          %dma_start3A_36 = arith.constant 0 : i32
          %dma_start3A_37 = tpu.memref_slice %arg8[%scan3A_25, %dma_start3A_36] : memref<24x125xi32, #tpu.memory_space<vmem>> -> memref<1x125xi32, #tpu.memory_space<vmem>>
          %dma_start3A_38 = tpu.memref_squeeze %dma_start3A_37 : memref<1x125xi32, #tpu.memory_space<vmem>> -> memref<125xi32, #tpu.memory_space<vmem>>
          %dma_start3A_39 = arith.constant 0 : i32
          %dma_start3A_40 = arith.constant 0 : i32
          %dma_start3A_41 = tpu.memref_slice %arg10[%dma_start3A_39, %dma_start3A_40] : memref<10112x128xf32, #tpu.memory_space<vmem_shared>> -> memref<10112x128xf32, #tpu.memory_space<vmem_shared>>
          tpu.enqueue_indirect_dma source(%arg9 : memref<125x128xf32, #tpu.memory_space<vmem>>) target(%dma_start3A_41 : memref<10112x128xf32, #tpu.memory_space<vmem_shared>>) offsets(%dma_start3A_38 : memref<125xi32, #tpu.memory_space<vmem>>) semaphore(%run_scoped3A : memref<!tpu.dma_semaphore, #tpu.memory_space<semaphore_mem>>) {add = true}
          %dma_wait3A_42 = arith.constant 0 : i32
          %dma_wait3A_43 = tpu.memref_slice %arg8[%scan3A_25, %dma_wait3A_42] : memref<24x125xi32, #tpu.memory_space<vmem>> -> memref<1x125xi32, #tpu.memory_space<vmem>>
          %dma_wait3A_44 = tpu.memref_squeeze %dma_wait3A_43 : memref<1x125xi32, #tpu.memory_space<vmem>> -> memref<125xi32, #tpu.memory_space<vmem>>
          %dma_wait3A_45 = arith.constant 0 : i32
          %dma_wait3A_46 = arith.constant 0 : i32
          %dma_wait3A_47 = tpu.memref_slice %arg10[%dma_wait3A_45, %dma_wait3A_46] : memref<10112x128xf32, #tpu.memory_space<vmem_shared>> -> memref<10112x128xf32, #tpu.memory_space<vmem_shared>>
          tpu.wait_indirect_dma semaphore(%run_scoped3A : memref<!tpu.dma_semaphore, #tpu.memory_space<semaphore_mem>>) src(%arg9 : memref<125x128xf32, #tpu.memory_space<vmem>>) dst(%dma_wait3A_47 : memref<10112x128xf32, #tpu.memory_space<vmem_shared>>)
          tpu.yield
        }) : () -> ()
      }
      %scan3A_24 = arith.constant 24 : i32
    }
    %scan3A_9 = arith.constant 6 : i32
    %barrier3A_10 = arith.constant 0 : index
    tpu.barrier barrier_id(%barrier3A_10)
    %mul3A_11 = arith.constant 632 : i32
    %mul3A_12 = arith.muli %arg1, %mul3A_11 : i32
    %mul3A_13 = arith.constant 632 : i32
    %mul3A_14 = arith.muli %arg1, %mul3A_13 : i32
    "tpu.region"() ({
      %run_scoped3A = tpu.sem_alloc : memref<!tpu.dma_semaphore, #tpu.memory_space<semaphore_mem>>
      %dma_start3A = arith.constant 0 : i32
      %dma_start3A_15 = tpu.memref_slice %arg6[%arg0, %mul3A_14, %dma_start3A] : memref<2x10112x128xf32, #tpu.memory_space<hbm>> -> memref<1x632x128xf32, #tpu.memory_space<hbm>>
      %dma_start3A_16 = tpu.memref_squeeze %dma_start3A_15 : memref<1x632x128xf32, #tpu.memory_space<hbm>> -> memref<632x128xf32, #tpu.memory_space<hbm>>
      %dma_start3A_17 = arith.constant 0 : i32
      %dma_start3A_18 = tpu.memref_slice %arg10[%mul3A_12, %dma_start3A_17] : memref<10112x128xf32, #tpu.memory_space<vmem_shared>> -> memref<632x128xf32, #tpu.memory_space<vmem_shared>>
      tpu.enqueue_dma source(%dma_start3A_18 : memref<632x128xf32, #tpu.memory_space<vmem_shared>>) target(%dma_start3A_16 : memref<632x128xf32, #tpu.memory_space<hbm>>) target_semaphore(%run_scoped3A : memref<!tpu.dma_semaphore, #tpu.memory_space<semaphore_mem>>)
      %dma_wait3A = arith.constant 0 : i32
      %dma_wait3A_19 = tpu.memref_slice %arg6[%arg0, %mul3A_14, %dma_wait3A] : memref<2x10112x128xf32, #tpu.memory_space<hbm>> -> memref<1x632x128xf32, #tpu.memory_space<hbm>>
      %dma_wait3A_20 = tpu.memref_squeeze %dma_wait3A_19 : memref<1x632x128xf32, #tpu.memory_space<hbm>> -> memref<632x128xf32, #tpu.memory_space<hbm>>
      %dma_wait3A_21 = arith.constant 0 : i32
      %dma_wait3A_22 = tpu.memref_slice %arg10[%mul3A_12, %dma_wait3A_21] : memref<10112x128xf32, #tpu.memory_space<vmem_shared>> -> memref<632x128xf32, #tpu.memory_space<vmem_shared>>
      tpu.wait_dma2 semaphore(%run_scoped3A : memref<!tpu.dma_semaphore, #tpu.memory_space<semaphore_mem>>) src(%dma_wait3A_22 : memref<632x128xf32, #tpu.memory_space<vmem_shared>>) dst(%dma_wait3A_20 : memref<632x128xf32, #tpu.memory_space<hbm>>)
      tpu.yield
    }) : () -> ()
    return
  }
}

#map = affine_map<(d0, d1) -> (0, 0)>
#map1 = affine_map<(d0, d1) -> (0, 0, 0)>
module attributes {stable_mosaic.version = 14 : i64} {
  func.func @_sc_segment_body(%arg0: i32, %arg1: i32, %arg2: memref<10000x128xf32, #tpu.memory_space<hbm>>, %arg3: memref<10112x128xf32, #tpu.memory_space<hbm>>, %arg4: memref<32x144x125xi32, #tpu.memory_space<hbm>>, %arg5: memref<32x144x125xi32, #tpu.memory_space<hbm>>, %arg6: memref<2x10112x128xf32, #tpu.memory_space<hbm>>, %arg7: memref<24x125xi32, #tpu.memory_space<vmem>>, %arg8: memref<24x125xi32, #tpu.memory_space<vmem>>, %arg9: memref<125x128xf32, #tpu.memory_space<vmem>>, %arg10: memref<10112x128xf32, #tpu.memory_space<vmem_shared>>, %arg11: memref<!tpu.dma_semaphore, #tpu.memory_space<semaphore_mem>>) attributes {dimension_semantics = [#tpu.dimension_semantics<core_parallel>, #tpu.dimension_semantics<subcore_parallel>], iteration_bounds = array<i64: 2, 16>, scalar_prefetch = 0 : i64, scratch_operands = 5 : i64, tpu.core_type = #tpu.core_type<sc_vector_subcore>, window_params = [{transform_indices = #map}, {transform_indices = #map}, {transform_indices = #map1}, {transform_indices = #map1}, {transform_indices = #map1}]} {
    %mul3A = arith.constant 632 : i32
    %mul3A_0 = arith.muli %arg1, %mul3A : i32
    %mul3A_1 = arith.constant 632 : i32
    %mul3A_2 = arith.muli %arg1, %mul3A_1 : i32
    "tpu.region"() ({
      %run_scoped3A = tpu.sem_alloc : memref<!tpu.dma_semaphore, #tpu.memory_space<semaphore_mem>>
      %dma_start3A = arith.constant 0 : i32
      %dma_start3A_15 = tpu.memref_slice %arg10[%mul3A_2, %dma_start3A] : memref<10112x128xf32, #tpu.memory_space<vmem_shared>> -> memref<632x128xf32, #tpu.memory_space<vmem_shared>>
      %dma_start3A_16 = arith.constant 0 : i32
      %dma_start3A_17 = tpu.memref_slice %arg3[%mul3A_0, %dma_start3A_16] : memref<10112x128xf32, #tpu.memory_space<hbm>> -> memref<632x128xf32, #tpu.memory_space<hbm>>
      tpu.enqueue_dma source(%dma_start3A_17 : memref<632x128xf32, #tpu.memory_space<hbm>>) target(%dma_start3A_15 : memref<632x128xf32, #tpu.memory_space<vmem_shared>>) target_semaphore(%run_scoped3A : memref<!tpu.dma_semaphore, #tpu.memory_space<semaphore_mem>>)
      %dma_wait3A = arith.constant 0 : i32
      %dma_wait3A_18 = tpu.memref_slice %arg10[%mul3A_2, %dma_wait3A] : memref<10112x128xf32, #tpu.memory_space<vmem_shared>> -> memref<632x128xf32, #tpu.memory_space<vmem_shared>>
      %dma_wait3A_19 = arith.constant 0 : i32
      %dma_wait3A_20 = tpu.memref_slice %arg3[%mul3A_0, %dma_wait3A_19] : memref<10112x128xf32, #tpu.memory_space<hbm>> -> memref<632x128xf32, #tpu.memory_space<hbm>>
      tpu.wait_dma2 semaphore(%run_scoped3A : memref<!tpu.dma_semaphore, #tpu.memory_space<semaphore_mem>>) src(%dma_wait3A_20 : memref<632x128xf32, #tpu.memory_space<hbm>>) dst(%dma_wait3A_18 : memref<632x128xf32, #tpu.memory_space<vmem_shared>>)
      tpu.yield
    }) : () -> ()
    %barrier3A = arith.constant 0 : index
    tpu.barrier barrier_id(%barrier3A)
    %mul3A_3 = arith.constant 16 : i32
    %mul3A_4 = arith.muli %arg0, %mul3A_3 : i32
    %add3A = arith.addi %mul3A_4, %arg1 : i32
    %scan3A = arith.constant 0 : i32
    %scan3A_5 = arith.constant 0 : i32
    %scan3A_6 = arith.constant 6 : i32
    %scan3A_7 = arith.addi %scan3A_5, %scan3A_6 : i32
    %scan3A_8 = arith.constant 1 : i32
    scf.for %scan3A_15 = %scan3A_5 to %scan3A_7 step %scan3A_8  : i32 {
      %mul3A_16 = arith.constant 24 : i32
      %mul3A_17 = arith.muli %scan3A_15, %mul3A_16 : i32
      "tpu.region"() ({
        %run_scoped3A = tpu.sem_alloc : memref<!tpu.dma_semaphore, #tpu.memory_space<semaphore_mem>>
        %dma_start3A = arith.constant 0 : i32
        %dma_start3A_25 = tpu.memref_slice %arg4[%add3A, %mul3A_17, %dma_start3A] : memref<32x144x125xi32, #tpu.memory_space<hbm>> -> memref<1x24x125xi32, #tpu.memory_space<hbm>>
        %dma_start3A_26 = tpu.memref_squeeze %dma_start3A_25 : memref<1x24x125xi32, #tpu.memory_space<hbm>> -> memref<24x125xi32, #tpu.memory_space<hbm>>
        %dma_start3A_27 = arith.constant 0 : i32
        %dma_start3A_28 = tpu.memref_slice %arg4[%add3A, %mul3A_17, %dma_start3A_27] : memref<32x144x125xi32, #tpu.memory_space<hbm>> -> memref<1x24x125xi32, #tpu.memory_space<hbm>>
        %dma_start3A_29 = tpu.memref_squeeze %dma_start3A_28 : memref<1x24x125xi32, #tpu.memory_space<hbm>> -> memref<24x125xi32, #tpu.memory_space<hbm>>
        tpu.enqueue_dma source(%dma_start3A_29 : memref<24x125xi32, #tpu.memory_space<hbm>>) target(%arg7 : memref<24x125xi32, #tpu.memory_space<vmem>>) target_semaphore(%run_scoped3A : memref<!tpu.dma_semaphore, #tpu.memory_space<semaphore_mem>>)
        %dma_wait3A = arith.constant 0 : i32
        %dma_wait3A_30 = tpu.memref_slice %arg4[%add3A, %mul3A_17, %dma_wait3A] : memref<32x144x125xi32, #tpu.memory_space<hbm>> -> memref<1x24x125xi32, #tpu.memory_space<hbm>>
        %dma_wait3A_31 = tpu.memref_squeeze %dma_wait3A_30 : memref<1x24x125xi32, #tpu.memory_space<hbm>> -> memref<24x125xi32, #tpu.memory_space<hbm>>
        %dma_wait3A_32 = arith.constant 0 : i32
        %dma_wait3A_33 = tpu.memref_slice %arg4[%add3A, %mul3A_17, %dma_wait3A_32] : memref<32x144x125xi32, #tpu.memory_space<hbm>> -> memref<1x24x125xi32, #tpu.memory_space<hbm>>
        %dma_wait3A_34 = tpu.memref_squeeze %dma_wait3A_33 : memref<1x24x125xi32, #tpu.memory_space<hbm>> -> memref<24x125xi32, #tpu.memory_space<hbm>>
        tpu.wait_dma2 semaphore(%run_scoped3A : memref<!tpu.dma_semaphore, #tpu.memory_space<semaphore_mem>>) src(%dma_wait3A_34 : memref<24x125xi32, #tpu.memory_space<hbm>>) dst(%arg7 : memref<24x125xi32, #tpu.memory_space<vmem>>)
        tpu.yield
      }) : () -> ()
      %mul3A_18 = arith.constant 24 : i32
      %mul3A_19 = arith.muli %scan3A_15, %mul3A_18 : i32
      "tpu.region"() ({
        %run_scoped3A = tpu.sem_alloc : memref<!tpu.dma_semaphore, #tpu.memory_space<semaphore_mem>>
        %dma_start3A = arith.constant 0 : i32
        %dma_start3A_25 = tpu.memref_slice %arg5[%add3A, %mul3A_19, %dma_start3A] : memref<32x144x125xi32, #tpu.memory_space<hbm>> -> memref<1x24x125xi32, #tpu.memory_space<hbm>>
        %dma_start3A_26 = tpu.memref_squeeze %dma_start3A_25 : memref<1x24x125xi32, #tpu.memory_space<hbm>> -> memref<24x125xi32, #tpu.memory_space<hbm>>
        %dma_start3A_27 = arith.constant 0 : i32
        %dma_start3A_28 = tpu.memref_slice %arg5[%add3A, %mul3A_19, %dma_start3A_27] : memref<32x144x125xi32, #tpu.memory_space<hbm>> -> memref<1x24x125xi32, #tpu.memory_space<hbm>>
        %dma_start3A_29 = tpu.memref_squeeze %dma_start3A_28 : memref<1x24x125xi32, #tpu.memory_space<hbm>> -> memref<24x125xi32, #tpu.memory_space<hbm>>
        tpu.enqueue_dma source(%dma_start3A_29 : memref<24x125xi32, #tpu.memory_space<hbm>>) target(%arg8 : memref<24x125xi32, #tpu.memory_space<vmem>>) target_semaphore(%run_scoped3A : memref<!tpu.dma_semaphore, #tpu.memory_space<semaphore_mem>>)
        %dma_wait3A = arith.constant 0 : i32
        %dma_wait3A_30 = tpu.memref_slice %arg5[%add3A, %mul3A_19, %dma_wait3A] : memref<32x144x125xi32, #tpu.memory_space<hbm>> -> memref<1x24x125xi32, #tpu.memory_space<hbm>>
        %dma_wait3A_31 = tpu.memref_squeeze %dma_wait3A_30 : memref<1x24x125xi32, #tpu.memory_space<hbm>> -> memref<24x125xi32, #tpu.memory_space<hbm>>
        %dma_wait3A_32 = arith.constant 0 : i32
        %dma_wait3A_33 = tpu.memref_slice %arg5[%add3A, %mul3A_19, %dma_wait3A_32] : memref<32x144x125xi32, #tpu.memory_space<hbm>> -> memref<1x24x125xi32, #tpu.memory_space<hbm>>
        %dma_wait3A_34 = tpu.memref_squeeze %dma_wait3A_33 : memref<1x24x125xi32, #tpu.memory_space<hbm>> -> memref<24x125xi32, #tpu.memory_space<hbm>>
        tpu.wait_dma2 semaphore(%run_scoped3A : memref<!tpu.dma_semaphore, #tpu.memory_space<semaphore_mem>>) src(%dma_wait3A_34 : memref<24x125xi32, #tpu.memory_space<hbm>>) dst(%arg8 : memref<24x125xi32, #tpu.memory_space<vmem>>)
        tpu.yield
      }) : () -> ()
      %scan3A_20 = arith.constant 0 : i32
      %scan3A_21 = arith.constant 24 : i32
      %scan3A_22 = arith.addi %scan3A_20, %scan3A_21 : i32
      %scan3A_23 = arith.constant 1 : i32
      scf.for %scan3A_25 = %scan3A_20 to %scan3A_22 step %scan3A_23  : i32 {
        %dma_start3A = arith.constant 0 : i32
        %dma_start3A_26 = tpu.memref_slice %arg7[%scan3A_25, %dma_start3A] : memref<24x125xi32, #tpu.memory_space<vmem>> -> memref<1x125xi32, #tpu.memory_space<vmem>>
        %dma_start3A_27 = tpu.memref_squeeze %dma_start3A_26 : memref<1x125xi32, #tpu.memory_space<vmem>> -> memref<125xi32, #tpu.memory_space<vmem>>
        %dma_start3A_28 = arith.constant 0 : i32
        %dma_start3A_29 = arith.constant 0 : i32
        %dma_start3A_30 = tpu.memref_slice %arg2[%dma_start3A_28, %dma_start3A_29] : memref<10000x128xf32, #tpu.memory_space<hbm>> -> memref<10000x128xf32, #tpu.memory_space<hbm>>
        tpu.enqueue_indirect_dma source(%dma_start3A_30 : memref<10000x128xf32, #tpu.memory_space<hbm>>) target(%arg9 : memref<125x128xf32, #tpu.memory_space<vmem>>) offsets(%dma_start3A_27 : memref<125xi32, #tpu.memory_space<vmem>>) semaphore(%arg11 : memref<!tpu.dma_semaphore, #tpu.memory_space<semaphore_mem>>)
        %dma_wait3A = arith.constant 0 : i32
        %dma_wait3A_31 = tpu.memref_slice %arg7[%scan3A_25, %dma_wait3A] : memref<24x125xi32, #tpu.memory_space<vmem>> -> memref<1x125xi32, #tpu.memory_space<vmem>>
        %dma_wait3A_32 = tpu.memref_squeeze %dma_wait3A_31 : memref<1x125xi32, #tpu.memory_space<vmem>> -> memref<125xi32, #tpu.memory_space<vmem>>
        %dma_wait3A_33 = arith.constant 0 : i32
        %dma_wait3A_34 = arith.constant 0 : i32
        %dma_wait3A_35 = tpu.memref_slice %arg2[%dma_wait3A_33, %dma_wait3A_34] : memref<10000x128xf32, #tpu.memory_space<hbm>> -> memref<10000x128xf32, #tpu.memory_space<hbm>>
        tpu.wait_indirect_dma semaphore(%arg11 : memref<!tpu.dma_semaphore, #tpu.memory_space<semaphore_mem>>) src(%dma_wait3A_35 : memref<10000x128xf32, #tpu.memory_space<hbm>>) dst(%arg9 : memref<125x128xf32, #tpu.memory_space<vmem>>)
        "tpu.region"() ({
          %run_scoped3A = tpu.sem_alloc : memref<!tpu.dma_semaphore, #tpu.memory_space<semaphore_mem>>
          %dma_start3A_36 = arith.constant 0 : i32
          %dma_start3A_37 = tpu.memref_slice %arg8[%scan3A_25, %dma_start3A_36] : memref<24x125xi32, #tpu.memory_space<vmem>> -> memref<1x125xi32, #tpu.memory_space<vmem>>
          %dma_start3A_38 = tpu.memref_squeeze %dma_start3A_37 : memref<1x125xi32, #tpu.memory_space<vmem>> -> memref<125xi32, #tpu.memory_space<vmem>>
          %dma_start3A_39 = arith.constant 0 : i32
          %dma_start3A_40 = arith.constant 0 : i32
          %dma_start3A_41 = tpu.memref_slice %arg10[%dma_start3A_39, %dma_start3A_40] : memref<10112x128xf32, #tpu.memory_space<vmem_shared>> -> memref<10112x128xf32, #tpu.memory_space<vmem_shared>>
          tpu.enqueue_indirect_dma source(%arg9 : memref<125x128xf32, #tpu.memory_space<vmem>>) target(%dma_start3A_41 : memref<10112x128xf32, #tpu.memory_space<vmem_shared>>) offsets(%dma_start3A_38 : memref<125xi32, #tpu.memory_space<vmem>>) semaphore(%run_scoped3A : memref<!tpu.dma_semaphore, #tpu.memory_space<semaphore_mem>>) {add = true}
          %dma_wait3A_42 = arith.constant 0 : i32
          %dma_wait3A_43 = tpu.memref_slice %arg8[%scan3A_25, %dma_wait3A_42] : memref<24x125xi32, #tpu.memory_space<vmem>> -> memref<1x125xi32, #tpu.memory_space<vmem>>
          %dma_wait3A_44 = tpu.memref_squeeze %dma_wait3A_43 : memref<1x125xi32, #tpu.memory_space<vmem>> -> memref<125xi32, #tpu.memory_space<vmem>>
          %dma_wait3A_45 = arith.constant 0 : i32
          %dma_wait3A_46 = arith.constant 0 : i32
          %dma_wait3A_47 = tpu.memref_slice %arg10[%dma_wait3A_45, %dma_wait3A_46] : memref<10112x128xf32, #tpu.memory_space<vmem_shared>> -> memref<10112x128xf32, #tpu.memory_space<vmem_shared>>
          tpu.wait_indirect_dma semaphore(%run_scoped3A : memref<!tpu.dma_semaphore, #tpu.memory_space<semaphore_mem>>) src(%arg9 : memref<125x128xf32, #tpu.memory_space<vmem>>) dst(%dma_wait3A_47 : memref<10112x128xf32, #tpu.memory_space<vmem_shared>>)
          tpu.yield
        }) : () -> ()
      }
      %scan3A_24 = arith.constant 24 : i32
    }
    %scan3A_9 = arith.constant 6 : i32
    %barrier3A_10 = arith.constant 0 : index
    tpu.barrier barrier_id(%barrier3A_10)
    %mul3A_11 = arith.constant 632 : i32
    %mul3A_12 = arith.muli %arg1, %mul3A_11 : i32
    %mul3A_13 = arith.constant 632 : i32
    %mul3A_14 = arith.muli %arg1, %mul3A_13 : i32
    "tpu.region"() ({
      %run_scoped3A = tpu.sem_alloc : memref<!tpu.dma_semaphore, #tpu.memory_space<semaphore_mem>>
      %dma_start3A = arith.constant 0 : i32
      %dma_start3A_15 = tpu.memref_slice %arg6[%arg0, %mul3A_14, %dma_start3A] : memref<2x10112x128xf32, #tpu.memory_space<hbm>> -> memref<1x632x128xf32, #tpu.memory_space<hbm>>
      %dma_start3A_16 = tpu.memref_squeeze %dma_start3A_15 : memref<1x632x128xf32, #tpu.memory_space<hbm>> -> memref<632x128xf32, #tpu.memory_space<hbm>>
      %dma_start3A_17 = arith.constant 0 : i32
      %dma_start3A_18 = tpu.memref_slice %arg10[%mul3A_12, %dma_start3A_17] : memref<10112x128xf32, #tpu.memory_space<vmem_shared>> -> memref<632x128xf32, #tpu.memory_space<vmem_shared>>
      tpu.enqueue_dma source(%dma_start3A_18 : memref<632x128xf32, #tpu.memory_space<vmem_shared>>) target(%dma_start3A_16 : memref<632x128xf32, #tpu.memory_space<hbm>>) target_semaphore(%run_scoped3A : memref<!tpu.dma_semaphore, #tpu.memory_space<semaphore_mem>>)
      %dma_wait3A = arith.constant 0 : i32
      %dma_wait3A_19 = tpu.memref_slice %arg6[%arg0, %mul3A_14, %dma_wait3A] : memref<2x10112x128xf32, #tpu.memory_space<hbm>> -> memref<1x632x128xf32, #tpu.memory_space<hbm>>
      %dma_wait3A_20 = tpu.memref_squeeze %dma_wait3A_19 : memref<1x632x128xf32, #tpu.memory_space<hbm>> -> memref<632x128xf32, #tpu.memory_space<hbm>>
      %dma_wait3A_21 = arith.constant 0 : i32
      %dma_wait3A_22 = tpu.memref_slice %arg10[%mul3A_12, %dma_wait3A_21] : memref<10112x128xf32, #tpu.memory_space<vmem_shared>> -> memref<632x128xf32, #tpu.memory_space<vmem_shared>>
      tpu.wait_dma2 semaphore(%run_scoped3A : memref<!tpu.dma_semaphore, #tpu.memory_space<semaphore_mem>>) src(%dma_wait3A_22 : memref<632x128xf32, #tpu.memory_space<vmem_shared>>) dst(%dma_wait3A_20 : memref<632x128xf32, #tpu.memory_space<hbm>>)
      tpu.yield
    }) : () -> ()
    return
  }
}

#map = affine_map<(d0, d1) -> (0, 0)>
#map1 = affine_map<(d0, d1) -> (0, 0, 0)>
module attributes {stable_mosaic.version = 14 : i64} {
  func.func @_sc_segment_body(%arg0: i32, %arg1: i32, %arg2: memref<10000x128xf32, #tpu.memory_space<hbm>>, %arg3: memref<10112x128xf32, #tpu.memory_space<hbm>>, %arg4: memref<32x144x125xi32, #tpu.memory_space<hbm>>, %arg5: memref<32x144x125xi32, #tpu.memory_space<hbm>>, %arg6: memref<2x10112x128xf32, #tpu.memory_space<hbm>>, %arg7: memref<24x125xi32, #tpu.memory_space<vmem>>, %arg8: memref<24x125xi32, #tpu.memory_space<vmem>>, %arg9: memref<125x128xf32, #tpu.memory_space<vmem>>, %arg10: memref<10112x128xf32, #tpu.memory_space<vmem_shared>>, %arg11: memref<!tpu.dma_semaphore, #tpu.memory_space<semaphore_mem>>) attributes {dimension_semantics = [#tpu.dimension_semantics<core_parallel>, #tpu.dimension_semantics<subcore_parallel>], iteration_bounds = array<i64: 2, 16>, scalar_prefetch = 0 : i64, scratch_operands = 5 : i64, tpu.core_type = #tpu.core_type<sc_vector_subcore>, window_params = [{transform_indices = #map}, {transform_indices = #map}, {transform_indices = #map1}, {transform_indices = #map1}, {transform_indices = #map1}]} {
    %mul3A = arith.constant 632 : i32
    %mul3A_0 = arith.muli %arg1, %mul3A : i32
    %mul3A_1 = arith.constant 632 : i32
    %mul3A_2 = arith.muli %arg1, %mul3A_1 : i32
    "tpu.region"() ({
      %run_scoped3A = tpu.sem_alloc : memref<!tpu.dma_semaphore, #tpu.memory_space<semaphore_mem>>
      %dma_start3A = arith.constant 0 : i32
      %dma_start3A_15 = tpu.memref_slice %arg10[%mul3A_2, %dma_start3A] : memref<10112x128xf32, #tpu.memory_space<vmem_shared>> -> memref<632x128xf32, #tpu.memory_space<vmem_shared>>
      %dma_start3A_16 = arith.constant 0 : i32
      %dma_start3A_17 = tpu.memref_slice %arg3[%mul3A_0, %dma_start3A_16] : memref<10112x128xf32, #tpu.memory_space<hbm>> -> memref<632x128xf32, #tpu.memory_space<hbm>>
      tpu.enqueue_dma source(%dma_start3A_17 : memref<632x128xf32, #tpu.memory_space<hbm>>) target(%dma_start3A_15 : memref<632x128xf32, #tpu.memory_space<vmem_shared>>) target_semaphore(%run_scoped3A : memref<!tpu.dma_semaphore, #tpu.memory_space<semaphore_mem>>)
      %dma_wait3A = arith.constant 0 : i32
      %dma_wait3A_18 = tpu.memref_slice %arg10[%mul3A_2, %dma_wait3A] : memref<10112x128xf32, #tpu.memory_space<vmem_shared>> -> memref<632x128xf32, #tpu.memory_space<vmem_shared>>
      %dma_wait3A_19 = arith.constant 0 : i32
      %dma_wait3A_20 = tpu.memref_slice %arg3[%mul3A_0, %dma_wait3A_19] : memref<10112x128xf32, #tpu.memory_space<hbm>> -> memref<632x128xf32, #tpu.memory_space<hbm>>
      tpu.wait_dma2 semaphore(%run_scoped3A : memref<!tpu.dma_semaphore, #tpu.memory_space<semaphore_mem>>) src(%dma_wait3A_20 : memref<632x128xf32, #tpu.memory_space<hbm>>) dst(%dma_wait3A_18 : memref<632x128xf32, #tpu.memory_space<vmem_shared>>)
      tpu.yield
    }) : () -> ()
    %barrier3A = arith.constant 0 : index
    tpu.barrier barrier_id(%barrier3A)
    %mul3A_3 = arith.constant 16 : i32
    %mul3A_4 = arith.muli %arg0, %mul3A_3 : i32
    %add3A = arith.addi %mul3A_4, %arg1 : i32
    %scan3A = arith.constant 0 : i32
    %scan3A_5 = arith.constant 0 : i32
    %scan3A_6 = arith.constant 6 : i32
    %scan3A_7 = arith.addi %scan3A_5, %scan3A_6 : i32
    %scan3A_8 = arith.constant 1 : i32
    scf.for %scan3A_15 = %scan3A_5 to %scan3A_7 step %scan3A_8  : i32 {
      %mul3A_16 = arith.constant 24 : i32
      %mul3A_17 = arith.muli %scan3A_15, %mul3A_16 : i32
      "tpu.region"() ({
        %run_scoped3A = tpu.sem_alloc : memref<!tpu.dma_semaphore, #tpu.memory_space<semaphore_mem>>
        %dma_start3A = arith.constant 0 : i32
        %dma_start3A_25 = tpu.memref_slice %arg4[%add3A, %mul3A_17, %dma_start3A] : memref<32x144x125xi32, #tpu.memory_space<hbm>> -> memref<1x24x125xi32, #tpu.memory_space<hbm>>
        %dma_start3A_26 = tpu.memref_squeeze %dma_start3A_25 : memref<1x24x125xi32, #tpu.memory_space<hbm>> -> memref<24x125xi32, #tpu.memory_space<hbm>>
        %dma_start3A_27 = arith.constant 0 : i32
        %dma_start3A_28 = tpu.memref_slice %arg4[%add3A, %mul3A_17, %dma_start3A_27] : memref<32x144x125xi32, #tpu.memory_space<hbm>> -> memref<1x24x125xi32, #tpu.memory_space<hbm>>
        %dma_start3A_29 = tpu.memref_squeeze %dma_start3A_28 : memref<1x24x125xi32, #tpu.memory_space<hbm>> -> memref<24x125xi32, #tpu.memory_space<hbm>>
        tpu.enqueue_dma source(%dma_start3A_29 : memref<24x125xi32, #tpu.memory_space<hbm>>) target(%arg7 : memref<24x125xi32, #tpu.memory_space<vmem>>) target_semaphore(%run_scoped3A : memref<!tpu.dma_semaphore, #tpu.memory_space<semaphore_mem>>)
        %dma_wait3A = arith.constant 0 : i32
        %dma_wait3A_30 = tpu.memref_slice %arg4[%add3A, %mul3A_17, %dma_wait3A] : memref<32x144x125xi32, #tpu.memory_space<hbm>> -> memref<1x24x125xi32, #tpu.memory_space<hbm>>
        %dma_wait3A_31 = tpu.memref_squeeze %dma_wait3A_30 : memref<1x24x125xi32, #tpu.memory_space<hbm>> -> memref<24x125xi32, #tpu.memory_space<hbm>>
        %dma_wait3A_32 = arith.constant 0 : i32
        %dma_wait3A_33 = tpu.memref_slice %arg4[%add3A, %mul3A_17, %dma_wait3A_32] : memref<32x144x125xi32, #tpu.memory_space<hbm>> -> memref<1x24x125xi32, #tpu.memory_space<hbm>>
        %dma_wait3A_34 = tpu.memref_squeeze %dma_wait3A_33 : memref<1x24x125xi32, #tpu.memory_space<hbm>> -> memref<24x125xi32, #tpu.memory_space<hbm>>
        tpu.wait_dma2 semaphore(%run_scoped3A : memref<!tpu.dma_semaphore, #tpu.memory_space<semaphore_mem>>) src(%dma_wait3A_34 : memref<24x125xi32, #tpu.memory_space<hbm>>) dst(%arg7 : memref<24x125xi32, #tpu.memory_space<vmem>>)
        tpu.yield
      }) : () -> ()
      %mul3A_18 = arith.constant 24 : i32
      %mul3A_19 = arith.muli %scan3A_15, %mul3A_18 : i32
      "tpu.region"() ({
        %run_scoped3A = tpu.sem_alloc : memref<!tpu.dma_semaphore, #tpu.memory_space<semaphore_mem>>
        %dma_start3A = arith.constant 0 : i32
        %dma_start3A_25 = tpu.memref_slice %arg5[%add3A, %mul3A_19, %dma_start3A] : memref<32x144x125xi32, #tpu.memory_space<hbm>> -> memref<1x24x125xi32, #tpu.memory_space<hbm>>
        %dma_start3A_26 = tpu.memref_squeeze %dma_start3A_25 : memref<1x24x125xi32, #tpu.memory_space<hbm>> -> memref<24x125xi32, #tpu.memory_space<hbm>>
        %dma_start3A_27 = arith.constant 0 : i32
        %dma_start3A_28 = tpu.memref_slice %arg5[%add3A, %mul3A_19, %dma_start3A_27] : memref<32x144x125xi32, #tpu.memory_space<hbm>> -> memref<1x24x125xi32, #tpu.memory_space<hbm>>
        %dma_start3A_29 = tpu.memref_squeeze %dma_start3A_28 : memref<1x24x125xi32, #tpu.memory_space<hbm>> -> memref<24x125xi32, #tpu.memory_space<hbm>>
        tpu.enqueue_dma source(%dma_start3A_29 : memref<24x125xi32, #tpu.memory_space<hbm>>) target(%arg8 : memref<24x125xi32, #tpu.memory_space<vmem>>) target_semaphore(%run_scoped3A : memref<!tpu.dma_semaphore, #tpu.memory_space<semaphore_mem>>)
        %dma_wait3A = arith.constant 0 : i32
        %dma_wait3A_30 = tpu.memref_slice %arg5[%add3A, %mul3A_19, %dma_wait3A] : memref<32x144x125xi32, #tpu.memory_space<hbm>> -> memref<1x24x125xi32, #tpu.memory_space<hbm>>
        %dma_wait3A_31 = tpu.memref_squeeze %dma_wait3A_30 : memref<1x24x125xi32, #tpu.memory_space<hbm>> -> memref<24x125xi32, #tpu.memory_space<hbm>>
        %dma_wait3A_32 = arith.constant 0 : i32
        %dma_wait3A_33 = tpu.memref_slice %arg5[%add3A, %mul3A_19, %dma_wait3A_32] : memref<32x144x125xi32, #tpu.memory_space<hbm>> -> memref<1x24x125xi32, #tpu.memory_space<hbm>>
        %dma_wait3A_34 = tpu.memref_squeeze %dma_wait3A_33 : memref<1x24x125xi32, #tpu.memory_space<hbm>> -> memref<24x125xi32, #tpu.memory_space<hbm>>
        tpu.wait_dma2 semaphore(%run_scoped3A : memref<!tpu.dma_semaphore, #tpu.memory_space<semaphore_mem>>) src(%dma_wait3A_34 : memref<24x125xi32, #tpu.memory_space<hbm>>) dst(%arg8 : memref<24x125xi32, #tpu.memory_space<vmem>>)
        tpu.yield
      }) : () -> ()
      %scan3A_20 = arith.constant 0 : i32
      %scan3A_21 = arith.constant 24 : i32
      %scan3A_22 = arith.addi %scan3A_20, %scan3A_21 : i32
      %scan3A_23 = arith.constant 1 : i32
      scf.for %scan3A_25 = %scan3A_20 to %scan3A_22 step %scan3A_23  : i32 {
        %dma_start3A = arith.constant 0 : i32
        %dma_start3A_26 = tpu.memref_slice %arg7[%scan3A_25, %dma_start3A] : memref<24x125xi32, #tpu.memory_space<vmem>> -> memref<1x125xi32, #tpu.memory_space<vmem>>
        %dma_start3A_27 = tpu.memref_squeeze %dma_start3A_26 : memref<1x125xi32, #tpu.memory_space<vmem>> -> memref<125xi32, #tpu.memory_space<vmem>>
        %dma_start3A_28 = arith.constant 0 : i32
        %dma_start3A_29 = arith.constant 0 : i32
        %dma_start3A_30 = tpu.memref_slice %arg2[%dma_start3A_28, %dma_start3A_29] : memref<10000x128xf32, #tpu.memory_space<hbm>> -> memref<10000x128xf32, #tpu.memory_space<hbm>>
        tpu.enqueue_indirect_dma source(%dma_start3A_30 : memref<10000x128xf32, #tpu.memory_space<hbm>>) target(%arg9 : memref<125x128xf32, #tpu.memory_space<vmem>>) offsets(%dma_start3A_27 : memref<125xi32, #tpu.memory_space<vmem>>) semaphore(%arg11 : memref<!tpu.dma_semaphore, #tpu.memory_space<semaphore_mem>>)
        %dma_wait3A = arith.constant 0 : i32
        %dma_wait3A_31 = tpu.memref_slice %arg7[%scan3A_25, %dma_wait3A] : memref<24x125xi32, #tpu.memory_space<vmem>> -> memref<1x125xi32, #tpu.memory_space<vmem>>
        %dma_wait3A_32 = tpu.memref_squeeze %dma_wait3A_31 : memref<1x125xi32, #tpu.memory_space<vmem>> -> memref<125xi32, #tpu.memory_space<vmem>>
        %dma_wait3A_33 = arith.constant 0 : i32
        %dma_wait3A_34 = arith.constant 0 : i32
        %dma_wait3A_35 = tpu.memref_slice %arg2[%dma_wait3A_33, %dma_wait3A_34] : memref<10000x128xf32, #tpu.memory_space<hbm>> -> memref<10000x128xf32, #tpu.memory_space<hbm>>
        tpu.wait_indirect_dma semaphore(%arg11 : memref<!tpu.dma_semaphore, #tpu.memory_space<semaphore_mem>>) src(%dma_wait3A_35 : memref<10000x128xf32, #tpu.memory_space<hbm>>) dst(%arg9 : memref<125x128xf32, #tpu.memory_space<vmem>>)
        "tpu.region"() ({
          %run_scoped3A = tpu.sem_alloc : memref<!tpu.dma_semaphore, #tpu.memory_space<semaphore_mem>>
          %dma_start3A_36 = arith.constant 0 : i32
          %dma_start3A_37 = tpu.memref_slice %arg8[%scan3A_25, %dma_start3A_36] : memref<24x125xi32, #tpu.memory_space<vmem>> -> memref<1x125xi32, #tpu.memory_space<vmem>>
          %dma_start3A_38 = tpu.memref_squeeze %dma_start3A_37 : memref<1x125xi32, #tpu.memory_space<vmem>> -> memref<125xi32, #tpu.memory_space<vmem>>
          %dma_start3A_39 = arith.constant 0 : i32
          %dma_start3A_40 = arith.constant 0 : i32
          %dma_start3A_41 = tpu.memref_slice %arg10[%dma_start3A_39, %dma_start3A_40] : memref<10112x128xf32, #tpu.memory_space<vmem_shared>> -> memref<10112x128xf32, #tpu.memory_space<vmem_shared>>
          tpu.enqueue_indirect_dma source(%arg9 : memref<125x128xf32, #tpu.memory_space<vmem>>) target(%dma_start3A_41 : memref<10112x128xf32, #tpu.memory_space<vmem_shared>>) offsets(%dma_start3A_38 : memref<125xi32, #tpu.memory_space<vmem>>) semaphore(%run_scoped3A : memref<!tpu.dma_semaphore, #tpu.memory_space<semaphore_mem>>) {add = true}
          %dma_wait3A_42 = arith.constant 0 : i32
          %dma_wait3A_43 = tpu.memref_slice %arg8[%scan3A_25, %dma_wait3A_42] : memref<24x125xi32, #tpu.memory_space<vmem>> -> memref<1x125xi32, #tpu.memory_space<vmem>>
          %dma_wait3A_44 = tpu.memref_squeeze %dma_wait3A_43 : memref<1x125xi32, #tpu.memory_space<vmem>> -> memref<125xi32, #tpu.memory_space<vmem>>
          %dma_wait3A_45 = arith.constant 0 : i32
          %dma_wait3A_46 = arith.constant 0 : i32
          %dma_wait3A_47 = tpu.memref_slice %arg10[%dma_wait3A_45, %dma_wait3A_46] : memref<10112x128xf32, #tpu.memory_space<vmem_shared>> -> memref<10112x128xf32, #tpu.memory_space<vmem_shared>>
          tpu.wait_indirect_dma semaphore(%run_scoped3A : memref<!tpu.dma_semaphore, #tpu.memory_space<semaphore_mem>>) src(%arg9 : memref<125x128xf32, #tpu.memory_space<vmem>>) dst(%dma_wait3A_47 : memref<10112x128xf32, #tpu.memory_space<vmem_shared>>)
          tpu.yield
        }) : () -> ()
      }
      %scan3A_24 = arith.constant 24 : i32
    }
    %scan3A_9 = arith.constant 6 : i32
    %barrier3A_10 = arith.constant 0 : index
    tpu.barrier barrier_id(%barrier3A_10)
    %mul3A_11 = arith.constant 632 : i32
    %mul3A_12 = arith.muli %arg1, %mul3A_11 : i32
    %mul3A_13 = arith.constant 632 : i32
    %mul3A_14 = arith.muli %arg1, %mul3A_13 : i32
    "tpu.region"() ({
      %run_scoped3A = tpu.sem_alloc : memref<!tpu.dma_semaphore, #tpu.memory_space<semaphore_mem>>
      %dma_start3A = arith.constant 0 : i32
      %dma_start3A_15 = tpu.memref_slice %arg6[%arg0, %mul3A_14, %dma_start3A] : memref<2x10112x128xf32, #tpu.memory_space<hbm>> -> memref<1x632x128xf32, #tpu.memory_space<hbm>>
      %dma_start3A_16 = tpu.memref_squeeze %dma_start3A_15 : memref<1x632x128xf32, #tpu.memory_space<hbm>> -> memref<632x128xf32, #tpu.memory_space<hbm>>
      %dma_start3A_17 = arith.constant 0 : i32
      %dma_start3A_18 = tpu.memref_slice %arg10[%mul3A_12, %dma_start3A_17] : memref<10112x128xf32, #tpu.memory_space<vmem_shared>> -> memref<632x128xf32, #tpu.memory_space<vmem_shared>>
      tpu.enqueue_dma source(%dma_start3A_18 : memref<632x128xf32, #tpu.memory_space<vmem_shared>>) target(%dma_start3A_16 : memref<632x128xf32, #tpu.memory_space<hbm>>) target_semaphore(%run_scoped3A : memref<!tpu.dma_semaphore, #tpu.memory_space<semaphore_mem>>)
      %dma_wait3A = arith.constant 0 : i32
      %dma_wait3A_19 = tpu.memref_slice %arg6[%arg0, %mul3A_14, %dma_wait3A] : memref<2x10112x128xf32, #tpu.memory_space<hbm>> -> memref<1x632x128xf32, #tpu.memory_space<hbm>>
      %dma_wait3A_20 = tpu.memref_squeeze %dma_wait3A_19 : memref<1x632x128xf32, #tpu.memory_space<hbm>> -> memref<632x128xf32, #tpu.memory_space<hbm>>
      %dma_wait3A_21 = arith.constant 0 : i32
      %dma_wait3A_22 = tpu.memref_slice %arg10[%mul3A_12, %dma_wait3A_21] : memref<10112x128xf32, #tpu.memory_space<vmem_shared>> -> memref<632x128xf32, #tpu.memory_space<vmem_shared>>
      tpu.wait_dma2 semaphore(%run_scoped3A : memref<!tpu.dma_semaphore, #tpu.memory_space<semaphore_mem>>) src(%dma_wait3A_22 : memref<632x128xf32, #tpu.memory_space<vmem_shared>>) dst(%dma_wait3A_20 : memref<632x128xf32, #tpu.memory_space<hbm>>)
      tpu.yield
    }) : () -> ()
    return
  }
}

#map = affine_map<(d0, d1) -> (0, 0)>
#map1 = affine_map<(d0, d1) -> (0, 0, 0)>
module attributes {stable_mosaic.version = 14 : i64} {
  func.func @_sc_segment_body(%arg0: i32, %arg1: i32, %arg2: memref<10000x128xf32, #tpu.memory_space<hbm>>, %arg3: memref<10112x128xf32, #tpu.memory_space<hbm>>, %arg4: memref<32x144x125xi32, #tpu.memory_space<hbm>>, %arg5: memref<32x144x125xi32, #tpu.memory_space<hbm>>, %arg6: memref<2x10112x128xf32, #tpu.memory_space<hbm>>, %arg7: memref<24x125xi32, #tpu.memory_space<vmem>>, %arg8: memref<24x125xi32, #tpu.memory_space<vmem>>, %arg9: memref<125x128xf32, #tpu.memory_space<vmem>>, %arg10: memref<10112x128xf32, #tpu.memory_space<vmem_shared>>, %arg11: memref<!tpu.dma_semaphore, #tpu.memory_space<semaphore_mem>>) attributes {dimension_semantics = [#tpu.dimension_semantics<core_parallel>, #tpu.dimension_semantics<subcore_parallel>], iteration_bounds = array<i64: 2, 16>, scalar_prefetch = 0 : i64, scratch_operands = 5 : i64, tpu.core_type = #tpu.core_type<sc_vector_subcore>, window_params = [{transform_indices = #map}, {transform_indices = #map}, {transform_indices = #map1}, {transform_indices = #map1}, {transform_indices = #map1}]} {
    %mul3A = arith.constant 632 : i32
    %mul3A_0 = arith.muli %arg1, %mul3A : i32
    %mul3A_1 = arith.constant 632 : i32
    %mul3A_2 = arith.muli %arg1, %mul3A_1 : i32
    "tpu.region"() ({
      %run_scoped3A = tpu.sem_alloc : memref<!tpu.dma_semaphore, #tpu.memory_space<semaphore_mem>>
      %dma_start3A = arith.constant 0 : i32
      %dma_start3A_15 = tpu.memref_slice %arg10[%mul3A_2, %dma_start3A] : memref<10112x128xf32, #tpu.memory_space<vmem_shared>> -> memref<632x128xf32, #tpu.memory_space<vmem_shared>>
      %dma_start3A_16 = arith.constant 0 : i32
      %dma_start3A_17 = tpu.memref_slice %arg3[%mul3A_0, %dma_start3A_16] : memref<10112x128xf32, #tpu.memory_space<hbm>> -> memref<632x128xf32, #tpu.memory_space<hbm>>
      tpu.enqueue_dma source(%dma_start3A_17 : memref<632x128xf32, #tpu.memory_space<hbm>>) target(%dma_start3A_15 : memref<632x128xf32, #tpu.memory_space<vmem_shared>>) target_semaphore(%run_scoped3A : memref<!tpu.dma_semaphore, #tpu.memory_space<semaphore_mem>>)
      %dma_wait3A = arith.constant 0 : i32
      %dma_wait3A_18 = tpu.memref_slice %arg10[%mul3A_2, %dma_wait3A] : memref<10112x128xf32, #tpu.memory_space<vmem_shared>> -> memref<632x128xf32, #tpu.memory_space<vmem_shared>>
      %dma_wait3A_19 = arith.constant 0 : i32
      %dma_wait3A_20 = tpu.memref_slice %arg3[%mul3A_0, %dma_wait3A_19] : memref<10112x128xf32, #tpu.memory_space<hbm>> -> memref<632x128xf32, #tpu.memory_space<hbm>>
      tpu.wait_dma2 semaphore(%run_scoped3A : memref<!tpu.dma_semaphore, #tpu.memory_space<semaphore_mem>>) src(%dma_wait3A_20 : memref<632x128xf32, #tpu.memory_space<hbm>>) dst(%dma_wait3A_18 : memref<632x128xf32, #tpu.memory_space<vmem_shared>>)
      tpu.yield
    }) : () -> ()
    %barrier3A = arith.constant 0 : index
    tpu.barrier barrier_id(%barrier3A)
    %mul3A_3 = arith.constant 16 : i32
    %mul3A_4 = arith.muli %arg0, %mul3A_3 : i32
    %add3A = arith.addi %mul3A_4, %arg1 : i32
    %scan3A = arith.constant 0 : i32
    %scan3A_5 = arith.constant 0 : i32
    %scan3A_6 = arith.constant 6 : i32
    %scan3A_7 = arith.addi %scan3A_5, %scan3A_6 : i32
    %scan3A_8 = arith.constant 1 : i32
    scf.for %scan3A_15 = %scan3A_5 to %scan3A_7 step %scan3A_8  : i32 {
      %mul3A_16 = arith.constant 24 : i32
      %mul3A_17 = arith.muli %scan3A_15, %mul3A_16 : i32
      "tpu.region"() ({
        %run_scoped3A = tpu.sem_alloc : memref<!tpu.dma_semaphore, #tpu.memory_space<semaphore_mem>>
        %dma_start3A = arith.constant 0 : i32
        %dma_start3A_25 = tpu.memref_slice %arg4[%add3A, %mul3A_17, %dma_start3A] : memref<32x144x125xi32, #tpu.memory_space<hbm>> -> memref<1x24x125xi32, #tpu.memory_space<hbm>>
        %dma_start3A_26 = tpu.memref_squeeze %dma_start3A_25 : memref<1x24x125xi32, #tpu.memory_space<hbm>> -> memref<24x125xi32, #tpu.memory_space<hbm>>
        %dma_start3A_27 = arith.constant 0 : i32
        %dma_start3A_28 = tpu.memref_slice %arg4[%add3A, %mul3A_17, %dma_start3A_27] : memref<32x144x125xi32, #tpu.memory_space<hbm>> -> memref<1x24x125xi32, #tpu.memory_space<hbm>>
        %dma_start3A_29 = tpu.memref_squeeze %dma_start3A_28 : memref<1x24x125xi32, #tpu.memory_space<hbm>> -> memref<24x125xi32, #tpu.memory_space<hbm>>
        tpu.enqueue_dma source(%dma_start3A_29 : memref<24x125xi32, #tpu.memory_space<hbm>>) target(%arg7 : memref<24x125xi32, #tpu.memory_space<vmem>>) target_semaphore(%run_scoped3A : memref<!tpu.dma_semaphore, #tpu.memory_space<semaphore_mem>>)
        %dma_wait3A = arith.constant 0 : i32
        %dma_wait3A_30 = tpu.memref_slice %arg4[%add3A, %mul3A_17, %dma_wait3A] : memref<32x144x125xi32, #tpu.memory_space<hbm>> -> memref<1x24x125xi32, #tpu.memory_space<hbm>>
        %dma_wait3A_31 = tpu.memref_squeeze %dma_wait3A_30 : memref<1x24x125xi32, #tpu.memory_space<hbm>> -> memref<24x125xi32, #tpu.memory_space<hbm>>
        %dma_wait3A_32 = arith.constant 0 : i32
        %dma_wait3A_33 = tpu.memref_slice %arg4[%add3A, %mul3A_17, %dma_wait3A_32] : memref<32x144x125xi32, #tpu.memory_space<hbm>> -> memref<1x24x125xi32, #tpu.memory_space<hbm>>
        %dma_wait3A_34 = tpu.memref_squeeze %dma_wait3A_33 : memref<1x24x125xi32, #tpu.memory_space<hbm>> -> memref<24x125xi32, #tpu.memory_space<hbm>>
        tpu.wait_dma2 semaphore(%run_scoped3A : memref<!tpu.dma_semaphore, #tpu.memory_space<semaphore_mem>>) src(%dma_wait3A_34 : memref<24x125xi32, #tpu.memory_space<hbm>>) dst(%arg7 : memref<24x125xi32, #tpu.memory_space<vmem>>)
        tpu.yield
      }) : () -> ()
      %mul3A_18 = arith.constant 24 : i32
      %mul3A_19 = arith.muli %scan3A_15, %mul3A_18 : i32
      "tpu.region"() ({
        %run_scoped3A = tpu.sem_alloc : memref<!tpu.dma_semaphore, #tpu.memory_space<semaphore_mem>>
        %dma_start3A = arith.constant 0 : i32
        %dma_start3A_25 = tpu.memref_slice %arg5[%add3A, %mul3A_19, %dma_start3A] : memref<32x144x125xi32, #tpu.memory_space<hbm>> -> memref<1x24x125xi32, #tpu.memory_space<hbm>>
        %dma_start3A_26 = tpu.memref_squeeze %dma_start3A_25 : memref<1x24x125xi32, #tpu.memory_space<hbm>> -> memref<24x125xi32, #tpu.memory_space<hbm>>
        %dma_start3A_27 = arith.constant 0 : i32
        %dma_start3A_28 = tpu.memref_slice %arg5[%add3A, %mul3A_19, %dma_start3A_27] : memref<32x144x125xi32, #tpu.memory_space<hbm>> -> memref<1x24x125xi32, #tpu.memory_space<hbm>>
        %dma_start3A_29 = tpu.memref_squeeze %dma_start3A_28 : memref<1x24x125xi32, #tpu.memory_space<hbm>> -> memref<24x125xi32, #tpu.memory_space<hbm>>
        tpu.enqueue_dma source(%dma_start3A_29 : memref<24x125xi32, #tpu.memory_space<hbm>>) target(%arg8 : memref<24x125xi32, #tpu.memory_space<vmem>>) target_semaphore(%run_scoped3A : memref<!tpu.dma_semaphore, #tpu.memory_space<semaphore_mem>>)
        %dma_wait3A = arith.constant 0 : i32
        %dma_wait3A_30 = tpu.memref_slice %arg5[%add3A, %mul3A_19, %dma_wait3A] : memref<32x144x125xi32, #tpu.memory_space<hbm>> -> memref<1x24x125xi32, #tpu.memory_space<hbm>>
        %dma_wait3A_31 = tpu.memref_squeeze %dma_wait3A_30 : memref<1x24x125xi32, #tpu.memory_space<hbm>> -> memref<24x125xi32, #tpu.memory_space<hbm>>
        %dma_wait3A_32 = arith.constant 0 : i32
        %dma_wait3A_33 = tpu.memref_slice %arg5[%add3A, %mul3A_19, %dma_wait3A_32] : memref<32x144x125xi32, #tpu.memory_space<hbm>> -> memref<1x24x125xi32, #tpu.memory_space<hbm>>
        %dma_wait3A_34 = tpu.memref_squeeze %dma_wait3A_33 : memref<1x24x125xi32, #tpu.memory_space<hbm>> -> memref<24x125xi32, #tpu.memory_space<hbm>>
        tpu.wait_dma2 semaphore(%run_scoped3A : memref<!tpu.dma_semaphore, #tpu.memory_space<semaphore_mem>>) src(%dma_wait3A_34 : memref<24x125xi32, #tpu.memory_space<hbm>>) dst(%arg8 : memref<24x125xi32, #tpu.memory_space<vmem>>)
        tpu.yield
      }) : () -> ()
      %scan3A_20 = arith.constant 0 : i32
      %scan3A_21 = arith.constant 24 : i32
      %scan3A_22 = arith.addi %scan3A_20, %scan3A_21 : i32
      %scan3A_23 = arith.constant 1 : i32
      scf.for %scan3A_25 = %scan3A_20 to %scan3A_22 step %scan3A_23  : i32 {
        %dma_start3A = arith.constant 0 : i32
        %dma_start3A_26 = tpu.memref_slice %arg7[%scan3A_25, %dma_start3A] : memref<24x125xi32, #tpu.memory_space<vmem>> -> memref<1x125xi32, #tpu.memory_space<vmem>>
        %dma_start3A_27 = tpu.memref_squeeze %dma_start3A_26 : memref<1x125xi32, #tpu.memory_space<vmem>> -> memref<125xi32, #tpu.memory_space<vmem>>
        %dma_start3A_28 = arith.constant 0 : i32
        %dma_start3A_29 = arith.constant 0 : i32
        %dma_start3A_30 = tpu.memref_slice %arg2[%dma_start3A_28, %dma_start3A_29] : memref<10000x128xf32, #tpu.memory_space<hbm>> -> memref<10000x128xf32, #tpu.memory_space<hbm>>
        tpu.enqueue_indirect_dma source(%dma_start3A_30 : memref<10000x128xf32, #tpu.memory_space<hbm>>) target(%arg9 : memref<125x128xf32, #tpu.memory_space<vmem>>) offsets(%dma_start3A_27 : memref<125xi32, #tpu.memory_space<vmem>>) semaphore(%arg11 : memref<!tpu.dma_semaphore, #tpu.memory_space<semaphore_mem>>)
        %dma_wait3A = arith.constant 0 : i32
        %dma_wait3A_31 = tpu.memref_slice %arg7[%scan3A_25, %dma_wait3A] : memref<24x125xi32, #tpu.memory_space<vmem>> -> memref<1x125xi32, #tpu.memory_space<vmem>>
        %dma_wait3A_32 = tpu.memref_squeeze %dma_wait3A_31 : memref<1x125xi32, #tpu.memory_space<vmem>> -> memref<125xi32, #tpu.memory_space<vmem>>
        %dma_wait3A_33 = arith.constant 0 : i32
        %dma_wait3A_34 = arith.constant 0 : i32
        %dma_wait3A_35 = tpu.memref_slice %arg2[%dma_wait3A_33, %dma_wait3A_34] : memref<10000x128xf32, #tpu.memory_space<hbm>> -> memref<10000x128xf32, #tpu.memory_space<hbm>>
        tpu.wait_indirect_dma semaphore(%arg11 : memref<!tpu.dma_semaphore, #tpu.memory_space<semaphore_mem>>) src(%dma_wait3A_35 : memref<10000x128xf32, #tpu.memory_space<hbm>>) dst(%arg9 : memref<125x128xf32, #tpu.memory_space<vmem>>)
        "tpu.region"() ({
          %run_scoped3A = tpu.sem_alloc : memref<!tpu.dma_semaphore, #tpu.memory_space<semaphore_mem>>
          %dma_start3A_36 = arith.constant 0 : i32
          %dma_start3A_37 = tpu.memref_slice %arg8[%scan3A_25, %dma_start3A_36] : memref<24x125xi32, #tpu.memory_space<vmem>> -> memref<1x125xi32, #tpu.memory_space<vmem>>
          %dma_start3A_38 = tpu.memref_squeeze %dma_start3A_37 : memref<1x125xi32, #tpu.memory_space<vmem>> -> memref<125xi32, #tpu.memory_space<vmem>>
          %dma_start3A_39 = arith.constant 0 : i32
          %dma_start3A_40 = arith.constant 0 : i32
          %dma_start3A_41 = tpu.memref_slice %arg10[%dma_start3A_39, %dma_start3A_40] : memref<10112x128xf32, #tpu.memory_space<vmem_shared>> -> memref<10112x128xf32, #tpu.memory_space<vmem_shared>>
          tpu.enqueue_indirect_dma source(%arg9 : memref<125x128xf32, #tpu.memory_space<vmem>>) target(%dma_start3A_41 : memref<10112x128xf32, #tpu.memory_space<vmem_shared>>) offsets(%dma_start3A_38 : memref<125xi32, #tpu.memory_space<vmem>>) semaphore(%run_scoped3A : memref<!tpu.dma_semaphore, #tpu.memory_space<semaphore_mem>>) {add = true}
          %dma_wait3A_42 = arith.constant 0 : i32
          %dma_wait3A_43 = tpu.memref_slice %arg8[%scan3A_25, %dma_wait3A_42] : memref<24x125xi32, #tpu.memory_space<vmem>> -> memref<1x125xi32, #tpu.memory_space<vmem>>
          %dma_wait3A_44 = tpu.memref_squeeze %dma_wait3A_43 : memref<1x125xi32, #tpu.memory_space<vmem>> -> memref<125xi32, #tpu.memory_space<vmem>>
          %dma_wait3A_45 = arith.constant 0 : i32
          %dma_wait3A_46 = arith.constant 0 : i32
          %dma_wait3A_47 = tpu.memref_slice %arg10[%dma_wait3A_45, %dma_wait3A_46] : memref<10112x128xf32, #tpu.memory_space<vmem_shared>> -> memref<10112x128xf32, #tpu.memory_space<vmem_shared>>
          tpu.wait_indirect_dma semaphore(%run_scoped3A : memref<!tpu.dma_semaphore, #tpu.memory_space<semaphore_mem>>) src(%arg9 : memref<125x128xf32, #tpu.memory_space<vmem>>) dst(%dma_wait3A_47 : memref<10112x128xf32, #tpu.memory_space<vmem_shared>>)
          tpu.yield
        }) : () -> ()
      }
      %scan3A_24 = arith.constant 24 : i32
    }
    %scan3A_9 = arith.constant 6 : i32
    %barrier3A_10 = arith.constant 0 : index
    tpu.barrier barrier_id(%barrier3A_10)
    %mul3A_11 = arith.constant 632 : i32
    %mul3A_12 = arith.muli %arg1, %mul3A_11 : i32
    %mul3A_13 = arith.constant 632 : i32
    %mul3A_14 = arith.muli %arg1, %mul3A_13 : i32
    "tpu.region"() ({
      %run_scoped3A = tpu.sem_alloc : memref<!tpu.dma_semaphore, #tpu.memory_space<semaphore_mem>>
      %dma_start3A = arith.constant 0 : i32
      %dma_start3A_15 = tpu.memref_slice %arg6[%arg0, %mul3A_14, %dma_start3A] : memref<2x10112x128xf32, #tpu.memory_space<hbm>> -> memref<1x632x128xf32, #tpu.memory_space<hbm>>
      %dma_start3A_16 = tpu.memref_squeeze %dma_start3A_15 : memref<1x632x128xf32, #tpu.memory_space<hbm>> -> memref<632x128xf32, #tpu.memory_space<hbm>>
      %dma_start3A_17 = arith.constant 0 : i32
      %dma_start3A_18 = tpu.memref_slice %arg10[%mul3A_12, %dma_start3A_17] : memref<10112x128xf32, #tpu.memory_space<vmem_shared>> -> memref<632x128xf32, #tpu.memory_space<vmem_shared>>
      tpu.enqueue_dma source(%dma_start3A_18 : memref<632x128xf32, #tpu.memory_space<vmem_shared>>) target(%dma_start3A_16 : memref<632x128xf32, #tpu.memory_space<hbm>>) target_semaphore(%run_scoped3A : memref<!tpu.dma_semaphore, #tpu.memory_space<semaphore_mem>>)
      %dma_wait3A = arith.constant 0 : i32
      %dma_wait3A_19 = tpu.memref_slice %arg6[%arg0, %mul3A_14, %dma_wait3A] : memref<2x10112x128xf32, #tpu.memory_space<hbm>> -> memref<1x632x128xf32, #tpu.memory_space<hbm>>
      %dma_wait3A_20 = tpu.memref_squeeze %dma_wait3A_19 : memref<1x632x128xf32, #tpu.memory_space<hbm>> -> memref<632x128xf32, #tpu.memory_space<hbm>>
      %dma_wait3A_21 = arith.constant 0 : i32
      %dma_wait3A_22 = tpu.memref_slice %arg10[%mul3A_12, %dma_wait3A_21] : memref<10112x128xf32, #tpu.memory_space<vmem_shared>> -> memref<632x128xf32, #tpu.memory_space<vmem_shared>>
      tpu.wait_dma2 semaphore(%run_scoped3A : memref<!tpu.dma_semaphore, #tpu.memory_space<semaphore_mem>>) src(%dma_wait3A_22 : memref<632x128xf32, #tpu.memory_space<vmem_shared>>) dst(%dma_wait3A_20 : memref<632x128xf32, #tpu.memory_space<hbm>>)
      tpu.yield
    }) : () -> ()
    return
  }
}

#map = affine_map<(d0, d1) -> (0, 0)>
#map1 = affine_map<(d0, d1) -> (0, 0, 0)>
module attributes {stable_mosaic.version = 14 : i64} {
  func.func @_sc_segment_body(%arg0: i32, %arg1: i32, %arg2: memref<10000x128xf32, #tpu.memory_space<hbm>>, %arg3: memref<10112x128xf32, #tpu.memory_space<hbm>>, %arg4: memref<32x144x125xi32, #tpu.memory_space<hbm>>, %arg5: memref<32x144x125xi32, #tpu.memory_space<hbm>>, %arg6: memref<2x10112x128xf32, #tpu.memory_space<hbm>>, %arg7: memref<24x125xi32, #tpu.memory_space<vmem>>, %arg8: memref<24x125xi32, #tpu.memory_space<vmem>>, %arg9: memref<125x128xf32, #tpu.memory_space<vmem>>, %arg10: memref<10112x128xf32, #tpu.memory_space<vmem_shared>>, %arg11: memref<!tpu.dma_semaphore, #tpu.memory_space<semaphore_mem>>) attributes {dimension_semantics = [#tpu.dimension_semantics<core_parallel>, #tpu.dimension_semantics<subcore_parallel>], iteration_bounds = array<i64: 2, 16>, scalar_prefetch = 0 : i64, scratch_operands = 5 : i64, tpu.core_type = #tpu.core_type<sc_vector_subcore>, window_params = [{transform_indices = #map}, {transform_indices = #map}, {transform_indices = #map1}, {transform_indices = #map1}, {transform_indices = #map1}]} {
    %mul3A = arith.constant 632 : i32
    %mul3A_0 = arith.muli %arg1, %mul3A : i32
    %mul3A_1 = arith.constant 632 : i32
    %mul3A_2 = arith.muli %arg1, %mul3A_1 : i32
    "tpu.region"() ({
      %run_scoped3A = tpu.sem_alloc : memref<!tpu.dma_semaphore, #tpu.memory_space<semaphore_mem>>
      %dma_start3A = arith.constant 0 : i32
      %dma_start3A_15 = tpu.memref_slice %arg10[%mul3A_2, %dma_start3A] : memref<10112x128xf32, #tpu.memory_space<vmem_shared>> -> memref<632x128xf32, #tpu.memory_space<vmem_shared>>
      %dma_start3A_16 = arith.constant 0 : i32
      %dma_start3A_17 = tpu.memref_slice %arg3[%mul3A_0, %dma_start3A_16] : memref<10112x128xf32, #tpu.memory_space<hbm>> -> memref<632x128xf32, #tpu.memory_space<hbm>>
      tpu.enqueue_dma source(%dma_start3A_17 : memref<632x128xf32, #tpu.memory_space<hbm>>) target(%dma_start3A_15 : memref<632x128xf32, #tpu.memory_space<vmem_shared>>) target_semaphore(%run_scoped3A : memref<!tpu.dma_semaphore, #tpu.memory_space<semaphore_mem>>)
      %dma_wait3A = arith.constant 0 : i32
      %dma_wait3A_18 = tpu.memref_slice %arg10[%mul3A_2, %dma_wait3A] : memref<10112x128xf32, #tpu.memory_space<vmem_shared>> -> memref<632x128xf32, #tpu.memory_space<vmem_shared>>
      %dma_wait3A_19 = arith.constant 0 : i32
      %dma_wait3A_20 = tpu.memref_slice %arg3[%mul3A_0, %dma_wait3A_19] : memref<10112x128xf32, #tpu.memory_space<hbm>> -> memref<632x128xf32, #tpu.memory_space<hbm>>
      tpu.wait_dma2 semaphore(%run_scoped3A : memref<!tpu.dma_semaphore, #tpu.memory_space<semaphore_mem>>) src(%dma_wait3A_20 : memref<632x128xf32, #tpu.memory_space<hbm>>) dst(%dma_wait3A_18 : memref<632x128xf32, #tpu.memory_space<vmem_shared>>)
      tpu.yield
    }) : () -> ()
    %barrier3A = arith.constant 0 : index
    tpu.barrier barrier_id(%barrier3A)
    %mul3A_3 = arith.constant 16 : i32
    %mul3A_4 = arith.muli %arg0, %mul3A_3 : i32
    %add3A = arith.addi %mul3A_4, %arg1 : i32
    %scan3A = arith.constant 0 : i32
    %scan3A_5 = arith.constant 0 : i32
    %scan3A_6 = arith.constant 6 : i32
    %scan3A_7 = arith.addi %scan3A_5, %scan3A_6 : i32
    %scan3A_8 = arith.constant 1 : i32
    scf.for %scan3A_15 = %scan3A_5 to %scan3A_7 step %scan3A_8  : i32 {
      %mul3A_16 = arith.constant 24 : i32
      %mul3A_17 = arith.muli %scan3A_15, %mul3A_16 : i32
      "tpu.region"() ({
        %run_scoped3A = tpu.sem_alloc : memref<!tpu.dma_semaphore, #tpu.memory_space<semaphore_mem>>
        %dma_start3A = arith.constant 0 : i32
        %dma_start3A_25 = tpu.memref_slice %arg4[%add3A, %mul3A_17, %dma_start3A] : memref<32x144x125xi32, #tpu.memory_space<hbm>> -> memref<1x24x125xi32, #tpu.memory_space<hbm>>
        %dma_start3A_26 = tpu.memref_squeeze %dma_start3A_25 : memref<1x24x125xi32, #tpu.memory_space<hbm>> -> memref<24x125xi32, #tpu.memory_space<hbm>>
        %dma_start3A_27 = arith.constant 0 : i32
        %dma_start3A_28 = tpu.memref_slice %arg4[%add3A, %mul3A_17, %dma_start3A_27] : memref<32x144x125xi32, #tpu.memory_space<hbm>> -> memref<1x24x125xi32, #tpu.memory_space<hbm>>
        %dma_start3A_29 = tpu.memref_squeeze %dma_start3A_28 : memref<1x24x125xi32, #tpu.memory_space<hbm>> -> memref<24x125xi32, #tpu.memory_space<hbm>>
        tpu.enqueue_dma source(%dma_start3A_29 : memref<24x125xi32, #tpu.memory_space<hbm>>) target(%arg7 : memref<24x125xi32, #tpu.memory_space<vmem>>) target_semaphore(%run_scoped3A : memref<!tpu.dma_semaphore, #tpu.memory_space<semaphore_mem>>)
        %dma_wait3A = arith.constant 0 : i32
        %dma_wait3A_30 = tpu.memref_slice %arg4[%add3A, %mul3A_17, %dma_wait3A] : memref<32x144x125xi32, #tpu.memory_space<hbm>> -> memref<1x24x125xi32, #tpu.memory_space<hbm>>
        %dma_wait3A_31 = tpu.memref_squeeze %dma_wait3A_30 : memref<1x24x125xi32, #tpu.memory_space<hbm>> -> memref<24x125xi32, #tpu.memory_space<hbm>>
        %dma_wait3A_32 = arith.constant 0 : i32
        %dma_wait3A_33 = tpu.memref_slice %arg4[%add3A, %mul3A_17, %dma_wait3A_32] : memref<32x144x125xi32, #tpu.memory_space<hbm>> -> memref<1x24x125xi32, #tpu.memory_space<hbm>>
        %dma_wait3A_34 = tpu.memref_squeeze %dma_wait3A_33 : memref<1x24x125xi32, #tpu.memory_space<hbm>> -> memref<24x125xi32, #tpu.memory_space<hbm>>
        tpu.wait_dma2 semaphore(%run_scoped3A : memref<!tpu.dma_semaphore, #tpu.memory_space<semaphore_mem>>) src(%dma_wait3A_34 : memref<24x125xi32, #tpu.memory_space<hbm>>) dst(%arg7 : memref<24x125xi32, #tpu.memory_space<vmem>>)
        tpu.yield
      }) : () -> ()
      %mul3A_18 = arith.constant 24 : i32
      %mul3A_19 = arith.muli %scan3A_15, %mul3A_18 : i32
      "tpu.region"() ({
        %run_scoped3A = tpu.sem_alloc : memref<!tpu.dma_semaphore, #tpu.memory_space<semaphore_mem>>
        %dma_start3A = arith.constant 0 : i32
        %dma_start3A_25 = tpu.memref_slice %arg5[%add3A, %mul3A_19, %dma_start3A] : memref<32x144x125xi32, #tpu.memory_space<hbm>> -> memref<1x24x125xi32, #tpu.memory_space<hbm>>
        %dma_start3A_26 = tpu.memref_squeeze %dma_start3A_25 : memref<1x24x125xi32, #tpu.memory_space<hbm>> -> memref<24x125xi32, #tpu.memory_space<hbm>>
        %dma_start3A_27 = arith.constant 0 : i32
        %dma_start3A_28 = tpu.memref_slice %arg5[%add3A, %mul3A_19, %dma_start3A_27] : memref<32x144x125xi32, #tpu.memory_space<hbm>> -> memref<1x24x125xi32, #tpu.memory_space<hbm>>
        %dma_start3A_29 = tpu.memref_squeeze %dma_start3A_28 : memref<1x24x125xi32, #tpu.memory_space<hbm>> -> memref<24x125xi32, #tpu.memory_space<hbm>>
        tpu.enqueue_dma source(%dma_start3A_29 : memref<24x125xi32, #tpu.memory_space<hbm>>) target(%arg8 : memref<24x125xi32, #tpu.memory_space<vmem>>) target_semaphore(%run_scoped3A : memref<!tpu.dma_semaphore, #tpu.memory_space<semaphore_mem>>)
        %dma_wait3A = arith.constant 0 : i32
        %dma_wait3A_30 = tpu.memref_slice %arg5[%add3A, %mul3A_19, %dma_wait3A] : memref<32x144x125xi32, #tpu.memory_space<hbm>> -> memref<1x24x125xi32, #tpu.memory_space<hbm>>
        %dma_wait3A_31 = tpu.memref_squeeze %dma_wait3A_30 : memref<1x24x125xi32, #tpu.memory_space<hbm>> -> memref<24x125xi32, #tpu.memory_space<hbm>>
        %dma_wait3A_32 = arith.constant 0 : i32
        %dma_wait3A_33 = tpu.memref_slice %arg5[%add3A, %mul3A_19, %dma_wait3A_32] : memref<32x144x125xi32, #tpu.memory_space<hbm>> -> memref<1x24x125xi32, #tpu.memory_space<hbm>>
        %dma_wait3A_34 = tpu.memref_squeeze %dma_wait3A_33 : memref<1x24x125xi32, #tpu.memory_space<hbm>> -> memref<24x125xi32, #tpu.memory_space<hbm>>
        tpu.wait_dma2 semaphore(%run_scoped3A : memref<!tpu.dma_semaphore, #tpu.memory_space<semaphore_mem>>) src(%dma_wait3A_34 : memref<24x125xi32, #tpu.memory_space<hbm>>) dst(%arg8 : memref<24x125xi32, #tpu.memory_space<vmem>>)
        tpu.yield
      }) : () -> ()
      %scan3A_20 = arith.constant 0 : i32
      %scan3A_21 = arith.constant 24 : i32
      %scan3A_22 = arith.addi %scan3A_20, %scan3A_21 : i32
      %scan3A_23 = arith.constant 1 : i32
      scf.for %scan3A_25 = %scan3A_20 to %scan3A_22 step %scan3A_23  : i32 {
        %dma_start3A = arith.constant 0 : i32
        %dma_start3A_26 = tpu.memref_slice %arg7[%scan3A_25, %dma_start3A] : memref<24x125xi32, #tpu.memory_space<vmem>> -> memref<1x125xi32, #tpu.memory_space<vmem>>
        %dma_start3A_27 = tpu.memref_squeeze %dma_start3A_26 : memref<1x125xi32, #tpu.memory_space<vmem>> -> memref<125xi32, #tpu.memory_space<vmem>>
        %dma_start3A_28 = arith.constant 0 : i32
        %dma_start3A_29 = arith.constant 0 : i32
        %dma_start3A_30 = tpu.memref_slice %arg2[%dma_start3A_28, %dma_start3A_29] : memref<10000x128xf32, #tpu.memory_space<hbm>> -> memref<10000x128xf32, #tpu.memory_space<hbm>>
        tpu.enqueue_indirect_dma source(%dma_start3A_30 : memref<10000x128xf32, #tpu.memory_space<hbm>>) target(%arg9 : memref<125x128xf32, #tpu.memory_space<vmem>>) offsets(%dma_start3A_27 : memref<125xi32, #tpu.memory_space<vmem>>) semaphore(%arg11 : memref<!tpu.dma_semaphore, #tpu.memory_space<semaphore_mem>>)
        %dma_wait3A = arith.constant 0 : i32
        %dma_wait3A_31 = tpu.memref_slice %arg7[%scan3A_25, %dma_wait3A] : memref<24x125xi32, #tpu.memory_space<vmem>> -> memref<1x125xi32, #tpu.memory_space<vmem>>
        %dma_wait3A_32 = tpu.memref_squeeze %dma_wait3A_31 : memref<1x125xi32, #tpu.memory_space<vmem>> -> memref<125xi32, #tpu.memory_space<vmem>>
        %dma_wait3A_33 = arith.constant 0 : i32
        %dma_wait3A_34 = arith.constant 0 : i32
        %dma_wait3A_35 = tpu.memref_slice %arg2[%dma_wait3A_33, %dma_wait3A_34] : memref<10000x128xf32, #tpu.memory_space<hbm>> -> memref<10000x128xf32, #tpu.memory_space<hbm>>
        tpu.wait_indirect_dma semaphore(%arg11 : memref<!tpu.dma_semaphore, #tpu.memory_space<semaphore_mem>>) src(%dma_wait3A_35 : memref<10000x128xf32, #tpu.memory_space<hbm>>) dst(%arg9 : memref<125x128xf32, #tpu.memory_space<vmem>>)
        "tpu.region"() ({
          %run_scoped3A = tpu.sem_alloc : memref<!tpu.dma_semaphore, #tpu.memory_space<semaphore_mem>>
          %dma_start3A_36 = arith.constant 0 : i32
          %dma_start3A_37 = tpu.memref_slice %arg8[%scan3A_25, %dma_start3A_36] : memref<24x125xi32, #tpu.memory_space<vmem>> -> memref<1x125xi32, #tpu.memory_space<vmem>>
          %dma_start3A_38 = tpu.memref_squeeze %dma_start3A_37 : memref<1x125xi32, #tpu.memory_space<vmem>> -> memref<125xi32, #tpu.memory_space<vmem>>
          %dma_start3A_39 = arith.constant 0 : i32
          %dma_start3A_40 = arith.constant 0 : i32
          %dma_start3A_41 = tpu.memref_slice %arg10[%dma_start3A_39, %dma_start3A_40] : memref<10112x128xf32, #tpu.memory_space<vmem_shared>> -> memref<10112x128xf32, #tpu.memory_space<vmem_shared>>
          tpu.enqueue_indirect_dma source(%arg9 : memref<125x128xf32, #tpu.memory_space<vmem>>) target(%dma_start3A_41 : memref<10112x128xf32, #tpu.memory_space<vmem_shared>>) offsets(%dma_start3A_38 : memref<125xi32, #tpu.memory_space<vmem>>) semaphore(%run_scoped3A : memref<!tpu.dma_semaphore, #tpu.memory_space<semaphore_mem>>) {add = true}
          %dma_wait3A_42 = arith.constant 0 : i32
          %dma_wait3A_43 = tpu.memref_slice %arg8[%scan3A_25, %dma_wait3A_42] : memref<24x125xi32, #tpu.memory_space<vmem>> -> memref<1x125xi32, #tpu.memory_space<vmem>>
          %dma_wait3A_44 = tpu.memref_squeeze %dma_wait3A_43 : memref<1x125xi32, #tpu.memory_space<vmem>> -> memref<125xi32, #tpu.memory_space<vmem>>
          %dma_wait3A_45 = arith.constant 0 : i32
          %dma_wait3A_46 = arith.constant 0 : i32
          %dma_wait3A_47 = tpu.memref_slice %arg10[%dma_wait3A_45, %dma_wait3A_46] : memref<10112x128xf32, #tpu.memory_space<vmem_shared>> -> memref<10112x128xf32, #tpu.memory_space<vmem_shared>>
          tpu.wait_indirect_dma semaphore(%run_scoped3A : memref<!tpu.dma_semaphore, #tpu.memory_space<semaphore_mem>>) src(%arg9 : memref<125x128xf32, #tpu.memory_space<vmem>>) dst(%dma_wait3A_47 : memref<10112x128xf32, #tpu.memory_space<vmem_shared>>)
          tpu.yield
        }) : () -> ()
      }
      %scan3A_24 = arith.constant 24 : i32
    }
    %scan3A_9 = arith.constant 6 : i32
    %barrier3A_10 = arith.constant 0 : index
    tpu.barrier barrier_id(%barrier3A_10)
    %mul3A_11 = arith.constant 632 : i32
    %mul3A_12 = arith.muli %arg1, %mul3A_11 : i32
    %mul3A_13 = arith.constant 632 : i32
    %mul3A_14 = arith.muli %arg1, %mul3A_13 : i32
    "tpu.region"() ({
      %run_scoped3A = tpu.sem_alloc : memref<!tpu.dma_semaphore, #tpu.memory_space<semaphore_mem>>
      %dma_start3A = arith.constant 0 : i32
      %dma_start3A_15 = tpu.memref_slice %arg6[%arg0, %mul3A_14, %dma_start3A] : memref<2x10112x128xf32, #tpu.memory_space<hbm>> -> memref<1x632x128xf32, #tpu.memory_space<hbm>>
      %dma_start3A_16 = tpu.memref_squeeze %dma_start3A_15 : memref<1x632x128xf32, #tpu.memory_space<hbm>> -> memref<632x128xf32, #tpu.memory_space<hbm>>
      %dma_start3A_17 = arith.constant 0 : i32
      %dma_start3A_18 = tpu.memref_slice %arg10[%mul3A_12, %dma_start3A_17] : memref<10112x128xf32, #tpu.memory_space<vmem_shared>> -> memref<632x128xf32, #tpu.memory_space<vmem_shared>>
      tpu.enqueue_dma source(%dma_start3A_18 : memref<632x128xf32, #tpu.memory_space<vmem_shared>>) target(%dma_start3A_16 : memref<632x128xf32, #tpu.memory_space<hbm>>) target_semaphore(%run_scoped3A : memref<!tpu.dma_semaphore, #tpu.memory_space<semaphore_mem>>)
      %dma_wait3A = arith.constant 0 : i32
      %dma_wait3A_19 = tpu.memref_slice %arg6[%arg0, %mul3A_14, %dma_wait3A] : memref<2x10112x128xf32, #tpu.memory_space<hbm>> -> memref<1x632x128xf32, #tpu.memory_space<hbm>>
      %dma_wait3A_20 = tpu.memref_squeeze %dma_wait3A_19 : memref<1x632x128xf32, #tpu.memory_space<hbm>> -> memref<632x128xf32, #tpu.memory_space<hbm>>
      %dma_wait3A_21 = arith.constant 0 : i32
      %dma_wait3A_22 = tpu.memref_slice %arg10[%mul3A_12, %dma_wait3A_21] : memref<10112x128xf32, #tpu.memory_space<vmem_shared>> -> memref<632x128xf32, #tpu.memory_space<vmem_shared>>
      tpu.wait_dma2 semaphore(%run_scoped3A : memref<!tpu.dma_semaphore, #tpu.memory_space<semaphore_mem>>) src(%dma_wait3A_22 : memref<632x128xf32, #tpu.memory_space<vmem_shared>>) dst(%dma_wait3A_20 : memref<632x128xf32, #tpu.memory_space<hbm>>)
      tpu.yield
    }) : () -> ()
    return
  }
}

module attributes {stable_mosaic.version = 14 : i64} {
  func.func @_tc_pre_body(%arg0: memref<10000x128xf32, #tpu.memory_space<vmem>>, %arg1: memref<2x10112x128xf32, #tpu.memory_space<vmem>>, %arg2: memref<128x128xf32, #tpu.memory_space<vmem>>, %arg3: memref<1x128xf32, #tpu.memory_space<vmem>>, %arg4: memref<128x128xf32, #tpu.memory_space<vmem>>, %arg5: memref<1x128xf32, #tpu.memory_space<vmem>>, %arg6: memref<10000x128xf32, #tpu.memory_space<vmem>>) attributes {dimension_semantics = [], scalar_prefetch = 0 : i64, scratch_operands = 0 : i64, tpu.core_type = #tpu.core_type<tc>} {
    %get3A = arith.constant 0 : index
    %get3A_0 = arith.constant 0 : index
    %get3A_1 = vector.load %arg0[%get3A, %get3A_0] : memref<10000x128xf32, #tpu.memory_space<vmem>>, vector<10000x128xf32>
    %get3A_2 = arith.constant 0 : index
    %get3A_3 = arith.constant 0 : index
    %get3A_4 = arith.constant 0 : index
    %get3A_5 = vector.load %arg1[%get3A_2, %get3A_3, %get3A_4] : memref<2x10112x128xf32, #tpu.memory_space<vmem>>, vector<1x10000x128xf32>
    %get3A_6 = vector.shape_cast %get3A_5 : vector<1x10000x128xf32> to vector<10000x128xf32>
    %get3A_7 = arith.constant 1 : index
    %get3A_8 = arith.constant 0 : index
    %get3A_9 = arith.constant 0 : index
    %get3A_10 = vector.load %arg1[%get3A_7, %get3A_8, %get3A_9] : memref<2x10112x128xf32, #tpu.memory_space<vmem>>, vector<1x10000x128xf32>
    %get3A_11 = vector.shape_cast %get3A_10 : vector<1x10000x128xf32> to vector<10000x128xf32>
    %add3A = arith.addf %get3A_6, %get3A_11 : vector<10000x128xf32>
    %add3A_12 = arith.addf %get3A_1, %add3A : vector<10000x128xf32>
    %get3A_13 = arith.constant 0 : index
    %get3A_14 = arith.constant 0 : index
    %get3A_15 = vector.load %arg2[%get3A_13, %get3A_14] : memref<128x128xf32, #tpu.memory_space<vmem>>, vector<128x128xf32>
    %dot_general3A = arith.constant dense<0.000000e+00> : vector<10000x128xf32>
    %dot_general3A_16 = tpu.matmul %add3A_12, %get3A_15, %dot_general3A {dimension_numbers = #tpu.dot_dimension_numbers<[1], [0], [0], [1], [0, 0, 1, 1], [], []>, transpose_lhs_hint = false} : vector<10000x128xf32>, vector<128x128xf32>, vector<10000x128xf32> -> vector<10000x128xf32>
    %get3A_17 = arith.constant 0 : index
    %get3A_18 = arith.constant 0 : index
    %get3A_19 = vector.load %arg3[%get3A_17, %get3A_18] : memref<1x128xf32, #tpu.memory_space<vmem>>, vector<1x128xf32>
    %add3A_20 = vector.broadcast %get3A_19 : vector<1x128xf32> to vector<10000x128xf32>
    %add3A_21 = arith.addf %dot_general3A_16, %add3A_20 : vector<10000x128xf32>
    %max3A = arith.constant 0.000000e+00 : f32
    %max3A_22 = vector.broadcast %max3A : f32 to vector<10000x128xf32>
    %max3A_23 = arith.maximumf %add3A_21, %max3A_22 : vector<10000x128xf32>
    %get3A_24 = arith.constant 0 : index
    %get3A_25 = arith.constant 0 : index
    %get3A_26 = vector.load %arg4[%get3A_24, %get3A_25] : memref<128x128xf32, #tpu.memory_space<vmem>>, vector<128x128xf32>
    %dot_general3A_27 = arith.constant dense<0.000000e+00> : vector<10000x128xf32>
    %dot_general3A_28 = tpu.matmul %max3A_23, %get3A_26, %dot_general3A_27 {dimension_numbers = #tpu.dot_dimension_numbers<[1], [0], [0], [1], [0, 0, 1, 1], [], []>, transpose_lhs_hint = false} : vector<10000x128xf32>, vector<128x128xf32>, vector<10000x128xf32> -> vector<10000x128xf32>
    %get3A_29 = arith.constant 0 : index
    %get3A_30 = arith.constant 0 : index
    %get3A_31 = vector.load %arg5[%get3A_29, %get3A_30] : memref<1x128xf32, #tpu.memory_space<vmem>>, vector<1x128xf32>
    %add3A_32 = vector.broadcast %get3A_31 : vector<1x128xf32> to vector<10000x128xf32>
    %add3A_33 = arith.addf %dot_general3A_28, %add3A_32 : vector<10000x128xf32>
    %max3A_34 = arith.constant 0.000000e+00 : f32
    %max3A_35 = vector.broadcast %max3A_34 : f32 to vector<10000x128xf32>
    %max3A_36 = arith.maximumf %add3A_33, %max3A_35 : vector<10000x128xf32>
    %swap3A = arith.constant 0 : index
    %swap3A_37 = arith.constant 0 : index
    %swap3A_38 = vector.load %arg6[%swap3A, %swap3A_37] : memref<10000x128xf32, #tpu.memory_space<vmem>>, vector<10000x128xf32>
    tpu.vector_store %arg6[%swap3A, %swap3A_37], %max3A_36 {strides = array<i32>} : memref<10000x128xf32, #tpu.memory_space<vmem>>, vector<10000x128xf32>,
    return
  }
}

module attributes {stable_mosaic.version = 14 : i64} {
  func.func @_tc_bn_body(%arg0: memref<10000x128xf32, #tpu.memory_space<vmem>>, %arg1: memref<1x128xf32, #tpu.memory_space<vmem>>, %arg2: memref<1x128xf32, #tpu.memory_space<vmem>>, %arg3: memref<1x128xf32, #tpu.memory_space<vmem>>, %arg4: memref<1x128xf32, #tpu.memory_space<vmem>>, %arg5: memref<10000x128xf32, #tpu.memory_space<vmem>>) attributes {dimension_semantics = [], scalar_prefetch = 0 : i64, scratch_operands = 0 : i64, tpu.core_type = #tpu.core_type<tc>} {
    %get3A = arith.constant 0 : index
    %get3A_0 = arith.constant 0 : index
    %get3A_1 = vector.load %arg0[%get3A, %get3A_0] : memref<10000x128xf32, #tpu.memory_space<vmem>>, vector<10000x128xf32>
    %get3A_2 = arith.constant 0 : index
    %get3A_3 = arith.constant 0 : index
    %get3A_4 = vector.load %arg1[%get3A_2, %get3A_3] : memref<1x128xf32, #tpu.memory_space<vmem>>, vector<1x128xf32>
    %get3A_5 = arith.constant 0 : index
    %get3A_6 = arith.constant 0 : index
    %get3A_7 = vector.load %arg2[%get3A_5, %get3A_6] : memref<1x128xf32, #tpu.memory_space<vmem>>, vector<1x128xf32>
    %sub3A = vector.broadcast %get3A_4 : vector<1x128xf32> to vector<10000x128xf32>
    %sub3A_8 = arith.subf %get3A_1, %sub3A : vector<10000x128xf32>
    %add3A = arith.constant 9.99999974E-6 : f32
    %add3A_9 = vector.broadcast %add3A : f32 to vector<1x128xf32>
    %add3A_10 = arith.addf %get3A_7, %add3A_9 : vector<1x128xf32>
    %sqrt3A = math.sqrt %add3A_10 : vector<1x128xf32>
    %div3A = vector.broadcast %sqrt3A : vector<1x128xf32> to vector<10000x128xf32>
    %div3A_11 = arith.divf %sub3A_8, %div3A : vector<10000x128xf32>
    %get3A_12 = arith.constant 0 : index
    %get3A_13 = arith.constant 0 : index
    %get3A_14 = vector.load %arg3[%get3A_12, %get3A_13] : memref<1x128xf32, #tpu.memory_space<vmem>>, vector<1x128xf32>
    %mul3A = vector.broadcast %get3A_14 : vector<1x128xf32> to vector<10000x128xf32>
    %mul3A_15 = arith.mulf %div3A_11, %mul3A : vector<10000x128xf32>
    %get3A_16 = arith.constant 0 : index
    %get3A_17 = arith.constant 0 : index
    %get3A_18 = vector.load %arg4[%get3A_16, %get3A_17] : memref<1x128xf32, #tpu.memory_space<vmem>>, vector<1x128xf32>
    %add3A_19 = vector.broadcast %get3A_18 : vector<1x128xf32> to vector<10000x128xf32>
    %add3A_20 = arith.addf %mul3A_15, %add3A_19 : vector<10000x128xf32>
    %swap3A = arith.constant 0 : index
    %swap3A_21 = arith.constant 0 : index
    %swap3A_22 = vector.load %arg5[%swap3A, %swap3A_21] : memref<10000x128xf32, #tpu.memory_space<vmem>>, vector<10000x128xf32>
    tpu.vector_store %arg5[%swap3A, %swap3A_21], %add3A_20 {strides = array<i32>} : memref<10000x128xf32, #tpu.memory_space<vmem>>, vector<10000x128xf32>,
    return
  }
}

module attributes {stable_mosaic.version = 14 : i64} {
  func.func @_tc_final_body(%arg0: memref<10000x128xf32, #tpu.memory_space<vmem>>, %arg1: memref<1x128xf32, #tpu.memory_space<vmem>>, %arg2: memref<1x128xf32, #tpu.memory_space<vmem>>, %arg3: memref<1x128xf32, #tpu.memory_space<vmem>>, %arg4: memref<1x128xf32, #tpu.memory_space<vmem>>, %arg5: memref<10000x64xf32, #tpu.memory_space<vmem>>, %arg6: memref<128x128xf32, #tpu.memory_space<vmem>>, %arg7: memref<1x128xf32, #tpu.memory_space<vmem>>, %arg8: memref<128x128xf32, #tpu.memory_space<vmem>>, %arg9: memref<1x128xf32, #tpu.memory_space<vmem>>, %arg10: memref<64x128xf32, #tpu.memory_space<vmem>>) attributes {dimension_semantics = [], scalar_prefetch = 0 : i64, scratch_operands = 0 : i64, tpu.core_type = #tpu.core_type<tc>} {
    %get3A = arith.constant 0 : index
    %get3A_0 = arith.constant 0 : index
    %get3A_1 = vector.load %arg0[%get3A, %get3A_0] : memref<10000x128xf32, #tpu.memory_space<vmem>>, vector<10000x128xf32>
    %get3A_2 = arith.constant 0 : index
    %get3A_3 = arith.constant 0 : index
    %get3A_4 = vector.load %arg1[%get3A_2, %get3A_3] : memref<1x128xf32, #tpu.memory_space<vmem>>, vector<1x128xf32>
    %get3A_5 = arith.constant 0 : index
    %get3A_6 = arith.constant 0 : index
    %get3A_7 = vector.load %arg2[%get3A_5, %get3A_6] : memref<1x128xf32, #tpu.memory_space<vmem>>, vector<1x128xf32>
    %sub3A = vector.broadcast %get3A_4 : vector<1x128xf32> to vector<10000x128xf32>
    %sub3A_8 = arith.subf %get3A_1, %sub3A : vector<10000x128xf32>
    %add3A = arith.constant 9.99999974E-6 : f32
    %add3A_9 = vector.broadcast %add3A : f32 to vector<1x128xf32>
    %add3A_10 = arith.addf %get3A_7, %add3A_9 : vector<1x128xf32>
    %sqrt3A = math.sqrt %add3A_10 : vector<1x128xf32>
    %div3A = vector.broadcast %sqrt3A : vector<1x128xf32> to vector<10000x128xf32>
    %div3A_11 = arith.divf %sub3A_8, %div3A : vector<10000x128xf32>
    %get3A_12 = arith.constant 0 : index
    %get3A_13 = arith.constant 0 : index
    %get3A_14 = vector.load %arg3[%get3A_12, %get3A_13] : memref<1x128xf32, #tpu.memory_space<vmem>>, vector<1x128xf32>
    %mul3A = vector.broadcast %get3A_14 : vector<1x128xf32> to vector<10000x128xf32>
    %mul3A_15 = arith.mulf %div3A_11, %mul3A : vector<10000x128xf32>
    %get3A_16 = arith.constant 0 : index
    %get3A_17 = arith.constant 0 : index
    %get3A_18 = vector.load %arg4[%get3A_16, %get3A_17] : memref<1x128xf32, #tpu.memory_space<vmem>>, vector<1x128xf32>
    %add3A_19 = vector.broadcast %get3A_18 : vector<1x128xf32> to vector<10000x128xf32>
    %add3A_20 = arith.addf %mul3A_15, %add3A_19 : vector<10000x128xf32>
    %get3A_21 = arith.constant 0 : index
    %get3A_22 = arith.constant 0 : index
    %get3A_23 = vector.load %arg5[%get3A_21, %get3A_22] : memref<10000x64xf32, #tpu.memory_space<vmem>>, vector<10000x64xf32>
    %dot_general3A = arith.constant dense<0.000000e+00> : vector<64x128xf32>
    %dot_general3A_24 = tpu.matmul %get3A_23, %add3A_20, %dot_general3A {dimension_numbers = #tpu.dot_dimension_numbers<[0], [0], [1], [1], [0, 1, 1, 1], [], []>, transpose_lhs_hint = false} : vector<10000x64xf32>, vector<10000x128xf32>, vector<64x128xf32> -> vector<64x128xf32>
    %get3A_25 = arith.constant 0 : index
    %get3A_26 = arith.constant 0 : index
    %get3A_27 = vector.load %arg6[%get3A_25, %get3A_26] : memref<128x128xf32, #tpu.memory_space<vmem>>, vector<128x128xf32>
    %dot_general3A_28 = arith.constant dense<0.000000e+00> : vector<64x128xf32>
    %dot_general3A_29 = tpu.matmul %dot_general3A_24, %get3A_27, %dot_general3A_28 {dimension_numbers = #tpu.dot_dimension_numbers<[1], [0], [0], [1], [0, 0, 1, 1], [], []>, transpose_lhs_hint = false} : vector<64x128xf32>, vector<128x128xf32>, vector<64x128xf32> -> vector<64x128xf32>
    %get3A_30 = arith.constant 0 : index
    %get3A_31 = arith.constant 0 : index
    %get3A_32 = vector.load %arg7[%get3A_30, %get3A_31] : memref<1x128xf32, #tpu.memory_space<vmem>>, vector<1x128xf32>
    %add3A_33 = vector.broadcast %get3A_32 : vector<1x128xf32> to vector<64x128xf32>
    %add3A_34 = arith.addf %dot_general3A_29, %add3A_33 : vector<64x128xf32>
    %max3A = arith.constant 0.000000e+00 : f32
    %max3A_35 = vector.broadcast %max3A : f32 to vector<64x128xf32>
    %max3A_36 = arith.maximumf %add3A_34, %max3A_35 : vector<64x128xf32>
    %get3A_37 = arith.constant 0 : index
    %get3A_38 = arith.constant 0 : index
    %get3A_39 = vector.load %arg8[%get3A_37, %get3A_38] : memref<128x128xf32, #tpu.memory_space<vmem>>, vector<128x128xf32>
    %dot_general3A_40 = arith.constant dense<0.000000e+00> : vector<64x128xf32>
    %dot_general3A_41 = tpu.matmul %max3A_36, %get3A_39, %dot_general3A_40 {dimension_numbers = #tpu.dot_dimension_numbers<[1], [0], [0], [1], [0, 0, 1, 1], [], []>, transpose_lhs_hint = false} : vector<64x128xf32>, vector<128x128xf32>, vector<64x128xf32> -> vector<64x128xf32>
    %get3A_42 = arith.constant 0 : index
    %get3A_43 = arith.constant 0 : index
    %get3A_44 = vector.load %arg9[%get3A_42, %get3A_43] : memref<1x128xf32, #tpu.memory_space<vmem>>, vector<1x128xf32>
    %add3A_45 = vector.broadcast %get3A_44 : vector<1x128xf32> to vector<64x128xf32>
    %add3A_46 = arith.addf %dot_general3A_41, %add3A_45 : vector<64x128xf32>
    %swap3A = arith.constant 0 : index
    %swap3A_47 = arith.constant 0 : index
    %swap3A_48 = vector.load %arg10[%swap3A, %swap3A_47] : memref<64x128xf32, #tpu.memory_space<vmem>>, vector<64x128xf32>
    tpu.vector_store %arg10[%swap3A, %swap3A_47], %add3A_46 {strides = array<i32>} : memref<64x128xf32, #tpu.memory_space<vmem>>, vector<64x128xf32>,
    return
  }
}

</mosaic_0001>

<sc_bundles>
// kernel: gather_offload_async_start.1
scs
__scs_entry_jumppad:
0x0: {  	(pc) =	sbr.rel $0x88, $3  }
0x1: {  	(tag) =	ssettag $0x0;
	lr =	simm.s32 $0x1  }
0x2: {  	[smem:$0x3F94] =	sst lr;
	_ =	strace $0xD0000000  }
0x3: {  	_ = 	snop  }
0x4: {  	_ = 	snop  }
0x5: {  	_ = 	snop  }
0x6: {  	_ = 	snop  }
0x7: {  	_ = 	snop  }
__scs_overlays_trampoline_lowered:
0x8: {  	[smem:$0x3FA3] =	sst s0  }
0x9: {  	[smem:$0x3FA4] =	sst s1  }
0xa: {  	[smem:$0x3FA5] =	sst s2  }
0xb: {  	[smem:$0x3FA6] =	sst s3  }
0xc: {  	[smem:$0x3FA7] =	sst s4  }
0xd: {  	[smem:$0x3FA8] =	sst s5  }
0xe: {  	[smem:$0x3FA9] =	sst s6  }
0xf: {  	[smem:$0x3FAA] =	sst s7  }
0x10: {  	[smem:$0x3FAB] =	sst s8  }
0x11: {  	[smem:$0x3FAC] =	sst s9;
	s0 =	simm.s32 @!p0 $0x0  }
0x12: {  	s1 =	sld [smem:$0x3F92];
	s0 =	simm.s32 @p0 $0x1  }
0x13: {  	[smem:$0x3FAD] =	sst s0;
	s0 =	simm.s32 @!p1 $0x0  }
0x14: {  	s2 =	sld [smem:$0x3F91];
	s0 =	simm.s32 @p1 $0x1  }
0x15: {  	[smem:$0x3FAE] =	sst s0;
	s0 =	simm.s32 @!p2 $0x0  }
0x16: {  	s3 =	sld [smem:$0x3FDB];
	s0 =	simm.s32 @p2 $0x1  }
0x17: {  	s4 =	simm.s32 $0x1BF5;
	[smem:$0x3FB0] =	sst s0  }
0x18: {  	s0 =	sld [smem:$0x3F93];
	_ =	swait.ge [sflag:s4], $0x0  }
0x19: {  	s7 =	sld [smem:$0x3F94]  }
0x1a: {  	s8 =	sadd.s32 $0xFFFFE003, lr  }
0x1b: {  	s9 =	sadd.s32 $0xFFFFFEF7, lr;
	s5 =	simm.s32 $0xFFFFFFFF;
	p2 =	slt.u32 s8, $0xFFFFF086  }
0x1c: {  	p1 =	slt.u32 s9, $0xF7A;
	s5 =	simm.s32 @!p2 $0x0  }
0x1d: {  	s5 =	simm.s32 @p1 $0x1;
	p0 =	seq.s32 s7, s2  }
0x1e: {  	s7 =	smul.u32 @!p0 $0xF7A, s2;
	p2 =	seq.s32 @!p0 s5, $0x0  }
0x1f: {  	s9 =	smul.u32 $0xF7A, s1;
	s8 =	simm.s32 @!p0 $0x1BF5;
	p2 =	por !p2, p0  }
0x20: {  	[sflag:s8] =	ssyncset.s32 @!p0 $0xFFFFF086;
	s6 =	sadd.s32 @!p0 s3, s7;
	s7 =	simm.s32 @!p0 $0x108  }
0x21: {  	s3 =	sadd.s32 s3, s9;
	s6 =	sadd.s32 @!p0 $0x88, s6;
	s7 =	simm.s32 @p2 $0x1082  }
0x22: {  	[simem:s7], [sflag:s8] =	dma.local @!p0 [hbm:s6], $0xF7A  }
0x23: {  	s9 =	sor.u32 $0xD0000000, s2;
	s6 =	simm.s32 $0x108;
	_ =	swait.ge @!p0 [sflag:s8], $0x0  }
0x24: {  	s3 =	sadd.s32 $0x88, s3;
	s6 =	simm.s32 @!p1 $0x1082;
	[sflag:s4] =	ssyncset.s32 $0xFFFFF086  }
0x25: {  	[simem:s6], [sflag:s4] =	dma.local [hbm:s3], $0xF7A  }
0x26: {  	[smem:$0x3F94] =	sst s1;
	(tag) =	ssettag s2;
	_ =	strace s9  }
0x27: {  	s1 =	sld [smem:$0x3FA4]  }
0x28: {  	s2 =	sld [smem:$0x3FA5]  }
0x29: {  	s4 =	sld [smem:$0x3FA7]  }
0x2a: {  	p0 =	seq.s32 s5, $0x0;
	s5 =	sld [smem:$0x3FA8]  }
0x2b: {  	s6 =	sld [smem:$0x3FA9]  }
0x2c: {  	s7 =	sld [smem:$0x3FAA]  }
0x2d: {  	s3 =	simm.s32 $0x108;
	s8 =	sld [smem:$0x3FAB]  }
0x2e: {  	s3 =	simm.s32 @!p0 $0x1082;
	s9 =	sld [smem:$0x3FAC]  }
0x2f: {  	lr =	sadd.s32 s0, s3;
	s0 =	sld [smem:$0x3FA3]  }
0x30: {  	s3 =	sld [smem:$0x3FA6]  }
0x31: {  	[smem:$0x3FAF] =	sst s10  }
0x32: {  	s10 =	sld [smem:$0x3FAD];
	_ =	sdelay $0x3  }
0x33: {  	p0 =	seq.s32 s10, $0x1;
	s10 =	sld [smem:$0x3FAF];
	_ =	sdelay $0x3  }
0x34: {  	[smem:$0x3FAF] =	sst s10  }
0x35: {  	s10 =	sld [smem:$0x3FAE];
	_ =	sdelay $0x3  }
0x36: {  	p1 =	seq.s32 s10, $0x1;
	s10 =	sld [smem:$0x3FAF];
	_ =	sdelay $0x3  }
0x37: {  	[smem:$0x3FAF] =	sst s10  }
0x38: {  	s10 =	sld [smem:$0x3FB0]  }
0x39: {  	_ = 	snop;
	(pc) =	sbr.ind lr, $3  }
0x3a: {  	_ = 	snop  }
0x3b: {  	_ = 	snop  }
0x3c: {  	p2 =	seq.s32 s10, $0x1;
	s10 =	sld [smem:$0x3FAF]  }
0x3d: {  	_ =	shalt  }
0x3e: {  	_ =	shalt  }
0x3f: {  	_ =	shalt  }
0x40: {  	_ =	shalt  }
0x41: {  	_ =	shalt  }
0x42: {  	_ =	shalt  }
0x43: {  	_ =	shalt  }
0x44: {  	_ =	shalt  }
0x45: {  	_ =	shalt  }
0x46: {  	_ =	shalt  }
0x47: {  	_ =	shalt  }
0x48: {  	_ =	shalt  }
0x49: {  	_ =	shalt  }
0x4a: {  	_ =	shalt  }
0x4b: {  	_ =	shalt  }
0x4c: {  	_ =	shalt  }
0x4d: {  	_ =	shalt  }
0x4e: {  	_ =	shalt  }
0x4f: {  	_ =	shalt  }
0x50: {  	_ =	shalt  }
0x51: {  	_ =	shalt  }
0x52: {  	_ =	shalt  }
0x53: {  	_ =	shalt  }
0x54: {  	_ =	shalt  }
0x55: {  	_ =	shalt  }
0x56: {  	_ =	shalt  }
0x57: {  	_ =	shalt  }
0x58: {  	_ =	shalt  }
0x59: {  	_ =	shalt  }
0x5a: {  	_ =	shalt  }
0x5b: {  	_ =	shalt  }
0x5c: {  	_ =	shalt  }
0x5d: {  	_ =	shalt  }
0x5e: {  	_ =	shalt  }
0x5f: {  	_ =	shalt  }
0x60: {  	_ =	shalt  }
0x61: {  	_ =	shalt  }
0x62: {  	_ =	shalt  }
0x63: {  	_ =	shalt  }
0x64: {  	_ =	shalt  }
0x65: {  	_ =	shalt  }
0x66: {  	_ =	shalt  }
0x67: {  	_ =	shalt  }
0x68: {  	_ =	shalt  }
0x69: {  	_ =	shalt  }
0x6a: {  	_ =	shalt  }
0x6b: {  	_ =	shalt  }
0x6c: {  	_ =	shalt  }
0x6d: {  	_ =	shalt  }
0x6e: {  	_ =	shalt  }
0x6f: {  	_ =	shalt  }
0x70: {  	_ =	shalt  }
0x71: {  	_ =	shalt  }
0x72: {  	_ =	shalt  }
0x73: {  	_ =	shalt  }
0x74: {  	_ =	shalt  }
0x75: {  	_ =	shalt  }
0x76: {  	_ =	shalt  }
0x77: {  	_ =	shalt  }
0x78: {  	_ =	shalt  }
0x79: {  	_ =	shalt  }
0x7a: {  	_ =	shalt  }
0x7b: {  	_ =	shalt  }
0x7c: {  	_ =	shalt  }
0x7d: {  	_ =	shalt  }
0x7e: {  	_ =	shalt  }
0x7f: {  	_ =	shalt  }
0x80: {  	_ =	shalt  }
0x81: {  	_ =	shalt  }
0x82: {  	_ =	shalt  }
0x83: {  	_ =	shalt  }
0x84: {  	_ =	shalt  }
0x85: {  	_ =	shalt  }
0x86: {  	_ =	shalt  }
0x87: {  	_ =	shalt  }
.Lfunc_end0:
.L_simem_size_0:
called_computation.1_lowered:
.L_overlay_start_0:
0x88: {  	s2 =	sld [smem:$0x3FD9]  }
0x89: {  	s3 =	sld [smem:$0x3FFE];
	_ =	sdelay $0x1  }
0x8a: {  	s1 =	srdreg.scid  }
0x8b: {  	s0 =	sand.u32 $0x1, s1  }
0x8c: {  	s16 =	sshll.u32 s0, $0xA;
	s2 =	sadd.s32 s3, s2  }
0x8d: {  	s2 =	sadd.s32 s2, s16  }
0x8e: {  	[smem:$0x3FBB] =	sst s2  }
0x8f: {  	_ = 	snop  }
0x90: {  	(tm) =	ssettm $0x1  }
0x91: {  	s17 =	sld [smem:$0x3FFB];
	_ =	sdelay $0x3  }
0x92: {  	_ =	strace s17  }
0x93: {  	s2 =	sld [smem:$0x3FFC];
	_ =	sdelay $0x3  }
0x94: {  	_ =	strace s2  }
0x95: {  	s2 =	sld [smem:$0x3FFD];
	_ =	sdelay $0x3  }
0x96: {  	_ =	strace s2  }
0x97: {  	_ =	strace $0x8FFFFFFF  }
0x98: {  	s18 =	sld [smem:$0x3FDB];
	_ =	sdelay $0x1  }
0x99: {  	s19 =	simm.s32 $_scs_section_size  }
0x9a: {  	s4 =	simm.s32 $_size__tile_overlayer_lowered;
	s5 =	simm.s32 $_tile_overlayer_lowered  }
0x9b: {  	s22 =	simm.s32 $0x1BFF;
	s21 =	sshll.u32 s5, $0x1;
	s2 =	sadd.s32 s19, s18  }
0x9c: {  	s6 =	simm.s32 $0x0;
	s20 =	sshll.u32 s4, $0x1;
	s4 =	sadd.s32 s21, s2  }
0x9d: {  	[timem:s6], [sflag:s22] =	dma.local [hbm:s4], s20  }
0x9e: {  	_ =	swait.ge [sflag:s22], s20  }
0x9f: {  	s3 =	ssub.s32 $0x0, s20;
	[sflag:s22] =	ssyncset.done $0x0  }
0xa0: {  	[sflag:s22] =	ssyncadd.s32 s3;
	_ =	sdelay $0x1  }
0xa1: {  	s23 =	simm.s32 $0x1B8B  }
0xa2: {  	_ =	swait.ge [sflag:s23], $0x1  }
0xa3: {  	[sflag:s23] =	ssyncset.done $0x0  }
0xa4: {  	s25 =	simm.s32 $0x1B8E;
	s24 =	sld [smem:$0x3FFE];
	[sflag:s23] =	ssyncadd.s32 $0xFFFFFFFF  }
0xa5: {  	s26 =	simm.s32 $execute0_lowered;
	[smem:$0x3FD2] =	sst s25  }
0xa6: {  	s4 =	sshll.u32 s26, $0x1;
	_ =	strace $0x80000067;
	[dreg:$0x1] =	wrdreg $0xFFFFFFFF  }
0xa7: {  	s28 =	simm.s32 $_size_execute0_lowered;
	s2 =	sadd.s32 s2, s4;
	[dreg:$0x0] =	wrdreg $0x0  }
0xa8: {  	s4 =	sshll.u32 s28, $0x1;
	[dreg:$0x2] =	wrdreg s2  }
0xa9: {  	[dreg:$0x3] =	wrdreg s4  }
0xaa: {  	[dreg:$0x4] =	wrdreg $0xC0  }
0xab: {  	_ =	task [dreg:s6], $0x5FFFF  }
0xac: {  	[dreg:$0x1] =	wrdreg $0xFFFFFFFF  }
0xad: {  	[dreg:$0x0] =	wrdreg $0x60  }
0xae: {  	[dreg:$0x2] =	wrdreg s24  }
0xaf: {  	[dreg:$0x3] =	wrdreg $0x9  }
0xb0: {  	_ =	task.clear_ibuf [dreg:s6], $0x4FFFF;
	_ =	strace $0x90000067  }
0xb1: {  	s29 =	simm.s32 $0x9;
	_ =	strace $0x80000069  }
0xb2: {  	_ =	swait.ge [sflag:s29], $0x1  }
0xb3: {  	[sflag:s29] =	ssyncadd.s32 $0xFFFFFFFF  }
0xb4: {  	_ =	strace $0x90000069  }
0xb5: {  	_ =	sfence  }
0xb6: {  	s30 =	sld [smem:$0x0];
	_ =	sdelay $0x2  }
0xb7: {  	s31 =	sshll.u32 s1, $0xD;
	s1 =	sshrl.u32 s1, $0x2  }
0xb8: {  	s3 =	sand.u32 $0x4000, s31;
	s1 =	sadd.s32 s1, s30  }
0xb9: {  	s0 =	sor.u32 s3, s0;
	s1 =	sshll.u32 s1, $0x11  }
0xba: {  	s0 =	sor.u32 s1, s0  }
0xbb: {  	s0 =	sadd.s32 $0x8F2B, s0  }
0xbc: {  	[sflag:s0] =	ssyncadd.remote.s32 $0x1  }
0xbd: {  	_ =	sfence.sel $0xFFFF  }
0xbe: {  	[dreg:$0x0] =	wrdreg $0xFFFFFFFF;
	(pc) =	sbr.abs _section_cstart, $3  }
0xbf: {  	[dreg:$0x1] =	wrdreg $0xFFFFFFFF  }
0xc0: {  	_ =	task.clear_ibuf [dreg:s6], $0x2FFFF;
	_ =	strace $0x9FFFFFFF  }
0xc1: {  	(tm) =	ssettm $0x7FFFFFFF  }
tec
execute0_lowered:
.L_overlay_start_1:
0x0: {  	(tag) =	ssettag $0x1  }
0x1: {  	s8 =	rddreg [dreg:$0x0]  }
0x2: {  	s0 =	rddreg [dreg:$0x1];
	_ =	strace $0x80000068;
	s1 =	stileid.u32  }
0x3: {  	s3 =	srdreg.scid;
	s4 =	simm.s32 $0x1;
	s7 =	simm.s32 $0x1  }
0x4: {  	s9 =	simm.s32 $0x1;
	s10 =	simm.s32 $0x3;
	s13 =	simm.s32 $0x0  }
0x5: {  	s12 =	simm.s32 $0x0;
	s5 =	sand.u32 $0x1, s3;
	s6 =	sshll.u32 s1, $0x1  }
0x6: {  	s2 =	sadd.s32 $0x97C00, s8;
	s3 =	sadd.s32 $0x9E00, s8;
	s5 =	sor.u32 s6, s5  }
.Ltmp0:
0x7: {  	[sflag:s4] =	ssyncpa.u1 $0x0;
	p0 =	slt.u32 s5, $0x9;
	(pc) =	sbr.rel .LBB2_1-.Ltmp0, $4  }
0x8: {  	s6 =	simm.s32 $0x2;
	s7 =	simm.s32 @!p0 $0x0;
	p0 =	sne.s32 s5, $0x8  }
0x9: {  	[sflag:s6] =	ssyncpa.u1 $0x0;
	s5 =	smul.u32 $0x1F40, s5;
	s9 =	simm.s32 @!p0 $0x0  }
0xa: {  	s8 =	sadd.s32 $0xA1A00, s8;
	[sflag:s10] =	ssyncpa.u1 $0x0;
	s7 =	sadd.s32 s9, s7  }
0xb: {  	vm0 =	vmmov $0xffff;
	s10 =	simm.s32 $0x0;
	s11 =	smov.u32 s5;
	s9 =	sadd.s32 $0x1, s7  }
.LBB2_4:
0xc: {  	v2 =	vnsel vm1, $0x0, v2  }
0xd: {  	vm1 =	vgt.s32 v0, $0x0;
	v2 =	vmin.u32 v2, $0x4E1FF  }
0xe: {  	v0 =	vnsel vm1, $0x0, v0  }
0xf: {  	v0 =	vmin.u32 v0, $0x4E1FF  }
0x10: {  	[tilespmem:s18], [sflag:$0x1] =	stream.indirect_vreg.gather [hbm4b:s2+s10], $0x1, v1, vm0, $0x4038;
	[tilespmem:$0x7D00] =	vst v63  }
0x11: {  	(ifvalue) =	ssetifvalue $0x7FFFFFFF  }
0x12: {  	[tilespmem:s15], [sflag:$0x1] =	stream.indirect_vreg.gather [hbm4b:s2+s10], $0x1, v2, vm0, $0x4038;
	[tilespmem:$0x7D00] =	vst v63  }
0x13: {  	s29 =	sadd.s32 $0x10, s15;
	(ifvalue) =	ssetifvalue $0x7FFFFFFF  }
0x14: {  	[tilespmem:s29], [sflag:$0x1] =	stream.indirect_vreg.gather [hbm4b:s2+s10], $0x1, v0, vm0, $0x4038;
	[tilespmem:$0x7D00] =	vst v63  }
0x15: {  	_ =	swait.ge [sflag:s4], $0x1F40  }
0x16: {  	s30 =	sshrl.u32 s13, $0x3;
	[sflag:s4] =	ssyncset.done $0x0  }
0x17: {  	s31 =	sand.u32 $0x7, s13;
	s15 =	sadd.s32 s8, s30;
	[sflag:s4] =	ssyncadd.s32 $0xFFFFE0C0  }
0x18: {  	[hbm4b:s15+s31] =	stream.linear.scatter [tilespmem:s14], [sflag:$0x3], $0x1F40, $0x38;
	[tilespmem:$0x7D00] =	vst v63  }
.LBB2_5:
0x19: {  	s15 =	sadd.s32 $0x3E800, s11  }
0x1a: {  	p1 =	sgt.s32 s15, $0x4E1FF  }
0x1b: {  	s15 =	smov.u32 @p1 s5;
	p1 =	sne.s32 s12, s9  }
.Ltmp1:
0x1c: {  	p0 =	slt.u32 s12, $0x2;
	(pc) =	sbr.rel @!p1 .LBB2_6-.Ltmp1, $4  }
0x1d: {  	s14 =	simm.s32 @!p0 $0x3  }
0x1e: {  	_ =	swait.ge @!p0 [sflag:s14], $0x1F40  }
0x1f: {  	s16 =	sadd.s32 $0x1, s12;
	s13 =	smov.u32 s11;
	[sflag:s14] =	ssyncset.done @!p0 $0x0  }
0x20: {  	s12 =	smov.u32 s16;
	s11 =	smov.u32 s15;
	[sflag:s14] =	ssyncadd.s32 @!p0 $0xFFFFE0C0  }
.LBB2_1:
0x21: {  	p0 =	sge.u32 s12, s7  }
0x22: {  	s14 =	sxor.u32 @!p0 $0x1, s12  }
0x23: {  	s14 =	smul.u32 @!p0 $0x7D00, s14  }
0x24: {  	s31 =	sadd.s32 $0xFFFFFFFF, s12;
	s15 =	sshrl.u32 @!p0 s11, $0x3  }
0x25: {  	s16 =	sand.u32 @!p0 $0x7, s11;
	s15 =	sadd.s32 @!p0 s3, s15;
	s14 =	sshra.s32 @!p0 s14, $0x2  }
0x26: {  	[tilespmem:s14], [sflag:$0x2] =	stream.linear.gather @!p0 [hbm4b:s15+s16], $0x1F40, $0x38;
	[tilespmem:$0x7D00] =	vst v63  }
0x27: {  	p0 =	sge.u32 s31, s7  }
.Ltmp2:
0x28: {  	_ = 	snop;
	(pc) =	sbr.rel @p0 .LBB2_5-.Ltmp2, $1  }
0x29: {  	_ =	sdelay $0x3  }
0x2a: {  	s14 =	sand.u32 $0x1, s12  }
0x2b: {  	_ =	swait.ge [sflag:s6], $0x1F40;
	p0 =	seq.s32 s14, $0x1;
	s14 =	simm.s32 $0x1F40  }
0x2c: {  	[sflag:s6] =	ssyncset.done $0x0;
	s14 =	simm.s32 @!p0 $0x0  }
0x2d: {  	[sflag:s6] =	ssyncadd.s32 $0xFFFFE0C0;
	(ifvalue) =	ssetifvalue $0x7FFFFFFF;
	v0 =	vld.msk [tilespmem:s14+$0x0 ss:$0x1], $0xffff;
	_ =	sdelay $0x4  }
0x2e: {  	s15 =	sadd.s32 $0x10, s14;
	vm1 =	vgt.s32 v0, $0x0  }
0x2f: {  	v2 =	vld.msk [tilespmem:s15+$0x0 ss:$0x1], $0xffff;
	v1 =	vnsel vm1, $0x0, v0  }
0x30: {  	v1 =	vmin.u32 v1, $0x4E1FF;
	_ =	sdelay $0x2  }
0x31: {  	s17 =	simm.s32 $0x20;
	s14 =	sadd.s32 $0x3E80, s14;
	s16 =	sadd.s32 $0x10, s15  }
0x32: {  	s15 =	sadd.s32 $0x10, s14;
	s18 =	smov.u32 s14;
	v0 =	vld.msk [tilespmem:s16+$0x0 ss:$0x1], $0xffff;
	vm1 =	vgt.s32 v2, $0x0;
	(ifvalue) =	ssetifvalue $0x7FFFFFFF  }
.LBB2_3:
0x33: {  	[tilespmem:s18], [sflag:$0x1] =	stream.indirect_vreg.gather [hbm4b:s2+s10], $0x1, v1, vm0, $0x4038;
	[tilespmem:$0x7D00] =	vst v63  }
0x34: {  	s17 =	sadd.s32 $0x10, s17  }
0x35: {  	v2 =	vnsel vm1, $0x0, v2;
	p0 =	slt.u32 s17, $0x1F30  }
.Ltmp3:
0x36: {  	s18 =	smov.u32 s15;
	v1 =	vmin.u32 v2, $0x4E1FF;
	(pc) =	sbr.rel @p0 .LBB2_3-.Ltmp3, $3  }
0x37: {  	_ =	sdelay $0x1  }
0x38: {  	s16 =	sadd.s32 $0x10, s16  }
0x39: {  	vm1 =	vgt.s32 v0, $0x0;
	s15 =	sadd.s32 $0x10, s15;
	v2 =	vmov v0;
	(ifvalue) =	ssetifvalue $0x7FFFFFFF;
	v0 =	vld.msk [tilespmem:s16+$0x0 ss:$0x1], $0xffff  }
.Ltmp4:
0x3a: {  	_ = 	snop;
	(pc) =	sbr.rel .LBB2_4-.Ltmp4, $1  }
0x3b: {  	_ =	sdelay $0x3  }
.LBB2_6:
0x3c: {  	_ =	sfence.sel $0x180000  }
0x3d: {  	s2 =	simm.s32 $0x2;
	[bflag:$0x0] =	sbarrier.arrive $0xFFFF  }
0x3e: {  	s30 =	simm.s32 $0x3;
	[sflag:s2] =	ssyncpa.u1 $0x1  }
0x3f: {  	s31 =	simm.s32 $0x1;
	[sflag:s30] =	ssyncpa.u1 $0x1  }
0x40: {  	[sflag:s31] =	ssyncpa.u1 $0x1  }
0x41: {  	p0 =	sne.s32 s1, $0x0;
	_ =	strace $0x90000068  }
0x42: {  	s0 =	sadd.s32 @!p0 $0x100000, s0;
	[bflag:$0x2] =	sbarrier.arrive $0xFFFF  }
0x43: {  	[sflag:s0] =	ssyncadd.tile.s32 @!p0 $0x1;
	_ =	shalt  }
.Lfunc_end2:
_tile_overlayer_lowered:
.L_overlay_start_2:
0x44: {  	(tag) =	ssettag $0x2  }
0x45: {  	s0 =	rddreg [dreg:$0x0];
	s2 =	stileid.u32  }
0x46: {  	s1 =	rddreg [dreg:$0x1];
	p0 =	sne.s32 s2, $0x0  }
0x47: {  	s3 =	rddreg [dreg:$0x2];
	[bflag:$0x3] =	sbarrier.arrive $0xFFFF;
	s2 =	simm.s32 @!p0 $0x1C01  }
0x48: {  	[timem:s3], [sflag:s2] =	dma.local @!p0 [hbm:s0], s1  }
0x49: {  	s0 =	simm.s32 @!p0 $0x1  }
0x4a: {  	_ =	swait.ge @!p0 [sflag:s0], s1  }
0x4b: {  	s1 =	ssub.s32 @!p0 $0x0, s1;
	[sflag:s0] =	ssyncset.done @!p0 $0x0  }
0x4c: {  	[sflag:s0] =	ssyncadd.s32 @!p0 s1  }
0x4d: {  	[bflag:$0x3] =	sbarrier.arrive $0xFFFF  }
0x4e: {  	_ =	shalt  }

// kernel: gather_offload_async_start.2
scs
__scs_entry_jumppad:
0x0: {  	(pc) =	sbr.rel $0x88, $3  }
0x1: {  	(tag) =	ssettag $0x0;
	lr =	simm.s32 $0x1  }
0x2: {  	[smem:$0x3F94] =	sst lr;
	_ =	strace $0xD0000000  }
0x3: {  	_ = 	snop  }
0x4: {  	_ = 	snop  }
0x5: {  	_ = 	snop  }
0x6: {  	_ = 	snop  }
0x7: {  	_ = 	snop  }
__scs_overlays_trampoline_lowered:
0x8: {  	[smem:$0x3FA3] =	sst s0  }
0x9: {  	[smem:$0x3FA4] =	sst s1  }
0xa: {  	[smem:$0x3FA5] =	sst s2  }
0xb: {  	[smem:$0x3FA6] =	sst s3  }
0xc: {  	[smem:$0x3FA7] =	sst s4  }
0xd: {  	[smem:$0x3FA8] =	sst s5  }
0xe: {  	[smem:$0x3FA9] =	sst s6  }
0xf: {  	[smem:$0x3FAA] =	sst s7  }
0x10: {  	[smem:$0x3FAB] =	sst s8  }
0x11: {  	[smem:$0x3FAC] =	sst s9;
	s0 =	simm.s32 @!p0 $0x0  }
0x12: {  	s1 =	sld [smem:$0x3F92];
	s0 =	simm.s32 @p0 $0x1  }
0x13: {  	[smem:$0x3FAD] =	sst s0;
	s0 =	simm.s32 @!p1 $0x0  }
0x14: {  	s2 =	sld [smem:$0x3F91];
	s0 =	simm.s32 @p1 $0x1  }
0x15: {  	[smem:$0x3FAE] =	sst s0;
	s0 =	simm.s32 @!p2 $0x0  }
0x16: {  	s3 =	sld [smem:$0x3FDB];
	s0 =	simm.s32 @p2 $0x1  }
0x17: {  	s4 =	simm.s32 $0x1BF5;
	[smem:$0x3FB0] =	sst s0  }
0x18: {  	s0 =	sld [smem:$0x3F93];
	_ =	swait.ge [sflag:s4], $0x0  }
0x19: {  	s7 =	sld [smem:$0x3F94]  }
0x1a: {  	s8 =	sadd.s32 $0xFFFFE003, lr  }
0x1b: {  	s9 =	sadd.s32 $0xFFFFFEF7, lr;
	s5 =	simm.s32 $0xFFFFFFFF;
	p2 =	slt.u32 s8, $0xFFFFF086  }
0x1c: {  	p1 =	slt.u32 s9, $0xF7A;
	s5 =	simm.s32 @!p2 $0x0  }
0x1d: {  	s5 =	simm.s32 @p1 $0x1;
	p0 =	seq.s32 s7, s2  }
0x1e: {  	s7 =	smul.u32 @!p0 $0xF7A, s2;
	p2 =	seq.s32 @!p0 s5, $0x0  }
0x1f: {  	s9 =	smul.u32 $0xF7A, s1;
	s8 =	simm.s32 @!p0 $0x1BF5;
	p2 =	por !p2, p0  }
0x20: {  	[sflag:s8] =	ssyncset.s32 @!p0 $0xFFFFF086;
	s6 =	sadd.s32 @!p0 s3, s7;
	s7 =	simm.s32 @!p0 $0x108  }
0x21: {  	s3 =	sadd.s32 s3, s9;
	s6 =	sadd.s32 @!p0 $0x88, s6;
	s7 =	simm.s32 @p2 $0x1082  }
0x22: {  	[simem:s7], [sflag:s8] =	dma.local @!p0 [hbm:s6], $0xF7A  }
0x23: {  	s9 =	sor.u32 $0xD0000000, s2;
	s6 =	simm.s32 $0x108;
	_ =	swait.ge @!p0 [sflag:s8], $0x0  }
0x24: {  	s3 =	sadd.s32 $0x88, s3;
	s6 =	simm.s32 @!p1 $0x1082;
	[sflag:s4] =	ssyncset.s32 $0xFFFFF086  }
0x25: {  	[simem:s6], [sflag:s4] =	dma.local [hbm:s3], $0xF7A  }
0x26: {  	[smem:$0x3F94] =	sst s1;
	(tag) =	ssettag s2;
	_ =	strace s9  }
0x27: {  	s1 =	sld [smem:$0x3FA4]  }
0x28: {  	s2 =	sld [smem:$0x3FA5]  }
0x29: {  	s4 =	sld [smem:$0x3FA7]  }
0x2a: {  	p0 =	seq.s32 s5, $0x0;
	s5 =	sld [smem:$0x3FA8]  }
0x2b: {  	s6 =	sld [smem:$0x3FA9]  }
0x2c: {  	s7 =	sld [smem:$0x3FAA]  }
0x2d: {  	s3 =	simm.s32 $0x108;
	s8 =	sld [smem:$0x3FAB]  }
0x2e: {  	s3 =	simm.s32 @!p0 $0x1082;
	s9 =	sld [smem:$0x3FAC]  }
0x2f: {  	lr =	sadd.s32 s0, s3;
	s0 =	sld [smem:$0x3FA3]  }
0x30: {  	s3 =	sld [smem:$0x3FA6]  }
0x31: {  	[smem:$0x3FAF] =	sst s10  }
0x32: {  	s10 =	sld [smem:$0x3FAD];
	_ =	sdelay $0x3  }
0x33: {  	p0 =	seq.s32 s10, $0x1;
	s10 =	sld [smem:$0x3FAF];
	_ =	sdelay $0x3  }
0x34: {  	[smem:$0x3FAF] =	sst s10  }
0x35: {  	s10 =	sld [smem:$0x3FAE];
	_ =	sdelay $0x3  }
0x36: {  	p1 =	seq.s32 s10, $0x1;
	s10 =	sld [smem:$0x3FAF];
	_ =	sdelay $0x3  }
0x37: {  	[smem:$0x3FAF] =	sst s10  }
0x38: {  	s10 =	sld [smem:$0x3FB0]  }
0x39: {  	_ = 	snop;
	(pc) =	sbr.ind lr, $3  }
0x3a: {  	_ = 	snop  }
0x3b: {  	_ = 	snop  }
0x3c: {  	p2 =	seq.s32 s10, $0x1;
	s10 =	sld [smem:$0x3FAF]  }
0x3d: {  	_ =	shalt  }
0x3e: {  	_ =	shalt  }
0x3f: {  	_ =	shalt  }
0x40: {  	_ =	shalt  }
0x41: {  	_ =	shalt  }
0x42: {  	_ =	shalt  }
0x43: {  	_ =	shalt  }
0x44: {  	_ =	shalt  }
0x45: {  	_ =	shalt  }
0x46: {  	_ =	shalt  }
0x47: {  	_ =	shalt  }
0x48: {  	_ =	shalt  }
0x49: {  	_ =	shalt  }
0x4a: {  	_ =	shalt  }
0x4b: {  	_ =	shalt  }
0x4c: {  	_ =	shalt  }
0x4d: {  	_ =	shalt  }
0x4e: {  	_ =	shalt  }
0x4f: {  	_ =	shalt  }
0x50: {  	_ =	shalt  }
0x51: {  	_ =	shalt  }
0x52: {  	_ =	shalt  }
0x53: {  	_ =	shalt  }
0x54: {  	_ =	shalt  }
0x55: {  	_ =	shalt  }
0x56: {  	_ =	shalt  }
0x57: {  	_ =	shalt  }
0x58: {  	_ =	shalt  }
0x59: {  	_ =	shalt  }
0x5a: {  	_ =	shalt  }
0x5b: {  	_ =	shalt  }
0x5c: {  	_ =	shalt  }
0x5d: {  	_ =	shalt  }
0x5e: {  	_ =	shalt  }
0x5f: {  	_ =	shalt  }
0x60: {  	_ =	shalt  }
0x61: {  	_ =	shalt  }
0x62: {  	_ =	shalt  }
0x63: {  	_ =	shalt  }
0x64: {  	_ =	shalt  }
0x65: {  	_ =	shalt  }
0x66: {  	_ =	shalt  }
0x67: {  	_ =	shalt  }
0x68: {  	_ =	shalt  }
0x69: {  	_ =	shalt  }
0x6a: {  	_ =	shalt  }
0x6b: {  	_ =	shalt  }
0x6c: {  	_ =	shalt  }
0x6d: {  	_ =	shalt  }
0x6e: {  	_ =	shalt  }
0x6f: {  	_ =	shalt  }
0x70: {  	_ =	shalt  }
0x71: {  	_ =	shalt  }
0x72: {  	_ =	shalt  }
0x73: {  	_ =	shalt  }
0x74: {  	_ =	shalt  }
0x75: {  	_ =	shalt  }
0x76: {  	_ =	shalt  }
0x77: {  	_ =	shalt  }
0x78: {  	_ =	shalt  }
0x79: {  	_ =	shalt  }
0x7a: {  	_ =	shalt  }
0x7b: {  	_ =	shalt  }
0x7c: {  	_ =	shalt  }
0x7d: {  	_ =	shalt  }
0x7e: {  	_ =	shalt  }
0x7f: {  	_ =	shalt  }
0x80: {  	_ =	shalt  }
0x81: {  	_ =	shalt  }
0x82: {  	_ =	shalt  }
0x83: {  	_ =	shalt  }
0x84: {  	_ =	shalt  }
0x85: {  	_ =	shalt  }
0x86: {  	_ =	shalt  }
0x87: {  	_ =	shalt  }
.Lfunc_end0:
.L_simem_size_0:
called_computation.2_lowered:
.L_overlay_start_0:
0x88: {  	s2 =	sld [smem:$0x3FD9]  }
0x89: {  	s3 =	sld [smem:$0x3FFE];
	_ =	sdelay $0x1  }
0x8a: {  	s1 =	srdreg.scid  }
0x8b: {  	s0 =	sand.u32 $0x1, s1  }
0x8c: {  	s16 =	sshll.u32 s0, $0xA;
	s2 =	sadd.s32 s3, s2  }
0x8d: {  	s2 =	sadd.s32 s2, s16  }
0x8e: {  	[smem:$0x3FBB] =	sst s2  }
0x8f: {  	_ = 	snop  }
0x90: {  	(tm) =	ssettm $0x1  }
0x91: {  	s17 =	sld [smem:$0x3FFB];
	_ =	sdelay $0x3  }
0x92: {  	_ =	strace s17  }
0x93: {  	s2 =	sld [smem:$0x3FFC];
	_ =	sdelay $0x3  }
0x94: {  	_ =	strace s2  }
0x95: {  	s2 =	sld [smem:$0x3FFD];
	_ =	sdelay $0x3  }
0x96: {  	_ =	strace s2  }
0x97: {  	_ =	strace $0x8FFFFFFF  }
0x98: {  	s18 =	sld [smem:$0x3FDB];
	_ =	sdelay $0x1  }
0x99: {  	s19 =	simm.s32 $_scs_section_size  }
0x9a: {  	s4 =	simm.s32 $_size__tile_overlayer_lowered;
	s5 =	simm.s32 $_tile_overlayer_lowered  }
0x9b: {  	s22 =	simm.s32 $0x1BFF;
	s21 =	sshll.u32 s5, $0x1;
	s2 =	sadd.s32 s19, s18  }
0x9c: {  	s6 =	simm.s32 $0x0;
	s20 =	sshll.u32 s4, $0x1;
	s4 =	sadd.s32 s21, s2  }
0x9d: {  	[timem:s6], [sflag:s22] =	dma.local [hbm:s4], s20  }
0x9e: {  	_ =	swait.ge [sflag:s22], s20  }
0x9f: {  	s3 =	ssub.s32 $0x0, s20;
	[sflag:s22] =	ssyncset.done $0x0  }
0xa0: {  	[sflag:s22] =	ssyncadd.s32 s3;
	_ =	sdelay $0x1  }
0xa1: {  	s23 =	simm.s32 $0x1B8B  }
0xa2: {  	_ =	swait.ge [sflag:s23], $0x1  }
0xa3: {  	[sflag:s23] =	ssyncset.done $0x0  }
0xa4: {  	s25 =	simm.s32 $0x1B8E;
	s24 =	sld [smem:$0x3FFE];
	[sflag:s23] =	ssyncadd.s32 $0xFFFFFFFF  }
0xa5: {  	s26 =	simm.s32 $execute0_lowered;
	[smem:$0x3FD2] =	sst s25  }
0xa6: {  	s4 =	sshll.u32 s26, $0x1;
	_ =	strace $0x8000006A;
	[dreg:$0x1] =	wrdreg $0xFFFFFFFF  }
0xa7: {  	s28 =	simm.s32 $_size_execute0_lowered;
	s2 =	sadd.s32 s2, s4;
	[dreg:$0x0] =	wrdreg $0x0  }
0xa8: {  	s4 =	sshll.u32 s28, $0x1;
	[dreg:$0x2] =	wrdreg s2  }
0xa9: {  	[dreg:$0x3] =	wrdreg s4  }
0xaa: {  	[dreg:$0x4] =	wrdreg $0xC0  }
0xab: {  	_ =	task [dreg:s6], $0x5FFFF  }
0xac: {  	[dreg:$0x1] =	wrdreg $0xFFFFFFFF  }
0xad: {  	[dreg:$0x0] =	wrdreg $0x60  }
0xae: {  	[dreg:$0x2] =	wrdreg s24  }
0xaf: {  	[dreg:$0x3] =	wrdreg $0x9  }
0xb0: {  	_ =	task.clear_ibuf [dreg:s6], $0x4FFFF;
	_ =	strace $0x9000006A  }
0xb1: {  	s29 =	simm.s32 $0x9;
	_ =	strace $0x8000006C  }
0xb2: {  	_ =	swait.ge [sflag:s29], $0x1  }
0xb3: {  	[sflag:s29] =	ssyncadd.s32 $0xFFFFFFFF  }
0xb4: {  	_ =	strace $0x9000006C  }
0xb5: {  	_ =	sfence  }
0xb6: {  	s30 =	sld [smem:$0x0];
	_ =	sdelay $0x2  }
0xb7: {  	s31 =	sshll.u32 s1, $0xD;
	s1 =	sshrl.u32 s1, $0x2  }
0xb8: {  	s3 =	sand.u32 $0x4000, s31;
	s1 =	sadd.s32 s1, s30  }
0xb9: {  	s0 =	sor.u32 s3, s0;
	s1 =	sshll.u32 s1, $0x11  }
0xba: {  	s0 =	sor.u32 s1, s0  }
0xbb: {  	s0 =	sadd.s32 $0x8F2B, s0  }
0xbc: {  	[sflag:s0] =	ssyncadd.remote.s32 $0x1  }
0xbd: {  	_ =	sfence.sel $0xFFFF  }
0xbe: {  	[dreg:$0x0] =	wrdreg $0xFFFFFFFF;
	(pc) =	sbr.abs _section_cstart, $3  }
0xbf: {  	[dreg:$0x1] =	wrdreg $0xFFFFFFFF  }
0xc0: {  	_ =	task.clear_ibuf [dreg:s6], $0x2FFFF;
	_ =	strace $0x9FFFFFFF  }
0xc1: {  	(tm) =	ssettm $0x7FFFFFFF  }
tec
execute0_lowered:
.L_overlay_start_1:
0x0: {  	(tag) =	ssettag $0x1  }
0x1: {  	s8 =	rddreg [dreg:$0x0]  }
0x2: {  	s0 =	rddreg [dreg:$0x1];
	_ =	strace $0x8000006B;
	s1 =	stileid.u32  }
0x3: {  	s3 =	srdreg.scid;
	s4 =	simm.s32 $0x1;
	s7 =	simm.s32 $0x1  }
0x4: {  	s9 =	simm.s32 $0x1;
	s10 =	simm.s32 $0x3;
	s13 =	simm.s32 $0x0  }
0x5: {  	s12 =	simm.s32 $0x0;
	s5 =	sand.u32 $0x1, s3;
	s6 =	sshll.u32 s1, $0x1  }
0x6: {  	s2 =	sadd.s32 $0x9E00, s8;
	s3 =	sadd.s32 $0x1DA00, s8;
	s5 =	sor.u32 s6, s5  }
.Ltmp0:
0x7: {  	[sflag:s4] =	ssyncpa.u1 $0x0;
	p0 =	slt.u32 s5, $0x9;
	(pc) =	sbr.rel .LBB2_1-.Ltmp0, $4  }
0x8: {  	s6 =	simm.s32 $0x2;
	s7 =	simm.s32 @!p0 $0x0;
	p0 =	sne.s32 s5, $0x8  }
0x9: {  	[sflag:s6] =	ssyncpa.u1 $0x0;
	s5 =	smul.u32 $0x1F40, s5;
	s9 =	simm.s32 @!p0 $0x0  }
0xa: {  	s8 =	sadd.s32 $0xA1A00, s8;
	[sflag:s10] =	ssyncpa.u1 $0x0;
	s7 =	sadd.s32 s9, s7  }
0xb: {  	vm0 =	vmmov $0xffff;
	s10 =	simm.s32 $0x0;
	s11 =	smov.u32 s5;
	s9 =	sadd.s32 $0x1, s7  }
.LBB2_4:
0xc: {  	v2 =	vnsel vm1, $0x0, v2  }
0xd: {  	vm1 =	vgt.s32 v0, $0x0;
	v2 =	vmin.u32 v2, $0x4E1FF  }
0xe: {  	v0 =	vnsel vm1, $0x0, v0  }
0xf: {  	v0 =	vmin.u32 v0, $0x4E1FF  }
0x10: {  	[tilespmem:s18], [sflag:$0x1] =	stream.indirect_vreg.gather [hbm4b:s2+s10], $0x1, v1, vm0, $0x4038;
	[tilespmem:$0x7D00] =	vst v63  }
0x11: {  	(ifvalue) =	ssetifvalue $0x7FFFFFFF  }
0x12: {  	[tilespmem:s15], [sflag:$0x1] =	stream.indirect_vreg.gather [hbm4b:s2+s10], $0x1, v2, vm0, $0x4038;
	[tilespmem:$0x7D00] =	vst v63  }
0x13: {  	s29 =	sadd.s32 $0x10, s15;
	(ifvalue) =	ssetifvalue $0x7FFFFFFF  }
0x14: {  	[tilespmem:s29], [sflag:$0x1] =	stream.indirect_vreg.gather [hbm4b:s2+s10], $0x1, v0, vm0, $0x4038;
	[tilespmem:$0x7D00] =	vst v63  }
0x15: {  	_ =	swait.ge [sflag:s4], $0x1F40  }
0x16: {  	s30 =	sshrl.u32 s13, $0x3;
	[sflag:s4] =	ssyncset.done $0x0  }
0x17: {  	s31 =	sand.u32 $0x7, s13;
	s15 =	sadd.s32 s8, s30;
	[sflag:s4] =	ssyncadd.s32 $0xFFFFE0C0  }
0x18: {  	[hbm4b:s15+s31] =	stream.linear.scatter [tilespmem:s14], [sflag:$0x3], $0x1F40, $0x38;
	[tilespmem:$0x7D00] =	vst v63  }
.LBB2_5:
0x19: {  	s15 =	sadd.s32 $0x3E800, s11  }
0x1a: {  	p1 =	sgt.s32 s15, $0x4E1FF  }
0x1b: {  	s15 =	smov.u32 @p1 s5;
	p1 =	sne.s32 s12, s9  }
.Ltmp1:
0x1c: {  	p0 =	slt.u32 s12, $0x2;
	(pc) =	sbr.rel @!p1 .LBB2_6-.Ltmp1, $4  }
0x1d: {  	s14 =	simm.s32 @!p0 $0x3  }
0x1e: {  	_ =	swait.ge @!p0 [sflag:s14], $0x1F40  }
0x1f: {  	s16 =	sadd.s32 $0x1, s12;
	s13 =	smov.u32 s11;
	[sflag:s14] =	ssyncset.done @!p0 $0x0  }
0x20: {  	s12 =	smov.u32 s16;
	s11 =	smov.u32 s15;
	[sflag:s14] =	ssyncadd.s32 @!p0 $0xFFFFE0C0  }
.LBB2_1:
0x21: {  	p0 =	sge.u32 s12, s7  }
0x22: {  	s14 =	sxor.u32 @!p0 $0x1, s12  }
0x23: {  	s14 =	smul.u32 @!p0 $0x7D00, s14  }
0x24: {  	s31 =	sadd.s32 $0xFFFFFFFF, s12;
	s15 =	sshrl.u32 @!p0 s11, $0x3  }
0x25: {  	s16 =	sand.u32 @!p0 $0x7, s11;
	s15 =	sadd.s32 @!p0 s3, s15;
	s14 =	sshra.s32 @!p0 s14, $0x2  }
0x26: {  	[tilespmem:s14], [sflag:$0x2] =	stream.linear.gather @!p0 [hbm4b:s15+s16], $0x1F40, $0x38;
	[tilespmem:$0x7D00] =	vst v63  }
0x27: {  	p0 =	sge.u32 s31, s7  }
.Ltmp2:
0x28: {  	_ = 	snop;
	(pc) =	sbr.rel @p0 .LBB2_5-.Ltmp2, $1  }
0x29: {  	_ =	sdelay $0x3  }
0x2a: {  	s14 =	sand.u32 $0x1, s12  }
0x2b: {  	_ =	swait.ge [sflag:s6], $0x1F40;
	p0 =	seq.s32 s14, $0x1;
	s14 =	simm.s32 $0x1F40  }
0x2c: {  	[sflag:s6] =	ssyncset.done $0x0;
	s14 =	simm.s32 @!p0 $0x0  }
0x2d: {  	[sflag:s6] =	ssyncadd.s32 $0xFFFFE0C0;
	(ifvalue) =	ssetifvalue $0x7FFFFFFF;
	v0 =	vld.msk [tilespmem:s14+$0x0 ss:$0x1], $0xffff;
	_ =	sdelay $0x4  }
0x2e: {  	s15 =	sadd.s32 $0x10, s14;
	vm1 =	vgt.s32 v0, $0x0  }
0x2f: {  	v2 =	vld.msk [tilespmem:s15+$0x0 ss:$0x1], $0xffff;
	v1 =	vnsel vm1, $0x0, v0  }
0x30: {  	v1 =	vmin.u32 v1, $0x4E1FF;
	_ =	sdelay $0x2  }
0x31: {  	s17 =	simm.s32 $0x20;
	s14 =	sadd.s32 $0x3E80, s14;
	s16 =	sadd.s32 $0x10, s15  }
0x32: {  	s15 =	sadd.s32 $0x10, s14;
	s18 =	smov.u32 s14;
	v0 =	vld.msk [tilespmem:s16+$0x0 ss:$0x1], $0xffff;
	vm1 =	vgt.s32 v2, $0x0;
	(ifvalue) =	ssetifvalue $0x7FFFFFFF  }
.LBB2_3:
0x33: {  	[tilespmem:s18], [sflag:$0x1] =	stream.indirect_vreg.gather [hbm4b:s2+s10], $0x1, v1, vm0, $0x4038;
	[tilespmem:$0x7D00] =	vst v63  }
0x34: {  	s17 =	sadd.s32 $0x10, s17  }
0x35: {  	v2 =	vnsel vm1, $0x0, v2;
	p0 =	slt.u32 s17, $0x1F30  }
.Ltmp3:
0x36: {  	s18 =	smov.u32 s15;
	v1 =	vmin.u32 v2, $0x4E1FF;
	(pc) =	sbr.rel @p0 .LBB2_3-.Ltmp3, $3  }
0x37: {  	_ =	sdelay $0x1  }
0x38: {  	s16 =	sadd.s32 $0x10, s16  }
0x39: {  	vm1 =	vgt.s32 v0, $0x0;
	s15 =	sadd.s32 $0x10, s15;
	v2 =	vmov v0;
	(ifvalue) =	ssetifvalue $0x7FFFFFFF;
	v0 =	vld.msk [tilespmem:s16+$0x0 ss:$0x1], $0xffff  }
.Ltmp4:
0x3a: {  	_ = 	snop;
	(pc) =	sbr.rel .LBB2_4-.Ltmp4, $1  }
0x3b: {  	_ =	sdelay $0x3  }
.LBB2_6:
0x3c: {  	_ =	sfence.sel $0x180000  }
0x3d: {  	s2 =	simm.s32 $0x2;
	[bflag:$0x0] =	sbarrier.arrive $0xFFFF  }
0x3e: {  	s30 =	simm.s32 $0x3;
	[sflag:s2] =	ssyncpa.u1 $0x1  }
0x3f: {  	s31 =	simm.s32 $0x1;
	[sflag:s30] =	ssyncpa.u1 $0x1  }
0x40: {  	[sflag:s31] =	ssyncpa.u1 $0x1  }
0x41: {  	p0 =	sne.s32 s1, $0x0;
	_ =	strace $0x9000006B  }
0x42: {  	s0 =	sadd.s32 @!p0 $0x100000, s0;
	[bflag:$0x2] =	sbarrier.arrive $0xFFFF  }
0x43: {  	[sflag:s0] =	ssyncadd.tile.s32 @!p0 $0x1;
	_ =	shalt  }
.Lfunc_end2:
_tile_overlayer_lowered:
.L_overlay_start_2:
0x44: {  	(tag) =	ssettag $0x2  }
0x45: {  	s0 =	rddreg [dreg:$0x0];
	s2 =	stileid.u32  }
0x46: {  	s1 =	rddreg [dreg:$0x1];
	p0 =	sne.s32 s2, $0x0  }
0x47: {  	s3 =	rddreg [dreg:$0x2];
	[bflag:$0x3] =	sbarrier.arrive $0xFFFF;
	s2 =	simm.s32 @!p0 $0x1C01  }
0x48: {  	[timem:s3], [sflag:s2] =	dma.local @!p0 [hbm:s0], s1  }
0x49: {  	s0 =	simm.s32 @!p0 $0x1  }
0x4a: {  	_ =	swait.ge @!p0 [sflag:s0], s1  }
0x4b: {  	s1 =	ssub.s32 @!p0 $0x0, s1;
	[sflag:s0] =	ssyncset.done @!p0 $0x0  }
0x4c: {  	[sflag:s0] =	ssyncadd.s32 @!p0 s1  }
0x4d: {  	[bflag:$0x3] =	sbarrier.arrive $0xFFFF  }
0x4e: {  	_ =	shalt  }

// kernel: gather_offload_async_start.3
scs
__scs_entry_jumppad:
0x0: {  	(pc) =	sbr.rel $0x88, $3  }
0x1: {  	(tag) =	ssettag $0x0;
	lr =	simm.s32 $0x1  }
0x2: {  	[smem:$0x3F94] =	sst lr;
	_ =	strace $0xD0000000  }
0x3: {  	_ = 	snop  }
0x4: {  	_ = 	snop  }
0x5: {  	_ = 	snop  }
0x6: {  	_ = 	snop  }
0x7: {  	_ = 	snop  }
__scs_overlays_trampoline_lowered:
0x8: {  	[smem:$0x3FA3] =	sst s0  }
0x9: {  	[smem:$0x3FA4] =	sst s1  }
0xa: {  	[smem:$0x3FA5] =	sst s2  }
0xb: {  	[smem:$0x3FA6] =	sst s3  }
0xc: {  	[smem:$0x3FA7] =	sst s4  }
0xd: {  	[smem:$0x3FA8] =	sst s5  }
0xe: {  	[smem:$0x3FA9] =	sst s6  }
0xf: {  	[smem:$0x3FAA] =	sst s7  }
0x10: {  	[smem:$0x3FAB] =	sst s8  }
0x11: {  	[smem:$0x3FAC] =	sst s9;
	s0 =	simm.s32 @!p0 $0x0  }
0x12: {  	s1 =	sld [smem:$0x3F92];
	s0 =	simm.s32 @p0 $0x1  }
0x13: {  	[smem:$0x3FAD] =	sst s0;
	s0 =	simm.s32 @!p1 $0x0  }
0x14: {  	s2 =	sld [smem:$0x3F91];
	s0 =	simm.s32 @p1 $0x1  }
0x15: {  	[smem:$0x3FAE] =	sst s0;
	s0 =	simm.s32 @!p2 $0x0  }
0x16: {  	s3 =	sld [smem:$0x3FDB];
	s0 =	simm.s32 @p2 $0x1  }
0x17: {  	s4 =	simm.s32 $0x1BF5;
	[smem:$0x3FB0] =	sst s0  }
0x18: {  	s0 =	sld [smem:$0x3F93];
	_ =	swait.ge [sflag:s4], $0x0  }
0x19: {  	s7 =	sld [smem:$0x3F94]  }
0x1a: {  	s8 =	sadd.s32 $0xFFFFE003, lr  }
0x1b: {  	s9 =	sadd.s32 $0xFFFFFEF7, lr;
	s5 =	simm.s32 $0xFFFFFFFF;
	p2 =	slt.u32 s8, $0xFFFFF086  }
0x1c: {  	p1 =	slt.u32 s9, $0xF7A;
	s5 =	simm.s32 @!p2 $0x0  }
0x1d: {  	s5 =	simm.s32 @p1 $0x1;
	p0 =	seq.s32 s7, s2  }
0x1e: {  	s7 =	smul.u32 @!p0 $0xF7A, s2;
	p2 =	seq.s32 @!p0 s5, $0x0  }
0x1f: {  	s9 =	smul.u32 $0xF7A, s1;
	s8 =	simm.s32 @!p0 $0x1BF5;
	p2 =	por !p2, p0  }
0x20: {  	[sflag:s8] =	ssyncset.s32 @!p0 $0xFFFFF086;
	s6 =	sadd.s32 @!p0 s3, s7;
	s7 =	simm.s32 @!p0 $0x108  }
0x21: {  	s3 =	sadd.s32 s3, s9;
	s6 =	sadd.s32 @!p0 $0x88, s6;
	s7 =	simm.s32 @p2 $0x1082  }
0x22: {  	[simem:s7], [sflag:s8] =	dma.local @!p0 [hbm:s6], $0xF7A  }
0x23: {  	s9 =	sor.u32 $0xD0000000, s2;
	s6 =	simm.s32 $0x108;
	_ =	swait.ge @!p0 [sflag:s8], $0x0  }
0x24: {  	s3 =	sadd.s32 $0x88, s3;
	s6 =	simm.s32 @!p1 $0x1082;
	[sflag:s4] =	ssyncset.s32 $0xFFFFF086  }
0x25: {  	[simem:s6], [sflag:s4] =	dma.local [hbm:s3], $0xF7A  }
0x26: {  	[smem:$0x3F94] =	sst s1;
	(tag) =	ssettag s2;
	_ =	strace s9  }
0x27: {  	s1 =	sld [smem:$0x3FA4]  }
0x28: {  	s2 =	sld [smem:$0x3FA5]  }
0x29: {  	s4 =	sld [smem:$0x3FA7]  }
0x2a: {  	p0 =	seq.s32 s5, $0x0;
	s5 =	sld [smem:$0x3FA8]  }
0x2b: {  	s6 =	sld [smem:$0x3FA9]  }
0x2c: {  	s7 =	sld [smem:$0x3FAA]  }
0x2d: {  	s3 =	simm.s32 $0x108;
	s8 =	sld [smem:$0x3FAB]  }
0x2e: {  	s3 =	simm.s32 @!p0 $0x1082;
	s9 =	sld [smem:$0x3FAC]  }
0x2f: {  	lr =	sadd.s32 s0, s3;
	s0 =	sld [smem:$0x3FA3]  }
0x30: {  	s3 =	sld [smem:$0x3FA6]  }
0x31: {  	[smem:$0x3FAF] =	sst s10  }
0x32: {  	s10 =	sld [smem:$0x3FAD];
	_ =	sdelay $0x3  }
0x33: {  	p0 =	seq.s32 s10, $0x1;
	s10 =	sld [smem:$0x3FAF];
	_ =	sdelay $0x3  }
0x34: {  	[smem:$0x3FAF] =	sst s10  }
0x35: {  	s10 =	sld [smem:$0x3FAE];
	_ =	sdelay $0x3  }
0x36: {  	p1 =	seq.s32 s10, $0x1;
	s10 =	sld [smem:$0x3FAF];
	_ =	sdelay $0x3  }
0x37: {  	[smem:$0x3FAF] =	sst s10  }
0x38: {  	s10 =	sld [smem:$0x3FB0]  }
0x39: {  	_ = 	snop;
	(pc) =	sbr.ind lr, $3  }
0x3a: {  	_ = 	snop  }
0x3b: {  	_ = 	snop  }
0x3c: {  	p2 =	seq.s32 s10, $0x1;
	s10 =	sld [smem:$0x3FAF]  }
0x3d: {  	_ =	shalt  }
0x3e: {  	_ =	shalt  }
0x3f: {  	_ =	shalt  }
0x40: {  	_ =	shalt  }
0x41: {  	_ =	shalt  }
0x42: {  	_ =	shalt  }
0x43: {  	_ =	shalt  }
0x44: {  	_ =	shalt  }
0x45: {  	_ =	shalt  }
0x46: {  	_ =	shalt  }
0x47: {  	_ =	shalt  }
0x48: {  	_ =	shalt  }
0x49: {  	_ =	shalt  }
0x4a: {  	_ =	shalt  }
0x4b: {  	_ =	shalt  }
0x4c: {  	_ =	shalt  }
0x4d: {  	_ =	shalt  }
0x4e: {  	_ =	shalt  }
0x4f: {  	_ =	shalt  }
0x50: {  	_ =	shalt  }
0x51: {  	_ =	shalt  }
0x52: {  	_ =	shalt  }
0x53: {  	_ =	shalt  }
0x54: {  	_ =	shalt  }
0x55: {  	_ =	shalt  }
0x56: {  	_ =	shalt  }
0x57: {  	_ =	shalt  }
0x58: {  	_ =	shalt  }
0x59: {  	_ =	shalt  }
0x5a: {  	_ =	shalt  }
0x5b: {  	_ =	shalt  }
0x5c: {  	_ =	shalt  }
0x5d: {  	_ =	shalt  }
0x5e: {  	_ =	shalt  }
0x5f: {  	_ =	shalt  }
0x60: {  	_ =	shalt  }
0x61: {  	_ =	shalt  }
0x62: {  	_ =	shalt  }
0x63: {  	_ =	shalt  }
0x64: {  	_ =	shalt  }
0x65: {  	_ =	shalt  }
0x66: {  	_ =	shalt  }
0x67: {  	_ =	shalt  }
0x68: {  	_ =	shalt  }
0x69: {  	_ =	shalt  }
0x6a: {  	_ =	shalt  }
0x6b: {  	_ =	shalt  }
0x6c: {  	_ =	shalt  }
0x6d: {  	_ =	shalt  }
0x6e: {  	_ =	shalt  }
0x6f: {  	_ =	shalt  }
0x70: {  	_ =	shalt  }
0x71: {  	_ =	shalt  }
0x72: {  	_ =	shalt  }
0x73: {  	_ =	shalt  }
0x74: {  	_ =	shalt  }
0x75: {  	_ =	shalt  }
0x76: {  	_ =	shalt  }
0x77: {  	_ =	shalt  }
0x78: {  	_ =	shalt  }
0x79: {  	_ =	shalt  }
0x7a: {  	_ =	shalt  }
0x7b: {  	_ =	shalt  }
0x7c: {  	_ =	shalt  }
0x7d: {  	_ =	shalt  }
0x7e: {  	_ =	shalt  }
0x7f: {  	_ =	shalt  }
0x80: {  	_ =	shalt  }
0x81: {  	_ =	shalt  }
0x82: {  	_ =	shalt  }
0x83: {  	_ =	shalt  }
0x84: {  	_ =	shalt  }
0x85: {  	_ =	shalt  }
0x86: {  	_ =	shalt  }
0x87: {  	_ =	shalt  }
.Lfunc_end0:
.L_simem_size_0:
called_computation.3_lowered:
.L_overlay_start_0:
0x88: {  	s2 =	sld [smem:$0x3FD9]  }
0x89: {  	s3 =	sld [smem:$0x3FFE];
	_ =	sdelay $0x1  }
0x8a: {  	s1 =	srdreg.scid  }
0x8b: {  	s0 =	sand.u32 $0x1, s1  }
0x8c: {  	s16 =	sshll.u32 s0, $0xA;
	s2 =	sadd.s32 s3, s2  }
0x8d: {  	s2 =	sadd.s32 s2, s16  }
0x8e: {  	[smem:$0x3FBB] =	sst s2  }
0x8f: {  	_ = 	snop  }
0x90: {  	(tm) =	ssettm $0x1  }
0x91: {  	s17 =	sld [smem:$0x3FFB];
	_ =	sdelay $0x3  }
0x92: {  	_ =	strace s17  }
0x93: {  	s2 =	sld [smem:$0x3FFC];
	_ =	sdelay $0x3  }
0x94: {  	_ =	strace s2  }
0x95: {  	s2 =	sld [smem:$0x3FFD];
	_ =	sdelay $0x3  }
0x96: {  	_ =	strace s2  }
0x97: {  	_ =	strace $0x8FFFFFFF  }
0x98: {  	s18 =	sld [smem:$0x3FDB];
	_ =	sdelay $0x1  }
0x99: {  	s19 =	simm.s32 $_scs_section_size  }
0x9a: {  	s4 =	simm.s32 $_size__tile_overlayer_lowered;
	s5 =	simm.s32 $_tile_overlayer_lowered  }
0x9b: {  	s22 =	simm.s32 $0x1BFF;
	s21 =	sshll.u32 s5, $0x1;
	s2 =	sadd.s32 s19, s18  }
0x9c: {  	s6 =	simm.s32 $0x0;
	s20 =	sshll.u32 s4, $0x1;
	s4 =	sadd.s32 s21, s2  }
0x9d: {  	[timem:s6], [sflag:s22] =	dma.local [hbm:s4], s20  }
0x9e: {  	_ =	swait.ge [sflag:s22], s20  }
0x9f: {  	s3 =	ssub.s32 $0x0, s20;
	[sflag:s22] =	ssyncset.done $0x0  }
0xa0: {  	[sflag:s22] =	ssyncadd.s32 s3;
	_ =	sdelay $0x1  }
0xa1: {  	s23 =	simm.s32 $0x1B8B  }
0xa2: {  	_ =	swait.ge [sflag:s23], $0x1  }
0xa3: {  	[sflag:s23] =	ssyncset.done $0x0  }
0xa4: {  	s25 =	simm.s32 $0x1B8E;
	s24 =	sld [smem:$0x3FFE];
	[sflag:s23] =	ssyncadd.s32 $0xFFFFFFFF  }
0xa5: {  	s26 =	simm.s32 $execute0_lowered;
	[smem:$0x3FD2] =	sst s25  }
0xa6: {  	s4 =	sshll.u32 s26, $0x1;
	_ =	strace $0x80000046;
	[dreg:$0x1] =	wrdreg $0xFFFFFFFF  }
0xa7: {  	s28 =	simm.s32 $_size_execute0_lowered;
	s2 =	sadd.s32 s2, s4;
	[dreg:$0x0] =	wrdreg $0x0  }
0xa8: {  	s4 =	sshll.u32 s28, $0x1;
	[dreg:$0x2] =	wrdreg s2  }
0xa9: {  	[dreg:$0x3] =	wrdreg s4  }
0xaa: {  	[dreg:$0x4] =	wrdreg $0xC0  }
0xab: {  	_ =	task [dreg:s6], $0x5FFFF  }
0xac: {  	[dreg:$0x1] =	wrdreg $0xFFFFFFFF  }
0xad: {  	[dreg:$0x0] =	wrdreg $0x60  }
0xae: {  	[dreg:$0x2] =	wrdreg s24  }
0xaf: {  	[dreg:$0x3] =	wrdreg $0x9  }
0xb0: {  	_ =	task.clear_ibuf [dreg:s6], $0x4FFFF;
	_ =	strace $0x90000046  }
0xb1: {  	s29 =	simm.s32 $0x9;
	_ =	strace $0x80000048  }
0xb2: {  	_ =	swait.ge [sflag:s29], $0x1  }
0xb3: {  	[sflag:s29] =	ssyncadd.s32 $0xFFFFFFFF  }
0xb4: {  	_ =	strace $0x90000048  }
0xb5: {  	_ =	sfence  }
0xb6: {  	s30 =	sld [smem:$0x0];
	_ =	sdelay $0x2  }
0xb7: {  	s31 =	sshll.u32 s1, $0xD;
	s1 =	sshrl.u32 s1, $0x2  }
0xb8: {  	s3 =	sand.u32 $0x4000, s31;
	s1 =	sadd.s32 s1, s30  }
0xb9: {  	s0 =	sor.u32 s3, s0;
	s1 =	sshll.u32 s1, $0x11  }
0xba: {  	s0 =	sor.u32 s1, s0  }
0xbb: {  	s0 =	sadd.s32 $0x8F2B, s0  }
0xbc: {  	[sflag:s0] =	ssyncadd.remote.s32 $0x1  }
0xbd: {  	_ =	sfence.sel $0xFFFF  }
0xbe: {  	[dreg:$0x0] =	wrdreg $0xFFFFFFFF;
	(pc) =	sbr.abs _section_cstart, $3  }
0xbf: {  	[dreg:$0x1] =	wrdreg $0xFFFFFFFF  }
0xc0: {  	_ =	task.clear_ibuf [dreg:s6], $0x2FFFF;
	_ =	strace $0x9FFFFFFF  }
0xc1: {  	(tm) =	ssettm $0x7FFFFFFF  }
tec
execute0_lowered:
.L_overlay_start_1:
0x0: {  	(tag) =	ssettag $0x1  }
0x1: {  	s8 =	rddreg [dreg:$0x0]  }
0x2: {  	s0 =	rddreg [dreg:$0x1];
	_ =	strace $0x80000047;
	s1 =	stileid.u32  }
0x3: {  	s3 =	srdreg.scid;
	s4 =	simm.s32 $0x1;
	s7 =	simm.s32 $0x1  }
0x4: {  	s9 =	simm.s32 $0x1;
	s10 =	simm.s32 $0x3;
	s13 =	simm.s32 $0x0  }
0x5: {  	s12 =	simm.s32 $0x0;
	s5 =	sand.u32 $0x1, s3;
	s6 =	sshll.u32 s1, $0x1  }
0x6: {  	s2 =	sadd.s32 $0x84000, s8;
	s3 =	sadd.s32 $0x8DE00, s8;
	s5 =	sor.u32 s6, s5  }
.Ltmp0:
0x7: {  	[sflag:s4] =	ssyncpa.u1 $0x0;
	p0 =	slt.u32 s5, $0x9;
	(pc) =	sbr.rel .LBB2_1-.Ltmp0, $4  }
0x8: {  	s6 =	simm.s32 $0x2;
	s7 =	simm.s32 @!p0 $0x0;
	p0 =	sne.s32 s5, $0x8  }
0x9: {  	[sflag:s6] =	ssyncpa.u1 $0x0;
	s5 =	smul.u32 $0x1F40, s5;
	s9 =	simm.s32 @!p0 $0x0  }
0xa: {  	s8 =	sadd.s32 $0x97C00, s8;
	[sflag:s10] =	ssyncpa.u1 $0x0;
	s7 =	sadd.s32 s9, s7  }
0xb: {  	vm0 =	vmmov $0xffff;
	s10 =	simm.s32 $0x0;
	s11 =	smov.u32 s5;
	s9 =	sadd.s32 $0x1, s7  }
.LBB2_4:
0xc: {  	v2 =	vnsel vm1, $0x0, v2  }
0xd: {  	vm1 =	vgt.s32 v0, $0x0;
	v2 =	vmin.u32 v2, $0x4E1FF  }
0xe: {  	v0 =	vnsel vm1, $0x0, v0  }
0xf: {  	v0 =	vmin.u32 v0, $0x4E1FF  }
0x10: {  	[tilespmem:s18], [sflag:$0x1] =	stream.indirect_vreg.gather [hbm4b:s2+s10], $0x1, v1, vm0, $0x4038;
	[tilespmem:$0x7D00] =	vst v63  }
0x11: {  	(ifvalue) =	ssetifvalue $0x7FFFFFFF  }
0x12: {  	[tilespmem:s15], [sflag:$0x1] =	stream.indirect_vreg.gather [hbm4b:s2+s10], $0x1, v2, vm0, $0x4038;
	[tilespmem:$0x7D00] =	vst v63  }
0x13: {  	s29 =	sadd.s32 $0x10, s15;
	(ifvalue) =	ssetifvalue $0x7FFFFFFF  }
0x14: {  	[tilespmem:s29], [sflag:$0x1] =	stream.indirect_vreg.gather [hbm4b:s2+s10], $0x1, v0, vm0, $0x4038;
	[tilespmem:$0x7D00] =	vst v63  }
0x15: {  	_ =	swait.ge [sflag:s4], $0x1F40  }
0x16: {  	s30 =	sshrl.u32 s13, $0x3;
	[sflag:s4] =	ssyncset.done $0x0  }
0x17: {  	s31 =	sand.u32 $0x7, s13;
	s15 =	sadd.s32 s8, s30;
	[sflag:s4] =	ssyncadd.s32 $0xFFFFE0C0  }
0x18: {  	[hbm4b:s15+s31] =	stream.linear.scatter [tilespmem:s14], [sflag:$0x3], $0x1F40, $0x38;
	[tilespmem:$0x7D00] =	vst v63  }
.LBB2_5:
0x19: {  	s15 =	sadd.s32 $0x3E800, s11  }
0x1a: {  	p1 =	sgt.s32 s15, $0x4E1FF  }
0x1b: {  	s15 =	smov.u32 @p1 s5;
	p1 =	sne.s32 s12, s9  }
.Ltmp1:
0x1c: {  	p0 =	slt.u32 s12, $0x2;
	(pc) =	sbr.rel @!p1 .LBB2_6-.Ltmp1, $4  }
0x1d: {  	s14 =	simm.s32 @!p0 $0x3  }
0x1e: {  	_ =	swait.ge @!p0 [sflag:s14], $0x1F40  }
0x1f: {  	s16 =	sadd.s32 $0x1, s12;
	s13 =	smov.u32 s11;
	[sflag:s14] =	ssyncset.done @!p0 $0x0  }
0x20: {  	s12 =	smov.u32 s16;
	s11 =	smov.u32 s15;
	[sflag:s14] =	ssyncadd.s32 @!p0 $0xFFFFE0C0  }
.LBB2_1:
0x21: {  	p0 =	sge.u32 s12, s7  }
0x22: {  	s14 =	sxor.u32 @!p0 $0x1, s12  }
0x23: {  	s14 =	smul.u32 @!p0 $0x7D00, s14  }
0x24: {  	s31 =	sadd.s32 $0xFFFFFFFF, s12;
	s15 =	sshrl.u32 @!p0 s11, $0x3  }
0x25: {  	s16 =	sand.u32 @!p0 $0x7, s11;
	s15 =	sadd.s32 @!p0 s3, s15;
	s14 =	sshra.s32 @!p0 s14, $0x2  }
0x26: {  	[tilespmem:s14], [sflag:$0x2] =	stream.linear.gather @!p0 [hbm4b:s15+s16], $0x1F40, $0x38;
	[tilespmem:$0x7D00] =	vst v63  }
0x27: {  	p0 =	sge.u32 s31, s7  }
.Ltmp2:
0x28: {  	_ = 	snop;
	(pc) =	sbr.rel @p0 .LBB2_5-.Ltmp2, $1  }
0x29: {  	_ =	sdelay $0x3  }
0x2a: {  	s14 =	sand.u32 $0x1, s12  }
0x2b: {  	_ =	swait.ge [sflag:s6], $0x1F40;
	p0 =	seq.s32 s14, $0x1;
	s14 =	simm.s32 $0x1F40  }
0x2c: {  	[sflag:s6] =	ssyncset.done $0x0;
	s14 =	simm.s32 @!p0 $0x0  }
0x2d: {  	[sflag:s6] =	ssyncadd.s32 $0xFFFFE0C0;
	(ifvalue) =	ssetifvalue $0x7FFFFFFF;
	v0 =	vld.msk [tilespmem:s14+$0x0 ss:$0x1], $0xffff;
	_ =	sdelay $0x4  }
0x2e: {  	s15 =	sadd.s32 $0x10, s14;
	vm1 =	vgt.s32 v0, $0x0  }
0x2f: {  	v2 =	vld.msk [tilespmem:s15+$0x0 ss:$0x1], $0xffff;
	v1 =	vnsel vm1, $0x0, v0  }
0x30: {  	v1 =	vmin.u32 v1, $0x4E1FF;
	_ =	sdelay $0x2  }
0x31: {  	s17 =	simm.s32 $0x20;
	s14 =	sadd.s32 $0x3E80, s14;
	s16 =	sadd.s32 $0x10, s15  }
0x32: {  	s15 =	sadd.s32 $0x10, s14;
	s18 =	smov.u32 s14;
	v0 =	vld.msk [tilespmem:s16+$0x0 ss:$0x1], $0xffff;
	vm1 =	vgt.s32 v2, $0x0;
	(ifvalue) =	ssetifvalue $0x7FFFFFFF  }
.LBB2_3:
0x33: {  	[tilespmem:s18], [sflag:$0x1] =	stream.indirect_vreg.gather [hbm4b:s2+s10], $0x1, v1, vm0, $0x4038;
	[tilespmem:$0x7D00] =	vst v63  }
0x34: {  	s17 =	sadd.s32 $0x10, s17  }
0x35: {  	v2 =	vnsel vm1, $0x0, v2;
	p0 =	slt.u32 s17, $0x1F30  }
.Ltmp3:
0x36: {  	s18 =	smov.u32 s15;
	v1 =	vmin.u32 v2, $0x4E1FF;
	(pc) =	sbr.rel @p0 .LBB2_3-.Ltmp3, $3  }
0x37: {  	_ =	sdelay $0x1  }
0x38: {  	s16 =	sadd.s32 $0x10, s16  }
0x39: {  	vm1 =	vgt.s32 v0, $0x0;
	s15 =	sadd.s32 $0x10, s15;
	v2 =	vmov v0;
	(ifvalue) =	ssetifvalue $0x7FFFFFFF;
	v0 =	vld.msk [tilespmem:s16+$0x0 ss:$0x1], $0xffff  }
.Ltmp4:
0x3a: {  	_ = 	snop;
	(pc) =	sbr.rel .LBB2_4-.Ltmp4, $1  }
0x3b: {  	_ =	sdelay $0x3  }
.LBB2_6:
0x3c: {  	_ =	sfence.sel $0x180000  }
0x3d: {  	s2 =	simm.s32 $0x2;
	[bflag:$0x0] =	sbarrier.arrive $0xFFFF  }
0x3e: {  	s30 =	simm.s32 $0x3;
	[sflag:s2] =	ssyncpa.u1 $0x1  }
0x3f: {  	s31 =	simm.s32 $0x1;
	[sflag:s30] =	ssyncpa.u1 $0x1  }
0x40: {  	[sflag:s31] =	ssyncpa.u1 $0x1  }
0x41: {  	p0 =	sne.s32 s1, $0x0;
	_ =	strace $0x90000047  }
0x42: {  	s0 =	sadd.s32 @!p0 $0x100000, s0;
	[bflag:$0x2] =	sbarrier.arrive $0xFFFF  }
0x43: {  	[sflag:s0] =	ssyncadd.tile.s32 @!p0 $0x1;
	_ =	shalt  }
.Lfunc_end2:
_tile_overlayer_lowered:
.L_overlay_start_2:
0x44: {  	(tag) =	ssettag $0x2  }
0x45: {  	s0 =	rddreg [dreg:$0x0];
	s2 =	stileid.u32  }
0x46: {  	s1 =	rddreg [dreg:$0x1];
	p0 =	sne.s32 s2, $0x0  }
0x47: {  	s3 =	rddreg [dreg:$0x2];
	[bflag:$0x3] =	sbarrier.arrive $0xFFFF;
	s2 =	simm.s32 @!p0 $0x1C01  }
0x48: {  	[timem:s3], [sflag:s2] =	dma.local @!p0 [hbm:s0], s1  }
0x49: {  	s0 =	simm.s32 @!p0 $0x1  }
0x4a: {  	_ =	swait.ge @!p0 [sflag:s0], s1  }
0x4b: {  	s1 =	ssub.s32 @!p0 $0x0, s1;
	[sflag:s0] =	ssyncset.done @!p0 $0x0  }
0x4c: {  	[sflag:s0] =	ssyncadd.s32 @!p0 s1  }
0x4d: {  	[bflag:$0x3] =	sbarrier.arrive $0xFFFF  }
0x4e: {  	_ =	shalt  }

// kernel: gather_offload_async_start.4
scs
__scs_entry_jumppad:
0x0: {  	(pc) =	sbr.rel $0x88, $3  }
0x1: {  	(tag) =	ssettag $0x0;
	lr =	simm.s32 $0x1  }
0x2: {  	[smem:$0x3F94] =	sst lr;
	_ =	strace $0xD0000000  }
0x3: {  	_ = 	snop  }
0x4: {  	_ = 	snop  }
0x5: {  	_ = 	snop  }
0x6: {  	_ = 	snop  }
0x7: {  	_ = 	snop  }
__scs_overlays_trampoline_lowered:
0x8: {  	[smem:$0x3FA3] =	sst s0  }
0x9: {  	[smem:$0x3FA4] =	sst s1  }
0xa: {  	[smem:$0x3FA5] =	sst s2  }
0xb: {  	[smem:$0x3FA6] =	sst s3  }
0xc: {  	[smem:$0x3FA7] =	sst s4  }
0xd: {  	[smem:$0x3FA8] =	sst s5  }
0xe: {  	[smem:$0x3FA9] =	sst s6  }
0xf: {  	[smem:$0x3FAA] =	sst s7  }
0x10: {  	[smem:$0x3FAB] =	sst s8  }
0x11: {  	[smem:$0x3FAC] =	sst s9;
	s0 =	simm.s32 @!p0 $0x0  }
0x12: {  	s1 =	sld [smem:$0x3F92];
	s0 =	simm.s32 @p0 $0x1  }
0x13: {  	[smem:$0x3FAD] =	sst s0;
	s0 =	simm.s32 @!p1 $0x0  }
0x14: {  	s2 =	sld [smem:$0x3F91];
	s0 =	simm.s32 @p1 $0x1  }
0x15: {  	[smem:$0x3FAE] =	sst s0;
	s0 =	simm.s32 @!p2 $0x0  }
0x16: {  	s3 =	sld [smem:$0x3FDB];
	s0 =	simm.s32 @p2 $0x1  }
0x17: {  	s4 =	simm.s32 $0x1BF5;
	[smem:$0x3FB0] =	sst s0  }
0x18: {  	s0 =	sld [smem:$0x3F93];
	_ =	swait.ge [sflag:s4], $0x0  }
0x19: {  	s7 =	sld [smem:$0x3F94]  }
0x1a: {  	s8 =	sadd.s32 $0xFFFFE003, lr  }
0x1b: {  	s9 =	sadd.s32 $0xFFFFFEF7, lr;
	s5 =	simm.s32 $0xFFFFFFFF;
	p2 =	slt.u32 s8, $0xFFFFF086  }
0x1c: {  	p1 =	slt.u32 s9, $0xF7A;
	s5 =	simm.s32 @!p2 $0x0  }
0x1d: {  	s5 =	simm.s32 @p1 $0x1;
	p0 =	seq.s32 s7, s2  }
0x1e: {  	s7 =	smul.u32 @!p0 $0xF7A, s2;
	p2 =	seq.s32 @!p0 s5, $0x0  }
0x1f: {  	s9 =	smul.u32 $0xF7A, s1;
	s8 =	simm.s32 @!p0 $0x1BF5;
	p2 =	por !p2, p0  }
0x20: {  	[sflag:s8] =	ssyncset.s32 @!p0 $0xFFFFF086;
	s6 =	sadd.s32 @!p0 s3, s7;
	s7 =	simm.s32 @!p0 $0x108  }
0x21: {  	s3 =	sadd.s32 s3, s9;
	s6 =	sadd.s32 @!p0 $0x88, s6;
	s7 =	simm.s32 @p2 $0x1082  }
0x22: {  	[simem:s7], [sflag:s8] =	dma.local @!p0 [hbm:s6], $0xF7A  }
0x23: {  	s9 =	sor.u32 $0xD0000000, s2;
	s6 =	simm.s32 $0x108;
	_ =	swait.ge @!p0 [sflag:s8], $0x0  }
0x24: {  	s3 =	sadd.s32 $0x88, s3;
	s6 =	simm.s32 @!p1 $0x1082;
	[sflag:s4] =	ssyncset.s32 $0xFFFFF086  }
0x25: {  	[simem:s6], [sflag:s4] =	dma.local [hbm:s3], $0xF7A  }
0x26: {  	[smem:$0x3F94] =	sst s1;
	(tag) =	ssettag s2;
	_ =	strace s9  }
0x27: {  	s1 =	sld [smem:$0x3FA4]  }
0x28: {  	s2 =	sld [smem:$0x3FA5]  }
0x29: {  	s4 =	sld [smem:$0x3FA7]  }
0x2a: {  	p0 =	seq.s32 s5, $0x0;
	s5 =	sld [smem:$0x3FA8]  }
0x2b: {  	s6 =	sld [smem:$0x3FA9]  }
0x2c: {  	s7 =	sld [smem:$0x3FAA]  }
0x2d: {  	s3 =	simm.s32 $0x108;
	s8 =	sld [smem:$0x3FAB]  }
0x2e: {  	s3 =	simm.s32 @!p0 $0x1082;
	s9 =	sld [smem:$0x3FAC]  }
0x2f: {  	lr =	sadd.s32 s0, s3;
	s0 =	sld [smem:$0x3FA3]  }
0x30: {  	s3 =	sld [smem:$0x3FA6]  }
0x31: {  	[smem:$0x3FAF] =	sst s10  }
0x32: {  	s10 =	sld [smem:$0x3FAD];
	_ =	sdelay $0x3  }
0x33: {  	p0 =	seq.s32 s10, $0x1;
	s10 =	sld [smem:$0x3FAF];
	_ =	sdelay $0x3  }
0x34: {  	[smem:$0x3FAF] =	sst s10  }
0x35: {  	s10 =	sld [smem:$0x3FAE];
	_ =	sdelay $0x3  }
0x36: {  	p1 =	seq.s32 s10, $0x1;
	s10 =	sld [smem:$0x3FAF];
	_ =	sdelay $0x3  }
0x37: {  	[smem:$0x3FAF] =	sst s10  }
0x38: {  	s10 =	sld [smem:$0x3FB0]  }
0x39: {  	_ = 	snop;
	(pc) =	sbr.ind lr, $3  }
0x3a: {  	_ = 	snop  }
0x3b: {  	_ = 	snop  }
0x3c: {  	p2 =	seq.s32 s10, $0x1;
	s10 =	sld [smem:$0x3FAF]  }
0x3d: {  	_ =	shalt  }
0x3e: {  	_ =	shalt  }
0x3f: {  	_ =	shalt  }
0x40: {  	_ =	shalt  }
0x41: {  	_ =	shalt  }
0x42: {  	_ =	shalt  }
0x43: {  	_ =	shalt  }
0x44: {  	_ =	shalt  }
0x45: {  	_ =	shalt  }
0x46: {  	_ =	shalt  }
0x47: {  	_ =	shalt  }
0x48: {  	_ =	shalt  }
0x49: {  	_ =	shalt  }
0x4a: {  	_ =	shalt  }
0x4b: {  	_ =	shalt  }
0x4c: {  	_ =	shalt  }
0x4d: {  	_ =	shalt  }
0x4e: {  	_ =	shalt  }
0x4f: {  	_ =	shalt  }
0x50: {  	_ =	shalt  }
0x51: {  	_ =	shalt  }
0x52: {  	_ =	shalt  }
0x53: {  	_ =	shalt  }
0x54: {  	_ =	shalt  }
0x55: {  	_ =	shalt  }
0x56: {  	_ =	shalt  }
0x57: {  	_ =	shalt  }
0x58: {  	_ =	shalt  }
0x59: {  	_ =	shalt  }
0x5a: {  	_ =	shalt  }
0x5b: {  	_ =	shalt  }
0x5c: {  	_ =	shalt  }
0x5d: {  	_ =	shalt  }
0x5e: {  	_ =	shalt  }
0x5f: {  	_ =	shalt  }
0x60: {  	_ =	shalt  }
0x61: {  	_ =	shalt  }
0x62: {  	_ =	shalt  }
0x63: {  	_ =	shalt  }
0x64: {  	_ =	shalt  }
0x65: {  	_ =	shalt  }
0x66: {  	_ =	shalt  }
0x67: {  	_ =	shalt  }
0x68: {  	_ =	shalt  }
0x69: {  	_ =	shalt  }
0x6a: {  	_ =	shalt  }
0x6b: {  	_ =	shalt  }
0x6c: {  	_ =	shalt  }
0x6d: {  	_ =	shalt  }
0x6e: {  	_ =	shalt  }
0x6f: {  	_ =	shalt  }
0x70: {  	_ =	shalt  }
0x71: {  	_ =	shalt  }
0x72: {  	_ =	shalt  }
0x73: {  	_ =	shalt  }
0x74: {  	_ =	shalt  }
0x75: {  	_ =	shalt  }
0x76: {  	_ =	shalt  }
0x77: {  	_ =	shalt  }
0x78: {  	_ =	shalt  }
0x79: {  	_ =	shalt  }
0x7a: {  	_ =	shalt  }
0x7b: {  	_ =	shalt  }
0x7c: {  	_ =	shalt  }
0x7d: {  	_ =	shalt  }
0x7e: {  	_ =	shalt  }
0x7f: {  	_ =	shalt  }
0x80: {  	_ =	shalt  }
0x81: {  	_ =	shalt  }
0x82: {  	_ =	shalt  }
0x83: {  	_ =	shalt  }
0x84: {  	_ =	shalt  }
0x85: {  	_ =	shalt  }
0x86: {  	_ =	shalt  }
0x87: {  	_ =	shalt  }
.Lfunc_end0:
.L_simem_size_0:
called_computation.4_lowered:
.L_overlay_start_0:
0x88: {  	s2 =	sld [smem:$0x3FD9]  }
0x89: {  	s3 =	sld [smem:$0x3FFE];
	_ =	sdelay $0x1  }
0x8a: {  	s1 =	srdreg.scid  }
0x8b: {  	s0 =	sand.u32 $0x1, s1  }
0x8c: {  	s17 =	sshll.u32 s0, $0xA;
	s2 =	sadd.s32 s3, s2  }
0x8d: {  	s2 =	sadd.s32 s2, s17  }
0x8e: {  	[smem:$0x3FBB] =	sst s2  }
0x8f: {  	_ = 	snop  }
0x90: {  	(tm) =	ssettm $0x1  }
0x91: {  	s18 =	sld [smem:$0x3FFB];
	_ =	sdelay $0x3  }
0x92: {  	_ =	strace s18  }
0x93: {  	s2 =	sld [smem:$0x3FFC];
	_ =	sdelay $0x3  }
0x94: {  	_ =	strace s2  }
0x95: {  	s2 =	sld [smem:$0x3FFD];
	_ =	sdelay $0x3  }
0x96: {  	_ =	strace s2  }
0x97: {  	_ =	strace $0x8FFFFFFF  }
0x98: {  	s19 =	sld [smem:$0x3FDB];
	_ =	sdelay $0x1  }
0x99: {  	s20 =	simm.s32 $_scs_section_size  }
0x9a: {  	s4 =	simm.s32 $_size__tile_overlayer_lowered;
	s5 =	simm.s32 $_tile_overlayer_lowered  }
0x9b: {  	s6 =	simm.s32 $0x1BFF;
	s21 =	sshll.u32 s5, $0x1;
	s3 =	sadd.s32 s20, s19  }
0x9c: {  	s22 =	simm.s32 $0x0;
	s4 =	sshll.u32 s4, $0x1;
	s5 =	sadd.s32 s21, s3  }
0x9d: {  	[timem:s22], [sflag:s6] =	dma.local [hbm:s5], s4  }
0x9e: {  	_ =	swait.ge [sflag:s6], s4  }
0x9f: {  	s4 =	ssub.s32 $0x0, s4;
	[sflag:s6] =	ssyncset.done $0x0  }
0xa0: {  	[sflag:s6] =	ssyncadd.s32 s4;
	_ =	sdelay $0x1  }
0xa1: {  	s23 =	simm.s32 $0x1B8B  }
0xa2: {  	_ =	swait.ge [sflag:s23], $0x1  }
0xa3: {  	[sflag:s23] =	ssyncset.done $0x0  }
0xa4: {  	[sflag:s23] =	ssyncadd.s32 $0xFFFFFFFF  }
0xa5: {  	s4 =	sld [smem:$0x0]  }
0xa6: {  	s5 =	sand.u32 $0xFFFFFFFE, s1  }
0xa7: {  	p0 =	sne.s32 s1, s5  }
0xa8: {  	s5 =	sshll.u32 @p0 s5, $0xE  }
0xa9: {  	s5 =	sadd.s32 @p0 $0x11B8D, s5;
	s6 =	sshll.u32 @p0 s4, $0x11  }
0xaa: {  	s5 =	sor.u32 @p0 s6, s5  }
0xab: {  	[sflag:s5] =	ssyncadd.remote.s32 @p0 $0x1;
	_ =	sdelay $0x1  }
0xac: {  	s5 =	simm.s32 @p0 $0x1B8D  }
0xad: {  	_ =	swait.eq @p0 [sflag:s5], $0x1  }
0xae: {  	[sflag:s5] =	ssyncadd.s32 @p0 $0xFFFFFFFF  }
0xaf: {  	s6 =	sshll.u32 @!p0 s1, $0xE  }
0xb0: {  	s6 =	sor.u32 @!p0 $0x4000, s6;
	s5 =	simm.s32 @!p0 $0x1B8D  }
0xb1: {  	s4 =	sshll.u32 @!p0 s4, $0x11;
	s6 =	sadd.s32 @!p0 $0x11B8D, s6;
	_ =	swait.eq @!p0 [sflag:s5], $0x1  }
0xb2: {  	s4 =	sor.u32 @!p0 s4, s6;
	[sflag:s5] =	ssyncadd.s32 @!p0 $0xFFFFFFFF  }
0xb3: {  	s25 =	simm.s32 $0x1B8E;
	s24 =	sld [smem:$0x3FFE];
	[sflag:s4] =	ssyncadd.remote.s32 @!p0 $0x1  }
0xb4: {  	s26 =	simm.s32 $execute0_lowered;
	[smem:$0x3FD2] =	sst s25  }
0xb5: {  	s5 =	sshll.u32 s26, $0x1;
	_ =	strace $0x8000004F;
	[dreg:$0x1] =	wrdreg $0xFFFFFFFF  }
0xb6: {  	s28 =	simm.s32 $_size_execute0_lowered;
	s3 =	sadd.s32 s3, s5;
	[dreg:$0x0] =	wrdreg $0x0  }
0xb7: {  	s5 =	sshll.u32 s28, $0x1;
	[dreg:$0x2] =	wrdreg s3  }
0xb8: {  	[dreg:$0x3] =	wrdreg s5  }
0xb9: {  	[dreg:$0x4] =	wrdreg $0xC0  }
0xba: {  	_ =	task [dreg:s22], $0x5FFFF  }
0xbb: {  	[dreg:$0x1] =	wrdreg $0xFFFFFFFF  }
0xbc: {  	[dreg:$0x0] =	wrdreg $0x60  }
0xbd: {  	[dreg:$0x2] =	wrdreg s24  }
0xbe: {  	[dreg:$0x3] =	wrdreg $0x9  }
0xbf: {  	_ =	task.clear_ibuf [dreg:s22], $0x4FFFF;
	_ =	strace $0x9000004F  }
0xc0: {  	s29 =	simm.s32 $0x9;
	_ =	strace $0x80000051  }
0xc1: {  	_ =	swait.ge [sflag:s29], $0x1  }
0xc2: {  	[sflag:s29] =	ssyncadd.s32 $0xFFFFFFFF  }
0xc3: {  	_ =	strace $0x90000051  }
0xc4: {  	_ =	sfence  }
0xc5: {  	s30 =	sld [smem:$0x0];
	_ =	sdelay $0x2  }
0xc6: {  	s31 =	sshll.u32 s1, $0xD;
	s1 =	sshrl.u32 s1, $0x2  }
0xc7: {  	s4 =	sand.u32 $0x4000, s31;
	s1 =	sadd.s32 s1, s30  }
0xc8: {  	s0 =	sor.u32 s4, s0;
	s1 =	sshll.u32 s1, $0x11  }
0xc9: {  	s0 =	sor.u32 s1, s0  }
0xca: {  	s0 =	sadd.s32 $0x8F2B, s0  }
0xcb: {  	[sflag:s0] =	ssyncadd.remote.s32 $0x1  }
0xcc: {  	_ =	sfence.sel $0xFFFF  }
0xcd: {  	[dreg:$0x0] =	wrdreg $0xFFFFFFFF;
	(pc) =	sbr.abs _section_cstart, $3  }
0xce: {  	[dreg:$0x1] =	wrdreg $0xFFFFFFFF  }
0xcf: {  	_ =	task.clear_ibuf [dreg:s22], $0x2FFFF;
	_ =	strace $0x9FFFFFFF  }
0xd0: {  	(tm) =	ssettm $0x7FFFFFFF  }
0xd1: {  	_ =	shalt  }
tec
execute0_lowered:
.L_overlay_start_1:
0x0: {  	(tag) =	ssettag $0x1  }
0x1: {  	s8 =	rddreg [dreg:$0x0]  }
0x2: {  	s0 =	rddreg [dreg:$0x1];
	_ =	strace $0x80000050;
	s1 =	stileid.u32  }
0x3: {  	s3 =	srdreg.scid;
	s4 =	simm.s32 $0x1;
	s7 =	simm.s32 $0x1  }
0x4: {  	s9 =	simm.s32 $0x1;
	s10 =	simm.s32 $0x3;
	s13 =	simm.s32 $0x0  }
0x5: {  	s12 =	simm.s32 $0x0;
	s5 =	sand.u32 $0x1, s3;
	s6 =	sshll.u32 s1, $0x1  }
0x6: {  	s2 =	sadd.s32 $0x7A200, s8;
	s3 =	sadd.s32 $0x8DE00, s8;
	s5 =	sor.u32 s6, s5  }
.Ltmp0:
0x7: {  	[sflag:s4] =	ssyncpa.u1 $0x0;
	p0 =	slt.u32 s5, $0x9;
	(pc) =	sbr.rel .LBB2_1-.Ltmp0, $4  }
0x8: {  	s6 =	simm.s32 $0x2;
	s7 =	simm.s32 @!p0 $0x0;
	p0 =	sne.s32 s5, $0x8  }
0x9: {  	[sflag:s6] =	ssyncpa.u1 $0x0;
	s5 =	smul.u32 $0x1F40, s5;
	s9 =	simm.s32 @!p0 $0x0  }
0xa: {  	s8 =	sadd.s32 $0x13C00, s8;
	[sflag:s10] =	ssyncpa.u1 $0x0;
	s7 =	sadd.s32 s9, s7  }
0xb: {  	vm0 =	vmmov $0xffff;
	s10 =	simm.s32 $0x0;
	s11 =	smov.u32 s5;
	s9 =	sadd.s32 $0x1, s7  }
.LBB2_4:
0xc: {  	v2 =	vnsel vm1, $0x0, v2  }
0xd: {  	vm1 =	vgt.s32 v0, $0x0;
	v2 =	vmin.u32 v2, $0x4E1FF  }
0xe: {  	v0 =	vnsel vm1, $0x0, v0  }
0xf: {  	v0 =	vmin.u32 v0, $0x4E1FF  }
0x10: {  	[tilespmem:s18], [sflag:$0x1] =	stream.indirect_vreg.gather [hbm4b:s2+s10], $0x1, v1, vm0, $0x4038;
	[tilespmem:$0x7D00] =	vst v63  }
0x11: {  	(ifvalue) =	ssetifvalue $0x7FFFFFFF  }
0x12: {  	[tilespmem:s15], [sflag:$0x1] =	stream.indirect_vreg.gather [hbm4b:s2+s10], $0x1, v2, vm0, $0x4038;
	[tilespmem:$0x7D00] =	vst v63  }
0x13: {  	s29 =	sadd.s32 $0x10, s15;
	(ifvalue) =	ssetifvalue $0x7FFFFFFF  }
0x14: {  	[tilespmem:s29], [sflag:$0x1] =	stream.indirect_vreg.gather [hbm4b:s2+s10], $0x1, v0, vm0, $0x4038;
	[tilespmem:$0x7D00] =	vst v63  }
0x15: {  	_ =	swait.ge [sflag:s4], $0x1F40  }
0x16: {  	s30 =	sshrl.u32 s13, $0x3;
	[sflag:s4] =	ssyncset.done $0x0  }
0x17: {  	s31 =	sand.u32 $0x7, s13;
	s15 =	sadd.s32 s8, s30;
	[sflag:s4] =	ssyncadd.s32 $0xFFFFE0C0  }
0x18: {  	[hbm4b:s15+s31] =	stream.linear.scatter [tilespmem:s14], [sflag:$0x3], $0x1F40, $0x38;
	[tilespmem:$0x7D00] =	vst v63  }
.LBB2_5:
0x19: {  	s15 =	sadd.s32 $0x3E800, s11  }
0x1a: {  	p1 =	sgt.s32 s15, $0x4E1FF  }
0x1b: {  	s15 =	smov.u32 @p1 s5;
	p1 =	sne.s32 s12, s9  }
.Ltmp1:
0x1c: {  	p0 =	slt.u32 s12, $0x2;
	(pc) =	sbr.rel @!p1 .LBB2_6-.Ltmp1, $4  }
0x1d: {  	s14 =	simm.s32 @!p0 $0x3  }
0x1e: {  	_ =	swait.ge @!p0 [sflag:s14], $0x1F40  }
0x1f: {  	s16 =	sadd.s32 $0x1, s12;
	s13 =	smov.u32 s11;
	[sflag:s14] =	ssyncset.done @!p0 $0x0  }
0x20: {  	s12 =	smov.u32 s16;
	s11 =	smov.u32 s15;
	[sflag:s14] =	ssyncadd.s32 @!p0 $0xFFFFE0C0  }
.LBB2_1:
0x21: {  	p0 =	sge.u32 s12, s7  }
0x22: {  	s14 =	sxor.u32 @!p0 $0x1, s12  }
0x23: {  	s14 =	smul.u32 @!p0 $0x7D00, s14  }
0x24: {  	s31 =	sadd.s32 $0xFFFFFFFF, s12;
	s15 =	sshrl.u32 @!p0 s11, $0x3  }
0x25: {  	s16 =	sand.u32 @!p0 $0x7, s11;
	s15 =	sadd.s32 @!p0 s3, s15;
	s14 =	sshra.s32 @!p0 s14, $0x2  }
0x26: {  	[tilespmem:s14], [sflag:$0x2] =	stream.linear.gather @!p0 [hbm4b:s15+s16], $0x1F40, $0x38;
	[tilespmem:$0x7D00] =	vst v63  }
0x27: {  	p0 =	sge.u32 s31, s7  }
.Ltmp2:
0x28: {  	_ = 	snop;
	(pc) =	sbr.rel @p0 .LBB2_5-.Ltmp2, $1  }
0x29: {  	_ =	sdelay $0x3  }
0x2a: {  	s14 =	sand.u32 $0x1, s12  }
0x2b: {  	_ =	swait.ge [sflag:s6], $0x1F40;
	p0 =	seq.s32 s14, $0x1;
	s14 =	simm.s32 $0x1F40  }
0x2c: {  	[sflag:s6] =	ssyncset.done $0x0;
	s14 =	simm.s32 @!p0 $0x0  }
0x2d: {  	[sflag:s6] =	ssyncadd.s32 $0xFFFFE0C0;
	(ifvalue) =	ssetifvalue $0x7FFFFFFF;
	v0 =	vld.msk [tilespmem:s14+$0x0 ss:$0x1], $0xffff;
	_ =	sdelay $0x4  }
0x2e: {  	s15 =	sadd.s32 $0x10, s14;
	vm1 =	vgt.s32 v0, $0x0  }
0x2f: {  	v2 =	vld.msk [tilespmem:s15+$0x0 ss:$0x1], $0xffff;
	v1 =	vnsel vm1, $0x0, v0  }
0x30: {  	v1 =	vmin.u32 v1, $0x4E1FF;
	_ =	sdelay $0x2  }
0x31: {  	s17 =	simm.s32 $0x20;
	s14 =	sadd.s32 $0x3E80, s14;
	s16 =	sadd.s32 $0x10, s15  }
0x32: {  	s15 =	sadd.s32 $0x10, s14;
	s18 =	smov.u32 s14;
	v0 =	vld.msk [tilespmem:s16+$0x0 ss:$0x1], $0xffff;
	vm1 =	vgt.s32 v2, $0x0;
	(ifvalue) =	ssetifvalue $0x7FFFFFFF  }
.LBB2_3:
0x33: {  	[tilespmem:s18], [sflag:$0x1] =	stream.indirect_vreg.gather [hbm4b:s2+s10], $0x1, v1, vm0, $0x4038;
	[tilespmem:$0x7D00] =	vst v63  }
0x34: {  	s17 =	sadd.s32 $0x10, s17  }
0x35: {  	v2 =	vnsel vm1, $0x0, v2;
	p0 =	slt.u32 s17, $0x1F30  }
.Ltmp3:
0x36: {  	s18 =	smov.u32 s15;
	v1 =	vmin.u32 v2, $0x4E1FF;
	(pc) =	sbr.rel @p0 .LBB2_3-.Ltmp3, $3  }
0x37: {  	_ =	sdelay $0x1  }
0x38: {  	s16 =	sadd.s32 $0x10, s16  }
0x39: {  	vm1 =	vgt.s32 v0, $0x0;
	s15 =	sadd.s32 $0x10, s15;
	v2 =	vmov v0;
	(ifvalue) =	ssetifvalue $0x7FFFFFFF;
	v0 =	vld.msk [tilespmem:s16+$0x0 ss:$0x1], $0xffff  }
.Ltmp4:
0x3a: {  	_ = 	snop;
	(pc) =	sbr.rel .LBB2_4-.Ltmp4, $1  }
0x3b: {  	_ =	sdelay $0x3  }
.LBB2_6:
0x3c: {  	_ =	sfence.sel $0x180000  }
0x3d: {  	s2 =	simm.s32 $0x2;
	[bflag:$0x0] =	sbarrier.arrive $0xFFFF  }
0x3e: {  	s30 =	simm.s32 $0x3;
	[sflag:s2] =	ssyncpa.u1 $0x1  }
0x3f: {  	s31 =	simm.s32 $0x1;
	[sflag:s30] =	ssyncpa.u1 $0x1  }
0x40: {  	[sflag:s31] =	ssyncpa.u1 $0x1  }
0x41: {  	p0 =	sne.s32 s1, $0x0;
	_ =	strace $0x90000050  }
0x42: {  	s0 =	sadd.s32 @!p0 $0x100000, s0;
	[bflag:$0x2] =	sbarrier.arrive $0xFFFF  }
0x43: {  	[sflag:s0] =	ssyncadd.tile.s32 @!p0 $0x1;
	_ =	shalt  }
.Lfunc_end2:
_tile_overlayer_lowered:
.L_overlay_start_2:
0x44: {  	(tag) =	ssettag $0x2  }
0x45: {  	s0 =	rddreg [dreg:$0x0];
	s2 =	stileid.u32  }
0x46: {  	s1 =	rddreg [dreg:$0x1];
	p0 =	sne.s32 s2, $0x0  }
0x47: {  	s3 =	rddreg [dreg:$0x2];
	[bflag:$0x3] =	sbarrier.arrive $0xFFFF;
	s2 =	simm.s32 @!p0 $0x1C01  }
0x48: {  	[timem:s3], [sflag:s2] =	dma.local @!p0 [hbm:s0], s1  }
0x49: {  	s0 =	simm.s32 @!p0 $0x1  }
0x4a: {  	_ =	swait.ge @!p0 [sflag:s0], s1  }
0x4b: {  	s1 =	ssub.s32 @!p0 $0x0, s1;
	[sflag:s0] =	ssyncset.done @!p0 $0x0  }
0x4c: {  	[sflag:s0] =	ssyncadd.s32 @!p0 s1  }
0x4d: {  	[bflag:$0x3] =	sbarrier.arrive $0xFFFF  }
0x4e: {  	_ =	shalt  }

// kernel: gather_offload_async_start.5
scs
__scs_entry_jumppad:
0x0: {  	(pc) =	sbr.rel $0x88, $3  }
0x1: {  	(tag) =	ssettag $0x0;
	lr =	simm.s32 $0x1  }
0x2: {  	[smem:$0x3F94] =	sst lr;
	_ =	strace $0xD0000000  }
0x3: {  	_ = 	snop  }
0x4: {  	_ = 	snop  }
0x5: {  	_ = 	snop  }
0x6: {  	_ = 	snop  }
0x7: {  	_ = 	snop  }
__scs_overlays_trampoline_lowered:
0x8: {  	[smem:$0x3FA3] =	sst s0  }
0x9: {  	[smem:$0x3FA4] =	sst s1  }
0xa: {  	[smem:$0x3FA5] =	sst s2  }
0xb: {  	[smem:$0x3FA6] =	sst s3  }
0xc: {  	[smem:$0x3FA7] =	sst s4  }
0xd: {  	[smem:$0x3FA8] =	sst s5  }
0xe: {  	[smem:$0x3FA9] =	sst s6  }
0xf: {  	[smem:$0x3FAA] =	sst s7  }
0x10: {  	[smem:$0x3FAB] =	sst s8  }
0x11: {  	[smem:$0x3FAC] =	sst s9;
	s0 =	simm.s32 @!p0 $0x0  }
0x12: {  	s1 =	sld [smem:$0x3F92];
	s0 =	simm.s32 @p0 $0x1  }
0x13: {  	[smem:$0x3FAD] =	sst s0;
	s0 =	simm.s32 @!p1 $0x0  }
0x14: {  	s2 =	sld [smem:$0x3F91];
	s0 =	simm.s32 @p1 $0x1  }
0x15: {  	[smem:$0x3FAE] =	sst s0;
	s0 =	simm.s32 @!p2 $0x0  }
0x16: {  	s3 =	sld [smem:$0x3FDB];
	s0 =	simm.s32 @p2 $0x1  }
0x17: {  	s4 =	simm.s32 $0x1BF5;
	[smem:$0x3FB0] =	sst s0  }
0x18: {  	s0 =	sld [smem:$0x3F93];
	_ =	swait.ge [sflag:s4], $0x0  }
0x19: {  	s7 =	sld [smem:$0x3F94]  }
0x1a: {  	s8 =	sadd.s32 $0xFFFFE003, lr  }
0x1b: {  	s9 =	sadd.s32 $0xFFFFFEF7, lr;
	s5 =	simm.s32 $0xFFFFFFFF;
	p2 =	slt.u32 s8, $0xFFFFF086  }
0x1c: {  	p1 =	slt.u32 s9, $0xF7A;
	s5 =	simm.s32 @!p2 $0x0  }
0x1d: {  	s5 =	simm.s32 @p1 $0x1;
	p0 =	seq.s32 s7, s2  }
0x1e: {  	s7 =	smul.u32 @!p0 $0xF7A, s2;
	p2 =	seq.s32 @!p0 s5, $0x0  }
0x1f: {  	s9 =	smul.u32 $0xF7A, s1;
	s8 =	simm.s32 @!p0 $0x1BF5;
	p2 =	por !p2, p0  }
0x20: {  	[sflag:s8] =	ssyncset.s32 @!p0 $0xFFFFF086;
	s6 =	sadd.s32 @!p0 s3, s7;
	s7 =	simm.s32 @!p0 $0x108  }
0x21: {  	s3 =	sadd.s32 s3, s9;
	s6 =	sadd.s32 @!p0 $0x88, s6;
	s7 =	simm.s32 @p2 $0x1082  }
0x22: {  	[simem:s7], [sflag:s8] =	dma.local @!p0 [hbm:s6], $0xF7A  }
0x23: {  	s9 =	sor.u32 $0xD0000000, s2;
	s6 =	simm.s32 $0x108;
	_ =	swait.ge @!p0 [sflag:s8], $0x0  }
0x24: {  	s3 =	sadd.s32 $0x88, s3;
	s6 =	simm.s32 @!p1 $0x1082;
	[sflag:s4] =	ssyncset.s32 $0xFFFFF086  }
0x25: {  	[simem:s6], [sflag:s4] =	dma.local [hbm:s3], $0xF7A  }
0x26: {  	[smem:$0x3F94] =	sst s1;
	(tag) =	ssettag s2;
	_ =	strace s9  }
0x27: {  	s1 =	sld [smem:$0x3FA4]  }
0x28: {  	s2 =	sld [smem:$0x3FA5]  }
0x29: {  	s4 =	sld [smem:$0x3FA7]  }
0x2a: {  	p0 =	seq.s32 s5, $0x0;
	s5 =	sld [smem:$0x3FA8]  }
0x2b: {  	s6 =	sld [smem:$0x3FA9]  }
0x2c: {  	s7 =	sld [smem:$0x3FAA]  }
0x2d: {  	s3 =	simm.s32 $0x108;
	s8 =	sld [smem:$0x3FAB]  }
0x2e: {  	s3 =	simm.s32 @!p0 $0x1082;
	s9 =	sld [smem:$0x3FAC]  }
0x2f: {  	lr =	sadd.s32 s0, s3;
	s0 =	sld [smem:$0x3FA3]  }
0x30: {  	s3 =	sld [smem:$0x3FA6]  }
0x31: {  	[smem:$0x3FAF] =	sst s10  }
0x32: {  	s10 =	sld [smem:$0x3FAD];
	_ =	sdelay $0x3  }
0x33: {  	p0 =	seq.s32 s10, $0x1;
	s10 =	sld [smem:$0x3FAF];
	_ =	sdelay $0x3  }
0x34: {  	[smem:$0x3FAF] =	sst s10  }
0x35: {  	s10 =	sld [smem:$0x3FAE];
	_ =	sdelay $0x3  }
0x36: {  	p1 =	seq.s32 s10, $0x1;
	s10 =	sld [smem:$0x3FAF];
	_ =	sdelay $0x3  }
0x37: {  	[smem:$0x3FAF] =	sst s10  }
0x38: {  	s10 =	sld [smem:$0x3FB0]  }
0x39: {  	_ = 	snop;
	(pc) =	sbr.ind lr, $3  }
0x3a: {  	_ = 	snop  }
0x3b: {  	_ = 	snop  }
0x3c: {  	p2 =	seq.s32 s10, $0x1;
	s10 =	sld [smem:$0x3FAF]  }
0x3d: {  	_ =	shalt  }
0x3e: {  	_ =	shalt  }
0x3f: {  	_ =	shalt  }
0x40: {  	_ =	shalt  }
0x41: {  	_ =	shalt  }
0x42: {  	_ =	shalt  }
0x43: {  	_ =	shalt  }
0x44: {  	_ =	shalt  }
0x45: {  	_ =	shalt  }
0x46: {  	_ =	shalt  }
0x47: {  	_ =	shalt  }
0x48: {  	_ =	shalt  }
0x49: {  	_ =	shalt  }
0x4a: {  	_ =	shalt  }
0x4b: {  	_ =	shalt  }
0x4c: {  	_ =	shalt  }
0x4d: {  	_ =	shalt  }
0x4e: {  	_ =	shalt  }
0x4f: {  	_ =	shalt  }
0x50: {  	_ =	shalt  }
0x51: {  	_ =	shalt  }
0x52: {  	_ =	shalt  }
0x53: {  	_ =	shalt  }
0x54: {  	_ =	shalt  }
0x55: {  	_ =	shalt  }
0x56: {  	_ =	shalt  }
0x57: {  	_ =	shalt  }
0x58: {  	_ =	shalt  }
0x59: {  	_ =	shalt  }
0x5a: {  	_ =	shalt  }
0x5b: {  	_ =	shalt  }
0x5c: {  	_ =	shalt  }
0x5d: {  	_ =	shalt  }
0x5e: {  	_ =	shalt  }
0x5f: {  	_ =	shalt  }
0x60: {  	_ =	shalt  }
0x61: {  	_ =	shalt  }
0x62: {  	_ =	shalt  }
0x63: {  	_ =	shalt  }
0x64: {  	_ =	shalt  }
0x65: {  	_ =	shalt  }
0x66: {  	_ =	shalt  }
0x67: {  	_ =	shalt  }
0x68: {  	_ =	shalt  }
0x69: {  	_ =	shalt  }
0x6a: {  	_ =	shalt  }
0x6b: {  	_ =	shalt  }
0x6c: {  	_ =	shalt  }
0x6d: {  	_ =	shalt  }
0x6e: {  	_ =	shalt  }
0x6f: {  	_ =	shalt  }
0x70: {  	_ =	shalt  }
0x71: {  	_ =	shalt  }
0x72: {  	_ =	shalt  }
0x73: {  	_ =	shalt  }
0x74: {  	_ =	shalt  }
0x75: {  	_ =	shalt  }
0x76: {  	_ =	shalt  }
0x77: {  	_ =	shalt  }
0x78: {  	_ =	shalt  }
0x79: {  	_ =	shalt  }
0x7a: {  	_ =	shalt  }
0x7b: {  	_ =	shalt  }
0x7c: {  	_ =	shalt  }
0x7d: {  	_ =	shalt  }
0x7e: {  	_ =	shalt  }
0x7f: {  	_ =	shalt  }
0x80: {  	_ =	shalt  }
0x81: {  	_ =	shalt  }
0x82: {  	_ =	shalt  }
0x83: {  	_ =	shalt  }
0x84: {  	_ =	shalt  }
0x85: {  	_ =	shalt  }
0x86: {  	_ =	shalt  }
0x87: {  	_ =	shalt  }
.Lfunc_end0:
.L_simem_size_0:
called_computation.5_lowered:
.L_overlay_start_0:
0x88: {  	s2 =	sld [smem:$0x3FD9]  }
0x89: {  	s3 =	sld [smem:$0x3FFE];
	_ =	sdelay $0x1  }
0x8a: {  	s1 =	srdreg.scid  }
0x8b: {  	s0 =	sand.u32 $0x1, s1  }
0x8c: {  	s16 =	sshll.u32 s0, $0xA;
	s2 =	sadd.s32 s3, s2  }
0x8d: {  	s2 =	sadd.s32 s2, s16  }
0x8e: {  	[smem:$0x3FBB] =	sst s2  }
0x8f: {  	_ = 	snop  }
0x90: {  	(tm) =	ssettm $0x1  }
0x91: {  	s17 =	sld [smem:$0x3FFB];
	_ =	sdelay $0x3  }
0x92: {  	_ =	strace s17  }
0x93: {  	s2 =	sld [smem:$0x3FFC];
	_ =	sdelay $0x3  }
0x94: {  	_ =	strace s2  }
0x95: {  	s2 =	sld [smem:$0x3FFD];
	_ =	sdelay $0x3  }
0x96: {  	_ =	strace s2  }
0x97: {  	_ =	strace $0x8FFFFFFF  }
0x98: {  	s18 =	sld [smem:$0x3FDB];
	_ =	sdelay $0x1  }
0x99: {  	s19 =	simm.s32 $_scs_section_size  }
0x9a: {  	s4 =	simm.s32 $_size__tile_overlayer_lowered;
	s5 =	simm.s32 $_tile_overlayer_lowered  }
0x9b: {  	s22 =	simm.s32 $0x1BFF;
	s21 =	sshll.u32 s5, $0x1;
	s2 =	sadd.s32 s19, s18  }
0x9c: {  	s6 =	simm.s32 $0x0;
	s20 =	sshll.u32 s4, $0x1;
	s4 =	sadd.s32 s21, s2  }
0x9d: {  	[timem:s6], [sflag:s22] =	dma.local [hbm:s4], s20  }
0x9e: {  	_ =	swait.ge [sflag:s22], s20  }
0x9f: {  	s3 =	ssub.s32 $0x0, s20;
	[sflag:s22] =	ssyncset.done $0x0  }
0xa0: {  	[sflag:s22] =	ssyncadd.s32 s3;
	_ =	sdelay $0x1  }
0xa1: {  	s23 =	simm.s32 $0x1B8B  }
0xa2: {  	_ =	swait.ge [sflag:s23], $0x1  }
0xa3: {  	[sflag:s23] =	ssyncset.done $0x0  }
0xa4: {  	s25 =	simm.s32 $0x1B8E;
	s24 =	sld [smem:$0x3FFE];
	[sflag:s23] =	ssyncadd.s32 $0xFFFFFFFF  }
0xa5: {  	s26 =	simm.s32 $execute0_lowered;
	[smem:$0x3FD2] =	sst s25  }
0xa6: {  	s4 =	sshll.u32 s26, $0x1;
	_ =	strace $0x80000049;
	[dreg:$0x1] =	wrdreg $0xFFFFFFFF  }
0xa7: {  	s28 =	simm.s32 $_size_execute0_lowered;
	s2 =	sadd.s32 s2, s4;
	[dreg:$0x0] =	wrdreg $0x0  }
0xa8: {  	s4 =	sshll.u32 s28, $0x1;
	[dreg:$0x2] =	wrdreg s2  }
0xa9: {  	[dreg:$0x3] =	wrdreg s4  }
0xaa: {  	[dreg:$0x4] =	wrdreg $0xC0  }
0xab: {  	_ =	task [dreg:s6], $0x5FFFF  }
0xac: {  	[dreg:$0x1] =	wrdreg $0xFFFFFFFF  }
0xad: {  	[dreg:$0x0] =	wrdreg $0x60  }
0xae: {  	[dreg:$0x2] =	wrdreg s24  }
0xaf: {  	[dreg:$0x3] =	wrdreg $0x9  }
0xb0: {  	_ =	task.clear_ibuf [dreg:s6], $0x4FFFF;
	_ =	strace $0x90000049  }
0xb1: {  	s29 =	simm.s32 $0x9;
	_ =	strace $0x8000004B  }
0xb2: {  	_ =	swait.ge [sflag:s29], $0x1  }
0xb3: {  	[sflag:s29] =	ssyncadd.s32 $0xFFFFFFFF  }
0xb4: {  	_ =	strace $0x9000004B  }
0xb5: {  	_ =	sfence  }
0xb6: {  	s30 =	sld [smem:$0x0];
	_ =	sdelay $0x2  }
0xb7: {  	s31 =	sshll.u32 s1, $0xD;
	s1 =	sshrl.u32 s1, $0x2  }
0xb8: {  	s3 =	sand.u32 $0x4000, s31;
	s1 =	sadd.s32 s1, s30  }
0xb9: {  	s0 =	sor.u32 s3, s0;
	s1 =	sshll.u32 s1, $0x11  }
0xba: {  	s0 =	sor.u32 s1, s0  }
0xbb: {  	s0 =	sadd.s32 $0x8F2B, s0  }
0xbc: {  	[sflag:s0] =	ssyncadd.remote.s32 $0x1  }
0xbd: {  	_ =	sfence.sel $0xFFFF  }
0xbe: {  	[dreg:$0x0] =	wrdreg $0xFFFFFFFF;
	(pc) =	sbr.abs _section_cstart, $3  }
0xbf: {  	[dreg:$0x1] =	wrdreg $0xFFFFFFFF  }
0xc0: {  	_ =	task.clear_ibuf [dreg:s6], $0x2FFFF;
	_ =	strace $0x9FFFFFFF  }
0xc1: {  	(tm) =	ssettm $0x7FFFFFFF  }
tec
execute0_lowered:
.L_overlay_start_1:
0x0: {  	(tag) =	ssettag $0x1  }
0x1: {  	s2 =	rddreg [dreg:$0x0]  }
0x2: {  	s0 =	rddreg [dreg:$0x1];
	s1 =	stileid.u32  }
0x3: {  	s3 =	srdreg.scid;
	_ =	strace $0x8000004A;
	s4 =	simm.s32 $0x1  }
0x4: {  	s7 =	simm.s32 $0x1;
	s8 =	simm.s32 $0x1;
	s9 =	simm.s32 $0x3  }
0x5: {  	s10 =	simm.s32 $0x0;
	s5 =	sand.u32 $0x1, s3;
	s6 =	sshll.u32 s1, $0x1  }
0x6: {  	s13 =	simm.s32 $0x0;
	s12 =	simm.s32 $0x0;
	s5 =	sor.u32 s6, s5  }
.Ltmp0:
0x7: {  	[sflag:s4] =	ssyncpa.u1 $0x0;
	p0 =	slt.u32 s5, $0x9;
	(pc) =	sbr.rel .LBB2_1-.Ltmp0, $4  }
0x8: {  	s6 =	simm.s32 $0x2;
	s7 =	simm.s32 @!p0 $0x0;
	p0 =	sne.s32 s5, $0x8  }
0x9: {  	[sflag:s6] =	ssyncpa.u1 $0x0;
	s5 =	smul.u32 $0x1F40, s5;
	s8 =	simm.s32 @!p0 $0x0  }
0xa: {  	s3 =	sadd.s32 $0x84000, s2;
	[sflag:s9] =	ssyncpa.u1 $0x0;
	s7 =	sadd.s32 s8, s7  }
0xb: {  	vm0 =	vmmov $0xffff;
	s8 =	sadd.s32 $0x9E00, s2;
	s11 =	smov.u32 s5;
	s9 =	sadd.s32 $0x1, s7  }
.LBB2_4:
0xc: {  	v2 =	vnsel vm1, $0x0, v2  }
0xd: {  	vm1 =	vgt.s32 v0, $0x0;
	v2 =	vmin.u32 v2, $0x4E1FF  }
0xe: {  	v0 =	vnsel vm1, $0x0, v0  }
0xf: {  	v0 =	vmin.u32 v0, $0x4E1FF  }
0x10: {  	[tilespmem:s18], [sflag:$0x1] =	stream.indirect_vreg.gather [hbm4b:s3+s10], $0x1, v1, vm0, $0x4038;
	[tilespmem:$0x7D00] =	vst v63  }
0x11: {  	(ifvalue) =	ssetifvalue $0x7FFFFFFF  }
0x12: {  	[tilespmem:s15], [sflag:$0x1] =	stream.indirect_vreg.gather [hbm4b:s3+s10], $0x1, v2, vm0, $0x4038;
	[tilespmem:$0x7D00] =	vst v63  }
0x13: {  	s29 =	sadd.s32 $0x10, s15;
	(ifvalue) =	ssetifvalue $0x7FFFFFFF  }
0x14: {  	[tilespmem:s29], [sflag:$0x1] =	stream.indirect_vreg.gather [hbm4b:s3+s10], $0x1, v0, vm0, $0x4038;
	[tilespmem:$0x7D00] =	vst v63  }
0x15: {  	_ =	swait.ge [sflag:s4], $0x1F40  }
0x16: {  	s30 =	sshrl.u32 s13, $0x3;
	[sflag:s4] =	ssyncset.done $0x0  }
0x17: {  	s31 =	sand.u32 $0x7, s13;
	s15 =	sadd.s32 s8, s30;
	[sflag:s4] =	ssyncadd.s32 $0xFFFFE0C0  }
0x18: {  	[hbm4b:s15+s31] =	stream.linear.scatter [tilespmem:s14], [sflag:$0x3], $0x1F40, $0x38;
	[tilespmem:$0x7D00] =	vst v63  }
.LBB2_5:
0x19: {  	s15 =	sadd.s32 $0x3E800, s11  }
0x1a: {  	p1 =	sgt.s32 s15, $0x4E1FF  }
0x1b: {  	s15 =	smov.u32 @p1 s5;
	p1 =	sne.s32 s12, s9  }
.Ltmp1:
0x1c: {  	p0 =	slt.u32 s12, $0x2;
	(pc) =	sbr.rel @!p1 .LBB2_6-.Ltmp1, $4  }
0x1d: {  	s14 =	simm.s32 @!p0 $0x3  }
0x1e: {  	_ =	swait.ge @!p0 [sflag:s14], $0x1F40  }
0x1f: {  	s16 =	sadd.s32 $0x1, s12;
	s13 =	smov.u32 s11;
	[sflag:s14] =	ssyncset.done @!p0 $0x0  }
0x20: {  	s12 =	smov.u32 s16;
	s11 =	smov.u32 s15;
	[sflag:s14] =	ssyncadd.s32 @!p0 $0xFFFFE0C0  }
.LBB2_1:
0x21: {  	p0 =	sge.u32 s12, s7  }
0x22: {  	s14 =	sxor.u32 @!p0 $0x1, s12  }
0x23: {  	s14 =	smul.u32 @!p0 $0x7D00, s14  }
0x24: {  	s31 =	sadd.s32 $0xFFFFFFFF, s12;
	s15 =	sshrl.u32 @!p0 s11, $0x3  }
0x25: {  	s16 =	sand.u32 @!p0 $0x7, s11;
	s15 =	sadd.s32 @!p0 s2, s15;
	s14 =	sshra.s32 @!p0 s14, $0x2  }
0x26: {  	[tilespmem:s14], [sflag:$0x2] =	stream.linear.gather @!p0 [hbm4b:s15+s16], $0x1F40, $0x38;
	[tilespmem:$0x7D00] =	vst v63  }
0x27: {  	p0 =	sge.u32 s31, s7  }
.Ltmp2:
0x28: {  	_ = 	snop;
	(pc) =	sbr.rel @p0 .LBB2_5-.Ltmp2, $1  }
0x29: {  	_ =	sdelay $0x3  }
0x2a: {  	s14 =	sand.u32 $0x1, s12  }
0x2b: {  	_ =	swait.ge [sflag:s6], $0x1F40;
	p0 =	seq.s32 s14, $0x1;
	s14 =	simm.s32 $0x1F40  }
0x2c: {  	[sflag:s6] =	ssyncset.done $0x0;
	s14 =	simm.s32 @!p0 $0x0  }
0x2d: {  	[sflag:s6] =	ssyncadd.s32 $0xFFFFE0C0;
	(ifvalue) =	ssetifvalue $0x7FFFFFFF;
	v0 =	vld.msk [tilespmem:s14+$0x0 ss:$0x1], $0xffff;
	_ =	sdelay $0x4  }
0x2e: {  	s15 =	sadd.s32 $0x10, s14;
	vm1 =	vgt.s32 v0, $0x0  }
0x2f: {  	v2 =	vld.msk [tilespmem:s15+$0x0 ss:$0x1], $0xffff;
	v1 =	vnsel vm1, $0x0, v0  }
0x30: {  	v1 =	vmin.u32 v1, $0x4E1FF;
	_ =	sdelay $0x2  }
0x31: {  	s17 =	simm.s32 $0x20;
	s14 =	sadd.s32 $0x3E80, s14;
	s16 =	sadd.s32 $0x10, s15  }
0x32: {  	s15 =	sadd.s32 $0x10, s14;
	s18 =	smov.u32 s14;
	v0 =	vld.msk [tilespmem:s16+$0x0 ss:$0x1], $0xffff;
	vm1 =	vgt.s32 v2, $0x0;
	(ifvalue) =	ssetifvalue $0x7FFFFFFF  }
.LBB2_3:
0x33: {  	[tilespmem:s18], [sflag:$0x1] =	stream.indirect_vreg.gather [hbm4b:s3+s10], $0x1, v1, vm0, $0x4038;
	[tilespmem:$0x7D00] =	vst v63  }
0x34: {  	s17 =	sadd.s32 $0x10, s17  }
0x35: {  	v2 =	vnsel vm1, $0x0, v2;
	p0 =	slt.u32 s17, $0x1F30  }
.Ltmp3:
0x36: {  	s18 =	smov.u32 s15;
	v1 =	vmin.u32 v2, $0x4E1FF;
	(pc) =	sbr.rel @p0 .LBB2_3-.Ltmp3, $3  }
0x37: {  	_ =	sdelay $0x1  }
0x38: {  	s16 =	sadd.s32 $0x10, s16  }
0x39: {  	vm1 =	vgt.s32 v0, $0x0;
	s15 =	sadd.s32 $0x10, s15;
	v2 =	vmov v0;
	(ifvalue) =	ssetifvalue $0x7FFFFFFF;
	v0 =	vld.msk [tilespmem:s16+$0x0 ss:$0x1], $0xffff  }
.Ltmp4:
0x3a: {  	_ = 	snop;
	(pc) =	sbr.rel .LBB2_4-.Ltmp4, $1  }
0x3b: {  	_ =	sdelay $0x3  }
.LBB2_6:
0x3c: {  	_ =	sfence.sel $0x180000  }
0x3d: {  	s2 =	simm.s32 $0x2;
	[bflag:$0x0] =	sbarrier.arrive $0xFFFF  }
0x3e: {  	s30 =	simm.s32 $0x3;
	[sflag:s2] =	ssyncpa.u1 $0x1  }
0x3f: {  	s31 =	simm.s32 $0x1;
	[sflag:s30] =	ssyncpa.u1 $0x1  }
0x40: {  	[sflag:s31] =	ssyncpa.u1 $0x1  }
0x41: {  	p0 =	sne.s32 s1, $0x0;
	_ =	strace $0x9000004A  }
0x42: {  	s0 =	sadd.s32 @!p0 $0x100000, s0;
	[bflag:$0x2] =	sbarrier.arrive $0xFFFF  }
0x43: {  	[sflag:s0] =	ssyncadd.tile.s32 @!p0 $0x1;
	_ =	shalt  }
.Lfunc_end2:
_tile_overlayer_lowered:
.L_overlay_start_2:
0x44: {  	(tag) =	ssettag $0x2  }
0x45: {  	s0 =	rddreg [dreg:$0x0];
	s2 =	stileid.u32  }
0x46: {  	s1 =	rddreg [dreg:$0x1];
	p0 =	sne.s32 s2, $0x0  }
0x47: {  	s3 =	rddreg [dreg:$0x2];
	[bflag:$0x3] =	sbarrier.arrive $0xFFFF;
	s2 =	simm.s32 @!p0 $0x1C01  }
0x48: {  	[timem:s3], [sflag:s2] =	dma.local @!p0 [hbm:s0], s1  }
0x49: {  	s0 =	simm.s32 @!p0 $0x1  }
0x4a: {  	_ =	swait.ge @!p0 [sflag:s0], s1  }
0x4b: {  	s1 =	ssub.s32 @!p0 $0x0, s1;
	[sflag:s0] =	ssyncset.done @!p0 $0x0  }
0x4c: {  	[sflag:s0] =	ssyncadd.s32 @!p0 s1  }
0x4d: {  	[bflag:$0x3] =	sbarrier.arrive $0xFFFF  }
0x4e: {  	_ =	shalt  }

// kernel: gather_offload_async_start.6
scs
__scs_entry_jumppad:
0x0: {  	(pc) =	sbr.rel $0x88, $3  }
0x1: {  	(tag) =	ssettag $0x0;
	lr =	simm.s32 $0x1  }
0x2: {  	[smem:$0x3F94] =	sst lr;
	_ =	strace $0xD0000000  }
0x3: {  	_ = 	snop  }
0x4: {  	_ = 	snop  }
0x5: {  	_ = 	snop  }
0x6: {  	_ = 	snop  }
0x7: {  	_ = 	snop  }
__scs_overlays_trampoline_lowered:
0x8: {  	[smem:$0x3FA3] =	sst s0  }
0x9: {  	[smem:$0x3FA4] =	sst s1  }
0xa: {  	[smem:$0x3FA5] =	sst s2  }
0xb: {  	[smem:$0x3FA6] =	sst s3  }
0xc: {  	[smem:$0x3FA7] =	sst s4  }
0xd: {  	[smem:$0x3FA8] =	sst s5  }
0xe: {  	[smem:$0x3FA9] =	sst s6  }
0xf: {  	[smem:$0x3FAA] =	sst s7  }
0x10: {  	[smem:$0x3FAB] =	sst s8  }
0x11: {  	[smem:$0x3FAC] =	sst s9;
	s0 =	simm.s32 @!p0 $0x0  }
0x12: {  	s1 =	sld [smem:$0x3F92];
	s0 =	simm.s32 @p0 $0x1  }
0x13: {  	[smem:$0x3FAD] =	sst s0;
	s0 =	simm.s32 @!p1 $0x0  }
0x14: {  	s2 =	sld [smem:$0x3F91];
	s0 =	simm.s32 @p1 $0x1  }
0x15: {  	[smem:$0x3FAE] =	sst s0;
	s0 =	simm.s32 @!p2 $0x0  }
0x16: {  	s3 =	sld [smem:$0x3FDB];
	s0 =	simm.s32 @p2 $0x1  }
0x17: {  	s4 =	simm.s32 $0x1BF5;
	[smem:$0x3FB0] =	sst s0  }
0x18: {  	s0 =	sld [smem:$0x3F93];
	_ =	swait.ge [sflag:s4], $0x0  }
0x19: {  	s7 =	sld [smem:$0x3F94]  }
0x1a: {  	s8 =	sadd.s32 $0xFFFFE003, lr  }
0x1b: {  	s9 =	sadd.s32 $0xFFFFFEF7, lr;
	s5 =	simm.s32 $0xFFFFFFFF;
	p2 =	slt.u32 s8, $0xFFFFF086  }
0x1c: {  	p1 =	slt.u32 s9, $0xF7A;
	s5 =	simm.s32 @!p2 $0x0  }
0x1d: {  	s5 =	simm.s32 @p1 $0x1;
	p0 =	seq.s32 s7, s2  }
0x1e: {  	s7 =	smul.u32 @!p0 $0xF7A, s2;
	p2 =	seq.s32 @!p0 s5, $0x0  }
0x1f: {  	s9 =	smul.u32 $0xF7A, s1;
	s8 =	simm.s32 @!p0 $0x1BF5;
	p2 =	por !p2, p0  }
0x20: {  	[sflag:s8] =	ssyncset.s32 @!p0 $0xFFFFF086;
	s6 =	sadd.s32 @!p0 s3, s7;
	s7 =	simm.s32 @!p0 $0x108  }
0x21: {  	s3 =	sadd.s32 s3, s9;
	s6 =	sadd.s32 @!p0 $0x88, s6;
	s7 =	simm.s32 @p2 $0x1082  }
0x22: {  	[simem:s7], [sflag:s8] =	dma.local @!p0 [hbm:s6], $0xF7A  }
0x23: {  	s9 =	sor.u32 $0xD0000000, s2;
	s6 =	simm.s32 $0x108;
	_ =	swait.ge @!p0 [sflag:s8], $0x0  }
0x24: {  	s3 =	sadd.s32 $0x88, s3;
	s6 =	simm.s32 @!p1 $0x1082;
	[sflag:s4] =	ssyncset.s32 $0xFFFFF086  }
0x25: {  	[simem:s6], [sflag:s4] =	dma.local [hbm:s3], $0xF7A  }
0x26: {  	[smem:$0x3F94] =	sst s1;
	(tag) =	ssettag s2;
	_ =	strace s9  }
0x27: {  	s1 =	sld [smem:$0x3FA4]  }
0x28: {  	s2 =	sld [smem:$0x3FA5]  }
0x29: {  	s4 =	sld [smem:$0x3FA7]  }
0x2a: {  	p0 =	seq.s32 s5, $0x0;
	s5 =	sld [smem:$0x3FA8]  }
0x2b: {  	s6 =	sld [smem:$0x3FA9]  }
0x2c: {  	s7 =	sld [smem:$0x3FAA]  }
0x2d: {  	s3 =	simm.s32 $0x108;
	s8 =	sld [smem:$0x3FAB]  }
0x2e: {  	s3 =	simm.s32 @!p0 $0x1082;
	s9 =	sld [smem:$0x3FAC]  }
0x2f: {  	lr =	sadd.s32 s0, s3;
	s0 =	sld [smem:$0x3FA3]  }
0x30: {  	s3 =	sld [smem:$0x3FA6]  }
0x31: {  	[smem:$0x3FAF] =	sst s10  }
0x32: {  	s10 =	sld [smem:$0x3FAD];
	_ =	sdelay $0x3  }
0x33: {  	p0 =	seq.s32 s10, $0x1;
	s10 =	sld [smem:$0x3FAF];
	_ =	sdelay $0x3  }
0x34: {  	[smem:$0x3FAF] =	sst s10  }
0x35: {  	s10 =	sld [smem:$0x3FAE];
	_ =	sdelay $0x3  }
0x36: {  	p1 =	seq.s32 s10, $0x1;
	s10 =	sld [smem:$0x3FAF];
	_ =	sdelay $0x3  }
0x37: {  	[smem:$0x3FAF] =	sst s10  }
0x38: {  	s10 =	sld [smem:$0x3FB0]  }
0x39: {  	_ = 	snop;
	(pc) =	sbr.ind lr, $3  }
0x3a: {  	_ = 	snop  }
0x3b: {  	_ = 	snop  }
0x3c: {  	p2 =	seq.s32 s10, $0x1;
	s10 =	sld [smem:$0x3FAF]  }
0x3d: {  	_ =	shalt  }
0x3e: {  	_ =	shalt  }
0x3f: {  	_ =	shalt  }
0x40: {  	_ =	shalt  }
0x41: {  	_ =	shalt  }
0x42: {  	_ =	shalt  }
0x43: {  	_ =	shalt  }
0x44: {  	_ =	shalt  }
0x45: {  	_ =	shalt  }
0x46: {  	_ =	shalt  }
0x47: {  	_ =	shalt  }
0x48: {  	_ =	shalt  }
0x49: {  	_ =	shalt  }
0x4a: {  	_ =	shalt  }
0x4b: {  	_ =	shalt  }
0x4c: {  	_ =	shalt  }
0x4d: {  	_ =	shalt  }
0x4e: {  	_ =	shalt  }
0x4f: {  	_ =	shalt  }
0x50: {  	_ =	shalt  }
0x51: {  	_ =	shalt  }
0x52: {  	_ =	shalt  }
0x53: {  	_ =	shalt  }
0x54: {  	_ =	shalt  }
0x55: {  	_ =	shalt  }
0x56: {  	_ =	shalt  }
0x57: {  	_ =	shalt  }
0x58: {  	_ =	shalt  }
0x59: {  	_ =	shalt  }
0x5a: {  	_ =	shalt  }
0x5b: {  	_ =	shalt  }
0x5c: {  	_ =	shalt  }
0x5d: {  	_ =	shalt  }
0x5e: {  	_ =	shalt  }
0x5f: {  	_ =	shalt  }
0x60: {  	_ =	shalt  }
0x61: {  	_ =	shalt  }
0x62: {  	_ =	shalt  }
0x63: {  	_ =	shalt  }
0x64: {  	_ =	shalt  }
0x65: {  	_ =	shalt  }
0x66: {  	_ =	shalt  }
0x67: {  	_ =	shalt  }
0x68: {  	_ =	shalt  }
0x69: {  	_ =	shalt  }
0x6a: {  	_ =	shalt  }
0x6b: {  	_ =	shalt  }
0x6c: {  	_ =	shalt  }
0x6d: {  	_ =	shalt  }
0x6e: {  	_ =	shalt  }
0x6f: {  	_ =	shalt  }
0x70: {  	_ =	shalt  }
0x71: {  	_ =	shalt  }
0x72: {  	_ =	shalt  }
0x73: {  	_ =	shalt  }
0x74: {  	_ =	shalt  }
0x75: {  	_ =	shalt  }
0x76: {  	_ =	shalt  }
0x77: {  	_ =	shalt  }
0x78: {  	_ =	shalt  }
0x79: {  	_ =	shalt  }
0x7a: {  	_ =	shalt  }
0x7b: {  	_ =	shalt  }
0x7c: {  	_ =	shalt  }
0x7d: {  	_ =	shalt  }
0x7e: {  	_ =	shalt  }
0x7f: {  	_ =	shalt  }
0x80: {  	_ =	shalt  }
0x81: {  	_ =	shalt  }
0x82: {  	_ =	shalt  }
0x83: {  	_ =	shalt  }
0x84: {  	_ =	shalt  }
0x85: {  	_ =	shalt  }
0x86: {  	_ =	shalt  }
0x87: {  	_ =	shalt  }
.Lfunc_end0:
.L_simem_size_0:
called_computation.6_lowered:
.L_overlay_start_0:
0x88: {  	s2 =	sld [smem:$0x3FD9]  }
0x89: {  	s3 =	sld [smem:$0x3FFE];
	_ =	sdelay $0x1  }
0x8a: {  	s1 =	srdreg.scid  }
0x8b: {  	s0 =	sand.u32 $0x1, s1  }
0x8c: {  	s16 =	sshll.u32 s0, $0xA;
	s2 =	sadd.s32 s3, s2  }
0x8d: {  	s2 =	sadd.s32 s2, s16  }
0x8e: {  	[smem:$0x3FBB] =	sst s2  }
0x8f: {  	_ = 	snop  }
0x90: {  	(tm) =	ssettm $0x1  }
0x91: {  	s17 =	sld [smem:$0x3FFB];
	_ =	sdelay $0x3  }
0x92: {  	_ =	strace s17  }
0x93: {  	s2 =	sld [smem:$0x3FFC];
	_ =	sdelay $0x3  }
0x94: {  	_ =	strace s2  }
0x95: {  	s2 =	sld [smem:$0x3FFD];
	_ =	sdelay $0x3  }
0x96: {  	_ =	strace s2  }
0x97: {  	_ =	strace $0x8FFFFFFF  }
0x98: {  	s18 =	sld [smem:$0x3FDB];
	_ =	sdelay $0x1  }
0x99: {  	s19 =	simm.s32 $_scs_section_size  }
0x9a: {  	s4 =	simm.s32 $_size__tile_overlayer_lowered;
	s5 =	simm.s32 $_tile_overlayer_lowered  }
0x9b: {  	s22 =	simm.s32 $0x1BFF;
	s21 =	sshll.u32 s5, $0x1;
	s2 =	sadd.s32 s19, s18  }
0x9c: {  	s6 =	simm.s32 $0x0;
	s20 =	sshll.u32 s4, $0x1;
	s4 =	sadd.s32 s21, s2  }
0x9d: {  	[timem:s6], [sflag:s22] =	dma.local [hbm:s4], s20  }
0x9e: {  	_ =	swait.ge [sflag:s22], s20  }
0x9f: {  	s3 =	ssub.s32 $0x0, s20;
	[sflag:s22] =	ssyncset.done $0x0  }
0xa0: {  	[sflag:s22] =	ssyncadd.s32 s3;
	_ =	sdelay $0x1  }
0xa1: {  	s23 =	simm.s32 $0x1B8B  }
0xa2: {  	_ =	swait.ge [sflag:s23], $0x1  }
0xa3: {  	[sflag:s23] =	ssyncset.done $0x0  }
0xa4: {  	s25 =	simm.s32 $0x1B8E;
	s24 =	sld [smem:$0x3FFE];
	[sflag:s23] =	ssyncadd.s32 $0xFFFFFFFF  }
0xa5: {  	s26 =	simm.s32 $execute0_lowered;
	[smem:$0x3FD2] =	sst s25  }
0xa6: {  	s4 =	sshll.u32 s26, $0x1;
	_ =	strace $0x8000004C;
	[dreg:$0x1] =	wrdreg $0xFFFFFFFF  }
0xa7: {  	s28 =	simm.s32 $_size_execute0_lowered;
	s2 =	sadd.s32 s2, s4;
	[dreg:$0x0] =	wrdreg $0x0  }
0xa8: {  	s4 =	sshll.u32 s28, $0x1;
	[dreg:$0x2] =	wrdreg s2  }
0xa9: {  	[dreg:$0x3] =	wrdreg s4  }
0xaa: {  	[dreg:$0x4] =	wrdreg $0xC0  }
0xab: {  	_ =	task [dreg:s6], $0x5FFFF  }
0xac: {  	[dreg:$0x1] =	wrdreg $0xFFFFFFFF  }
0xad: {  	[dreg:$0x0] =	wrdreg $0x60  }
0xae: {  	[dreg:$0x2] =	wrdreg s24  }
0xaf: {  	[dreg:$0x3] =	wrdreg $0xA  }
0xb0: {  	_ =	task.clear_ibuf [dreg:s6], $0x4FFFF;
	_ =	strace $0x9000004C  }
0xb1: {  	s29 =	simm.s32 $0xA;
	_ =	strace $0x8000004E  }
0xb2: {  	_ =	swait.ge [sflag:s29], $0x1  }
0xb3: {  	[sflag:s29] =	ssyncadd.s32 $0xFFFFFFFF  }
0xb4: {  	_ =	strace $0x9000004E  }
0xb5: {  	_ =	sfence  }
0xb6: {  	s30 =	sld [smem:$0x0];
	_ =	sdelay $0x2  }
0xb7: {  	s31 =	sshll.u32 s1, $0xD;
	s1 =	sshrl.u32 s1, $0x2  }
0xb8: {  	s3 =	sand.u32 $0x4000, s31;
	s1 =	sadd.s32 s1, s30  }
0xb9: {  	s0 =	sor.u32 s3, s0;
	s1 =	sshll.u32 s1, $0x11  }
0xba: {  	s0 =	sor.u32 s1, s0  }
0xbb: {  	s0 =	sadd.s32 $0x8F2B, s0  }
0xbc: {  	[sflag:s0] =	ssyncadd.remote.s32 $0x1  }
0xbd: {  	_ =	sfence.sel $0xFFFF  }
0xbe: {  	[dreg:$0x0] =	wrdreg $0xFFFFFFFF;
	(pc) =	sbr.abs _section_cstart, $3  }
0xbf: {  	[dreg:$0x1] =	wrdreg $0xFFFFFFFF  }
0xc0: {  	_ =	task.clear_ibuf [dreg:s6], $0x2FFFF;
	_ =	strace $0x9FFFFFFF  }
0xc1: {  	(tm) =	ssettm $0x7FFFFFFF  }
tec
execute0_lowered:
.L_overlay_start_1:
0x0: {  	(tag) =	ssettag $0x1  }
0x1: {  	s2 =	rddreg [dreg:$0x0]  }
0x2: {  	s0 =	rddreg [dreg:$0x1];
	s1 =	stileid.u32  }
0x3: {  	s3 =	srdreg.scid;
	_ =	strace $0x8000004D;
	s4 =	simm.s32 $0x1  }
0x4: {  	s7 =	simm.s32 $0x1;
	s8 =	simm.s32 $0x1;
	s9 =	simm.s32 $0x3  }
0x5: {  	s10 =	simm.s32 $0x0;
	s5 =	sand.u32 $0x1, s3;
	s6 =	sshll.u32 s1, $0x1  }
0x6: {  	s13 =	simm.s32 $0x0;
	s12 =	simm.s32 $0x0;
	s5 =	sor.u32 s6, s5  }
.Ltmp0:
0x7: {  	[sflag:s4] =	ssyncpa.u1 $0x0;
	p0 =	slt.u32 s5, $0x9;
	(pc) =	sbr.rel .LBB2_1-.Ltmp0, $4  }
0x8: {  	s6 =	simm.s32 $0x2;
	s7 =	simm.s32 @!p0 $0x0;
	p0 =	sne.s32 s5, $0x8  }
0x9: {  	[sflag:s6] =	ssyncpa.u1 $0x0;
	s5 =	smul.u32 $0x1F40, s5;
	s8 =	simm.s32 @!p0 $0x0  }
0xa: {  	s3 =	sadd.s32 $0x97C00, s2;
	[sflag:s9] =	ssyncpa.u1 $0x0;
	s7 =	sadd.s32 s8, s7  }
0xb: {  	vm0 =	vmmov $0xffff;
	s8 =	sadd.s32 $0x84000, s2;
	s11 =	smov.u32 s5;
	s9 =	sadd.s32 $0x1, s7  }
.LBB2_4:
0xc: {  	v2 =	vnsel vm1, $0x0, v2  }
0xd: {  	vm1 =	vgt.s32 v0, $0x0;
	v2 =	vmin.u32 v2, $0x4E1FF  }
0xe: {  	v0 =	vnsel vm1, $0x0, v0  }
0xf: {  	v0 =	vmin.u32 v0, $0x4E1FF  }
0x10: {  	[tilespmem:s18], [sflag:$0x1] =	stream.indirect_vreg.gather [hbm4b:s3+s10], $0x1, v1, vm0, $0x4038;
	[tilespmem:$0x7D00] =	vst v63  }
0x11: {  	(ifvalue) =	ssetifvalue $0x7FFFFFFF  }
0x12: {  	[tilespmem:s15], [sflag:$0x1] =	stream.indirect_vreg.gather [hbm4b:s3+s10], $0x1, v2, vm0, $0x4038;
	[tilespmem:$0x7D00] =	vst v63  }
0x13: {  	s29 =	sadd.s32 $0x10, s15;
	(ifvalue) =	ssetifvalue $0x7FFFFFFF  }
0x14: {  	[tilespmem:s29], [sflag:$0x1] =	stream.indirect_vreg.gather [hbm4b:s3+s10], $0x1, v0, vm0, $0x4038;
	[tilespmem:$0x7D00] =	vst v63  }
0x15: {  	_ =	swait.ge [sflag:s4], $0x1F40  }
0x16: {  	s30 =	sshrl.u32 s13, $0x3;
	[sflag:s4] =	ssyncset.done $0x0  }
0x17: {  	s31 =	sand.u32 $0x7, s13;
	s15 =	sadd.s32 s8, s30;
	[sflag:s4] =	ssyncadd.s32 $0xFFFFE0C0  }
0x18: {  	[hbm4b:s15+s31] =	stream.linear.scatter [tilespmem:s14], [sflag:$0x3], $0x1F40, $0x38;
	[tilespmem:$0x7D00] =	vst v63  }
.LBB2_5:
0x19: {  	s15 =	sadd.s32 $0x3E800, s11  }
0x1a: {  	p1 =	sgt.s32 s15, $0x4E1FF  }
0x1b: {  	s15 =	smov.u32 @p1 s5;
	p1 =	sne.s32 s12, s9  }
.Ltmp1:
0x1c: {  	p0 =	slt.u32 s12, $0x2;
	(pc) =	sbr.rel @!p1 .LBB2_6-.Ltmp1, $4  }
0x1d: {  	s14 =	simm.s32 @!p0 $0x3  }
0x1e: {  	_ =	swait.ge @!p0 [sflag:s14], $0x1F40  }
0x1f: {  	s16 =	sadd.s32 $0x1, s12;
	s13 =	smov.u32 s11;
	[sflag:s14] =	ssyncset.done @!p0 $0x0  }
0x20: {  	s12 =	smov.u32 s16;
	s11 =	smov.u32 s15;
	[sflag:s14] =	ssyncadd.s32 @!p0 $0xFFFFE0C0  }
.LBB2_1:
0x21: {  	p0 =	sge.u32 s12, s7  }
0x22: {  	s14 =	sxor.u32 @!p0 $0x1, s12  }
0x23: {  	s14 =	smul.u32 @!p0 $0x7D00, s14  }
0x24: {  	s31 =	sadd.s32 $0xFFFFFFFF, s12;
	s15 =	sshrl.u32 @!p0 s11, $0x3  }
0x25: {  	s16 =	sand.u32 @!p0 $0x7, s11;
	s15 =	sadd.s32 @!p0 s2, s15;
	s14 =	sshra.s32 @!p0 s14, $0x2  }
0x26: {  	[tilespmem:s14], [sflag:$0x2] =	stream.linear.gather @!p0 [hbm4b:s15+s16], $0x1F40, $0x38;
	[tilespmem:$0x7D00] =	vst v63  }
0x27: {  	p0 =	sge.u32 s31, s7  }
.Ltmp2:
0x28: {  	_ = 	snop;
	(pc) =	sbr.rel @p0 .LBB2_5-.Ltmp2, $1  }
0x29: {  	_ =	sdelay $0x3  }
0x2a: {  	s14 =	sand.u32 $0x1, s12  }
0x2b: {  	_ =	swait.ge [sflag:s6], $0x1F40;
	p0 =	seq.s32 s14, $0x1;
	s14 =	simm.s32 $0x1F40  }
0x2c: {  	[sflag:s6] =	ssyncset.done $0x0;
	s14 =	simm.s32 @!p0 $0x0  }
0x2d: {  	[sflag:s6] =	ssyncadd.s32 $0xFFFFE0C0;
	(ifvalue) =	ssetifvalue $0x7FFFFFFF;
	v0 =	vld.msk [tilespmem:s14+$0x0 ss:$0x1], $0xffff;
	_ =	sdelay $0x4  }
0x2e: {  	s15 =	sadd.s32 $0x10, s14;
	vm1 =	vgt.s32 v0, $0x0  }
0x2f: {  	v2 =	vld.msk [tilespmem:s15+$0x0 ss:$0x1], $0xffff;
	v1 =	vnsel vm1, $0x0, v0  }
0x30: {  	v1 =	vmin.u32 v1, $0x4E1FF;
	_ =	sdelay $0x2  }
0x31: {  	s17 =	simm.s32 $0x20;
	s14 =	sadd.s32 $0x3E80, s14;
	s16 =	sadd.s32 $0x10, s15  }
0x32: {  	s15 =	sadd.s32 $0x10, s14;
	s18 =	smov.u32 s14;
	v0 =	vld.msk [tilespmem:s16+$0x0 ss:$0x1], $0xffff;
	vm1 =	vgt.s32 v2, $0x0;
	(ifvalue) =	ssetifvalue $0x7FFFFFFF  }
.LBB2_3:
0x33: {  	[tilespmem:s18], [sflag:$0x1] =	stream.indirect_vreg.gather [hbm4b:s3+s10], $0x1, v1, vm0, $0x4038;
	[tilespmem:$0x7D00] =	vst v63  }
0x34: {  	s17 =	sadd.s32 $0x10, s17  }
0x35: {  	v2 =	vnsel vm1, $0x0, v2;
	p0 =	slt.u32 s17, $0x1F30  }
.Ltmp3:
0x36: {  	s18 =	smov.u32 s15;
	v1 =	vmin.u32 v2, $0x4E1FF;
	(pc) =	sbr.rel @p0 .LBB2_3-.Ltmp3, $3  }
0x37: {  	_ =	sdelay $0x1  }
0x38: {  	s16 =	sadd.s32 $0x10, s16  }
0x39: {  	vm1 =	vgt.s32 v0, $0x0;
	s15 =	sadd.s32 $0x10, s15;
	v2 =	vmov v0;
	(ifvalue) =	ssetifvalue $0x7FFFFFFF;
	v0 =	vld.msk [tilespmem:s16+$0x0 ss:$0x1], $0xffff  }
.Ltmp4:
0x3a: {  	_ = 	snop;
	(pc) =	sbr.rel .LBB2_4-.Ltmp4, $1  }
0x3b: {  	_ =	sdelay $0x3  }
.LBB2_6:
0x3c: {  	_ =	sfence.sel $0x180000  }
0x3d: {  	s2 =	simm.s32 $0x2;
	[bflag:$0x0] =	sbarrier.arrive $0xFFFF  }
0x3e: {  	s30 =	simm.s32 $0x3;
	[sflag:s2] =	ssyncpa.u1 $0x1  }
0x3f: {  	s31 =	simm.s32 $0x1;
	[sflag:s30] =	ssyncpa.u1 $0x1  }
0x40: {  	[sflag:s31] =	ssyncpa.u1 $0x1  }
0x41: {  	p0 =	sne.s32 s1, $0x0;
	_ =	strace $0x9000004D  }
0x42: {  	s0 =	sadd.s32 @!p0 $0x100000, s0;
	[bflag:$0x2] =	sbarrier.arrive $0xFFFF  }
0x43: {  	[sflag:s0] =	ssyncadd.tile.s32 @!p0 $0x1;
	_ =	shalt  }
.Lfunc_end2:
_tile_overlayer_lowered:
.L_overlay_start_2:
0x44: {  	(tag) =	ssettag $0x2  }
0x45: {  	s0 =	rddreg [dreg:$0x0];
	s2 =	stileid.u32  }
0x46: {  	s1 =	rddreg [dreg:$0x1];
	p0 =	sne.s32 s2, $0x0  }
0x47: {  	s3 =	rddreg [dreg:$0x2];
	[bflag:$0x3] =	sbarrier.arrive $0xFFFF;
	s2 =	simm.s32 @!p0 $0x1C01  }
0x48: {  	[timem:s3], [sflag:s2] =	dma.local @!p0 [hbm:s0], s1  }
0x49: {  	s0 =	simm.s32 @!p0 $0x1  }
0x4a: {  	_ =	swait.ge @!p0 [sflag:s0], s1  }
0x4b: {  	s1 =	ssub.s32 @!p0 $0x0, s1;
	[sflag:s0] =	ssyncset.done @!p0 $0x0  }
0x4c: {  	[sflag:s0] =	ssyncadd.s32 @!p0 s1  }
0x4d: {  	[bflag:$0x3] =	sbarrier.arrive $0xFFFF  }
0x4e: {  	_ =	shalt  }

// kernel: gather_offload_async_start.7
scs
__scs_entry_jumppad:
0x0: {  	(pc) =	sbr.rel $0x88, $3  }
0x1: {  	(tag) =	ssettag $0x0;
	lr =	simm.s32 $0x1  }
0x2: {  	[smem:$0x3F94] =	sst lr;
	_ =	strace $0xD0000000  }
0x3: {  	_ = 	snop  }
0x4: {  	_ = 	snop  }
0x5: {  	_ = 	snop  }
0x6: {  	_ = 	snop  }
0x7: {  	_ = 	snop  }
__scs_overlays_trampoline_lowered:
0x8: {  	[smem:$0x3FA3] =	sst s0  }
0x9: {  	[smem:$0x3FA4] =	sst s1  }
0xa: {  	[smem:$0x3FA5] =	sst s2  }
0xb: {  	[smem:$0x3FA6] =	sst s3  }
0xc: {  	[smem:$0x3FA7] =	sst s4  }
0xd: {  	[smem:$0x3FA8] =	sst s5  }
0xe: {  	[smem:$0x3FA9] =	sst s6  }
0xf: {  	[smem:$0x3FAA] =	sst s7  }
0x10: {  	[smem:$0x3FAB] =	sst s8  }
0x11: {  	[smem:$0x3FAC] =	sst s9;
	s0 =	simm.s32 @!p0 $0x0  }
0x12: {  	s1 =	sld [smem:$0x3F92];
	s0 =	simm.s32 @p0 $0x1  }
0x13: {  	[smem:$0x3FAD] =	sst s0;
	s0 =	simm.s32 @!p1 $0x0  }
0x14: {  	s2 =	sld [smem:$0x3F91];
	s0 =	simm.s32 @p1 $0x1  }
0x15: {  	[smem:$0x3FAE] =	sst s0;
	s0 =	simm.s32 @!p2 $0x0  }
0x16: {  	s3 =	sld [smem:$0x3FDB];
	s0 =	simm.s32 @p2 $0x1  }
0x17: {  	s4 =	simm.s32 $0x1BF5;
	[smem:$0x3FB0] =	sst s0  }
0x18: {  	s0 =	sld [smem:$0x3F93];
	_ =	swait.ge [sflag:s4], $0x0  }
0x19: {  	s7 =	sld [smem:$0x3F94]  }
0x1a: {  	s8 =	sadd.s32 $0xFFFFE003, lr  }
0x1b: {  	s9 =	sadd.s32 $0xFFFFFEF7, lr;
	s5 =	simm.s32 $0xFFFFFFFF;
	p2 =	slt.u32 s8, $0xFFFFF086  }
0x1c: {  	p1 =	slt.u32 s9, $0xF7A;
	s5 =	simm.s32 @!p2 $0x0  }
0x1d: {  	s5 =	simm.s32 @p1 $0x1;
	p0 =	seq.s32 s7, s2  }
0x1e: {  	s7 =	smul.u32 @!p0 $0xF7A, s2;
	p2 =	seq.s32 @!p0 s5, $0x0  }
0x1f: {  	s9 =	smul.u32 $0xF7A, s1;
	s8 =	simm.s32 @!p0 $0x1BF5;
	p2 =	por !p2, p0  }
0x20: {  	[sflag:s8] =	ssyncset.s32 @!p0 $0xFFFFF086;
	s6 =	sadd.s32 @!p0 s3, s7;
	s7 =	simm.s32 @!p0 $0x108  }
0x21: {  	s3 =	sadd.s32 s3, s9;
	s6 =	sadd.s32 @!p0 $0x88, s6;
	s7 =	simm.s32 @p2 $0x1082  }
0x22: {  	[simem:s7], [sflag:s8] =	dma.local @!p0 [hbm:s6], $0xF7A  }
0x23: {  	s9 =	sor.u32 $0xD0000000, s2;
	s6 =	simm.s32 $0x108;
	_ =	swait.ge @!p0 [sflag:s8], $0x0  }
0x24: {  	s3 =	sadd.s32 $0x88, s3;
	s6 =	simm.s32 @!p1 $0x1082;
	[sflag:s4] =	ssyncset.s32 $0xFFFFF086  }
0x25: {  	[simem:s6], [sflag:s4] =	dma.local [hbm:s3], $0xF7A  }
0x26: {  	[smem:$0x3F94] =	sst s1;
	(tag) =	ssettag s2;
	_ =	strace s9  }
0x27: {  	s1 =	sld [smem:$0x3FA4]  }
0x28: {  	s2 =	sld [smem:$0x3FA5]  }
0x29: {  	s4 =	sld [smem:$0x3FA7]  }
0x2a: {  	p0 =	seq.s32 s5, $0x0;
	s5 =	sld [smem:$0x3FA8]  }
0x2b: {  	s6 =	sld [smem:$0x3FA9]  }
0x2c: {  	s7 =	sld [smem:$0x3FAA]  }
0x2d: {  	s3 =	simm.s32 $0x108;
	s8 =	sld [smem:$0x3FAB]  }
0x2e: {  	s3 =	simm.s32 @!p0 $0x1082;
	s9 =	sld [smem:$0x3FAC]  }
0x2f: {  	lr =	sadd.s32 s0, s3;
	s0 =	sld [smem:$0x3FA3]  }
0x30: {  	s3 =	sld [smem:$0x3FA6]  }
0x31: {  	[smem:$0x3FAF] =	sst s10  }
0x32: {  	s10 =	sld [smem:$0x3FAD];
	_ =	sdelay $0x3  }
0x33: {  	p0 =	seq.s32 s10, $0x1;
	s10 =	sld [smem:$0x3FAF];
	_ =	sdelay $0x3  }
0x34: {  	[smem:$0x3FAF] =	sst s10  }
0x35: {  	s10 =	sld [smem:$0x3FAE];
	_ =	sdelay $0x3  }
0x36: {  	p1 =	seq.s32 s10, $0x1;
	s10 =	sld [smem:$0x3FAF];
	_ =	sdelay $0x3  }
0x37: {  	[smem:$0x3FAF] =	sst s10  }
0x38: {  	s10 =	sld [smem:$0x3FB0]  }
0x39: {  	_ = 	snop;
	(pc) =	sbr.ind lr, $3  }
0x3a: {  	_ = 	snop  }
0x3b: {  	_ = 	snop  }
0x3c: {  	p2 =	seq.s32 s10, $0x1;
	s10 =	sld [smem:$0x3FAF]  }
0x3d: {  	_ =	shalt  }
0x3e: {  	_ =	shalt  }
0x3f: {  	_ =	shalt  }
0x40: {  	_ =	shalt  }
0x41: {  	_ =	shalt  }
0x42: {  	_ =	shalt  }
0x43: {  	_ =	shalt  }
0x44: {  	_ =	shalt  }
0x45: {  	_ =	shalt  }
0x46: {  	_ =	shalt  }
0x47: {  	_ =	shalt  }
0x48: {  	_ =	shalt  }
0x49: {  	_ =	shalt  }
0x4a: {  	_ =	shalt  }
0x4b: {  	_ =	shalt  }
0x4c: {  	_ =	shalt  }
0x4d: {  	_ =	shalt  }
0x4e: {  	_ =	shalt  }
0x4f: {  	_ =	shalt  }
0x50: {  	_ =	shalt  }
0x51: {  	_ =	shalt  }
0x52: {  	_ =	shalt  }
0x53: {  	_ =	shalt  }
0x54: {  	_ =	shalt  }
0x55: {  	_ =	shalt  }
0x56: {  	_ =	shalt  }
0x57: {  	_ =	shalt  }
0x58: {  	_ =	shalt  }
0x59: {  	_ =	shalt  }
0x5a: {  	_ =	shalt  }
0x5b: {  	_ =	shalt  }
0x5c: {  	_ =	shalt  }
0x5d: {  	_ =	shalt  }
0x5e: {  	_ =	shalt  }
0x5f: {  	_ =	shalt  }
0x60: {  	_ =	shalt  }
0x61: {  	_ =	shalt  }
0x62: {  	_ =	shalt  }
0x63: {  	_ =	shalt  }
0x64: {  	_ =	shalt  }
0x65: {  	_ =	shalt  }
0x66: {  	_ =	shalt  }
0x67: {  	_ =	shalt  }
0x68: {  	_ =	shalt  }
0x69: {  	_ =	shalt  }
0x6a: {  	_ =	shalt  }
0x6b: {  	_ =	shalt  }
0x6c: {  	_ =	shalt  }
0x6d: {  	_ =	shalt  }
0x6e: {  	_ =	shalt  }
0x6f: {  	_ =	shalt  }
0x70: {  	_ =	shalt  }
0x71: {  	_ =	shalt  }
0x72: {  	_ =	shalt  }
0x73: {  	_ =	shalt  }
0x74: {  	_ =	shalt  }
0x75: {  	_ =	shalt  }
0x76: {  	_ =	shalt  }
0x77: {  	_ =	shalt  }
0x78: {  	_ =	shalt  }
0x79: {  	_ =	shalt  }
0x7a: {  	_ =	shalt  }
0x7b: {  	_ =	shalt  }
0x7c: {  	_ =	shalt  }
0x7d: {  	_ =	shalt  }
0x7e: {  	_ =	shalt  }
0x7f: {  	_ =	shalt  }
0x80: {  	_ =	shalt  }
0x81: {  	_ =	shalt  }
0x82: {  	_ =	shalt  }
0x83: {  	_ =	shalt  }
0x84: {  	_ =	shalt  }
0x85: {  	_ =	shalt  }
0x86: {  	_ =	shalt  }
0x87: {  	_ =	shalt  }
.Lfunc_end0:
.L_simem_size_0:
called_computation.7_lowered:
.L_overlay_start_0:
0x88: {  	s2 =	sld [smem:$0x3FD9]  }
0x89: {  	s3 =	sld [smem:$0x3FFE];
	_ =	sdelay $0x1  }
0x8a: {  	s1 =	srdreg.scid  }
0x8b: {  	s0 =	sand.u32 $0x1, s1  }
0x8c: {  	s16 =	sshll.u32 s0, $0xA;
	s2 =	sadd.s32 s3, s2  }
0x8d: {  	s2 =	sadd.s32 s2, s16  }
0x8e: {  	[smem:$0x3FBB] =	sst s2  }
0x8f: {  	_ = 	snop  }
0x90: {  	(tm) =	ssettm $0x1  }
0x91: {  	s17 =	sld [smem:$0x3FFB];
	_ =	sdelay $0x3  }
0x92: {  	_ =	strace s17  }
0x93: {  	s2 =	sld [smem:$0x3FFC];
	_ =	sdelay $0x3  }
0x94: {  	_ =	strace s2  }
0x95: {  	s2 =	sld [smem:$0x3FFD];
	_ =	sdelay $0x3  }
0x96: {  	_ =	strace s2  }
0x97: {  	_ =	strace $0x8FFFFFFF  }
0x98: {  	s18 =	sld [smem:$0x3FDB];
	_ =	sdelay $0x1  }
0x99: {  	s19 =	simm.s32 $_scs_section_size  }
0x9a: {  	s4 =	simm.s32 $_size__tile_overlayer_lowered;
	s5 =	simm.s32 $_tile_overlayer_lowered  }
0x9b: {  	s22 =	simm.s32 $0x1BFF;
	s21 =	sshll.u32 s5, $0x1;
	s2 =	sadd.s32 s19, s18  }
0x9c: {  	s6 =	simm.s32 $0x0;
	s20 =	sshll.u32 s4, $0x1;
	s4 =	sadd.s32 s21, s2  }
0x9d: {  	[timem:s6], [sflag:s22] =	dma.local [hbm:s4], s20  }
0x9e: {  	_ =	swait.ge [sflag:s22], s20  }
0x9f: {  	s3 =	ssub.s32 $0x0, s20;
	[sflag:s22] =	ssyncset.done $0x0  }
0xa0: {  	[sflag:s22] =	ssyncadd.s32 s3;
	_ =	sdelay $0x1  }
0xa1: {  	s23 =	simm.s32 $0x1B8B  }
0xa2: {  	_ =	swait.ge [sflag:s23], $0x1  }
0xa3: {  	[sflag:s23] =	ssyncset.done $0x0  }
0xa4: {  	s25 =	simm.s32 $0x1B8E;
	s24 =	sld [smem:$0x3FFE];
	[sflag:s23] =	ssyncadd.s32 $0xFFFFFFFF  }
0xa5: {  	s26 =	simm.s32 $execute0_lowered;
	[smem:$0x3FD2] =	sst s25  }
0xa6: {  	s4 =	sshll.u32 s26, $0x1;
	_ =	strace $0x80000052;
	[dreg:$0x1] =	wrdreg $0xFFFFFFFF  }
0xa7: {  	s28 =	simm.s32 $_size_execute0_lowered;
	s2 =	sadd.s32 s2, s4;
	[dreg:$0x0] =	wrdreg $0x0  }
0xa8: {  	s4 =	sshll.u32 s28, $0x1;
	[dreg:$0x2] =	wrdreg s2  }
0xa9: {  	[dreg:$0x3] =	wrdreg s4  }
0xaa: {  	[dreg:$0x4] =	wrdreg $0xC0  }
0xab: {  	_ =	task [dreg:s6], $0x5FFFF  }
0xac: {  	[dreg:$0x1] =	wrdreg $0xFFFFFFFF  }
0xad: {  	[dreg:$0x0] =	wrdreg $0x60  }
0xae: {  	[dreg:$0x2] =	wrdreg s24  }
0xaf: {  	[dreg:$0x3] =	wrdreg $0x9  }
0xb0: {  	_ =	task.clear_ibuf [dreg:s6], $0x4FFFF;
	_ =	strace $0x90000052  }
0xb1: {  	s29 =	simm.s32 $0x9;
	_ =	strace $0x80000054  }
0xb2: {  	_ =	swait.ge [sflag:s29], $0x1  }
0xb3: {  	[sflag:s29] =	ssyncadd.s32 $0xFFFFFFFF  }
0xb4: {  	_ =	strace $0x90000054  }
0xb5: {  	_ =	sfence  }
0xb6: {  	s30 =	sld [smem:$0x0];
	_ =	sdelay $0x2  }
0xb7: {  	s31 =	sshll.u32 s1, $0xD;
	s1 =	sshrl.u32 s1, $0x2  }
0xb8: {  	s3 =	sand.u32 $0x4000, s31;
	s1 =	sadd.s32 s1, s30  }
0xb9: {  	s0 =	sor.u32 s3, s0;
	s1 =	sshll.u32 s1, $0x11  }
0xba: {  	s0 =	sor.u32 s1, s0  }
0xbb: {  	s0 =	sadd.s32 $0x8F2B, s0  }
0xbc: {  	[sflag:s0] =	ssyncadd.remote.s32 $0x1  }
0xbd: {  	_ =	sfence.sel $0xFFFF  }
0xbe: {  	[dreg:$0x0] =	wrdreg $0xFFFFFFFF;
	(pc) =	sbr.abs _section_cstart, $3  }
0xbf: {  	[dreg:$0x1] =	wrdreg $0xFFFFFFFF  }
0xc0: {  	_ =	task.clear_ibuf [dreg:s6], $0x2FFFF;
	_ =	strace $0x9FFFFFFF  }
0xc1: {  	(tm) =	ssettm $0x7FFFFFFF  }
tec
execute0_lowered:
.L_overlay_start_1:
0x0: {  	(tag) =	ssettag $0x1  }
0x1: {  	s2 =	rddreg [dreg:$0x0]  }
0x2: {  	s0 =	rddreg [dreg:$0x1];
	s1 =	stileid.u32  }
0x3: {  	s3 =	srdreg.scid;
	_ =	strace $0x80000053;
	s4 =	simm.s32 $0x1  }
0x4: {  	s7 =	simm.s32 $0x1;
	s8 =	simm.s32 $0x1;
	s9 =	simm.s32 $0x3  }
0x5: {  	s10 =	simm.s32 $0x0;
	s5 =	sand.u32 $0x1, s3;
	s6 =	sshll.u32 s1, $0x1  }
0x6: {  	s13 =	simm.s32 $0x0;
	s12 =	simm.s32 $0x0;
	s5 =	sor.u32 s6, s5  }
.Ltmp0:
0x7: {  	[sflag:s4] =	ssyncpa.u1 $0x0;
	p0 =	slt.u32 s5, $0x9;
	(pc) =	sbr.rel .LBB2_1-.Ltmp0, $4  }
0x8: {  	s6 =	simm.s32 $0x2;
	s7 =	simm.s32 @!p0 $0x0;
	p0 =	sne.s32 s5, $0x8  }
0x9: {  	[sflag:s6] =	ssyncpa.u1 $0x0;
	s5 =	smul.u32 $0x1F40, s5;
	s8 =	simm.s32 @!p0 $0x0  }
0xa: {  	s3 =	sadd.s32 $0x13C00, s2;
	[sflag:s9] =	ssyncpa.u1 $0x0;
	s7 =	sadd.s32 s8, s7  }
0xb: {  	vm0 =	vmmov $0xffff;
	s8 =	sadd.s32 $0x2F400, s2;
	s11 =	smov.u32 s5;
	s9 =	sadd.s32 $0x1, s7  }
.LBB2_4:
0xc: {  	v2 =	vnsel vm1, $0x0, v2  }
0xd: {  	vm1 =	vgt.s32 v0, $0x0;
	v2 =	vmin.u32 v2, $0x4E1FF  }
0xe: {  	v0 =	vnsel vm1, $0x0, v0  }
0xf: {  	v0 =	vmin.u32 v0, $0x4E1FF  }
0x10: {  	[tilespmem:s18], [sflag:$0x1] =	stream.indirect_vreg.gather [hbm4b:s3+s10], $0x1, v1, vm0, $0x4038;
	[tilespmem:$0x7D00] =	vst v63  }
0x11: {  	(ifvalue) =	ssetifvalue $0x7FFFFFFF  }
0x12: {  	[tilespmem:s15], [sflag:$0x1] =	stream.indirect_vreg.gather [hbm4b:s3+s10], $0x1, v2, vm0, $0x4038;
	[tilespmem:$0x7D00] =	vst v63  }
0x13: {  	s29 =	sadd.s32 $0x10, s15;
	(ifvalue) =	ssetifvalue $0x7FFFFFFF  }
0x14: {  	[tilespmem:s29], [sflag:$0x1] =	stream.indirect_vreg.gather [hbm4b:s3+s10], $0x1, v0, vm0, $0x4038;
	[tilespmem:$0x7D00] =	vst v63  }
0x15: {  	_ =	swait.ge [sflag:s4], $0x1F40  }
0x16: {  	s30 =	sshrl.u32 s13, $0x3;
	[sflag:s4] =	ssyncset.done $0x0  }
0x17: {  	s31 =	sand.u32 $0x7, s13;
	s15 =	sadd.s32 s8, s30;
	[sflag:s4] =	ssyncadd.s32 $0xFFFFE0C0  }
0x18: {  	[hbm4b:s15+s31] =	stream.linear.scatter [tilespmem:s14], [sflag:$0x3], $0x1F40, $0x38;
	[tilespmem:$0x7D00] =	vst v63  }
.LBB2_5:
0x19: {  	s15 =	sadd.s32 $0x3E800, s11  }
0x1a: {  	p1 =	sgt.s32 s15, $0x4E1FF  }
0x1b: {  	s15 =	smov.u32 @p1 s5;
	p1 =	sne.s32 s12, s9  }
.Ltmp1:
0x1c: {  	p0 =	slt.u32 s12, $0x2;
	(pc) =	sbr.rel @!p1 .LBB2_6-.Ltmp1, $4  }
0x1d: {  	s14 =	simm.s32 @!p0 $0x3  }
0x1e: {  	_ =	swait.ge @!p0 [sflag:s14], $0x1F40  }
0x1f: {  	s16 =	sadd.s32 $0x1, s12;
	s13 =	smov.u32 s11;
	[sflag:s14] =	ssyncset.done @!p0 $0x0  }
0x20: {  	s12 =	smov.u32 s16;
	s11 =	smov.u32 s15;
	[sflag:s14] =	ssyncadd.s32 @!p0 $0xFFFFE0C0  }
.LBB2_1:
0x21: {  	p0 =	sge.u32 s12, s7  }
0x22: {  	s14 =	sxor.u32 @!p0 $0x1, s12  }
0x23: {  	s14 =	smul.u32 @!p0 $0x7D00, s14  }
0x24: {  	s31 =	sadd.s32 $0xFFFFFFFF, s12;
	s15 =	sshrl.u32 @!p0 s11, $0x3  }
0x25: {  	s16 =	sand.u32 @!p0 $0x7, s11;
	s15 =	sadd.s32 @!p0 s2, s15;
	s14 =	sshra.s32 @!p0 s14, $0x2  }
0x26: {  	[tilespmem:s14], [sflag:$0x2] =	stream.linear.gather @!p0 [hbm4b:s15+s16], $0x1F40, $0x38;
	[tilespmem:$0x7D00] =	vst v63  }
0x27: {  	p0 =	sge.u32 s31, s7  }
.Ltmp2:
0x28: {  	_ = 	snop;
	(pc) =	sbr.rel @p0 .LBB2_5-.Ltmp2, $1  }
0x29: {  	_ =	sdelay $0x3  }
0x2a: {  	s14 =	sand.u32 $0x1, s12  }
0x2b: {  	_ =	swait.ge [sflag:s6], $0x1F40;
	p0 =	seq.s32 s14, $0x1;
	s14 =	simm.s32 $0x1F40  }
0x2c: {  	[sflag:s6] =	ssyncset.done $0x0;
	s14 =	simm.s32 @!p0 $0x0  }
0x2d: {  	[sflag:s6] =	ssyncadd.s32 $0xFFFFE0C0;
	(ifvalue) =	ssetifvalue $0x7FFFFFFF;
	v0 =	vld.msk [tilespmem:s14+$0x0 ss:$0x1], $0xffff;
	_ =	sdelay $0x4  }
0x2e: {  	s15 =	sadd.s32 $0x10, s14;
	vm1 =	vgt.s32 v0, $0x0  }
0x2f: {  	v2 =	vld.msk [tilespmem:s15+$0x0 ss:$0x1], $0xffff;
	v1 =	vnsel vm1, $0x0, v0  }
0x30: {  	v1 =	vmin.u32 v1, $0x4E1FF;
	_ =	sdelay $0x2  }
0x31: {  	s17 =	simm.s32 $0x20;
	s14 =	sadd.s32 $0x3E80, s14;
	s16 =	sadd.s32 $0x10, s15  }
0x32: {  	s15 =	sadd.s32 $0x10, s14;
	s18 =	smov.u32 s14;
	v0 =	vld.msk [tilespmem:s16+$0x0 ss:$0x1], $0xffff;
	vm1 =	vgt.s32 v2, $0x0;
	(ifvalue) =	ssetifvalue $0x7FFFFFFF  }
.LBB2_3:
0x33: {  	[tilespmem:s18], [sflag:$0x1] =	stream.indirect_vreg.gather [hbm4b:s3+s10], $0x1, v1, vm0, $0x4038;
	[tilespmem:$0x7D00] =	vst v63  }
0x34: {  	s17 =	sadd.s32 $0x10, s17  }
0x35: {  	v2 =	vnsel vm1, $0x0, v2;
	p0 =	slt.u32 s17, $0x1F30  }
.Ltmp3:
0x36: {  	s18 =	smov.u32 s15;
	v1 =	vmin.u32 v2, $0x4E1FF;
	(pc) =	sbr.rel @p0 .LBB2_3-.Ltmp3, $3  }
0x37: {  	_ =	sdelay $0x1  }
0x38: {  	s16 =	sadd.s32 $0x10, s16  }
0x39: {  	vm1 =	vgt.s32 v0, $0x0;
	s15 =	sadd.s32 $0x10, s15;
	v2 =	vmov v0;
	(ifvalue) =	ssetifvalue $0x7FFFFFFF;
	v0 =	vld.msk [tilespmem:s16+$0x0 ss:$0x1], $0xffff  }
.Ltmp4:
0x3a: {  	_ = 	snop;
	(pc) =	sbr.rel .LBB2_4-.Ltmp4, $1  }
0x3b: {  	_ =	sdelay $0x3  }
.LBB2_6:
0x3c: {  	_ =	sfence.sel $0x180000  }
0x3d: {  	s2 =	simm.s32 $0x2;
	[bflag:$0x0] =	sbarrier.arrive $0xFFFF  }
0x3e: {  	s30 =	simm.s32 $0x3;
	[sflag:s2] =	ssyncpa.u1 $0x1  }
0x3f: {  	s31 =	simm.s32 $0x1;
	[sflag:s30] =	ssyncpa.u1 $0x1  }
0x40: {  	[sflag:s31] =	ssyncpa.u1 $0x1  }
0x41: {  	p0 =	sne.s32 s1, $0x0;
	_ =	strace $0x90000053  }
0x42: {  	s0 =	sadd.s32 @!p0 $0x100000, s0;
	[bflag:$0x2] =	sbarrier.arrive $0xFFFF  }
0x43: {  	[sflag:s0] =	ssyncadd.tile.s32 @!p0 $0x1;
	_ =	shalt  }
.Lfunc_end2:
_tile_overlayer_lowered:
.L_overlay_start_2:
0x44: {  	(tag) =	ssettag $0x2  }
0x45: {  	s0 =	rddreg [dreg:$0x0];
	s2 =	stileid.u32  }
0x46: {  	s1 =	rddreg [dreg:$0x1];
	p0 =	sne.s32 s2, $0x0  }
0x47: {  	s3 =	rddreg [dreg:$0x2];
	[bflag:$0x3] =	sbarrier.arrive $0xFFFF;
	s2 =	simm.s32 @!p0 $0x1C01  }
0x48: {  	[timem:s3], [sflag:s2] =	dma.local @!p0 [hbm:s0], s1  }
0x49: {  	s0 =	simm.s32 @!p0 $0x1  }
0x4a: {  	_ =	swait.ge @!p0 [sflag:s0], s1  }
0x4b: {  	s1 =	ssub.s32 @!p0 $0x0, s1;
	[sflag:s0] =	ssyncset.done @!p0 $0x0  }
0x4c: {  	[sflag:s0] =	ssyncadd.s32 @!p0 s1  }
0x4d: {  	[bflag:$0x3] =	sbarrier.arrive $0xFFFF  }
0x4e: {  	_ =	shalt  }

// kernel: gather_offload_async_start
scs
__scs_entry_jumppad:
0x0: {  	(pc) =	sbr.rel $0x88, $3  }
0x1: {  	(tag) =	ssettag $0x0;
	lr =	simm.s32 $0x1  }
0x2: {  	[smem:$0x3F94] =	sst lr;
	_ =	strace $0xD0000000  }
0x3: {  	_ = 	snop  }
0x4: {  	_ = 	snop  }
0x5: {  	_ = 	snop  }
0x6: {  	_ = 	snop  }
0x7: {  	_ = 	snop  }
__scs_overlays_trampoline_lowered:
0x8: {  	[smem:$0x3FA3] =	sst s0  }
0x9: {  	[smem:$0x3FA4] =	sst s1  }
0xa: {  	[smem:$0x3FA5] =	sst s2  }
0xb: {  	[smem:$0x3FA6] =	sst s3  }
0xc: {  	[smem:$0x3FA7] =	sst s4  }
0xd: {  	[smem:$0x3FA8] =	sst s5  }
0xe: {  	[smem:$0x3FA9] =	sst s6  }
0xf: {  	[smem:$0x3FAA] =	sst s7  }
0x10: {  	[smem:$0x3FAB] =	sst s8  }
0x11: {  	[smem:$0x3FAC] =	sst s9;
	s0 =	simm.s32 @!p0 $0x0  }
0x12: {  	s1 =	sld [smem:$0x3F92];
	s0 =	simm.s32 @p0 $0x1  }
0x13: {  	[smem:$0x3FAD] =	sst s0;
	s0 =	simm.s32 @!p1 $0x0  }
0x14: {  	s2 =	sld [smem:$0x3F91];
	s0 =	simm.s32 @p1 $0x1  }
0x15: {  	[smem:$0x3FAE] =	sst s0;
	s0 =	simm.s32 @!p2 $0x0  }
0x16: {  	s3 =	sld [smem:$0x3FDB];
	s0 =	simm.s32 @p2 $0x1  }
0x17: {  	s4 =	simm.s32 $0x1BF5;
	[smem:$0x3FB0] =	sst s0  }
0x18: {  	s0 =	sld [smem:$0x3F93];
	_ =	swait.ge [sflag:s4], $0x0  }
0x19: {  	s7 =	sld [smem:$0x3F94]  }
0x1a: {  	s8 =	sadd.s32 $0xFFFFE003, lr  }
0x1b: {  	s9 =	sadd.s32 $0xFFFFFEF7, lr;
	s5 =	simm.s32 $0xFFFFFFFF;
	p2 =	slt.u32 s8, $0xFFFFF086  }
0x1c: {  	p1 =	slt.u32 s9, $0xF7A;
	s5 =	simm.s32 @!p2 $0x0  }
0x1d: {  	s5 =	simm.s32 @p1 $0x1;
	p0 =	seq.s32 s7, s2  }
0x1e: {  	s7 =	smul.u32 @!p0 $0xF7A, s2;
	p2 =	seq.s32 @!p0 s5, $0x0  }
0x1f: {  	s9 =	smul.u32 $0xF7A, s1;
	s8 =	simm.s32 @!p0 $0x1BF5;
	p2 =	por !p2, p0  }
0x20: {  	[sflag:s8] =	ssyncset.s32 @!p0 $0xFFFFF086;
	s6 =	sadd.s32 @!p0 s3, s7;
	s7 =	simm.s32 @!p0 $0x108  }
0x21: {  	s3 =	sadd.s32 s3, s9;
	s6 =	sadd.s32 @!p0 $0x88, s6;
	s7 =	simm.s32 @p2 $0x1082  }
0x22: {  	[simem:s7], [sflag:s8] =	dma.local @!p0 [hbm:s6], $0xF7A  }
0x23: {  	s9 =	sor.u32 $0xD0000000, s2;
	s6 =	simm.s32 $0x108;
	_ =	swait.ge @!p0 [sflag:s8], $0x0  }
0x24: {  	s3 =	sadd.s32 $0x88, s3;
	s6 =	simm.s32 @!p1 $0x1082;
	[sflag:s4] =	ssyncset.s32 $0xFFFFF086  }
0x25: {  	[simem:s6], [sflag:s4] =	dma.local [hbm:s3], $0xF7A  }
0x26: {  	[smem:$0x3F94] =	sst s1;
	(tag) =	ssettag s2;
	_ =	strace s9  }
0x27: {  	s1 =	sld [smem:$0x3FA4]  }
0x28: {  	s2 =	sld [smem:$0x3FA5]  }
0x29: {  	s4 =	sld [smem:$0x3FA7]  }
0x2a: {  	p0 =	seq.s32 s5, $0x0;
	s5 =	sld [smem:$0x3FA8]  }
0x2b: {  	s6 =	sld [smem:$0x3FA9]  }
0x2c: {  	s7 =	sld [smem:$0x3FAA]  }
0x2d: {  	s3 =	simm.s32 $0x108;
	s8 =	sld [smem:$0x3FAB]  }
0x2e: {  	s3 =	simm.s32 @!p0 $0x1082;
	s9 =	sld [smem:$0x3FAC]  }
0x2f: {  	lr =	sadd.s32 s0, s3;
	s0 =	sld [smem:$0x3FA3]  }
0x30: {  	s3 =	sld [smem:$0x3FA6]  }
0x31: {  	[smem:$0x3FAF] =	sst s10  }
0x32: {  	s10 =	sld [smem:$0x3FAD];
	_ =	sdelay $0x3  }
0x33: {  	p0 =	seq.s32 s10, $0x1;
	s10 =	sld [smem:$0x3FAF];
	_ =	sdelay $0x3  }
0x34: {  	[smem:$0x3FAF] =	sst s10  }
0x35: {  	s10 =	sld [smem:$0x3FAE];
	_ =	sdelay $0x3  }
0x36: {  	p1 =	seq.s32 s10, $0x1;
	s10 =	sld [smem:$0x3FAF];
	_ =	sdelay $0x3  }
0x37: {  	[smem:$0x3FAF] =	sst s10  }
0x38: {  	s10 =	sld [smem:$0x3FB0]  }
0x39: {  	_ = 	snop;
	(pc) =	sbr.ind lr, $3  }
0x3a: {  	_ = 	snop  }
0x3b: {  	_ = 	snop  }
0x3c: {  	p2 =	seq.s32 s10, $0x1;
	s10 =	sld [smem:$0x3FAF]  }
0x3d: {  	_ =	shalt  }
0x3e: {  	_ =	shalt  }
0x3f: {  	_ =	shalt  }
0x40: {  	_ =	shalt  }
0x41: {  	_ =	shalt  }
0x42: {  	_ =	shalt  }
0x43: {  	_ =	shalt  }
0x44: {  	_ =	shalt  }
0x45: {  	_ =	shalt  }
0x46: {  	_ =	shalt  }
0x47: {  	_ =	shalt  }
0x48: {  	_ =	shalt  }
0x49: {  	_ =	shalt  }
0x4a: {  	_ =	shalt  }
0x4b: {  	_ =	shalt  }
0x4c: {  	_ =	shalt  }
0x4d: {  	_ =	shalt  }
0x4e: {  	_ =	shalt  }
0x4f: {  	_ =	shalt  }
0x50: {  	_ =	shalt  }
0x51: {  	_ =	shalt  }
0x52: {  	_ =	shalt  }
0x53: {  	_ =	shalt  }
0x54: {  	_ =	shalt  }
0x55: {  	_ =	shalt  }
0x56: {  	_ =	shalt  }
0x57: {  	_ =	shalt  }
0x58: {  	_ =	shalt  }
0x59: {  	_ =	shalt  }
0x5a: {  	_ =	shalt  }
0x5b: {  	_ =	shalt  }
0x5c: {  	_ =	shalt  }
0x5d: {  	_ =	shalt  }
0x5e: {  	_ =	shalt  }
0x5f: {  	_ =	shalt  }
0x60: {  	_ =	shalt  }
0x61: {  	_ =	shalt  }
0x62: {  	_ =	shalt  }
0x63: {  	_ =	shalt  }
0x64: {  	_ =	shalt  }
0x65: {  	_ =	shalt  }
0x66: {  	_ =	shalt  }
0x67: {  	_ =	shalt  }
0x68: {  	_ =	shalt  }
0x69: {  	_ =	shalt  }
0x6a: {  	_ =	shalt  }
0x6b: {  	_ =	shalt  }
0x6c: {  	_ =	shalt  }
0x6d: {  	_ =	shalt  }
0x6e: {  	_ =	shalt  }
0x6f: {  	_ =	shalt  }
0x70: {  	_ =	shalt  }
0x71: {  	_ =	shalt  }
0x72: {  	_ =	shalt  }
0x73: {  	_ =	shalt  }
0x74: {  	_ =	shalt  }
0x75: {  	_ =	shalt  }
0x76: {  	_ =	shalt  }
0x77: {  	_ =	shalt  }
0x78: {  	_ =	shalt  }
0x79: {  	_ =	shalt  }
0x7a: {  	_ =	shalt  }
0x7b: {  	_ =	shalt  }
0x7c: {  	_ =	shalt  }
0x7d: {  	_ =	shalt  }
0x7e: {  	_ =	shalt  }
0x7f: {  	_ =	shalt  }
0x80: {  	_ =	shalt  }
0x81: {  	_ =	shalt  }
0x82: {  	_ =	shalt  }
0x83: {  	_ =	shalt  }
0x84: {  	_ =	shalt  }
0x85: {  	_ =	shalt  }
0x86: {  	_ =	shalt  }
0x87: {  	_ =	shalt  }
.Lfunc_end0:
.L_simem_size_0:
called_computation_lowered:
.L_overlay_start_0:
0x88: {  	s2 =	sld [smem:$0x3FD9]  }
0x89: {  	s3 =	sld [smem:$0x3FFE];
	_ =	sdelay $0x1  }
0x8a: {  	s1 =	srdreg.scid  }
0x8b: {  	s0 =	sand.u32 $0x1, s1  }
0x8c: {  	s16 =	sshll.u32 s0, $0xA;
	s2 =	sadd.s32 s3, s2  }
0x8d: {  	s2 =	sadd.s32 s2, s16  }
0x8e: {  	[smem:$0x3FBB] =	sst s2  }
0x8f: {  	_ = 	snop  }
0x90: {  	(tm) =	ssettm $0x1  }
0x91: {  	s17 =	sld [smem:$0x3FFB];
	_ =	sdelay $0x3  }
0x92: {  	_ =	strace s17  }
0x93: {  	s2 =	sld [smem:$0x3FFC];
	_ =	sdelay $0x3  }
0x94: {  	_ =	strace s2  }
0x95: {  	s2 =	sld [smem:$0x3FFD];
	_ =	sdelay $0x3  }
0x96: {  	_ =	strace s2  }
0x97: {  	_ =	strace $0x8FFFFFFF  }
0x98: {  	s18 =	sld [smem:$0x3FDB];
	_ =	sdelay $0x1  }
0x99: {  	s19 =	simm.s32 $_scs_section_size  }
0x9a: {  	s4 =	simm.s32 $_size__tile_overlayer_lowered;
	s5 =	simm.s32 $_tile_overlayer_lowered  }
0x9b: {  	s22 =	simm.s32 $0x1BFF;
	s21 =	sshll.u32 s5, $0x1;
	s2 =	sadd.s32 s19, s18  }
0x9c: {  	s6 =	simm.s32 $0x0;
	s20 =	sshll.u32 s4, $0x1;
	s4 =	sadd.s32 s21, s2  }
0x9d: {  	[timem:s6], [sflag:s22] =	dma.local [hbm:s4], s20  }
0x9e: {  	_ =	swait.ge [sflag:s22], s20  }
0x9f: {  	s3 =	ssub.s32 $0x0, s20;
	[sflag:s22] =	ssyncset.done $0x0  }
0xa0: {  	[sflag:s22] =	ssyncadd.s32 s3;
	_ =	sdelay $0x1  }
0xa1: {  	s23 =	simm.s32 $0x1B8B  }
0xa2: {  	_ =	swait.ge [sflag:s23], $0x1  }
0xa3: {  	[sflag:s23] =	ssyncset.done $0x0  }
0xa4: {  	s25 =	simm.s32 $0x1B8E;
	s24 =	sld [smem:$0x3FFE];
	[sflag:s23] =	ssyncadd.s32 $0xFFFFFFFF  }
0xa5: {  	s26 =	simm.s32 $execute0_lowered;
	[smem:$0x3FD2] =	sst s25  }
0xa6: {  	s4 =	sshll.u32 s26, $0x1;
	_ =	strace $0x80000064;
	[dreg:$0x1] =	wrdreg $0xFFFFFFFF  }
0xa7: {  	s28 =	simm.s32 $_size_execute0_lowered;
	s2 =	sadd.s32 s2, s4;
	[dreg:$0x0] =	wrdreg $0x0  }
0xa8: {  	s4 =	sshll.u32 s28, $0x1;
	[dreg:$0x2] =	wrdreg s2  }
0xa9: {  	[dreg:$0x3] =	wrdreg s4  }
0xaa: {  	[dreg:$0x4] =	wrdreg $0xC0  }
0xab: {  	_ =	task [dreg:s6], $0x5FFFF  }
0xac: {  	[dreg:$0x1] =	wrdreg $0xFFFFFFFF  }
0xad: {  	[dreg:$0x0] =	wrdreg $0x60  }
0xae: {  	[dreg:$0x2] =	wrdreg s24  }
0xaf: {  	[dreg:$0x3] =	wrdreg $0x9  }
0xb0: {  	_ =	task.clear_ibuf [dreg:s6], $0x4FFFF;
	_ =	strace $0x90000064  }
0xb1: {  	s29 =	simm.s32 $0x9;
	_ =	strace $0x80000066  }
0xb2: {  	_ =	swait.ge [sflag:s29], $0x1  }
0xb3: {  	[sflag:s29] =	ssyncadd.s32 $0xFFFFFFFF  }
0xb4: {  	_ =	strace $0x90000066  }
0xb5: {  	_ =	sfence  }
0xb6: {  	s30 =	sld [smem:$0x0];
	_ =	sdelay $0x2  }
0xb7: {  	s31 =	sshll.u32 s1, $0xD;
	s1 =	sshrl.u32 s1, $0x2  }
0xb8: {  	s3 =	sand.u32 $0x4000, s31;
	s1 =	sadd.s32 s1, s30  }
0xb9: {  	s0 =	sor.u32 s3, s0;
	s1 =	sshll.u32 s1, $0x11  }
0xba: {  	s0 =	sor.u32 s1, s0  }
0xbb: {  	s0 =	sadd.s32 $0x8F2B, s0  }
0xbc: {  	[sflag:s0] =	ssyncadd.remote.s32 $0x1  }
0xbd: {  	_ =	sfence.sel $0xFFFF  }
0xbe: {  	[dreg:$0x0] =	wrdreg $0xFFFFFFFF;
	(pc) =	sbr.abs _section_cstart, $3  }
0xbf: {  	[dreg:$0x1] =	wrdreg $0xFFFFFFFF  }
0xc0: {  	_ =	task.clear_ibuf [dreg:s6], $0x2FFFF;
	_ =	strace $0x9FFFFFFF  }
0xc1: {  	(tm) =	ssettm $0x7FFFFFFF  }
tec
execute0_lowered:
.L_overlay_start_1:
0x0: {  	(tag) =	ssettag $0x1  }
0x1: {  	s8 =	rddreg [dreg:$0x0]  }
0x2: {  	s0 =	rddreg [dreg:$0x1];
	_ =	strace $0x80000065;
	s1 =	stileid.u32  }
0x3: {  	s3 =	srdreg.scid;
	s4 =	simm.s32 $0x1;
	s7 =	simm.s32 $0x1  }
0x4: {  	s9 =	simm.s32 $0x1;
	s10 =	simm.s32 $0x3;
	s13 =	simm.s32 $0x0  }
0x5: {  	s12 =	simm.s32 $0x0;
	s5 =	sand.u32 $0x1, s3;
	s6 =	sshll.u32 s1, $0x1  }
0x6: {  	s2 =	sadd.s32 $0x9E00, s8;
	s3 =	sadd.s32 $0x27800, s8;
	s5 =	sor.u32 s6, s5  }
.Ltmp0:
0x7: {  	[sflag:s4] =	ssyncpa.u1 $0x0;
	p0 =	slt.u32 s5, $0x9;
	(pc) =	sbr.rel .LBB2_1-.Ltmp0, $4  }
0x8: {  	s6 =	simm.s32 $0x2;
	s7 =	simm.s32 @!p0 $0x0;
	p0 =	sne.s32 s5, $0x8  }
0x9: {  	[sflag:s6] =	ssyncpa.u1 $0x0;
	s5 =	smul.u32 $0x1F40, s5;
	s9 =	simm.s32 @!p0 $0x0  }
0xa: {  	s8 =	sadd.s32 $0x31600, s8;
	[sflag:s10] =	ssyncpa.u1 $0x0;
	s7 =	sadd.s32 s9, s7  }
0xb: {  	vm0 =	vmmov $0xffff;
	s10 =	simm.s32 $0x0;
	s11 =	smov.u32 s5;
	s9 =	sadd.s32 $0x1, s7  }
.LBB2_4:
0xc: {  	v2 =	vnsel vm1, $0x0, v2  }
0xd: {  	vm1 =	vgt.s32 v0, $0x0;
	v2 =	vmin.u32 v2, $0x4E1FF  }
0xe: {  	v0 =	vnsel vm1, $0x0, v0  }
0xf: {  	v0 =	vmin.u32 v0, $0x4E1FF  }
0x10: {  	[tilespmem:s18], [sflag:$0x1] =	stream.indirect_vreg.gather [hbm4b:s2+s10], $0x1, v1, vm0, $0x4038;
	[tilespmem:$0x7D00] =	vst v63  }
0x11: {  	(ifvalue) =	ssetifvalue $0x7FFFFFFF  }
0x12: {  	[tilespmem:s15], [sflag:$0x1] =	stream.indirect_vreg.gather [hbm4b:s2+s10], $0x1, v2, vm0, $0x4038;
	[tilespmem:$0x7D00] =	vst v63  }
0x13: {  	s29 =	sadd.s32 $0x10, s15;
	(ifvalue) =	ssetifvalue $0x7FFFFFFF  }
0x14: {  	[tilespmem:s29], [sflag:$0x1] =	stream.indirect_vreg.gather [hbm4b:s2+s10], $0x1, v0, vm0, $0x4038;
	[tilespmem:$0x7D00] =	vst v63  }
0x15: {  	_ =	swait.ge [sflag:s4], $0x1F40  }
0x16: {  	s30 =	sshrl.u32 s13, $0x3;
	[sflag:s4] =	ssyncset.done $0x0  }
0x17: {  	s31 =	sand.u32 $0x7, s13;
	s15 =	sadd.s32 s8, s30;
	[sflag:s4] =	ssyncadd.s32 $0xFFFFE0C0  }
0x18: {  	[hbm4b:s15+s31] =	stream.linear.scatter [tilespmem:s14], [sflag:$0x3], $0x1F40, $0x38;
	[tilespmem:$0x7D00] =	vst v63  }
.LBB2_5:
0x19: {  	s15 =	sadd.s32 $0x3E800, s11  }
0x1a: {  	p1 =	sgt.s32 s15, $0x4E1FF  }
0x1b: {  	s15 =	smov.u32 @p1 s5;
	p1 =	sne.s32 s12, s9  }
.Ltmp1:
0x1c: {  	p0 =	slt.u32 s12, $0x2;
	(pc) =	sbr.rel @!p1 .LBB2_6-.Ltmp1, $4  }
0x1d: {  	s14 =	simm.s32 @!p0 $0x3  }
0x1e: {  	_ =	swait.ge @!p0 [sflag:s14], $0x1F40  }
0x1f: {  	s16 =	sadd.s32 $0x1, s12;
	s13 =	smov.u32 s11;
	[sflag:s14] =	ssyncset.done @!p0 $0x0  }
0x20: {  	s12 =	smov.u32 s16;
	s11 =	smov.u32 s15;
	[sflag:s14] =	ssyncadd.s32 @!p0 $0xFFFFE0C0  }
.LBB2_1:
0x21: {  	p0 =	sge.u32 s12, s7  }
0x22: {  	s14 =	sxor.u32 @!p0 $0x1, s12  }
0x23: {  	s14 =	smul.u32 @!p0 $0x7D00, s14  }
0x24: {  	s31 =	sadd.s32 $0xFFFFFFFF, s12;
	s15 =	sshrl.u32 @!p0 s11, $0x3  }
0x25: {  	s16 =	sand.u32 @!p0 $0x7, s11;
	s15 =	sadd.s32 @!p0 s3, s15;
	s14 =	sshra.s32 @!p0 s14, $0x2  }
0x26: {  	[tilespmem:s14], [sflag:$0x2] =	stream.linear.gather @!p0 [hbm4b:s15+s16], $0x1F40, $0x38;
	[tilespmem:$0x7D00] =	vst v63  }
0x27: {  	p0 =	sge.u32 s31, s7  }
.Ltmp2:
0x28: {  	_ = 	snop;
	(pc) =	sbr.rel @p0 .LBB2_5-.Ltmp2, $1  }
0x29: {  	_ =	sdelay $0x3  }
0x2a: {  	s14 =	sand.u32 $0x1, s12  }
0x2b: {  	_ =	swait.ge [sflag:s6], $0x1F40;
	p0 =	seq.s32 s14, $0x1;
	s14 =	simm.s32 $0x1F40  }
0x2c: {  	[sflag:s6] =	ssyncset.done $0x0;
	s14 =	simm.s32 @!p0 $0x0  }
0x2d: {  	[sflag:s6] =	ssyncadd.s32 $0xFFFFE0C0;
	(ifvalue) =	ssetifvalue $0x7FFFFFFF;
	v0 =	vld.msk [tilespmem:s14+$0x0 ss:$0x1], $0xffff;
	_ =	sdelay $0x4  }
0x2e: {  	s15 =	sadd.s32 $0x10, s14;
	vm1 =	vgt.s32 v0, $0x0  }
0x2f: {  	v2 =	vld.msk [tilespmem:s15+$0x0 ss:$0x1], $0xffff;
	v1 =	vnsel vm1, $0x0, v0  }
0x30: {  	v1 =	vmin.u32 v1, $0x4E1FF;
	_ =	sdelay $0x2  }
0x31: {  	s17 =	simm.s32 $0x20;
	s14 =	sadd.s32 $0x3E80, s14;
	s16 =	sadd.s32 $0x10, s15  }
0x32: {  	s15 =	sadd.s32 $0x10, s14;
	s18 =	smov.u32 s14;
	v0 =	vld.msk [tilespmem:s16+$0x0 ss:$0x1], $0xffff;
	vm1 =	vgt.s32 v2, $0x0;
	(ifvalue) =	ssetifvalue $0x7FFFFFFF  }
.LBB2_3:
0x33: {  	[tilespmem:s18], [sflag:$0x1] =	stream.indirect_vreg.gather [hbm4b:s2+s10], $0x1, v1, vm0, $0x4038;
	[tilespmem:$0x7D00] =	vst v63  }
0x34: {  	s17 =	sadd.s32 $0x10, s17  }
0x35: {  	v2 =	vnsel vm1, $0x0, v2;
	p0 =	slt.u32 s17, $0x1F30  }
.Ltmp3:
0x36: {  	s18 =	smov.u32 s15;
	v1 =	vmin.u32 v2, $0x4E1FF;
	(pc) =	sbr.rel @p0 .LBB2_3-.Ltmp3, $3  }
0x37: {  	_ =	sdelay $0x1  }
0x38: {  	s16 =	sadd.s32 $0x10, s16  }
0x39: {  	vm1 =	vgt.s32 v0, $0x0;
	s15 =	sadd.s32 $0x10, s15;
	v2 =	vmov v0;
	(ifvalue) =	ssetifvalue $0x7FFFFFFF;
	v0 =	vld.msk [tilespmem:s16+$0x0 ss:$0x1], $0xffff  }
.Ltmp4:
0x3a: {  	_ = 	snop;
	(pc) =	sbr.rel .LBB2_4-.Ltmp4, $1  }
0x3b: {  	_ =	sdelay $0x3  }
.LBB2_6:
0x3c: {  	_ =	sfence.sel $0x180000  }
0x3d: {  	s2 =	simm.s32 $0x2;
	[bflag:$0x0] =	sbarrier.arrive $0xFFFF  }
0x3e: {  	s30 =	simm.s32 $0x3;
	[sflag:s2] =	ssyncpa.u1 $0x1  }
0x3f: {  	s31 =	simm.s32 $0x1;
	[sflag:s30] =	ssyncpa.u1 $0x1  }
0x40: {  	[sflag:s31] =	ssyncpa.u1 $0x1  }
0x41: {  	p0 =	sne.s32 s1, $0x0;
	_ =	strace $0x90000065  }
0x42: {  	s0 =	sadd.s32 @!p0 $0x100000, s0;
	[bflag:$0x2] =	sbarrier.arrive $0xFFFF  }
0x43: {  	[sflag:s0] =	ssyncadd.tile.s32 @!p0 $0x1;
	_ =	shalt  }
.Lfunc_end2:
_tile_overlayer_lowered:
.L_overlay_start_2:
0x44: {  	(tag) =	ssettag $0x2  }
0x45: {  	s0 =	rddreg [dreg:$0x0];
	s2 =	stileid.u32  }
0x46: {  	s1 =	rddreg [dreg:$0x1];
	p0 =	sne.s32 s2, $0x0  }
0x47: {  	s3 =	rddreg [dreg:$0x2];
	[bflag:$0x3] =	sbarrier.arrive $0xFFFF;
	s2 =	simm.s32 @!p0 $0x1C01  }
0x48: {  	[timem:s3], [sflag:s2] =	dma.local @!p0 [hbm:s0], s1  }
0x49: {  	s0 =	simm.s32 @!p0 $0x1  }
0x4a: {  	_ =	swait.ge @!p0 [sflag:s0], s1  }
0x4b: {  	s1 =	ssub.s32 @!p0 $0x0, s1;
	[sflag:s0] =	ssyncset.done @!p0 $0x0  }
0x4c: {  	[sflag:s0] =	ssyncadd.s32 @!p0 s1  }
0x4d: {  	[bflag:$0x3] =	sbarrier.arrive $0xFFFF  }
0x4e: {  	_ =	shalt  }

// kernel: kernel.17.cloned.1.call-start
scs
__scs_entry_jumppad:
0x0: {  	(pc) =	sbr.rel $0x88, $3  }
0x1: {  	(tag) =	ssettag $0x0;
	lr =	simm.s32 $0x1  }
0x2: {  	[smem:$0x3F94] =	sst lr;
	_ =	strace $0xD0000000  }
0x3: {  	_ = 	snop  }
0x4: {  	_ = 	snop  }
0x5: {  	_ = 	snop  }
0x6: {  	_ = 	snop  }
0x7: {  	_ = 	snop  }
__scs_overlays_trampoline_lowered:
0x8: {  	[smem:$0x3FA3] =	sst s0  }
0x9: {  	[smem:$0x3FA4] =	sst s1  }
0xa: {  	[smem:$0x3FA5] =	sst s2  }
0xb: {  	[smem:$0x3FA6] =	sst s3  }
0xc: {  	[smem:$0x3FA7] =	sst s4  }
0xd: {  	[smem:$0x3FA8] =	sst s5  }
0xe: {  	[smem:$0x3FA9] =	sst s6  }
0xf: {  	[smem:$0x3FAA] =	sst s7  }
0x10: {  	[smem:$0x3FAB] =	sst s8  }
0x11: {  	[smem:$0x3FAC] =	sst s9;
	s0 =	simm.s32 @!p0 $0x0  }
0x12: {  	s1 =	sld [smem:$0x3F92];
	s0 =	simm.s32 @p0 $0x1  }
0x13: {  	[smem:$0x3FAD] =	sst s0;
	s0 =	simm.s32 @!p1 $0x0  }
0x14: {  	s2 =	sld [smem:$0x3F91];
	s0 =	simm.s32 @p1 $0x1  }
0x15: {  	[smem:$0x3FAE] =	sst s0;
	s0 =	simm.s32 @!p2 $0x0  }
0x16: {  	s3 =	sld [smem:$0x3FDB];
	s0 =	simm.s32 @p2 $0x1  }
0x17: {  	s4 =	simm.s32 $0x1BF5;
	[smem:$0x3FB0] =	sst s0  }
0x18: {  	s0 =	sld [smem:$0x3F93];
	_ =	swait.ge [sflag:s4], $0x0  }
0x19: {  	s7 =	sld [smem:$0x3F94]  }
0x1a: {  	s8 =	sadd.s32 $0xFFFFE003, lr  }
0x1b: {  	s9 =	sadd.s32 $0xFFFFFEF7, lr;
	s5 =	simm.s32 $0xFFFFFFFF;
	p2 =	slt.u32 s8, $0xFFFFF086  }
0x1c: {  	p1 =	slt.u32 s9, $0xF7A;
	s5 =	simm.s32 @!p2 $0x0  }
0x1d: {  	s5 =	simm.s32 @p1 $0x1;
	p0 =	seq.s32 s7, s2  }
0x1e: {  	s7 =	smul.u32 @!p0 $0xF7A, s2;
	p2 =	seq.s32 @!p0 s5, $0x0  }
0x1f: {  	s9 =	smul.u32 $0xF7A, s1;
	s8 =	simm.s32 @!p0 $0x1BF5;
	p2 =	por !p2, p0  }
0x20: {  	[sflag:s8] =	ssyncset.s32 @!p0 $0xFFFFF086;
	s6 =	sadd.s32 @!p0 s3, s7;
	s7 =	simm.s32 @!p0 $0x108  }
0x21: {  	s3 =	sadd.s32 s3, s9;
	s6 =	sadd.s32 @!p0 $0x88, s6;
	s7 =	simm.s32 @p2 $0x1082  }
0x22: {  	[simem:s7], [sflag:s8] =	dma.local @!p0 [hbm:s6], $0xF7A  }
0x23: {  	s9 =	sor.u32 $0xD0000000, s2;
	s6 =	simm.s32 $0x108;
	_ =	swait.ge @!p0 [sflag:s8], $0x0  }
0x24: {  	s3 =	sadd.s32 $0x88, s3;
	s6 =	simm.s32 @!p1 $0x1082;
	[sflag:s4] =	ssyncset.s32 $0xFFFFF086  }
0x25: {  	[simem:s6], [sflag:s4] =	dma.local [hbm:s3], $0xF7A  }
0x26: {  	[smem:$0x3F94] =	sst s1;
	(tag) =	ssettag s2;
	_ =	strace s9  }
0x27: {  	s1 =	sld [smem:$0x3FA4]  }
0x28: {  	s2 =	sld [smem:$0x3FA5]  }
0x29: {  	s4 =	sld [smem:$0x3FA7]  }
0x2a: {  	p0 =	seq.s32 s5, $0x0;
	s5 =	sld [smem:$0x3FA8]  }
0x2b: {  	s6 =	sld [smem:$0x3FA9]  }
0x2c: {  	s7 =	sld [smem:$0x3FAA]  }
0x2d: {  	s3 =	simm.s32 $0x108;
	s8 =	sld [smem:$0x3FAB]  }
0x2e: {  	s3 =	simm.s32 @!p0 $0x1082;
	s9 =	sld [smem:$0x3FAC]  }
0x2f: {  	lr =	sadd.s32 s0, s3;
	s0 =	sld [smem:$0x3FA3]  }
0x30: {  	s3 =	sld [smem:$0x3FA6]  }
0x31: {  	[smem:$0x3FAF] =	sst s10  }
0x32: {  	s10 =	sld [smem:$0x3FAD];
	_ =	sdelay $0x3  }
0x33: {  	p0 =	seq.s32 s10, $0x1;
	s10 =	sld [smem:$0x3FAF];
	_ =	sdelay $0x3  }
0x34: {  	[smem:$0x3FAF] =	sst s10  }
0x35: {  	s10 =	sld [smem:$0x3FAE];
	_ =	sdelay $0x3  }
0x36: {  	p1 =	seq.s32 s10, $0x1;
	s10 =	sld [smem:$0x3FAF];
	_ =	sdelay $0x3  }
0x37: {  	[smem:$0x3FAF] =	sst s10  }
0x38: {  	s10 =	sld [smem:$0x3FB0]  }
0x39: {  	_ = 	snop;
	(pc) =	sbr.ind lr, $3  }
0x3a: {  	_ = 	snop  }
0x3b: {  	_ = 	snop  }
0x3c: {  	p2 =	seq.s32 s10, $0x1;
	s10 =	sld [smem:$0x3FAF]  }
0x3d: {  	_ =	shalt  }
0x3e: {  	_ =	shalt  }
0x3f: {  	_ =	shalt  }
0x40: {  	_ =	shalt  }
0x41: {  	_ =	shalt  }
0x42: {  	_ =	shalt  }
0x43: {  	_ =	shalt  }
0x44: {  	_ =	shalt  }
0x45: {  	_ =	shalt  }
0x46: {  	_ =	shalt  }
0x47: {  	_ =	shalt  }
0x48: {  	_ =	shalt  }
0x49: {  	_ =	shalt  }
0x4a: {  	_ =	shalt  }
0x4b: {  	_ =	shalt  }
0x4c: {  	_ =	shalt  }
0x4d: {  	_ =	shalt  }
0x4e: {  	_ =	shalt  }
0x4f: {  	_ =	shalt  }
0x50: {  	_ =	shalt  }
0x51: {  	_ =	shalt  }
0x52: {  	_ =	shalt  }
0x53: {  	_ =	shalt  }
0x54: {  	_ =	shalt  }
0x55: {  	_ =	shalt  }
0x56: {  	_ =	shalt  }
0x57: {  	_ =	shalt  }
0x58: {  	_ =	shalt  }
0x59: {  	_ =	shalt  }
0x5a: {  	_ =	shalt  }
0x5b: {  	_ =	shalt  }
0x5c: {  	_ =	shalt  }
0x5d: {  	_ =	shalt  }
0x5e: {  	_ =	shalt  }
0x5f: {  	_ =	shalt  }
0x60: {  	_ =	shalt  }
0x61: {  	_ =	shalt  }
0x62: {  	_ =	shalt  }
0x63: {  	_ =	shalt  }
0x64: {  	_ =	shalt  }
0x65: {  	_ =	shalt  }
0x66: {  	_ =	shalt  }
0x67: {  	_ =	shalt  }
0x68: {  	_ =	shalt  }
0x69: {  	_ =	shalt  }
0x6a: {  	_ =	shalt  }
0x6b: {  	_ =	shalt  }
0x6c: {  	_ =	shalt  }
0x6d: {  	_ =	shalt  }
0x6e: {  	_ =	shalt  }
0x6f: {  	_ =	shalt  }
0x70: {  	_ =	shalt  }
0x71: {  	_ =	shalt  }
0x72: {  	_ =	shalt  }
0x73: {  	_ =	shalt  }
0x74: {  	_ =	shalt  }
0x75: {  	_ =	shalt  }
0x76: {  	_ =	shalt  }
0x77: {  	_ =	shalt  }
0x78: {  	_ =	shalt  }
0x79: {  	_ =	shalt  }
0x7a: {  	_ =	shalt  }
0x7b: {  	_ =	shalt  }
0x7c: {  	_ =	shalt  }
0x7d: {  	_ =	shalt  }
0x7e: {  	_ =	shalt  }
0x7f: {  	_ =	shalt  }
0x80: {  	_ =	shalt  }
0x81: {  	_ =	shalt  }
0x82: {  	_ =	shalt  }
0x83: {  	_ =	shalt  }
0x84: {  	_ =	shalt  }
0x85: {  	_ =	shalt  }
0x86: {  	_ =	shalt  }
0x87: {  	_ =	shalt  }
.Lfunc_end0:
.L_simem_size_0:
called_computation.8_lowered:
.L_overlay_start_0:
0x88: {  	s2 =	sld [smem:$0x3FD9]  }
0x89: {  	s3 =	sld [smem:$0x3FFE];
	_ =	sdelay $0x1  }
0x8a: {  	s1 =	srdreg.scid  }
0x8b: {  	s0 =	sand.u32 $0x1, s1  }
0x8c: {  	s17 =	sshll.u32 s0, $0xA;
	s2 =	sadd.s32 s3, s2  }
0x8d: {  	s2 =	sadd.s32 s2, s17  }
0x8e: {  	[smem:$0x3FBB] =	sst s2  }
0x8f: {  	_ = 	snop  }
0x90: {  	s2 =	sld [smem:$0x3FC9];
	(tm) =	ssettm $0x1  }
0x91: {  	s18 =	sld [smem:$0x3FFB];
	_ =	sdelay $0x3  }
0x92: {  	_ =	strace s18  }
0x93: {  	s3 =	sld [smem:$0x3FFC];
	_ =	sdelay $0x3  }
0x94: {  	_ =	strace s3  }
0x95: {  	s3 =	sld [smem:$0x3FFD];
	_ =	sdelay $0x3  }
0x96: {  	_ =	strace s3  }
0x97: {  	_ =	strace $0x8FFFFFFF  }
0x98: {  	s19 =	sld [smem:$0x3FDB];
	_ =	sdelay $0x1  }
0x99: {  	s4 =	simm.s32 $_scs_section_size  }
0x9a: {  	s5 =	simm.s32 $_size__tile_overlayer_lowered;
	s6 =	simm.s32 $_tile_overlayer_lowered  }
0x9b: {  	s22 =	simm.s32 $0x1BFF;
	s21 =	sshll.u32 s6, $0x1;
	s3 =	sadd.s32 s4, s19  }
0x9c: {  	s7 =	simm.s32 $0x0;
	s20 =	sshll.u32 s5, $0x1;
	s5 =	sadd.s32 s21, s3  }
0x9d: {  	[timem:s7], [sflag:s22] =	dma.local [hbm:s5], s20  }
0x9e: {  	_ =	swait.ge [sflag:s22], s20  }
0x9f: {  	s4 =	ssub.s32 $0x0, s20;
	[sflag:s22] =	ssyncset.done $0x0  }
0xa0: {  	[sflag:s22] =	ssyncadd.s32 s4;
	_ =	sdelay $0x1  }
0xa1: {  	s23 =	simm.s32 $0x1B8B  }
0xa2: {  	_ =	swait.ge [sflag:s23], $0x1  }
0xa3: {  	[sflag:s23] =	ssyncset.done $0x0  }
0xa4: {  	s25 =	simm.s32 $0x1B8E;
	s24 =	sld [smem:$0x3FFE];
	[sflag:s23] =	ssyncadd.s32 $0xFFFFFFFF  }
0xa5: {  	s26 =	simm.s32 $execute0_lowered;
	[smem:$0x3FD2] =	sst s25  }
0xa6: {  	s5 =	sshll.u32 s26, $0x1;
	_ =	strace $0x80000055;
	[dreg:$0x1] =	wrdreg $0xFFFFFFFF  }
0xa7: {  	s28 =	simm.s32 $_size_execute0_lowered;
	s3 =	sadd.s32 s3, s5;
	[dreg:$0x0] =	wrdreg $0x0  }
0xa8: {  	s5 =	sshll.u32 s28, $0x1;
	[dreg:$0x2] =	wrdreg s3  }
0xa9: {  	[dreg:$0x3] =	wrdreg s5  }
0xaa: {  	[dreg:$0x4] =	wrdreg $0xC0  }
0xab: {  	_ =	task [dreg:s7], $0x5FFFF  }
0xac: {  	[dreg:$0x1] =	wrdreg $0xFFFFFFFF  }
0xad: {  	[dreg:$0x0] =	wrdreg $0x60  }
0xae: {  	[dreg:$0x2] =	wrdreg s2  }
0xaf: {  	[dreg:$0x3] =	wrdreg s24  }
0xb0: {  	[dreg:$0x4] =	wrdreg $0x58000  }
0xb1: {  	[dreg:$0x5] =	wrdreg $0x9  }
0xb2: {  	_ =	task.clear_ibuf [dreg:s7], $0x6FFFF;
	_ =	strace $0x90000055  }
0xb3: {  	s29 =	simm.s32 $0x9;
	_ =	strace $0x80000057  }
0xb4: {  	_ =	swait.ge [sflag:s29], $0x1  }
0xb5: {  	[sflag:s29] =	ssyncadd.s32 $0xFFFFFFFF  }
0xb6: {  	_ =	strace $0x90000057  }
0xb7: {  	_ =	sfence  }
0xb8: {  	s30 =	sld [smem:$0x0];
	_ =	sdelay $0x2  }
0xb9: {  	s31 =	sshll.u32 s1, $0xD;
	s1 =	sshrl.u32 s1, $0x2  }
0xba: {  	s3 =	sand.u32 $0x4000, s31;
	s1 =	sadd.s32 s1, s30  }
0xbb: {  	s0 =	sor.u32 s3, s0;
	s1 =	sshll.u32 s1, $0x11  }
0xbc: {  	s0 =	sor.u32 s1, s0  }
0xbd: {  	s0 =	sadd.s32 $0x8F2B, s0  }
0xbe: {  	[sflag:s0] =	ssyncadd.remote.s32 $0x1  }
0xbf: {  	_ =	sfence.sel $0xFFFF  }
0xc0: {  	[dreg:$0x0] =	wrdreg $0xFFFFFFFF;
	(pc) =	sbr.abs _section_cstart, $3  }
0xc1: {  	[dreg:$0x1] =	wrdreg $0xFFFFFFFF  }
0xc2: {  	_ =	task.clear_ibuf [dreg:s7], $0x2FFFF;
	_ =	strace $0x9FFFFFFF  }
0xc3: {  	(tm) =	ssettm $0x7FFFFFFF  }
tec
execute0_lowered:
.L_overlay_start_1:
0x0: {  	(tag) =	ssettag $0x1  }
0x1: {  	s2 =	rddreg [dreg:$0x0]  }
0x2: {  	s3 =	rddreg [dreg:$0x1]  }
0x3: {  	s4 =	rddreg [dreg:$0x2]  }
0x4: {  	s0 =	stileid.u32;
	s7 =	srdreg.scid  }
0x5: {  	s1 =	rddreg [dreg:$0x3];
	s5 =	simm.s32 $0x0;
	s15 =	simm.s32 $0x7D  }
0x6: {  	s16 =	simm.s32 $0x1800;
	s17 =	simm.s32 $0x1;
	s6 =	smul.u32 $0x13C00, s0  }
0x7: {  	s7 =	sand.u32 $0x1, s7;
	[smem:$0x7FF] =	sst s5;
	s11 =	smul.u32 $0x4F000, s0  }
0x8: {  	s29 =	sshll.u32 s0, $0x6;
	s9 =	smul.u32 $0x13C000, s7;
	_ =	strace $0x80000056  }
0x9: {  	s10 =	ssub.s32 $0x2, s7;
	s30 =	sshll.u32 s7, $0x4;
	s8 =	sshrl.u32 s6, $0x3  }
0xa: {  	s12 =	sshrl.u32 s10, $0x1;
	s28 =	sshrl.u32 s11, $0x2;
	s31 =	sor.u32 s0, s30  }
0xb: {  	s8 =	sadd.s32 s8, s3;
	s9 =	sadd.s32 s6, s9;
	s6 =	sadd.s32 $0x39200, s3  }
0xc: {  	s12 =	ssub.s32 s10, s12;
	s14 =	sadd.s32 s28, s4;
	s9 =	sshrl.u32 s9, $0x3  }
0xd: {  	s7 =	sadd.s32 $0x4B200, s8;
	s8 =	sor.u32 $0x1C02, s29;
	s11 =	smax.u32 s12, $0x1  }
0xe: {  	s12 =	sshrl.u32 s14, $0x3;
	s14 =	simm.s32 $0xC00;
	s13 =	sadd.s32 s9, s3  }
0xf: {  	s9 =	smul.u32 $0x4800, s31;
	s10 =	sadd.s32 $0x72A00, s13;
	s13 =	simm.s32 $0x2  }
.LBB2_1:
0x10: {  	[spmem:s12], [sflag:s8] =	dma.local [hbm:s7], $0x2780  }
0x11: {  	_ =	swait.ge [sflag:s13], $0x2780  }
0x12: {  	[sflag:s13] =	ssyncset.done $0x0  }
0x13: {  	[sflag:s13] =	ssyncadd.s32 $0xFFFFD880  }
0x14: {  	s18 =	simm.s32 $0x0;
	[bflag:$0x0] =	sbarrier.arrive $0xFFFF  }
.LBB2_2:
0x15: {  	s19 =	smul.u32 $0xC00, s18;
	_ =	sdelay $0x1  }
0x16: {  	s19 =	sadd.s32 s9, s19  }
0x17: {  	s19 =	sshrl.u32 s19, $0x3  }
0x18: {  	s21 =	simm.s32 $0x0;
	s20 =	sadd.s32 s3, s19  }
0x19: {  	[tilespmem:s21], [sflag:$0x2] =	stream.linear.gather [hbm4b:s20+s21], $0xC00, $0x38;
	[tilespmem:$0x19400] =	vst v63  }
0x1a: {  	_ =	swait.ge [sflag:s13], $0xC00  }
0x1b: {  	[sflag:s13] =	ssyncset.done $0x0  }
0x1c: {  	s19 =	sadd.s32 s6, s19;
	[sflag:s13] =	ssyncadd.s32 $0xFFFFF400  }
0x1d: {  	[tilespmem:s14], [sflag:$0x2] =	stream.linear.gather [hbm4b:s19+s21], $0xC00, $0x38;
	[tilespmem:$0x19400] =	vst v63  }
0x1e: {  	_ =	swait.ge [sflag:s13], $0xC00  }
0x1f: {  	[sflag:s13] =	ssyncset.done $0x0  }
0x20: {  	s30 =	simm.s32 $0x0;
	[sflag:s13] =	ssyncadd.s32 $0xFFFFF400  }
0x21: {  	[tilespmem:s16], [sflag:$0x1] =	stream.indirect.gather [hbm4b:s2+s15], $0x80, s30, s15, $0xb8;
	[tilespmem:$0x19400] =	vst v63  }
0x22: {  	_ =	swait.ge [sflag:s17], $0x3E80  }
0x23: {  	[sflag:s17] =	ssyncset.done $0x0  }
0x24: {  	s31 =	simm.s32 $0xC00;
	[sflag:s17] =	ssyncadd.s32 $0xFFFFC180  }
0x25: {  	[spmem:s4] =	stream.indirect.scatter.add.f32 [tilespmem:s16], [sflag:$0x2], $0x80, s31, s15, $0xb8;
	[tilespmem:$0x19400] =	vst v63  }
0x26: {  	_ =	swait.ge [sflag:s13], $0x3E80  }
0x27: {  	s20 =	simm.s32 $0x400;
	s19 =	simm.s32 $0x200;
	[sflag:s13] =	ssyncset.done $0x0  }
.LBB2_3:
0x28: {  	s21 =	sshra.s32 s19, $0x2  }
0x29: {  	[sflag:s13] =	ssyncadd.s32 $0xFFFFC180;
	s19 =	smov.u32 s20;
	s22 =	sadd.s32 $0x200, s20  }
0x2a: {  	[tilespmem:s16], [sflag:$0x1] =	stream.indirect.gather [hbm4b:s2+s15], $0x80, s21, s15, $0xb8;
	[tilespmem:$0x19400] =	vst v63  }
0x2b: {  	p0 =	sne.s32 s20, $0x2E00;
	_ =	swait.ge [sflag:s17], $0x3E80  }
.Ltmp0:
0x2c: {  	[sflag:s17] =	ssyncset.done $0x0;
	(pc) =	sbr.rel @p0 .LBB2_3-.Ltmp0, $4  }
0x2d: {  	s20 =	sadd.s32 $0xC00, s21;
	[sflag:s17] =	ssyncadd.s32 $0xFFFFC180  }
0x2e: {  	[spmem:s4] =	stream.indirect.scatter.add.f32 [tilespmem:s16], [sflag:$0x2], $0x80, s20, s15, $0xb8;
	[tilespmem:$0x19400] =	vst v63  }
0x2f: {  	_ =	swait.ge [sflag:s13], $0x3E80  }
0x30: {  	s20 =	smov.u32 s22;
	[sflag:s13] =	ssyncset.done $0x0  }
0x31: {  	s19 =	sshra.s32 s19, $0x2;
	[sflag:s13] =	ssyncadd.s32 $0xFFFFC180  }
0x32: {  	[tilespmem:s16], [sflag:$0x1] =	stream.indirect.gather [hbm4b:s2+s15], $0x80, s19, s15, $0xb8;
	[tilespmem:$0x19400] =	vst v63  }
0x33: {  	s18 =	sadd.s32 $0x1, s18;
	_ =	swait.ge [sflag:s17], $0x3E80  }
0x34: {  	p0 =	sne.s32 s18, $0x6;
	[sflag:s17] =	ssyncset.done $0x0  }
.Ltmp1:
0x35: {  	s19 =	sadd.s32 $0xC00, s19;
	[sflag:s17] =	ssyncadd.s32 $0xFFFFC180;
	(pc) =	sbr.rel @p0 .LBB2_2-.Ltmp1, $4  }
0x36: {  	[spmem:s4] =	stream.indirect.scatter.add.f32 [tilespmem:s16], [sflag:$0x2], $0x80, s19, s15, $0xb8;
	[tilespmem:$0x19400] =	vst v63  }
0x37: {  	_ =	swait.ge [sflag:s13], $0x3E80  }
0x38: {  	[sflag:s13] =	ssyncset.done $0x0  }
0x39: {  	[sflag:s13] =	ssyncadd.s32 $0xFFFFC180  }
0x3a: {  	s5 =	sadd.s32 $0x1, s5  }
0x3b: {  	p0 =	sne.s32 s5, s11  }
.Ltmp2:
0x3c: {  	[bflag:$0x0] =	sbarrier.arrive $0xFFFF;
	(pc) =	sbr.rel @p0 .LBB2_1-.Ltmp2, $4  }
0x3d: {  	[hbm:s10], [sflag:s8] =	dma.local [spmem:s12], $0x2780  }
0x3e: {  	_ =	swait.ge [sflag:s13], $0x2780  }
0x3f: {  	[sflag:s13] =	ssyncset.done $0x0  }
0x40: {  	[sflag:s13] =	ssyncadd.s32 $0xFFFFD880  }
0x41: {  	_ =	sfence.sel $0x180000  }
0x42: {  	[bflag:$0x0] =	sbarrier.arrive $0xFFFF  }
0x43: {  	p0 =	sne.s32 s0, $0x0;
	_ =	strace $0x90000056  }
0x44: {  	s0 =	sadd.s32 @!p0 $0x100000, s1;
	[bflag:$0x2] =	sbarrier.arrive $0xFFFF  }
0x45: {  	[sflag:s0] =	ssyncadd.tile.s32 @!p0 $0x1;
	_ =	shalt  }
.Lfunc_end2:
_tile_overlayer_lowered:
.L_overlay_start_2:
0x46: {  	(tag) =	ssettag $0x2  }
0x47: {  	s0 =	rddreg [dreg:$0x0];
	s2 =	stileid.u32  }
0x48: {  	s1 =	rddreg [dreg:$0x1];
	p0 =	sne.s32 s2, $0x0  }
0x49: {  	s3 =	rddreg [dreg:$0x2];
	[bflag:$0x3] =	sbarrier.arrive $0xFFFF;
	s2 =	simm.s32 @!p0 $0x1C02  }
0x4a: {  	[timem:s3], [sflag:s2] =	dma.local @!p0 [hbm:s0], s1  }
0x4b: {  	s0 =	simm.s32 @!p0 $0x2  }
0x4c: {  	_ =	swait.ge @!p0 [sflag:s0], s1  }
0x4d: {  	s1 =	ssub.s32 @!p0 $0x0, s1;
	[sflag:s0] =	ssyncset.done @!p0 $0x0  }
0x4e: {  	[sflag:s0] =	ssyncadd.s32 @!p0 s1  }
0x4f: {  	[bflag:$0x3] =	sbarrier.arrive $0xFFFF  }
0x50: {  	_ =	shalt  }

// kernel: kernel.20.cloned.1.call-start
scs
__scs_entry_jumppad:
0x0: {  	(pc) =	sbr.rel $0x88, $3  }
0x1: {  	(tag) =	ssettag $0x0;
	lr =	simm.s32 $0x1  }
0x2: {  	[smem:$0x3F94] =	sst lr;
	_ =	strace $0xD0000000  }
0x3: {  	_ = 	snop  }
0x4: {  	_ = 	snop  }
0x5: {  	_ = 	snop  }
0x6: {  	_ = 	snop  }
0x7: {  	_ = 	snop  }
__scs_overlays_trampoline_lowered:
0x8: {  	[smem:$0x3FA3] =	sst s0  }
0x9: {  	[smem:$0x3FA4] =	sst s1  }
0xa: {  	[smem:$0x3FA5] =	sst s2  }
0xb: {  	[smem:$0x3FA6] =	sst s3  }
0xc: {  	[smem:$0x3FA7] =	sst s4  }
0xd: {  	[smem:$0x3FA8] =	sst s5  }
0xe: {  	[smem:$0x3FA9] =	sst s6  }
0xf: {  	[smem:$0x3FAA] =	sst s7  }
0x10: {  	[smem:$0x3FAB] =	sst s8  }
0x11: {  	[smem:$0x3FAC] =	sst s9;
	s0 =	simm.s32 @!p0 $0x0  }
0x12: {  	s1 =	sld [smem:$0x3F92];
	s0 =	simm.s32 @p0 $0x1  }
0x13: {  	[smem:$0x3FAD] =	sst s0;
	s0 =	simm.s32 @!p1 $0x0  }
0x14: {  	s2 =	sld [smem:$0x3F91];
	s0 =	simm.s32 @p1 $0x1  }
0x15: {  	[smem:$0x3FAE] =	sst s0;
	s0 =	simm.s32 @!p2 $0x0  }
0x16: {  	s3 =	sld [smem:$0x3FDB];
	s0 =	simm.s32 @p2 $0x1  }
0x17: {  	s4 =	simm.s32 $0x1BF5;
	[smem:$0x3FB0] =	sst s0  }
0x18: {  	s0 =	sld [smem:$0x3F93];
	_ =	swait.ge [sflag:s4], $0x0  }
0x19: {  	s7 =	sld [smem:$0x3F94]  }
0x1a: {  	s8 =	sadd.s32 $0xFFFFE003, lr  }
0x1b: {  	s9 =	sadd.s32 $0xFFFFFEF7, lr;
	s5 =	simm.s32 $0xFFFFFFFF;
	p2 =	slt.u32 s8, $0xFFFFF086  }
0x1c: {  	p1 =	slt.u32 s9, $0xF7A;
	s5 =	simm.s32 @!p2 $0x0  }
0x1d: {  	s5 =	simm.s32 @p1 $0x1;
	p0 =	seq.s32 s7, s2  }
0x1e: {  	s7 =	smul.u32 @!p0 $0xF7A, s2;
	p2 =	seq.s32 @!p0 s5, $0x0  }
0x1f: {  	s9 =	smul.u32 $0xF7A, s1;
	s8 =	simm.s32 @!p0 $0x1BF5;
	p2 =	por !p2, p0  }
0x20: {  	[sflag:s8] =	ssyncset.s32 @!p0 $0xFFFFF086;
	s6 =	sadd.s32 @!p0 s3, s7;
	s7 =	simm.s32 @!p0 $0x108  }
0x21: {  	s3 =	sadd.s32 s3, s9;
	s6 =	sadd.s32 @!p0 $0x88, s6;
	s7 =	simm.s32 @p2 $0x1082  }
0x22: {  	[simem:s7], [sflag:s8] =	dma.local @!p0 [hbm:s6], $0xF7A  }
0x23: {  	s9 =	sor.u32 $0xD0000000, s2;
	s6 =	simm.s32 $0x108;
	_ =	swait.ge @!p0 [sflag:s8], $0x0  }
0x24: {  	s3 =	sadd.s32 $0x88, s3;
	s6 =	simm.s32 @!p1 $0x1082;
	[sflag:s4] =	ssyncset.s32 $0xFFFFF086  }
0x25: {  	[simem:s6], [sflag:s4] =	dma.local [hbm:s3], $0xF7A  }
0x26: {  	[smem:$0x3F94] =	sst s1;
	(tag) =	ssettag s2;
	_ =	strace s9  }
0x27: {  	s1 =	sld [smem:$0x3FA4]  }
0x28: {  	s2 =	sld [smem:$0x3FA5]  }
0x29: {  	s4 =	sld [smem:$0x3FA7]  }
0x2a: {  	p0 =	seq.s32 s5, $0x0;
	s5 =	sld [smem:$0x3FA8]  }
0x2b: {  	s6 =	sld [smem:$0x3FA9]  }
0x2c: {  	s7 =	sld [smem:$0x3FAA]  }
0x2d: {  	s3 =	simm.s32 $0x108;
	s8 =	sld [smem:$0x3FAB]  }
0x2e: {  	s3 =	simm.s32 @!p0 $0x1082;
	s9 =	sld [smem:$0x3FAC]  }
0x2f: {  	lr =	sadd.s32 s0, s3;
	s0 =	sld [smem:$0x3FA3]  }
0x30: {  	s3 =	sld [smem:$0x3FA6]  }
0x31: {  	[smem:$0x3FAF] =	sst s10  }
0x32: {  	s10 =	sld [smem:$0x3FAD];
	_ =	sdelay $0x3  }
0x33: {  	p0 =	seq.s32 s10, $0x1;
	s10 =	sld [smem:$0x3FAF];
	_ =	sdelay $0x3  }
0x34: {  	[smem:$0x3FAF] =	sst s10  }
0x35: {  	s10 =	sld [smem:$0x3FAE];
	_ =	sdelay $0x3  }
0x36: {  	p1 =	seq.s32 s10, $0x1;
	s10 =	sld [smem:$0x3FAF];
	_ =	sdelay $0x3  }
0x37: {  	[smem:$0x3FAF] =	sst s10  }
0x38: {  	s10 =	sld [smem:$0x3FB0]  }
0x39: {  	_ = 	snop;
	(pc) =	sbr.ind lr, $3  }
0x3a: {  	_ = 	snop  }
0x3b: {  	_ = 	snop  }
0x3c: {  	p2 =	seq.s32 s10, $0x1;
	s10 =	sld [smem:$0x3FAF]  }
0x3d: {  	_ =	shalt  }
0x3e: {  	_ =	shalt  }
0x3f: {  	_ =	shalt  }
0x40: {  	_ =	shalt  }
0x41: {  	_ =	shalt  }
0x42: {  	_ =	shalt  }
0x43: {  	_ =	shalt  }
0x44: {  	_ =	shalt  }
0x45: {  	_ =	shalt  }
0x46: {  	_ =	shalt  }
0x47: {  	_ =	shalt  }
0x48: {  	_ =	shalt  }
0x49: {  	_ =	shalt  }
0x4a: {  	_ =	shalt  }
0x4b: {  	_ =	shalt  }
0x4c: {  	_ =	shalt  }
0x4d: {  	_ =	shalt  }
0x4e: {  	_ =	shalt  }
0x4f: {  	_ =	shalt  }
0x50: {  	_ =	shalt  }
0x51: {  	_ =	shalt  }
0x52: {  	_ =	shalt  }
0x53: {  	_ =	shalt  }
0x54: {  	_ =	shalt  }
0x55: {  	_ =	shalt  }
0x56: {  	_ =	shalt  }
0x57: {  	_ =	shalt  }
0x58: {  	_ =	shalt  }
0x59: {  	_ =	shalt  }
0x5a: {  	_ =	shalt  }
0x5b: {  	_ =	shalt  }
0x5c: {  	_ =	shalt  }
0x5d: {  	_ =	shalt  }
0x5e: {  	_ =	shalt  }
0x5f: {  	_ =	shalt  }
0x60: {  	_ =	shalt  }
0x61: {  	_ =	shalt  }
0x62: {  	_ =	shalt  }
0x63: {  	_ =	shalt  }
0x64: {  	_ =	shalt  }
0x65: {  	_ =	shalt  }
0x66: {  	_ =	shalt  }
0x67: {  	_ =	shalt  }
0x68: {  	_ =	shalt  }
0x69: {  	_ =	shalt  }
0x6a: {  	_ =	shalt  }
0x6b: {  	_ =	shalt  }
0x6c: {  	_ =	shalt  }
0x6d: {  	_ =	shalt  }
0x6e: {  	_ =	shalt  }
0x6f: {  	_ =	shalt  }
0x70: {  	_ =	shalt  }
0x71: {  	_ =	shalt  }
0x72: {  	_ =	shalt  }
0x73: {  	_ =	shalt  }
0x74: {  	_ =	shalt  }
0x75: {  	_ =	shalt  }
0x76: {  	_ =	shalt  }
0x77: {  	_ =	shalt  }
0x78: {  	_ =	shalt  }
0x79: {  	_ =	shalt  }
0x7a: {  	_ =	shalt  }
0x7b: {  	_ =	shalt  }
0x7c: {  	_ =	shalt  }
0x7d: {  	_ =	shalt  }
0x7e: {  	_ =	shalt  }
0x7f: {  	_ =	shalt  }
0x80: {  	_ =	shalt  }
0x81: {  	_ =	shalt  }
0x82: {  	_ =	shalt  }
0x83: {  	_ =	shalt  }
0x84: {  	_ =	shalt  }
0x85: {  	_ =	shalt  }
0x86: {  	_ =	shalt  }
0x87: {  	_ =	shalt  }
.Lfunc_end0:
.L_simem_size_0:
called_computation.9_lowered:
.L_overlay_start_0:
0x88: {  	s2 =	sld [smem:$0x3FD9]  }
0x89: {  	s3 =	sld [smem:$0x3FFE];
	_ =	sdelay $0x1  }
0x8a: {  	s1 =	srdreg.scid  }
0x8b: {  	s0 =	sand.u32 $0x1, s1  }
0x8c: {  	s16 =	sshll.u32 s0, $0xA;
	s2 =	sadd.s32 s3, s2  }
0x8d: {  	s2 =	sadd.s32 s2, s16  }
0x8e: {  	[smem:$0x3FBB] =	sst s2  }
0x8f: {  	_ = 	snop  }
0x90: {  	(tm) =	ssettm $0x1  }
0x91: {  	s17 =	sld [smem:$0x3FFB];
	_ =	sdelay $0x3  }
0x92: {  	_ =	strace s17  }
0x93: {  	s2 =	sld [smem:$0x3FFC];
	_ =	sdelay $0x3  }
0x94: {  	_ =	strace s2  }
0x95: {  	s2 =	sld [smem:$0x3FFD];
	_ =	sdelay $0x3  }
0x96: {  	_ =	strace s2  }
0x97: {  	_ =	strace $0x8FFFFFFF  }
0x98: {  	s18 =	sld [smem:$0x3FDB];
	_ =	sdelay $0x1  }
0x99: {  	s19 =	simm.s32 $_scs_section_size  }
0x9a: {  	s4 =	simm.s32 $_size__tile_overlayer_lowered;
	s5 =	simm.s32 $_tile_overlayer_lowered  }
0x9b: {  	s22 =	simm.s32 $0x1BFF;
	s21 =	sshll.u32 s5, $0x1;
	s2 =	sadd.s32 s19, s18  }
0x9c: {  	s6 =	simm.s32 $0x0;
	s20 =	sshll.u32 s4, $0x1;
	s4 =	sadd.s32 s21, s2  }
0x9d: {  	[timem:s6], [sflag:s22] =	dma.local [hbm:s4], s20  }
0x9e: {  	_ =	swait.ge [sflag:s22], s20  }
0x9f: {  	s3 =	ssub.s32 $0x0, s20;
	[sflag:s22] =	ssyncset.done $0x0  }
0xa0: {  	[sflag:s22] =	ssyncadd.s32 s3;
	_ =	sdelay $0x1  }
0xa1: {  	s23 =	simm.s32 $0x1B8B  }
0xa2: {  	_ =	swait.ge [sflag:s23], $0x1  }
0xa3: {  	[sflag:s23] =	ssyncset.done $0x0  }
0xa4: {  	s25 =	simm.s32 $0x1B8E;
	s24 =	sld [smem:$0x3FFE];
	[sflag:s23] =	ssyncadd.s32 $0xFFFFFFFF  }
0xa5: {  	s26 =	simm.s32 $execute0_lowered;
	[smem:$0x3FD2] =	sst s25  }
0xa6: {  	s4 =	sshll.u32 s26, $0x1;
	_ =	strace $0x80000058;
	[dreg:$0x1] =	wrdreg $0xFFFFFFFF  }
0xa7: {  	s28 =	simm.s32 $_size_execute0_lowered;
	s2 =	sadd.s32 s2, s4;
	[dreg:$0x0] =	wrdreg $0x0  }
0xa8: {  	s4 =	sshll.u32 s28, $0x1;
	[dreg:$0x2] =	wrdreg s2  }
0xa9: {  	[dreg:$0x3] =	wrdreg s4  }
0xaa: {  	[dreg:$0x4] =	wrdreg $0xC0  }
0xab: {  	_ =	task [dreg:s6], $0x5FFFF  }
0xac: {  	[dreg:$0x1] =	wrdreg $0xFFFFFFFF  }
0xad: {  	[dreg:$0x0] =	wrdreg $0x60  }
0xae: {  	[dreg:$0x2] =	wrdreg s24  }
0xaf: {  	[dreg:$0x3] =	wrdreg $0x58000  }
0xb0: {  	[dreg:$0x4] =	wrdreg $0x9  }
0xb1: {  	_ =	task.clear_ibuf [dreg:s6], $0x5FFFF;
	_ =	strace $0x90000058  }
0xb2: {  	s29 =	simm.s32 $0x9;
	_ =	strace $0x8000005A  }
0xb3: {  	_ =	swait.ge [sflag:s29], $0x1  }
0xb4: {  	[sflag:s29] =	ssyncadd.s32 $0xFFFFFFFF  }
0xb5: {  	_ =	strace $0x9000005A  }
0xb6: {  	_ =	sfence  }
0xb7: {  	s30 =	sld [smem:$0x0];
	_ =	sdelay $0x2  }
0xb8: {  	s31 =	sshll.u32 s1, $0xD;
	s1 =	sshrl.u32 s1, $0x2  }
0xb9: {  	s3 =	sand.u32 $0x4000, s31;
	s1 =	sadd.s32 s1, s30  }
0xba: {  	s0 =	sor.u32 s3, s0;
	s1 =	sshll.u32 s1, $0x11  }
0xbb: {  	s0 =	sor.u32 s1, s0  }
0xbc: {  	s0 =	sadd.s32 $0x8F2B, s0  }
0xbd: {  	[sflag:s0] =	ssyncadd.remote.s32 $0x1  }
0xbe: {  	_ =	sfence.sel $0xFFFF  }
0xbf: {  	[dreg:$0x0] =	wrdreg $0xFFFFFFFF;
	(pc) =	sbr.abs _section_cstart, $3  }
0xc0: {  	[dreg:$0x1] =	wrdreg $0xFFFFFFFF  }
0xc1: {  	_ =	task.clear_ibuf [dreg:s6], $0x2FFFF;
	_ =	strace $0x9FFFFFFF  }
0xc2: {  	(tm) =	ssettm $0x7FFFFFFF  }
0xc3: {  	_ =	shalt  }
tec
execute0_lowered:
.L_overlay_start_1:
0x0: {  	(tag) =	ssettag $0x1  }
0x1: {  	s2 =	rddreg [dreg:$0x0]  }
0x2: {  	s3 =	rddreg [dreg:$0x1];
	s0 =	stileid.u32  }
0x3: {  	s5 =	srdreg.scid;
	s1 =	rddreg [dreg:$0x2]  }
0x4: {  	s4 =	simm.s32 $0x0;
	s15 =	simm.s32 $0x7D;
	s16 =	simm.s32 $0x1800  }
0x5: {  	s17 =	simm.s32 $0x1;
	s6 =	smul.u32 $0x13C00, s0;
	s7 =	sand.u32 $0x1, s5  }
0x6: {  	[smem:$0x7FF] =	sst s4;
	s5 =	sadd.s32 $0x72A00, s2;
	s11 =	smul.u32 $0x4F000, s0  }
0x7: {  	s29 =	sshll.u32 s0, $0x6;
	s9 =	smul.u32 $0x13C000, s7;
	_ =	strace $0x80000059  }
0x8: {  	s10 =	ssub.s32 $0x2, s7;
	s30 =	sshll.u32 s7, $0x4;
	s8 =	sshrl.u32 s6, $0x3  }
0x9: {  	s12 =	sshrl.u32 s10, $0x1;
	s28 =	sshrl.u32 s11, $0x2;
	s31 =	sor.u32 s0, s30  }
0xa: {  	s8 =	sadd.s32 s8, s2;
	s9 =	sadd.s32 s6, s9;
	s6 =	sadd.s32 $0x39200, s2  }
0xb: {  	s12 =	ssub.s32 s10, s12;
	s14 =	sadd.s32 s28, s3;
	s9 =	sshrl.u32 s9, $0x3  }
0xc: {  	s7 =	sadd.s32 $0x4B200, s8;
	s8 =	sor.u32 $0x1C02, s29;
	s11 =	smax.u32 s12, $0x1  }
0xd: {  	s12 =	sshrl.u32 s14, $0x3;
	s14 =	simm.s32 $0xC00;
	s13 =	sadd.s32 s9, s2  }
0xe: {  	s9 =	smul.u32 $0x4800, s31;
	s10 =	sadd.s32 $0x99C00, s13;
	s13 =	simm.s32 $0x2  }
.LBB2_1:
0xf: {  	[spmem:s12], [sflag:s8] =	dma.local [hbm:s7], $0x2780  }
0x10: {  	_ =	swait.ge [sflag:s13], $0x2780  }
0x11: {  	[sflag:s13] =	ssyncset.done $0x0  }
0x12: {  	[sflag:s13] =	ssyncadd.s32 $0xFFFFD880  }
0x13: {  	s18 =	simm.s32 $0x0;
	[bflag:$0x0] =	sbarrier.arrive $0xFFFF  }
.LBB2_2:
0x14: {  	s19 =	smul.u32 $0xC00, s18;
	_ =	sdelay $0x1  }
0x15: {  	s19 =	sadd.s32 s9, s19  }
0x16: {  	s19 =	sshrl.u32 s19, $0x3  }
0x17: {  	s21 =	simm.s32 $0x0;
	s20 =	sadd.s32 s2, s19  }
0x18: {  	[tilespmem:s21], [sflag:$0x2] =	stream.linear.gather [hbm4b:s20+s21], $0xC00, $0x38;
	[tilespmem:$0x19400] =	vst v63  }
0x19: {  	_ =	swait.ge [sflag:s13], $0xC00  }
0x1a: {  	[sflag:s13] =	ssyncset.done $0x0  }
0x1b: {  	s19 =	sadd.s32 s6, s19;
	[sflag:s13] =	ssyncadd.s32 $0xFFFFF400  }
0x1c: {  	[tilespmem:s14], [sflag:$0x2] =	stream.linear.gather [hbm4b:s19+s21], $0xC00, $0x38;
	[tilespmem:$0x19400] =	vst v63  }
0x1d: {  	_ =	swait.ge [sflag:s13], $0xC00  }
0x1e: {  	[sflag:s13] =	ssyncset.done $0x0  }
0x1f: {  	s30 =	simm.s32 $0x0;
	[sflag:s13] =	ssyncadd.s32 $0xFFFFF400  }
0x20: {  	[tilespmem:s16], [sflag:$0x1] =	stream.indirect.gather [hbm4b:s5+s15], $0x80, s30, s15, $0xb8;
	[tilespmem:$0x19400] =	vst v63  }
0x21: {  	_ =	swait.ge [sflag:s17], $0x3E80  }
0x22: {  	[sflag:s17] =	ssyncset.done $0x0  }
0x23: {  	s31 =	simm.s32 $0xC00;
	[sflag:s17] =	ssyncadd.s32 $0xFFFFC180  }
0x24: {  	[spmem:s3] =	stream.indirect.scatter.add.f32 [tilespmem:s16], [sflag:$0x2], $0x80, s31, s15, $0xb8;
	[tilespmem:$0x19400] =	vst v63  }
0x25: {  	_ =	swait.ge [sflag:s13], $0x3E80  }
0x26: {  	s20 =	simm.s32 $0x400;
	s19 =	simm.s32 $0x200;
	[sflag:s13] =	ssyncset.done $0x0  }
.LBB2_3:
0x27: {  	s21 =	sshra.s32 s19, $0x2  }
0x28: {  	[sflag:s13] =	ssyncadd.s32 $0xFFFFC180;
	s19 =	smov.u32 s20;
	s22 =	sadd.s32 $0x200, s20  }
0x29: {  	[tilespmem:s16], [sflag:$0x1] =	stream.indirect.gather [hbm4b:s5+s15], $0x80, s21, s15, $0xb8;
	[tilespmem:$0x19400] =	vst v63  }
0x2a: {  	p0 =	sne.s32 s20, $0x2E00;
	_ =	swait.ge [sflag:s17], $0x3E80  }
.Ltmp0:
0x2b: {  	[sflag:s17] =	ssyncset.done $0x0;
	(pc) =	sbr.rel @p0 .LBB2_3-.Ltmp0, $4  }
0x2c: {  	s20 =	sadd.s32 $0xC00, s21;
	[sflag:s17] =	ssyncadd.s32 $0xFFFFC180  }
0x2d: {  	[spmem:s3] =	stream.indirect.scatter.add.f32 [tilespmem:s16], [sflag:$0x2], $0x80, s20, s15, $0xb8;
	[tilespmem:$0x19400] =	vst v63  }
0x2e: {  	_ =	swait.ge [sflag:s13], $0x3E80  }
0x2f: {  	s20 =	smov.u32 s22;
	[sflag:s13] =	ssyncset.done $0x0  }
0x30: {  	s19 =	sshra.s32 s19, $0x2;
	[sflag:s13] =	ssyncadd.s32 $0xFFFFC180  }
0x31: {  	[tilespmem:s16], [sflag:$0x1] =	stream.indirect.gather [hbm4b:s5+s15], $0x80, s19, s15, $0xb8;
	[tilespmem:$0x19400] =	vst v63  }
0x32: {  	s18 =	sadd.s32 $0x1, s18;
	_ =	swait.ge [sflag:s17], $0x3E80  }
0x33: {  	p0 =	sne.s32 s18, $0x6;
	[sflag:s17] =	ssyncset.done $0x0  }
.Ltmp1:
0x34: {  	s19 =	sadd.s32 $0xC00, s19;
	[sflag:s17] =	ssyncadd.s32 $0xFFFFC180;
	(pc) =	sbr.rel @p0 .LBB2_2-.Ltmp1, $4  }
0x35: {  	[spmem:s3] =	stream.indirect.scatter.add.f32 [tilespmem:s16], [sflag:$0x2], $0x80, s19, s15, $0xb8;
	[tilespmem:$0x19400] =	vst v63  }
0x36: {  	_ =	swait.ge [sflag:s13], $0x3E80  }
0x37: {  	[sflag:s13] =	ssyncset.done $0x0  }
0x38: {  	[sflag:s13] =	ssyncadd.s32 $0xFFFFC180  }
0x39: {  	s4 =	sadd.s32 $0x1, s4  }
0x3a: {  	p0 =	sne.s32 s4, s11  }
.Ltmp2:
0x3b: {  	[bflag:$0x0] =	sbarrier.arrive $0xFFFF;
	(pc) =	sbr.rel @p0 .LBB2_1-.Ltmp2, $4  }
0x3c: {  	[hbm:s10], [sflag:s8] =	dma.local [spmem:s12], $0x2780  }
0x3d: {  	_ =	swait.ge [sflag:s13], $0x2780  }
0x3e: {  	[sflag:s13] =	ssyncset.done $0x0  }
0x3f: {  	[sflag:s13] =	ssyncadd.s32 $0xFFFFD880  }
0x40: {  	_ =	sfence.sel $0x180000  }
0x41: {  	[bflag:$0x0] =	sbarrier.arrive $0xFFFF  }
0x42: {  	p0 =	sne.s32 s0, $0x0;
	_ =	strace $0x90000059  }
0x43: {  	s0 =	sadd.s32 @!p0 $0x100000, s1;
	[bflag:$0x2] =	sbarrier.arrive $0xFFFF  }
0x44: {  	[sflag:s0] =	ssyncadd.tile.s32 @!p0 $0x1;
	_ =	shalt  }
.Lfunc_end2:
_tile_overlayer_lowered:
.L_overlay_start_2:
0x45: {  	(tag) =	ssettag $0x2  }
0x46: {  	s0 =	rddreg [dreg:$0x0];
	s2 =	stileid.u32  }
0x47: {  	s1 =	rddreg [dreg:$0x1];
	p0 =	sne.s32 s2, $0x0  }
0x48: {  	s3 =	rddreg [dreg:$0x2];
	[bflag:$0x3] =	sbarrier.arrive $0xFFFF;
	s2 =	simm.s32 @!p0 $0x1C02  }
0x49: {  	[timem:s3], [sflag:s2] =	dma.local @!p0 [hbm:s0], s1  }
0x4a: {  	s0 =	simm.s32 @!p0 $0x2  }
0x4b: {  	_ =	swait.ge @!p0 [sflag:s0], s1  }
0x4c: {  	s1 =	ssub.s32 @!p0 $0x0, s1;
	[sflag:s0] =	ssyncset.done @!p0 $0x0  }
0x4d: {  	[sflag:s0] =	ssyncadd.s32 @!p0 s1  }
0x4e: {  	[bflag:$0x3] =	sbarrier.arrive $0xFFFF  }
0x4f: {  	_ =	shalt  }

// kernel: kernel.23.cloned.1.call-start
scs
__scs_entry_jumppad:
0x0: {  	(pc) =	sbr.rel $0x88, $3  }
0x1: {  	(tag) =	ssettag $0x0;
	lr =	simm.s32 $0x1  }
0x2: {  	[smem:$0x3F94] =	sst lr;
	_ =	strace $0xD0000000  }
0x3: {  	_ = 	snop  }
0x4: {  	_ = 	snop  }
0x5: {  	_ = 	snop  }
0x6: {  	_ = 	snop  }
0x7: {  	_ = 	snop  }
__scs_overlays_trampoline_lowered:
0x8: {  	[smem:$0x3FA3] =	sst s0  }
0x9: {  	[smem:$0x3FA4] =	sst s1  }
0xa: {  	[smem:$0x3FA5] =	sst s2  }
0xb: {  	[smem:$0x3FA6] =	sst s3  }
0xc: {  	[smem:$0x3FA7] =	sst s4  }
0xd: {  	[smem:$0x3FA8] =	sst s5  }
0xe: {  	[smem:$0x3FA9] =	sst s6  }
0xf: {  	[smem:$0x3FAA] =	sst s7  }
0x10: {  	[smem:$0x3FAB] =	sst s8  }
0x11: {  	[smem:$0x3FAC] =	sst s9;
	s0 =	simm.s32 @!p0 $0x0  }
0x12: {  	s1 =	sld [smem:$0x3F92];
	s0 =	simm.s32 @p0 $0x1  }
0x13: {  	[smem:$0x3FAD] =	sst s0;
	s0 =	simm.s32 @!p1 $0x0  }
0x14: {  	s2 =	sld [smem:$0x3F91];
	s0 =	simm.s32 @p1 $0x1  }
0x15: {  	[smem:$0x3FAE] =	sst s0;
	s0 =	simm.s32 @!p2 $0x0  }
0x16: {  	s3 =	sld [smem:$0x3FDB];
	s0 =	simm.s32 @p2 $0x1  }
0x17: {  	s4 =	simm.s32 $0x1BF5;
	[smem:$0x3FB0] =	sst s0  }
0x18: {  	s0 =	sld [smem:$0x3F93];
	_ =	swait.ge [sflag:s4], $0x0  }
0x19: {  	s7 =	sld [smem:$0x3F94]  }
0x1a: {  	s8 =	sadd.s32 $0xFFFFE003, lr  }
0x1b: {  	s9 =	sadd.s32 $0xFFFFFEF7, lr;
	s5 =	simm.s32 $0xFFFFFFFF;
	p2 =	slt.u32 s8, $0xFFFFF086  }
0x1c: {  	p1 =	slt.u32 s9, $0xF7A;
	s5 =	simm.s32 @!p2 $0x0  }
0x1d: {  	s5 =	simm.s32 @p1 $0x1;
	p0 =	seq.s32 s7, s2  }
0x1e: {  	s7 =	smul.u32 @!p0 $0xF7A, s2;
	p2 =	seq.s32 @!p0 s5, $0x0  }
0x1f: {  	s9 =	smul.u32 $0xF7A, s1;
	s8 =	simm.s32 @!p0 $0x1BF5;
	p2 =	por !p2, p0  }
0x20: {  	[sflag:s8] =	ssyncset.s32 @!p0 $0xFFFFF086;
	s6 =	sadd.s32 @!p0 s3, s7;
	s7 =	simm.s32 @!p0 $0x108  }
0x21: {  	s3 =	sadd.s32 s3, s9;
	s6 =	sadd.s32 @!p0 $0x88, s6;
	s7 =	simm.s32 @p2 $0x1082  }
0x22: {  	[simem:s7], [sflag:s8] =	dma.local @!p0 [hbm:s6], $0xF7A  }
0x23: {  	s9 =	sor.u32 $0xD0000000, s2;
	s6 =	simm.s32 $0x108;
	_ =	swait.ge @!p0 [sflag:s8], $0x0  }
0x24: {  	s3 =	sadd.s32 $0x88, s3;
	s6 =	simm.s32 @!p1 $0x1082;
	[sflag:s4] =	ssyncset.s32 $0xFFFFF086  }
0x25: {  	[simem:s6], [sflag:s4] =	dma.local [hbm:s3], $0xF7A  }
0x26: {  	[smem:$0x3F94] =	sst s1;
	(tag) =	ssettag s2;
	_ =	strace s9  }
0x27: {  	s1 =	sld [smem:$0x3FA4]  }
0x28: {  	s2 =	sld [smem:$0x3FA5]  }
0x29: {  	s4 =	sld [smem:$0x3FA7]  }
0x2a: {  	p0 =	seq.s32 s5, $0x0;
	s5 =	sld [smem:$0x3FA8]  }
0x2b: {  	s6 =	sld [smem:$0x3FA9]  }
0x2c: {  	s7 =	sld [smem:$0x3FAA]  }
0x2d: {  	s3 =	simm.s32 $0x108;
	s8 =	sld [smem:$0x3FAB]  }
0x2e: {  	s3 =	simm.s32 @!p0 $0x1082;
	s9 =	sld [smem:$0x3FAC]  }
0x2f: {  	lr =	sadd.s32 s0, s3;
	s0 =	sld [smem:$0x3FA3]  }
0x30: {  	s3 =	sld [smem:$0x3FA6]  }
0x31: {  	[smem:$0x3FAF] =	sst s10  }
0x32: {  	s10 =	sld [smem:$0x3FAD];
	_ =	sdelay $0x3  }
0x33: {  	p0 =	seq.s32 s10, $0x1;
	s10 =	sld [smem:$0x3FAF];
	_ =	sdelay $0x3  }
0x34: {  	[smem:$0x3FAF] =	sst s10  }
0x35: {  	s10 =	sld [smem:$0x3FAE];
	_ =	sdelay $0x3  }
0x36: {  	p1 =	seq.s32 s10, $0x1;
	s10 =	sld [smem:$0x3FAF];
	_ =	sdelay $0x3  }
0x37: {  	[smem:$0x3FAF] =	sst s10  }
0x38: {  	s10 =	sld [smem:$0x3FB0]  }
0x39: {  	_ = 	snop;
	(pc) =	sbr.ind lr, $3  }
0x3a: {  	_ = 	snop  }
0x3b: {  	_ = 	snop  }
0x3c: {  	p2 =	seq.s32 s10, $0x1;
	s10 =	sld [smem:$0x3FAF]  }
0x3d: {  	_ =	shalt  }
0x3e: {  	_ =	shalt  }
0x3f: {  	_ =	shalt  }
0x40: {  	_ =	shalt  }
0x41: {  	_ =	shalt  }
0x42: {  	_ =	shalt  }
0x43: {  	_ =	shalt  }
0x44: {  	_ =	shalt  }
0x45: {  	_ =	shalt  }
0x46: {  	_ =	shalt  }
0x47: {  	_ =	shalt  }
0x48: {  	_ =	shalt  }
0x49: {  	_ =	shalt  }
0x4a: {  	_ =	shalt  }
0x4b: {  	_ =	shalt  }
0x4c: {  	_ =	shalt  }
0x4d: {  	_ =	shalt  }
0x4e: {  	_ =	shalt  }
0x4f: {  	_ =	shalt  }
0x50: {  	_ =	shalt  }
0x51: {  	_ =	shalt  }
0x52: {  	_ =	shalt  }
0x53: {  	_ =	shalt  }
0x54: {  	_ =	shalt  }
0x55: {  	_ =	shalt  }
0x56: {  	_ =	shalt  }
0x57: {  	_ =	shalt  }
0x58: {  	_ =	shalt  }
0x59: {  	_ =	shalt  }
0x5a: {  	_ =	shalt  }
0x5b: {  	_ =	shalt  }
0x5c: {  	_ =	shalt  }
0x5d: {  	_ =	shalt  }
0x5e: {  	_ =	shalt  }
0x5f: {  	_ =	shalt  }
0x60: {  	_ =	shalt  }
0x61: {  	_ =	shalt  }
0x62: {  	_ =	shalt  }
0x63: {  	_ =	shalt  }
0x64: {  	_ =	shalt  }
0x65: {  	_ =	shalt  }
0x66: {  	_ =	shalt  }
0x67: {  	_ =	shalt  }
0x68: {  	_ =	shalt  }
0x69: {  	_ =	shalt  }
0x6a: {  	_ =	shalt  }
0x6b: {  	_ =	shalt  }
0x6c: {  	_ =	shalt  }
0x6d: {  	_ =	shalt  }
0x6e: {  	_ =	shalt  }
0x6f: {  	_ =	shalt  }
0x70: {  	_ =	shalt  }
0x71: {  	_ =	shalt  }
0x72: {  	_ =	shalt  }
0x73: {  	_ =	shalt  }
0x74: {  	_ =	shalt  }
0x75: {  	_ =	shalt  }
0x76: {  	_ =	shalt  }
0x77: {  	_ =	shalt  }
0x78: {  	_ =	shalt  }
0x79: {  	_ =	shalt  }
0x7a: {  	_ =	shalt  }
0x7b: {  	_ =	shalt  }
0x7c: {  	_ =	shalt  }
0x7d: {  	_ =	shalt  }
0x7e: {  	_ =	shalt  }
0x7f: {  	_ =	shalt  }
0x80: {  	_ =	shalt  }
0x81: {  	_ =	shalt  }
0x82: {  	_ =	shalt  }
0x83: {  	_ =	shalt  }
0x84: {  	_ =	shalt  }
0x85: {  	_ =	shalt  }
0x86: {  	_ =	shalt  }
0x87: {  	_ =	shalt  }
.Lfunc_end0:
.L_simem_size_0:
called_computation.10_lowered:
.L_overlay_start_0:
0x88: {  	s2 =	sld [smem:$0x3FD9]  }
0x89: {  	s3 =	sld [smem:$0x3FFE];
	_ =	sdelay $0x1  }
0x8a: {  	s1 =	srdreg.scid  }
0x8b: {  	s0 =	sand.u32 $0x1, s1  }
0x8c: {  	s16 =	sshll.u32 s0, $0xA;
	s2 =	sadd.s32 s3, s2  }
0x8d: {  	s2 =	sadd.s32 s2, s16  }
0x8e: {  	[smem:$0x3FBB] =	sst s2  }
0x8f: {  	_ = 	snop  }
0x90: {  	(tm) =	ssettm $0x1  }
0x91: {  	s17 =	sld [smem:$0x3FFB];
	_ =	sdelay $0x3  }
0x92: {  	_ =	strace s17  }
0x93: {  	s2 =	sld [smem:$0x3FFC];
	_ =	sdelay $0x3  }
0x94: {  	_ =	strace s2  }
0x95: {  	s2 =	sld [smem:$0x3FFD];
	_ =	sdelay $0x3  }
0x96: {  	_ =	strace s2  }
0x97: {  	_ =	strace $0x8FFFFFFF  }
0x98: {  	s18 =	sld [smem:$0x3FDB];
	_ =	sdelay $0x1  }
0x99: {  	s19 =	simm.s32 $_scs_section_size  }
0x9a: {  	s4 =	simm.s32 $_size__tile_overlayer_lowered;
	s5 =	simm.s32 $_tile_overlayer_lowered  }
0x9b: {  	s22 =	simm.s32 $0x1BFF;
	s21 =	sshll.u32 s5, $0x1;
	s2 =	sadd.s32 s19, s18  }
0x9c: {  	s6 =	simm.s32 $0x0;
	s20 =	sshll.u32 s4, $0x1;
	s4 =	sadd.s32 s21, s2  }
0x9d: {  	[timem:s6], [sflag:s22] =	dma.local [hbm:s4], s20  }
0x9e: {  	_ =	swait.ge [sflag:s22], s20  }
0x9f: {  	s3 =	ssub.s32 $0x0, s20;
	[sflag:s22] =	ssyncset.done $0x0  }
0xa0: {  	[sflag:s22] =	ssyncadd.s32 s3;
	_ =	sdelay $0x1  }
0xa1: {  	s23 =	simm.s32 $0x1B8B  }
0xa2: {  	_ =	swait.ge [sflag:s23], $0x1  }
0xa3: {  	[sflag:s23] =	ssyncset.done $0x0  }
0xa4: {  	s25 =	simm.s32 $0x1B8E;
	s24 =	sld [smem:$0x3FFE];
	[sflag:s23] =	ssyncadd.s32 $0xFFFFFFFF  }
0xa5: {  	s26 =	simm.s32 $execute0_lowered;
	[smem:$0x3FD2] =	sst s25  }
0xa6: {  	s4 =	sshll.u32 s26, $0x1;
	_ =	strace $0x8000005B;
	[dreg:$0x1] =	wrdreg $0xFFFFFFFF  }
0xa7: {  	s28 =	simm.s32 $_size_execute0_lowered;
	s2 =	sadd.s32 s2, s4;
	[dreg:$0x0] =	wrdreg $0x0  }
0xa8: {  	s4 =	sshll.u32 s28, $0x1;
	[dreg:$0x2] =	wrdreg s2  }
0xa9: {  	[dreg:$0x3] =	wrdreg s4  }
0xaa: {  	[dreg:$0x4] =	wrdreg $0xC0  }
0xab: {  	_ =	task [dreg:s6], $0x5FFFF  }
0xac: {  	[dreg:$0x1] =	wrdreg $0xFFFFFFFF  }
0xad: {  	[dreg:$0x0] =	wrdreg $0x60  }
0xae: {  	[dreg:$0x2] =	wrdreg s24  }
0xaf: {  	[dreg:$0x3] =	wrdreg $0x58000  }
0xb0: {  	[dreg:$0x4] =	wrdreg $0x9  }
0xb1: {  	_ =	task.clear_ibuf [dreg:s6], $0x5FFFF;
	_ =	strace $0x9000005B  }
0xb2: {  	s29 =	simm.s32 $0x9;
	_ =	strace $0x8000005D  }
0xb3: {  	_ =	swait.ge [sflag:s29], $0x1  }
0xb4: {  	[sflag:s29] =	ssyncadd.s32 $0xFFFFFFFF  }
0xb5: {  	_ =	strace $0x9000005D  }
0xb6: {  	_ =	sfence  }
0xb7: {  	s30 =	sld [smem:$0x0];
	_ =	sdelay $0x2  }
0xb8: {  	s31 =	sshll.u32 s1, $0xD;
	s1 =	sshrl.u32 s1, $0x2  }
0xb9: {  	s3 =	sand.u32 $0x4000, s31;
	s1 =	sadd.s32 s1, s30  }
0xba: {  	s0 =	sor.u32 s3, s0;
	s1 =	sshll.u32 s1, $0x11  }
0xbb: {  	s0 =	sor.u32 s1, s0  }
0xbc: {  	s0 =	sadd.s32 $0x8F2B, s0  }
0xbd: {  	[sflag:s0] =	ssyncadd.remote.s32 $0x1  }
0xbe: {  	_ =	sfence.sel $0xFFFF  }
0xbf: {  	[dreg:$0x0] =	wrdreg $0xFFFFFFFF;
	(pc) =	sbr.abs _section_cstart, $3  }
0xc0: {  	[dreg:$0x1] =	wrdreg $0xFFFFFFFF  }
0xc1: {  	_ =	task.clear_ibuf [dreg:s6], $0x2FFFF;
	_ =	strace $0x9FFFFFFF  }
0xc2: {  	(tm) =	ssettm $0x7FFFFFFF  }
0xc3: {  	_ =	shalt  }
tec
execute0_lowered:
.L_overlay_start_1:
0x0: {  	(tag) =	ssettag $0x1  }
0x1: {  	s2 =	rddreg [dreg:$0x0]  }
0x2: {  	s3 =	rddreg [dreg:$0x1];
	s0 =	stileid.u32  }
0x3: {  	s5 =	srdreg.scid;
	s1 =	rddreg [dreg:$0x2]  }
0x4: {  	s4 =	simm.s32 $0x0;
	s15 =	simm.s32 $0x7D;
	s16 =	simm.s32 $0x1800  }
0x5: {  	s17 =	simm.s32 $0x1;
	s6 =	smul.u32 $0x13C00, s0;
	s7 =	sand.u32 $0x1, s5  }
0x6: {  	[smem:$0x7FF] =	sst s4;
	s5 =	sadd.s32 $0x72A00, s2;
	s11 =	smul.u32 $0x4F000, s0  }
0x7: {  	s29 =	sshll.u32 s0, $0x6;
	s9 =	smul.u32 $0x13C000, s7;
	_ =	strace $0x8000005C  }
0x8: {  	s10 =	ssub.s32 $0x2, s7;
	s30 =	sshll.u32 s7, $0x4;
	s8 =	sshrl.u32 s6, $0x3  }
0x9: {  	s12 =	sshrl.u32 s10, $0x1;
	s28 =	sshrl.u32 s11, $0x2;
	s31 =	sor.u32 s0, s30  }
0xa: {  	s8 =	sadd.s32 s8, s2;
	s9 =	sadd.s32 s6, s9;
	s6 =	sadd.s32 $0x39200, s2  }
0xb: {  	s12 =	ssub.s32 s10, s12;
	s14 =	sadd.s32 s28, s3;
	s9 =	sshrl.u32 s9, $0x3  }
0xc: {  	s7 =	sadd.s32 $0x4B200, s8;
	s8 =	sor.u32 $0x1C02, s29;
	s11 =	smax.u32 s12, $0x1  }
0xd: {  	s12 =	sshrl.u32 s14, $0x3;
	s14 =	simm.s32 $0xC00;
	s13 =	sadd.s32 s9, s2  }
0xe: {  	s9 =	smul.u32 $0x4800, s31;
	s10 =	sadd.s32 $0x99C00, s13;
	s13 =	simm.s32 $0x2  }
.LBB2_1:
0xf: {  	[spmem:s12], [sflag:s8] =	dma.local [hbm:s7], $0x2780  }
0x10: {  	_ =	swait.ge [sflag:s13], $0x2780  }
0x11: {  	[sflag:s13] =	ssyncset.done $0x0  }
0x12: {  	[sflag:s13] =	ssyncadd.s32 $0xFFFFD880  }
0x13: {  	s18 =	simm.s32 $0x0;
	[bflag:$0x0] =	sbarrier.arrive $0xFFFF  }
.LBB2_2:
0x14: {  	s19 =	smul.u32 $0xC00, s18;
	_ =	sdelay $0x1  }
0x15: {  	s19 =	sadd.s32 s9, s19  }
0x16: {  	s19 =	sshrl.u32 s19, $0x3  }
0x17: {  	s21 =	simm.s32 $0x0;
	s20 =	sadd.s32 s2, s19  }
0x18: {  	[tilespmem:s21], [sflag:$0x2] =	stream.linear.gather [hbm4b:s20+s21], $0xC00, $0x38;
	[tilespmem:$0x19400] =	vst v63  }
0x19: {  	_ =	swait.ge [sflag:s13], $0xC00  }
0x1a: {  	[sflag:s13] =	ssyncset.done $0x0  }
0x1b: {  	s19 =	sadd.s32 s6, s19;
	[sflag:s13] =	ssyncadd.s32 $0xFFFFF400  }
0x1c: {  	[tilespmem:s14], [sflag:$0x2] =	stream.linear.gather [hbm4b:s19+s21], $0xC00, $0x38;
	[tilespmem:$0x19400] =	vst v63  }
0x1d: {  	_ =	swait.ge [sflag:s13], $0xC00  }
0x1e: {  	[sflag:s13] =	ssyncset.done $0x0  }
0x1f: {  	s30 =	simm.s32 $0x0;
	[sflag:s13] =	ssyncadd.s32 $0xFFFFF400  }
0x20: {  	[tilespmem:s16], [sflag:$0x1] =	stream.indirect.gather [hbm4b:s5+s15], $0x80, s30, s15, $0xb8;
	[tilespmem:$0x19400] =	vst v63  }
0x21: {  	_ =	swait.ge [sflag:s17], $0x3E80  }
0x22: {  	[sflag:s17] =	ssyncset.done $0x0  }
0x23: {  	s31 =	simm.s32 $0xC00;
	[sflag:s17] =	ssyncadd.s32 $0xFFFFC180  }
0x24: {  	[spmem:s3] =	stream.indirect.scatter.add.f32 [tilespmem:s16], [sflag:$0x2], $0x80, s31, s15, $0xb8;
	[tilespmem:$0x19400] =	vst v63  }
0x25: {  	_ =	swait.ge [sflag:s13], $0x3E80  }
0x26: {  	s20 =	simm.s32 $0x400;
	s19 =	simm.s32 $0x200;
	[sflag:s13] =	ssyncset.done $0x0  }
.LBB2_3:
0x27: {  	s21 =	sshra.s32 s19, $0x2  }
0x28: {  	[sflag:s13] =	ssyncadd.s32 $0xFFFFC180;
	s19 =	smov.u32 s20;
	s22 =	sadd.s32 $0x200, s20  }
0x29: {  	[tilespmem:s16], [sflag:$0x1] =	stream.indirect.gather [hbm4b:s5+s15], $0x80, s21, s15, $0xb8;
	[tilespmem:$0x19400] =	vst v63  }
0x2a: {  	p0 =	sne.s32 s20, $0x2E00;
	_ =	swait.ge [sflag:s17], $0x3E80  }
.Ltmp0:
0x2b: {  	[sflag:s17] =	ssyncset.done $0x0;
	(pc) =	sbr.rel @p0 .LBB2_3-.Ltmp0, $4  }
0x2c: {  	s20 =	sadd.s32 $0xC00, s21;
	[sflag:s17] =	ssyncadd.s32 $0xFFFFC180  }
0x2d: {  	[spmem:s3] =	stream.indirect.scatter.add.f32 [tilespmem:s16], [sflag:$0x2], $0x80, s20, s15, $0xb8;
	[tilespmem:$0x19400] =	vst v63  }
0x2e: {  	_ =	swait.ge [sflag:s13], $0x3E80  }
0x2f: {  	s20 =	smov.u32 s22;
	[sflag:s13] =	ssyncset.done $0x0  }
0x30: {  	s19 =	sshra.s32 s19, $0x2;
	[sflag:s13] =	ssyncadd.s32 $0xFFFFC180  }
0x31: {  	[tilespmem:s16], [sflag:$0x1] =	stream.indirect.gather [hbm4b:s5+s15], $0x80, s19, s15, $0xb8;
	[tilespmem:$0x19400] =	vst v63  }
0x32: {  	s18 =	sadd.s32 $0x1, s18;
	_ =	swait.ge [sflag:s17], $0x3E80  }
0x33: {  	p0 =	sne.s32 s18, $0x6;
	[sflag:s17] =	ssyncset.done $0x0  }
.Ltmp1:
0x34: {  	s19 =	sadd.s32 $0xC00, s19;
	[sflag:s17] =	ssyncadd.s32 $0xFFFFC180;
	(pc) =	sbr.rel @p0 .LBB2_2-.Ltmp1, $4  }
0x35: {  	[spmem:s3] =	stream.indirect.scatter.add.f32 [tilespmem:s16], [sflag:$0x2], $0x80, s19, s15, $0xb8;
	[tilespmem:$0x19400] =	vst v63  }
0x36: {  	_ =	swait.ge [sflag:s13], $0x3E80  }
0x37: {  	[sflag:s13] =	ssyncset.done $0x0  }
0x38: {  	[sflag:s13] =	ssyncadd.s32 $0xFFFFC180  }
0x39: {  	s4 =	sadd.s32 $0x1, s4  }
0x3a: {  	p0 =	sne.s32 s4, s11  }
.Ltmp2:
0x3b: {  	[bflag:$0x0] =	sbarrier.arrive $0xFFFF;
	(pc) =	sbr.rel @p0 .LBB2_1-.Ltmp2, $4  }
0x3c: {  	[hbm:s10], [sflag:s8] =	dma.local [spmem:s12], $0x2780  }
0x3d: {  	_ =	swait.ge [sflag:s13], $0x2780  }
0x3e: {  	[sflag:s13] =	ssyncset.done $0x0  }
0x3f: {  	[sflag:s13] =	ssyncadd.s32 $0xFFFFD880  }
0x40: {  	_ =	sfence.sel $0x180000  }
0x41: {  	[bflag:$0x0] =	sbarrier.arrive $0xFFFF  }
0x42: {  	p0 =	sne.s32 s0, $0x0;
	_ =	strace $0x9000005C  }
0x43: {  	s0 =	sadd.s32 @!p0 $0x100000, s1;
	[bflag:$0x2] =	sbarrier.arrive $0xFFFF  }
0x44: {  	[sflag:s0] =	ssyncadd.tile.s32 @!p0 $0x1;
	_ =	shalt  }
.Lfunc_end2:
_tile_overlayer_lowered:
.L_overlay_start_2:
0x45: {  	(tag) =	ssettag $0x2  }
0x46: {  	s0 =	rddreg [dreg:$0x0];
	s2 =	stileid.u32  }
0x47: {  	s1 =	rddreg [dreg:$0x1];
	p0 =	sne.s32 s2, $0x0  }
0x48: {  	s3 =	rddreg [dreg:$0x2];
	[bflag:$0x3] =	sbarrier.arrive $0xFFFF;
	s2 =	simm.s32 @!p0 $0x1C02  }
0x49: {  	[timem:s3], [sflag:s2] =	dma.local @!p0 [hbm:s0], s1  }
0x4a: {  	s0 =	simm.s32 @!p0 $0x2  }
0x4b: {  	_ =	swait.ge @!p0 [sflag:s0], s1  }
0x4c: {  	s1 =	ssub.s32 @!p0 $0x0, s1;
	[sflag:s0] =	ssyncset.done @!p0 $0x0  }
0x4d: {  	[sflag:s0] =	ssyncadd.s32 @!p0 s1  }
0x4e: {  	[bflag:$0x3] =	sbarrier.arrive $0xFFFF  }
0x4f: {  	_ =	shalt  }

// kernel: kernel.26.cloned.1.call-start
scs
__scs_entry_jumppad:
0x0: {  	(pc) =	sbr.rel $0x88, $3  }
0x1: {  	(tag) =	ssettag $0x0;
	lr =	simm.s32 $0x1  }
0x2: {  	[smem:$0x3F94] =	sst lr;
	_ =	strace $0xD0000000  }
0x3: {  	_ = 	snop  }
0x4: {  	_ = 	snop  }
0x5: {  	_ = 	snop  }
0x6: {  	_ = 	snop  }
0x7: {  	_ = 	snop  }
__scs_overlays_trampoline_lowered:
0x8: {  	[smem:$0x3FA3] =	sst s0  }
0x9: {  	[smem:$0x3FA4] =	sst s1  }
0xa: {  	[smem:$0x3FA5] =	sst s2  }
0xb: {  	[smem:$0x3FA6] =	sst s3  }
0xc: {  	[smem:$0x3FA7] =	sst s4  }
0xd: {  	[smem:$0x3FA8] =	sst s5  }
0xe: {  	[smem:$0x3FA9] =	sst s6  }
0xf: {  	[smem:$0x3FAA] =	sst s7  }
0x10: {  	[smem:$0x3FAB] =	sst s8  }
0x11: {  	[smem:$0x3FAC] =	sst s9;
	s0 =	simm.s32 @!p0 $0x0  }
0x12: {  	s1 =	sld [smem:$0x3F92];
	s0 =	simm.s32 @p0 $0x1  }
0x13: {  	[smem:$0x3FAD] =	sst s0;
	s0 =	simm.s32 @!p1 $0x0  }
0x14: {  	s2 =	sld [smem:$0x3F91];
	s0 =	simm.s32 @p1 $0x1  }
0x15: {  	[smem:$0x3FAE] =	sst s0;
	s0 =	simm.s32 @!p2 $0x0  }
0x16: {  	s3 =	sld [smem:$0x3FDB];
	s0 =	simm.s32 @p2 $0x1  }
0x17: {  	s4 =	simm.s32 $0x1BF5;
	[smem:$0x3FB0] =	sst s0  }
0x18: {  	s0 =	sld [smem:$0x3F93];
	_ =	swait.ge [sflag:s4], $0x0  }
0x19: {  	s7 =	sld [smem:$0x3F94]  }
0x1a: {  	s8 =	sadd.s32 $0xFFFFE003, lr  }
0x1b: {  	s9 =	sadd.s32 $0xFFFFFEF7, lr;
	s5 =	simm.s32 $0xFFFFFFFF;
	p2 =	slt.u32 s8, $0xFFFFF086  }
0x1c: {  	p1 =	slt.u32 s9, $0xF7A;
	s5 =	simm.s32 @!p2 $0x0  }
0x1d: {  	s5 =	simm.s32 @p1 $0x1;
	p0 =	seq.s32 s7, s2  }
0x1e: {  	s7 =	smul.u32 @!p0 $0xF7A, s2;
	p2 =	seq.s32 @!p0 s5, $0x0  }
0x1f: {  	s9 =	smul.u32 $0xF7A, s1;
	s8 =	simm.s32 @!p0 $0x1BF5;
	p2 =	por !p2, p0  }
0x20: {  	[sflag:s8] =	ssyncset.s32 @!p0 $0xFFFFF086;
	s6 =	sadd.s32 @!p0 s3, s7;
	s7 =	simm.s32 @!p0 $0x108  }
0x21: {  	s3 =	sadd.s32 s3, s9;
	s6 =	sadd.s32 @!p0 $0x88, s6;
	s7 =	simm.s32 @p2 $0x1082  }
0x22: {  	[simem:s7], [sflag:s8] =	dma.local @!p0 [hbm:s6], $0xF7A  }
0x23: {  	s9 =	sor.u32 $0xD0000000, s2;
	s6 =	simm.s32 $0x108;
	_ =	swait.ge @!p0 [sflag:s8], $0x0  }
0x24: {  	s3 =	sadd.s32 $0x88, s3;
	s6 =	simm.s32 @!p1 $0x1082;
	[sflag:s4] =	ssyncset.s32 $0xFFFFF086  }
0x25: {  	[simem:s6], [sflag:s4] =	dma.local [hbm:s3], $0xF7A  }
0x26: {  	[smem:$0x3F94] =	sst s1;
	(tag) =	ssettag s2;
	_ =	strace s9  }
0x27: {  	s1 =	sld [smem:$0x3FA4]  }
0x28: {  	s2 =	sld [smem:$0x3FA5]  }
0x29: {  	s4 =	sld [smem:$0x3FA7]  }
0x2a: {  	p0 =	seq.s32 s5, $0x0;
	s5 =	sld [smem:$0x3FA8]  }
0x2b: {  	s6 =	sld [smem:$0x3FA9]  }
0x2c: {  	s7 =	sld [smem:$0x3FAA]  }
0x2d: {  	s3 =	simm.s32 $0x108;
	s8 =	sld [smem:$0x3FAB]  }
0x2e: {  	s3 =	simm.s32 @!p0 $0x1082;
	s9 =	sld [smem:$0x3FAC]  }
0x2f: {  	lr =	sadd.s32 s0, s3;
	s0 =	sld [smem:$0x3FA3]  }
0x30: {  	s3 =	sld [smem:$0x3FA6]  }
0x31: {  	[smem:$0x3FAF] =	sst s10  }
0x32: {  	s10 =	sld [smem:$0x3FAD];
	_ =	sdelay $0x3  }
0x33: {  	p0 =	seq.s32 s10, $0x1;
	s10 =	sld [smem:$0x3FAF];
	_ =	sdelay $0x3  }
0x34: {  	[smem:$0x3FAF] =	sst s10  }
0x35: {  	s10 =	sld [smem:$0x3FAE];
	_ =	sdelay $0x3  }
0x36: {  	p1 =	seq.s32 s10, $0x1;
	s10 =	sld [smem:$0x3FAF];
	_ =	sdelay $0x3  }
0x37: {  	[smem:$0x3FAF] =	sst s10  }
0x38: {  	s10 =	sld [smem:$0x3FB0]  }
0x39: {  	_ = 	snop;
	(pc) =	sbr.ind lr, $3  }
0x3a: {  	_ = 	snop  }
0x3b: {  	_ = 	snop  }
0x3c: {  	p2 =	seq.s32 s10, $0x1;
	s10 =	sld [smem:$0x3FAF]  }
0x3d: {  	_ =	shalt  }
0x3e: {  	_ =	shalt  }
0x3f: {  	_ =	shalt  }
0x40: {  	_ =	shalt  }
0x41: {  	_ =	shalt  }
0x42: {  	_ =	shalt  }
0x43: {  	_ =	shalt  }
0x44: {  	_ =	shalt  }
0x45: {  	_ =	shalt  }
0x46: {  	_ =	shalt  }
0x47: {  	_ =	shalt  }
0x48: {  	_ =	shalt  }
0x49: {  	_ =	shalt  }
0x4a: {  	_ =	shalt  }
0x4b: {  	_ =	shalt  }
0x4c: {  	_ =	shalt  }
0x4d: {  	_ =	shalt  }
0x4e: {  	_ =	shalt  }
0x4f: {  	_ =	shalt  }
0x50: {  	_ =	shalt  }
0x51: {  	_ =	shalt  }
0x52: {  	_ =	shalt  }
0x53: {  	_ =	shalt  }
0x54: {  	_ =	shalt  }
0x55: {  	_ =	shalt  }
0x56: {  	_ =	shalt  }
0x57: {  	_ =	shalt  }
0x58: {  	_ =	shalt  }
0x59: {  	_ =	shalt  }
0x5a: {  	_ =	shalt  }
0x5b: {  	_ =	shalt  }
0x5c: {  	_ =	shalt  }
0x5d: {  	_ =	shalt  }
0x5e: {  	_ =	shalt  }
0x5f: {  	_ =	shalt  }
0x60: {  	_ =	shalt  }
0x61: {  	_ =	shalt  }
0x62: {  	_ =	shalt  }
0x63: {  	_ =	shalt  }
0x64: {  	_ =	shalt  }
0x65: {  	_ =	shalt  }
0x66: {  	_ =	shalt  }
0x67: {  	_ =	shalt  }
0x68: {  	_ =	shalt  }
0x69: {  	_ =	shalt  }
0x6a: {  	_ =	shalt  }
0x6b: {  	_ =	shalt  }
0x6c: {  	_ =	shalt  }
0x6d: {  	_ =	shalt  }
0x6e: {  	_ =	shalt  }
0x6f: {  	_ =	shalt  }
0x70: {  	_ =	shalt  }
0x71: {  	_ =	shalt  }
0x72: {  	_ =	shalt  }
0x73: {  	_ =	shalt  }
0x74: {  	_ =	shalt  }
0x75: {  	_ =	shalt  }
0x76: {  	_ =	shalt  }
0x77: {  	_ =	shalt  }
0x78: {  	_ =	shalt  }
0x79: {  	_ =	shalt  }
0x7a: {  	_ =	shalt  }
0x7b: {  	_ =	shalt  }
0x7c: {  	_ =	shalt  }
0x7d: {  	_ =	shalt  }
0x7e: {  	_ =	shalt  }
0x7f: {  	_ =	shalt  }
0x80: {  	_ =	shalt  }
0x81: {  	_ =	shalt  }
0x82: {  	_ =	shalt  }
0x83: {  	_ =	shalt  }
0x84: {  	_ =	shalt  }
0x85: {  	_ =	shalt  }
0x86: {  	_ =	shalt  }
0x87: {  	_ =	shalt  }
.Lfunc_end0:
.L_simem_size_0:
called_computation.11_lowered:
.L_overlay_start_0:
0x88: {  	s2 =	sld [smem:$0x3FD9]  }
0x89: {  	s3 =	sld [smem:$0x3FFE];
	_ =	sdelay $0x1  }
0x8a: {  	s1 =	srdreg.scid  }
0x8b: {  	s0 =	sand.u32 $0x1, s1  }
0x8c: {  	s16 =	sshll.u32 s0, $0xA;
	s2 =	sadd.s32 s3, s2  }
0x8d: {  	s2 =	sadd.s32 s2, s16  }
0x8e: {  	[smem:$0x3FBB] =	sst s2  }
0x8f: {  	_ = 	snop  }
0x90: {  	(tm) =	ssettm $0x1  }
0x91: {  	s17 =	sld [smem:$0x3FFB];
	_ =	sdelay $0x3  }
0x92: {  	_ =	strace s17  }
0x93: {  	s2 =	sld [smem:$0x3FFC];
	_ =	sdelay $0x3  }
0x94: {  	_ =	strace s2  }
0x95: {  	s2 =	sld [smem:$0x3FFD];
	_ =	sdelay $0x3  }
0x96: {  	_ =	strace s2  }
0x97: {  	_ =	strace $0x8FFFFFFF  }
0x98: {  	s18 =	sld [smem:$0x3FDB];
	_ =	sdelay $0x1  }
0x99: {  	s19 =	simm.s32 $_scs_section_size  }
0x9a: {  	s4 =	simm.s32 $_size__tile_overlayer_lowered;
	s5 =	simm.s32 $_tile_overlayer_lowered  }
0x9b: {  	s22 =	simm.s32 $0x1BFF;
	s21 =	sshll.u32 s5, $0x1;
	s2 =	sadd.s32 s19, s18  }
0x9c: {  	s6 =	simm.s32 $0x0;
	s20 =	sshll.u32 s4, $0x1;
	s4 =	sadd.s32 s21, s2  }
0x9d: {  	[timem:s6], [sflag:s22] =	dma.local [hbm:s4], s20  }
0x9e: {  	_ =	swait.ge [sflag:s22], s20  }
0x9f: {  	s3 =	ssub.s32 $0x0, s20;
	[sflag:s22] =	ssyncset.done $0x0  }
0xa0: {  	[sflag:s22] =	ssyncadd.s32 s3;
	_ =	sdelay $0x1  }
0xa1: {  	s23 =	simm.s32 $0x1B8B  }
0xa2: {  	_ =	swait.ge [sflag:s23], $0x1  }
0xa3: {  	[sflag:s23] =	ssyncset.done $0x0  }
0xa4: {  	s25 =	simm.s32 $0x1B8E;
	s24 =	sld [smem:$0x3FFE];
	[sflag:s23] =	ssyncadd.s32 $0xFFFFFFFF  }
0xa5: {  	s26 =	simm.s32 $execute0_lowered;
	[smem:$0x3FD2] =	sst s25  }
0xa6: {  	s4 =	sshll.u32 s26, $0x1;
	_ =	strace $0x8000005E;
	[dreg:$0x1] =	wrdreg $0xFFFFFFFF  }
0xa7: {  	s28 =	simm.s32 $_size_execute0_lowered;
	s2 =	sadd.s32 s2, s4;
	[dreg:$0x0] =	wrdreg $0x0  }
0xa8: {  	s4 =	sshll.u32 s28, $0x1;
	[dreg:$0x2] =	wrdreg s2  }
0xa9: {  	[dreg:$0x3] =	wrdreg s4  }
0xaa: {  	[dreg:$0x4] =	wrdreg $0xC0  }
0xab: {  	_ =	task [dreg:s6], $0x5FFFF  }
0xac: {  	[dreg:$0x1] =	wrdreg $0xFFFFFFFF  }
0xad: {  	[dreg:$0x0] =	wrdreg $0x60  }
0xae: {  	[dreg:$0x2] =	wrdreg s24  }
0xaf: {  	[dreg:$0x3] =	wrdreg $0x58000  }
0xb0: {  	[dreg:$0x4] =	wrdreg $0x9  }
0xb1: {  	_ =	task.clear_ibuf [dreg:s6], $0x5FFFF;
	_ =	strace $0x9000005E  }
0xb2: {  	s29 =	simm.s32 $0x9;
	_ =	strace $0x80000060  }
0xb3: {  	_ =	swait.ge [sflag:s29], $0x1  }
0xb4: {  	[sflag:s29] =	ssyncadd.s32 $0xFFFFFFFF  }
0xb5: {  	_ =	strace $0x90000060  }
0xb6: {  	_ =	sfence  }
0xb7: {  	s30 =	sld [smem:$0x0];
	_ =	sdelay $0x2  }
0xb8: {  	s31 =	sshll.u32 s1, $0xD;
	s1 =	sshrl.u32 s1, $0x2  }
0xb9: {  	s3 =	sand.u32 $0x4000, s31;
	s1 =	sadd.s32 s1, s30  }
0xba: {  	s0 =	sor.u32 s3, s0;
	s1 =	sshll.u32 s1, $0x11  }
0xbb: {  	s0 =	sor.u32 s1, s0  }
0xbc: {  	s0 =	sadd.s32 $0x8F2B, s0  }
0xbd: {  	[sflag:s0] =	ssyncadd.remote.s32 $0x1  }
0xbe: {  	_ =	sfence.sel $0xFFFF  }
0xbf: {  	[dreg:$0x0] =	wrdreg $0xFFFFFFFF;
	(pc) =	sbr.abs _section_cstart, $3  }
0xc0: {  	[dreg:$0x1] =	wrdreg $0xFFFFFFFF  }
0xc1: {  	_ =	task.clear_ibuf [dreg:s6], $0x2FFFF;
	_ =	strace $0x9FFFFFFF  }
0xc2: {  	(tm) =	ssettm $0x7FFFFFFF  }
0xc3: {  	_ =	shalt  }
tec
execute0_lowered:
.L_overlay_start_1:
0x0: {  	(tag) =	ssettag $0x1  }
0x1: {  	s2 =	rddreg [dreg:$0x0]  }
0x2: {  	s3 =	rddreg [dreg:$0x1];
	s0 =	stileid.u32  }
0x3: {  	s5 =	srdreg.scid;
	s1 =	rddreg [dreg:$0x2]  }
0x4: {  	s4 =	simm.s32 $0x0;
	s15 =	simm.s32 $0x7D;
	s16 =	simm.s32 $0x1800  }
0x5: {  	s17 =	simm.s32 $0x1;
	s6 =	smul.u32 $0x13C00, s0;
	s7 =	sand.u32 $0x1, s5  }
0x6: {  	[smem:$0x7FF] =	sst s4;
	s5 =	sadd.s32 $0x72A00, s2;
	s11 =	smul.u32 $0x4F000, s0  }
0x7: {  	s29 =	sshll.u32 s0, $0x6;
	s9 =	smul.u32 $0x13C000, s7;
	_ =	strace $0x8000005F  }
0x8: {  	s10 =	ssub.s32 $0x2, s7;
	s30 =	sshll.u32 s7, $0x4;
	s8 =	sshrl.u32 s6, $0x3  }
0x9: {  	s12 =	sshrl.u32 s10, $0x1;
	s28 =	sshrl.u32 s11, $0x2;
	s31 =	sor.u32 s0, s30  }
0xa: {  	s8 =	sadd.s32 s8, s2;
	s9 =	sadd.s32 s6, s9;
	s6 =	sadd.s32 $0x39200, s2  }
0xb: {  	s12 =	ssub.s32 s10, s12;
	s14 =	sadd.s32 s28, s3;
	s9 =	sshrl.u32 s9, $0x3  }
0xc: {  	s7 =	sadd.s32 $0x4B200, s8;
	s8 =	sor.u32 $0x1C02, s29;
	s11 =	smax.u32 s12, $0x1  }
0xd: {  	s12 =	sshrl.u32 s14, $0x3;
	s14 =	simm.s32 $0xC00;
	s13 =	sadd.s32 s9, s2  }
0xe: {  	s9 =	smul.u32 $0x4800, s31;
	s10 =	sadd.s32 $0x99C00, s13;
	s13 =	simm.s32 $0x2  }
.LBB2_1:
0xf: {  	[spmem:s12], [sflag:s8] =	dma.local [hbm:s7], $0x2780  }
0x10: {  	_ =	swait.ge [sflag:s13], $0x2780  }
0x11: {  	[sflag:s13] =	ssyncset.done $0x0  }
0x12: {  	[sflag:s13] =	ssyncadd.s32 $0xFFFFD880  }
0x13: {  	s18 =	simm.s32 $0x0;
	[bflag:$0x0] =	sbarrier.arrive $0xFFFF  }
.LBB2_2:
0x14: {  	s19 =	smul.u32 $0xC00, s18;
	_ =	sdelay $0x1  }
0x15: {  	s19 =	sadd.s32 s9, s19  }
0x16: {  	s19 =	sshrl.u32 s19, $0x3  }
0x17: {  	s21 =	simm.s32 $0x0;
	s20 =	sadd.s32 s2, s19  }
0x18: {  	[tilespmem:s21], [sflag:$0x2] =	stream.linear.gather [hbm4b:s20+s21], $0xC00, $0x38;
	[tilespmem:$0x19400] =	vst v63  }
0x19: {  	_ =	swait.ge [sflag:s13], $0xC00  }
0x1a: {  	[sflag:s13] =	ssyncset.done $0x0  }
0x1b: {  	s19 =	sadd.s32 s6, s19;
	[sflag:s13] =	ssyncadd.s32 $0xFFFFF400  }
0x1c: {  	[tilespmem:s14], [sflag:$0x2] =	stream.linear.gather [hbm4b:s19+s21], $0xC00, $0x38;
	[tilespmem:$0x19400] =	vst v63  }
0x1d: {  	_ =	swait.ge [sflag:s13], $0xC00  }
0x1e: {  	[sflag:s13] =	ssyncset.done $0x0  }
0x1f: {  	s30 =	simm.s32 $0x0;
	[sflag:s13] =	ssyncadd.s32 $0xFFFFF400  }
0x20: {  	[tilespmem:s16], [sflag:$0x1] =	stream.indirect.gather [hbm4b:s5+s15], $0x80, s30, s15, $0xb8;
	[tilespmem:$0x19400] =	vst v63  }
0x21: {  	_ =	swait.ge [sflag:s17], $0x3E80  }
0x22: {  	[sflag:s17] =	ssyncset.done $0x0  }
0x23: {  	s31 =	simm.s32 $0xC00;
	[sflag:s17] =	ssyncadd.s32 $0xFFFFC180  }
0x24: {  	[spmem:s3] =	stream.indirect.scatter.add.f32 [tilespmem:s16], [sflag:$0x2], $0x80, s31, s15, $0xb8;
	[tilespmem:$0x19400] =	vst v63  }
0x25: {  	_ =	swait.ge [sflag:s13], $0x3E80  }
0x26: {  	s20 =	simm.s32 $0x400;
	s19 =	simm.s32 $0x200;
	[sflag:s13] =	ssyncset.done $0x0  }
.LBB2_3:
0x27: {  	s21 =	sshra.s32 s19, $0x2  }
0x28: {  	[sflag:s13] =	ssyncadd.s32 $0xFFFFC180;
	s19 =	smov.u32 s20;
	s22 =	sadd.s32 $0x200, s20  }
0x29: {  	[tilespmem:s16], [sflag:$0x1] =	stream.indirect.gather [hbm4b:s5+s15], $0x80, s21, s15, $0xb8;
	[tilespmem:$0x19400] =	vst v63  }
0x2a: {  	p0 =	sne.s32 s20, $0x2E00;
	_ =	swait.ge [sflag:s17], $0x3E80  }
.Ltmp0:
0x2b: {  	[sflag:s17] =	ssyncset.done $0x0;
	(pc) =	sbr.rel @p0 .LBB2_3-.Ltmp0, $4  }
0x2c: {  	s20 =	sadd.s32 $0xC00, s21;
	[sflag:s17] =	ssyncadd.s32 $0xFFFFC180  }
0x2d: {  	[spmem:s3] =	stream.indirect.scatter.add.f32 [tilespmem:s16], [sflag:$0x2], $0x80, s20, s15, $0xb8;
	[tilespmem:$0x19400] =	vst v63  }
0x2e: {  	_ =	swait.ge [sflag:s13], $0x3E80  }
0x2f: {  	s20 =	smov.u32 s22;
	[sflag:s13] =	ssyncset.done $0x0  }
0x30: {  	s19 =	sshra.s32 s19, $0x2;
	[sflag:s13] =	ssyncadd.s32 $0xFFFFC180  }
0x31: {  	[tilespmem:s16], [sflag:$0x1] =	stream.indirect.gather [hbm4b:s5+s15], $0x80, s19, s15, $0xb8;
	[tilespmem:$0x19400] =	vst v63  }
0x32: {  	s18 =	sadd.s32 $0x1, s18;
	_ =	swait.ge [sflag:s17], $0x3E80  }
0x33: {  	p0 =	sne.s32 s18, $0x6;
	[sflag:s17] =	ssyncset.done $0x0  }
.Ltmp1:
0x34: {  	s19 =	sadd.s32 $0xC00, s19;
	[sflag:s17] =	ssyncadd.s32 $0xFFFFC180;
	(pc) =	sbr.rel @p0 .LBB2_2-.Ltmp1, $4  }
0x35: {  	[spmem:s3] =	stream.indirect.scatter.add.f32 [tilespmem:s16], [sflag:$0x2], $0x80, s19, s15, $0xb8;
	[tilespmem:$0x19400] =	vst v63  }
0x36: {  	_ =	swait.ge [sflag:s13], $0x3E80  }
0x37: {  	[sflag:s13] =	ssyncset.done $0x0  }
0x38: {  	[sflag:s13] =	ssyncadd.s32 $0xFFFFC180  }
0x39: {  	s4 =	sadd.s32 $0x1, s4  }
0x3a: {  	p0 =	sne.s32 s4, s11  }
.Ltmp2:
0x3b: {  	[bflag:$0x0] =	sbarrier.arrive $0xFFFF;
	(pc) =	sbr.rel @p0 .LBB2_1-.Ltmp2, $4  }
0x3c: {  	[hbm:s10], [sflag:s8] =	dma.local [spmem:s12], $0x2780  }
0x3d: {  	_ =	swait.ge [sflag:s13], $0x2780  }
0x3e: {  	[sflag:s13] =	ssyncset.done $0x0  }
0x3f: {  	[sflag:s13] =	ssyncadd.s32 $0xFFFFD880  }
0x40: {  	_ =	sfence.sel $0x180000  }
0x41: {  	[bflag:$0x0] =	sbarrier.arrive $0xFFFF  }
0x42: {  	p0 =	sne.s32 s0, $0x0;
	_ =	strace $0x9000005F  }
0x43: {  	s0 =	sadd.s32 @!p0 $0x100000, s1;
	[bflag:$0x2] =	sbarrier.arrive $0xFFFF  }
0x44: {  	[sflag:s0] =	ssyncadd.tile.s32 @!p0 $0x1;
	_ =	shalt  }
.Lfunc_end2:
_tile_overlayer_lowered:
.L_overlay_start_2:
0x45: {  	(tag) =	ssettag $0x2  }
0x46: {  	s0 =	rddreg [dreg:$0x0];
	s2 =	stileid.u32  }
0x47: {  	s1 =	rddreg [dreg:$0x1];
	p0 =	sne.s32 s2, $0x0  }
0x48: {  	s3 =	rddreg [dreg:$0x2];
	[bflag:$0x3] =	sbarrier.arrive $0xFFFF;
	s2 =	simm.s32 @!p0 $0x1C02  }
0x49: {  	[timem:s3], [sflag:s2] =	dma.local @!p0 [hbm:s0], s1  }
0x4a: {  	s0 =	simm.s32 @!p0 $0x2  }
0x4b: {  	_ =	swait.ge @!p0 [sflag:s0], s1  }
0x4c: {  	s1 =	ssub.s32 @!p0 $0x0, s1;
	[sflag:s0] =	ssyncset.done @!p0 $0x0  }
0x4d: {  	[sflag:s0] =	ssyncadd.s32 @!p0 s1  }
0x4e: {  	[bflag:$0x3] =	sbarrier.arrive $0xFFFF  }
0x4f: {  	_ =	shalt  }

// kernel: kernel.29.cloned.1.call-start
scs
__scs_entry_jumppad:
0x0: {  	(pc) =	sbr.rel $0x88, $3  }
0x1: {  	(tag) =	ssettag $0x0;
	lr =	simm.s32 $0x1  }
0x2: {  	[smem:$0x3F94] =	sst lr;
	_ =	strace $0xD0000000  }
0x3: {  	_ = 	snop  }
0x4: {  	_ = 	snop  }
0x5: {  	_ = 	snop  }
0x6: {  	_ = 	snop  }
0x7: {  	_ = 	snop  }
__scs_overlays_trampoline_lowered:
0x8: {  	[smem:$0x3FA3] =	sst s0  }
0x9: {  	[smem:$0x3FA4] =	sst s1  }
0xa: {  	[smem:$0x3FA5] =	sst s2  }
0xb: {  	[smem:$0x3FA6] =	sst s3  }
0xc: {  	[smem:$0x3FA7] =	sst s4  }
0xd: {  	[smem:$0x3FA8] =	sst s5  }
0xe: {  	[smem:$0x3FA9] =	sst s6  }
0xf: {  	[smem:$0x3FAA] =	sst s7  }
0x10: {  	[smem:$0x3FAB] =	sst s8  }
0x11: {  	[smem:$0x3FAC] =	sst s9;
	s0 =	simm.s32 @!p0 $0x0  }
0x12: {  	s1 =	sld [smem:$0x3F92];
	s0 =	simm.s32 @p0 $0x1  }
0x13: {  	[smem:$0x3FAD] =	sst s0;
	s0 =	simm.s32 @!p1 $0x0  }
0x14: {  	s2 =	sld [smem:$0x3F91];
	s0 =	simm.s32 @p1 $0x1  }
0x15: {  	[smem:$0x3FAE] =	sst s0;
	s0 =	simm.s32 @!p2 $0x0  }
0x16: {  	s3 =	sld [smem:$0x3FDB];
	s0 =	simm.s32 @p2 $0x1  }
0x17: {  	s4 =	simm.s32 $0x1BF5;
	[smem:$0x3FB0] =	sst s0  }
0x18: {  	s0 =	sld [smem:$0x3F93];
	_ =	swait.ge [sflag:s4], $0x0  }
0x19: {  	s7 =	sld [smem:$0x3F94]  }
0x1a: {  	s8 =	sadd.s32 $0xFFFFE003, lr  }
0x1b: {  	s9 =	sadd.s32 $0xFFFFFEF7, lr;
	s5 =	simm.s32 $0xFFFFFFFF;
	p2 =	slt.u32 s8, $0xFFFFF086  }
0x1c: {  	p1 =	slt.u32 s9, $0xF7A;
	s5 =	simm.s32 @!p2 $0x0  }
0x1d: {  	s5 =	simm.s32 @p1 $0x1;
	p0 =	seq.s32 s7, s2  }
0x1e: {  	s7 =	smul.u32 @!p0 $0xF7A, s2;
	p2 =	seq.s32 @!p0 s5, $0x0  }
0x1f: {  	s9 =	smul.u32 $0xF7A, s1;
	s8 =	simm.s32 @!p0 $0x1BF5;
	p2 =	por !p2, p0  }
0x20: {  	[sflag:s8] =	ssyncset.s32 @!p0 $0xFFFFF086;
	s6 =	sadd.s32 @!p0 s3, s7;
	s7 =	simm.s32 @!p0 $0x108  }
0x21: {  	s3 =	sadd.s32 s3, s9;
	s6 =	sadd.s32 @!p0 $0x88, s6;
	s7 =	simm.s32 @p2 $0x1082  }
0x22: {  	[simem:s7], [sflag:s8] =	dma.local @!p0 [hbm:s6], $0xF7A  }
0x23: {  	s9 =	sor.u32 $0xD0000000, s2;
	s6 =	simm.s32 $0x108;
	_ =	swait.ge @!p0 [sflag:s8], $0x0  }
0x24: {  	s3 =	sadd.s32 $0x88, s3;
	s6 =	simm.s32 @!p1 $0x1082;
	[sflag:s4] =	ssyncset.s32 $0xFFFFF086  }
0x25: {  	[simem:s6], [sflag:s4] =	dma.local [hbm:s3], $0xF7A  }
0x26: {  	[smem:$0x3F94] =	sst s1;
	(tag) =	ssettag s2;
	_ =	strace s9  }
0x27: {  	s1 =	sld [smem:$0x3FA4]  }
0x28: {  	s2 =	sld [smem:$0x3FA5]  }
0x29: {  	s4 =	sld [smem:$0x3FA7]  }
0x2a: {  	p0 =	seq.s32 s5, $0x0;
	s5 =	sld [smem:$0x3FA8]  }
0x2b: {  	s6 =	sld [smem:$0x3FA9]  }
0x2c: {  	s7 =	sld [smem:$0x3FAA]  }
0x2d: {  	s3 =	simm.s32 $0x108;
	s8 =	sld [smem:$0x3FAB]  }
0x2e: {  	s3 =	simm.s32 @!p0 $0x1082;
	s9 =	sld [smem:$0x3FAC]  }
0x2f: {  	lr =	sadd.s32 s0, s3;
	s0 =	sld [smem:$0x3FA3]  }
0x30: {  	s3 =	sld [smem:$0x3FA6]  }
0x31: {  	[smem:$0x3FAF] =	sst s10  }
0x32: {  	s10 =	sld [smem:$0x3FAD];
	_ =	sdelay $0x3  }
0x33: {  	p0 =	seq.s32 s10, $0x1;
	s10 =	sld [smem:$0x3FAF];
	_ =	sdelay $0x3  }
0x34: {  	[smem:$0x3FAF] =	sst s10  }
0x35: {  	s10 =	sld [smem:$0x3FAE];
	_ =	sdelay $0x3  }
0x36: {  	p1 =	seq.s32 s10, $0x1;
	s10 =	sld [smem:$0x3FAF];
	_ =	sdelay $0x3  }
0x37: {  	[smem:$0x3FAF] =	sst s10  }
0x38: {  	s10 =	sld [smem:$0x3FB0]  }
0x39: {  	_ = 	snop;
	(pc) =	sbr.ind lr, $3  }
0x3a: {  	_ = 	snop  }
0x3b: {  	_ = 	snop  }
0x3c: {  	p2 =	seq.s32 s10, $0x1;
	s10 =	sld [smem:$0x3FAF]  }
0x3d: {  	_ =	shalt  }
0x3e: {  	_ =	shalt  }
0x3f: {  	_ =	shalt  }
0x40: {  	_ =	shalt  }
0x41: {  	_ =	shalt  }
0x42: {  	_ =	shalt  }
0x43: {  	_ =	shalt  }
0x44: {  	_ =	shalt  }
0x45: {  	_ =	shalt  }
0x46: {  	_ =	shalt  }
0x47: {  	_ =	shalt  }
0x48: {  	_ =	shalt  }
0x49: {  	_ =	shalt  }
0x4a: {  	_ =	shalt  }
0x4b: {  	_ =	shalt  }
0x4c: {  	_ =	shalt  }
0x4d: {  	_ =	shalt  }
0x4e: {  	_ =	shalt  }
0x4f: {  	_ =	shalt  }
0x50: {  	_ =	shalt  }
0x51: {  	_ =	shalt  }
0x52: {  	_ =	shalt  }
0x53: {  	_ =	shalt  }
0x54: {  	_ =	shalt  }
0x55: {  	_ =	shalt  }
0x56: {  	_ =	shalt  }
0x57: {  	_ =	shalt  }
0x58: {  	_ =	shalt  }
0x59: {  	_ =	shalt  }
0x5a: {  	_ =	shalt  }
0x5b: {  	_ =	shalt  }
0x5c: {  	_ =	shalt  }
0x5d: {  	_ =	shalt  }
0x5e: {  	_ =	shalt  }
0x5f: {  	_ =	shalt  }
0x60: {  	_ =	shalt  }
0x61: {  	_ =	shalt  }
0x62: {  	_ =	shalt  }
0x63: {  	_ =	shalt  }
0x64: {  	_ =	shalt  }
0x65: {  	_ =	shalt  }
0x66: {  	_ =	shalt  }
0x67: {  	_ =	shalt  }
0x68: {  	_ =	shalt  }
0x69: {  	_ =	shalt  }
0x6a: {  	_ =	shalt  }
0x6b: {  	_ =	shalt  }
0x6c: {  	_ =	shalt  }
0x6d: {  	_ =	shalt  }
0x6e: {  	_ =	shalt  }
0x6f: {  	_ =	shalt  }
0x70: {  	_ =	shalt  }
0x71: {  	_ =	shalt  }
0x72: {  	_ =	shalt  }
0x73: {  	_ =	shalt  }
0x74: {  	_ =	shalt  }
0x75: {  	_ =	shalt  }
0x76: {  	_ =	shalt  }
0x77: {  	_ =	shalt  }
0x78: {  	_ =	shalt  }
0x79: {  	_ =	shalt  }
0x7a: {  	_ =	shalt  }
0x7b: {  	_ =	shalt  }
0x7c: {  	_ =	shalt  }
0x7d: {  	_ =	shalt  }
0x7e: {  	_ =	shalt  }
0x7f: {  	_ =	shalt  }
0x80: {  	_ =	shalt  }
0x81: {  	_ =	shalt  }
0x82: {  	_ =	shalt  }
0x83: {  	_ =	shalt  }
0x84: {  	_ =	shalt  }
0x85: {  	_ =	shalt  }
0x86: {  	_ =	shalt  }
0x87: {  	_ =	shalt  }
.Lfunc_end0:
.L_simem_size_0:
called_computation.12_lowered:
.L_overlay_start_0:
0x88: {  	s2 =	sld [smem:$0x3FD9]  }
0x89: {  	s3 =	sld [smem:$0x3FFE];
	_ =	sdelay $0x1  }
0x8a: {  	s1 =	srdreg.scid  }
0x8b: {  	s0 =	sand.u32 $0x1, s1  }
0x8c: {  	s16 =	sshll.u32 s0, $0xA;
	s2 =	sadd.s32 s3, s2  }
0x8d: {  	s2 =	sadd.s32 s2, s16  }
0x8e: {  	[smem:$0x3FBB] =	sst s2  }
0x8f: {  	_ = 	snop  }
0x90: {  	(tm) =	ssettm $0x1  }
0x91: {  	s17 =	sld [smem:$0x3FFB];
	_ =	sdelay $0x3  }
0x92: {  	_ =	strace s17  }
0x93: {  	s2 =	sld [smem:$0x3FFC];
	_ =	sdelay $0x3  }
0x94: {  	_ =	strace s2  }
0x95: {  	s2 =	sld [smem:$0x3FFD];
	_ =	sdelay $0x3  }
0x96: {  	_ =	strace s2  }
0x97: {  	_ =	strace $0x8FFFFFFF  }
0x98: {  	s18 =	sld [smem:$0x3FDB];
	_ =	sdelay $0x1  }
0x99: {  	s19 =	simm.s32 $_scs_section_size  }
0x9a: {  	s4 =	simm.s32 $_size__tile_overlayer_lowered;
	s5 =	simm.s32 $_tile_overlayer_lowered  }
0x9b: {  	s22 =	simm.s32 $0x1BFF;
	s21 =	sshll.u32 s5, $0x1;
	s2 =	sadd.s32 s19, s18  }
0x9c: {  	s6 =	simm.s32 $0x0;
	s20 =	sshll.u32 s4, $0x1;
	s4 =	sadd.s32 s21, s2  }
0x9d: {  	[timem:s6], [sflag:s22] =	dma.local [hbm:s4], s20  }
0x9e: {  	_ =	swait.ge [sflag:s22], s20  }
0x9f: {  	s3 =	ssub.s32 $0x0, s20;
	[sflag:s22] =	ssyncset.done $0x0  }
0xa0: {  	[sflag:s22] =	ssyncadd.s32 s3;
	_ =	sdelay $0x1  }
0xa1: {  	s23 =	simm.s32 $0x1B8B  }
0xa2: {  	_ =	swait.ge [sflag:s23], $0x1  }
0xa3: {  	[sflag:s23] =	ssyncset.done $0x0  }
0xa4: {  	s25 =	simm.s32 $0x1B8E;
	s24 =	sld [smem:$0x3FFE];
	[sflag:s23] =	ssyncadd.s32 $0xFFFFFFFF  }
0xa5: {  	s26 =	simm.s32 $execute0_lowered;
	[smem:$0x3FD2] =	sst s25  }
0xa6: {  	s4 =	sshll.u32 s26, $0x1;
	_ =	strace $0x80000061;
	[dreg:$0x1] =	wrdreg $0xFFFFFFFF  }
0xa7: {  	s28 =	simm.s32 $_size_execute0_lowered;
	s2 =	sadd.s32 s2, s4;
	[dreg:$0x0] =	wrdreg $0x0  }
0xa8: {  	s4 =	sshll.u32 s28, $0x1;
	[dreg:$0x2] =	wrdreg s2  }
0xa9: {  	[dreg:$0x3] =	wrdreg s4  }
0xaa: {  	[dreg:$0x4] =	wrdreg $0xC0  }
0xab: {  	_ =	task [dreg:s6], $0x5FFFF  }
0xac: {  	[dreg:$0x1] =	wrdreg $0xFFFFFFFF  }
0xad: {  	[dreg:$0x0] =	wrdreg $0x60  }
0xae: {  	[dreg:$0x2] =	wrdreg s24  }
0xaf: {  	[dreg:$0x3] =	wrdreg $0x58000  }
0xb0: {  	[dreg:$0x4] =	wrdreg $0x9  }
0xb1: {  	_ =	task.clear_ibuf [dreg:s6], $0x5FFFF;
	_ =	strace $0x90000061  }
0xb2: {  	s29 =	simm.s32 $0x9;
	_ =	strace $0x80000063  }
0xb3: {  	_ =	swait.ge [sflag:s29], $0x1  }
0xb4: {  	[sflag:s29] =	ssyncadd.s32 $0xFFFFFFFF  }
0xb5: {  	_ =	strace $0x90000063  }
0xb6: {  	_ =	sfence  }
0xb7: {  	s30 =	sld [smem:$0x0];
	_ =	sdelay $0x2  }
0xb8: {  	s31 =	sshll.u32 s1, $0xD;
	s1 =	sshrl.u32 s1, $0x2  }
0xb9: {  	s3 =	sand.u32 $0x4000, s31;
	s1 =	sadd.s32 s1, s30  }
0xba: {  	s0 =	sor.u32 s3, s0;
	s1 =	sshll.u32 s1, $0x11  }
0xbb: {  	s0 =	sor.u32 s1, s0  }
0xbc: {  	s0 =	sadd.s32 $0x8F2B, s0  }
0xbd: {  	[sflag:s0] =	ssyncadd.remote.s32 $0x1  }
0xbe: {  	_ =	sfence.sel $0xFFFF  }
0xbf: {  	[dreg:$0x0] =	wrdreg $0xFFFFFFFF;
	(pc) =	sbr.abs _section_cstart, $3  }
0xc0: {  	[dreg:$0x1] =	wrdreg $0xFFFFFFFF  }
0xc1: {  	_ =	task.clear_ibuf [dreg:s6], $0x2FFFF;
	_ =	strace $0x9FFFFFFF  }
0xc2: {  	(tm) =	ssettm $0x7FFFFFFF  }
0xc3: {  	_ =	shalt  }
tec
execute0_lowered:
.L_overlay_start_1:
0x0: {  	(tag) =	ssettag $0x1  }
0x1: {  	s2 =	rddreg [dreg:$0x0]  }
0x2: {  	s3 =	rddreg [dreg:$0x1];
	s0 =	stileid.u32  }
0x3: {  	s5 =	srdreg.scid;
	s1 =	rddreg [dreg:$0x2]  }
0x4: {  	s4 =	simm.s32 $0x0;
	s15 =	simm.s32 $0x7D;
	s16 =	simm.s32 $0x1800  }
0x5: {  	s17 =	simm.s32 $0x1;
	s6 =	smul.u32 $0x13C00, s0;
	s7 =	sand.u32 $0x1, s5  }
0x6: {  	[smem:$0x7FF] =	sst s4;
	s5 =	sadd.s32 $0x72A00, s2;
	s11 =	smul.u32 $0x4F000, s0  }
0x7: {  	s29 =	sshll.u32 s0, $0x6;
	s9 =	smul.u32 $0x13C000, s7;
	_ =	strace $0x80000062  }
0x8: {  	s10 =	ssub.s32 $0x2, s7;
	s30 =	sshll.u32 s7, $0x4;
	s8 =	sshrl.u32 s6, $0x3  }
0x9: {  	s12 =	sshrl.u32 s10, $0x1;
	s28 =	sshrl.u32 s11, $0x2;
	s31 =	sor.u32 s0, s30  }
0xa: {  	s8 =	sadd.s32 s8, s2;
	s9 =	sadd.s32 s6, s9;
	s6 =	sadd.s32 $0x39200, s2  }
0xb: {  	s12 =	ssub.s32 s10, s12;
	s14 =	sadd.s32 s28, s3;
	s9 =	sshrl.u32 s9, $0x3  }
0xc: {  	s7 =	sadd.s32 $0x4B200, s8;
	s8 =	sor.u32 $0x1C02, s29;
	s11 =	smax.u32 s12, $0x1  }
0xd: {  	s12 =	sshrl.u32 s14, $0x3;
	s14 =	simm.s32 $0xC00;
	s13 =	sadd.s32 s9, s2  }
0xe: {  	s9 =	smul.u32 $0x4800, s31;
	s10 =	sadd.s32 $0x99C00, s13;
	s13 =	simm.s32 $0x2  }
.LBB2_1:
0xf: {  	[spmem:s12], [sflag:s8] =	dma.local [hbm:s7], $0x2780  }
0x10: {  	_ =	swait.ge [sflag:s13], $0x2780  }
0x11: {  	[sflag:s13] =	ssyncset.done $0x0  }
0x12: {  	[sflag:s13] =	ssyncadd.s32 $0xFFFFD880  }
0x13: {  	s18 =	simm.s32 $0x0;
	[bflag:$0x0] =	sbarrier.arrive $0xFFFF  }
.LBB2_2:
0x14: {  	s19 =	smul.u32 $0xC00, s18;
	_ =	sdelay $0x1  }
0x15: {  	s19 =	sadd.s32 s9, s19  }
0x16: {  	s19 =	sshrl.u32 s19, $0x3  }
0x17: {  	s21 =	simm.s32 $0x0;
	s20 =	sadd.s32 s2, s19  }
0x18: {  	[tilespmem:s21], [sflag:$0x2] =	stream.linear.gather [hbm4b:s20+s21], $0xC00, $0x38;
	[tilespmem:$0x19400] =	vst v63  }
0x19: {  	_ =	swait.ge [sflag:s13], $0xC00  }
0x1a: {  	[sflag:s13] =	ssyncset.done $0x0  }
0x1b: {  	s19 =	sadd.s32 s6, s19;
	[sflag:s13] =	ssyncadd.s32 $0xFFFFF400  }
0x1c: {  	[tilespmem:s14], [sflag:$0x2] =	stream.linear.gather [hbm4b:s19+s21], $0xC00, $0x38;
	[tilespmem:$0x19400] =	vst v63  }
0x1d: {  	_ =	swait.ge [sflag:s13], $0xC00  }
0x1e: {  	[sflag:s13] =	ssyncset.done $0x0  }
0x1f: {  	s30 =	simm.s32 $0x0;
	[sflag:s13] =	ssyncadd.s32 $0xFFFFF400  }
0x20: {  	[tilespmem:s16], [sflag:$0x1] =	stream.indirect.gather [hbm4b:s5+s15], $0x80, s30, s15, $0xb8;
	[tilespmem:$0x19400] =	vst v63  }
0x21: {  	_ =	swait.ge [sflag:s17], $0x3E80  }
0x22: {  	[sflag:s17] =	ssyncset.done $0x0  }
0x23: {  	s31 =	simm.s32 $0xC00;
	[sflag:s17] =	ssyncadd.s32 $0xFFFFC180  }
0x24: {  	[spmem:s3] =	stream.indirect.scatter.add.f32 [tilespmem:s16], [sflag:$0x2], $0x80, s31, s15, $0xb8;
	[tilespmem:$0x19400] =	vst v63  }
0x25: {  	_ =	swait.ge [sflag:s13], $0x3E80  }
0x26: {  	s20 =	simm.s32 $0x400;
	s19 =	simm.s32 $0x200;
	[sflag:s13] =	ssyncset.done $0x0  }
.LBB2_3:
0x27: {  	s21 =	sshra.s32 s19, $0x2  }
0x28: {  	[sflag:s13] =	ssyncadd.s32 $0xFFFFC180;
	s19 =	smov.u32 s20;
	s22 =	sadd.s32 $0x200, s20  }
0x29: {  	[tilespmem:s16], [sflag:$0x1] =	stream.indirect.gather [hbm4b:s5+s15], $0x80, s21, s15, $0xb8;
	[tilespmem:$0x19400] =	vst v63  }
0x2a: {  	p0 =	sne.s32 s20, $0x2E00;
	_ =	swait.ge [sflag:s17], $0x3E80  }
.Ltmp0:
0x2b: {  	[sflag:s17] =	ssyncset.done $0x0;
	(pc) =	sbr.rel @p0 .LBB2_3-.Ltmp0, $4  }
0x2c: {  	s20 =	sadd.s32 $0xC00, s21;
	[sflag:s17] =	ssyncadd.s32 $0xFFFFC180  }
0x2d: {  	[spmem:s3] =	stream.indirect.scatter.add.f32 [tilespmem:s16], [sflag:$0x2], $0x80, s20, s15, $0xb8;
	[tilespmem:$0x19400] =	vst v63  }
0x2e: {  	_ =	swait.ge [sflag:s13], $0x3E80  }
0x2f: {  	s20 =	smov.u32 s22;
	[sflag:s13] =	ssyncset.done $0x0  }
0x30: {  	s19 =	sshra.s32 s19, $0x2;
	[sflag:s13] =	ssyncadd.s32 $0xFFFFC180  }
0x31: {  	[tilespmem:s16], [sflag:$0x1] =	stream.indirect.gather [hbm4b:s5+s15], $0x80, s19, s15, $0xb8;
	[tilespmem:$0x19400] =	vst v63  }
0x32: {  	s18 =	sadd.s32 $0x1, s18;
	_ =	swait.ge [sflag:s17], $0x3E80  }
0x33: {  	p0 =	sne.s32 s18, $0x6;
	[sflag:s17] =	ssyncset.done $0x0  }
.Ltmp1:
0x34: {  	s19 =	sadd.s32 $0xC00, s19;
	[sflag:s17] =	ssyncadd.s32 $0xFFFFC180;
	(pc) =	sbr.rel @p0 .LBB2_2-.Ltmp1, $4  }
0x35: {  	[spmem:s3] =	stream.indirect.scatter.add.f32 [tilespmem:s16], [sflag:$0x2], $0x80, s19, s15, $0xb8;
	[tilespmem:$0x19400] =	vst v63  }
0x36: {  	_ =	swait.ge [sflag:s13], $0x3E80  }
0x37: {  	[sflag:s13] =	ssyncset.done $0x0  }
0x38: {  	[sflag:s13] =	ssyncadd.s32 $0xFFFFC180  }
0x39: {  	s4 =	sadd.s32 $0x1, s4  }
0x3a: {  	p0 =	sne.s32 s4, s11  }
.Ltmp2:
0x3b: {  	[bflag:$0x0] =	sbarrier.arrive $0xFFFF;
	(pc) =	sbr.rel @p0 .LBB2_1-.Ltmp2, $4  }
0x3c: {  	[hbm:s10], [sflag:s8] =	dma.local [spmem:s12], $0x2780  }
0x3d: {  	_ =	swait.ge [sflag:s13], $0x2780  }
0x3e: {  	[sflag:s13] =	ssyncset.done $0x0  }
0x3f: {  	[sflag:s13] =	ssyncadd.s32 $0xFFFFD880  }
0x40: {  	_ =	sfence.sel $0x180000  }
0x41: {  	[bflag:$0x0] =	sbarrier.arrive $0xFFFF  }
0x42: {  	p0 =	sne.s32 s0, $0x0;
	_ =	strace $0x90000062  }
0x43: {  	s0 =	sadd.s32 @!p0 $0x100000, s1;
	[bflag:$0x2] =	sbarrier.arrive $0xFFFF  }
0x44: {  	[sflag:s0] =	ssyncadd.tile.s32 @!p0 $0x1;
	_ =	shalt  }
.Lfunc_end2:
_tile_overlayer_lowered:
.L_overlay_start_2:
0x45: {  	(tag) =	ssettag $0x2  }
0x46: {  	s0 =	rddreg [dreg:$0x0];
	s2 =	stileid.u32  }
0x47: {  	s1 =	rddreg [dreg:$0x1];
	p0 =	sne.s32 s2, $0x0  }
0x48: {  	s3 =	rddreg [dreg:$0x2];
	[bflag:$0x3] =	sbarrier.arrive $0xFFFF;
	s2 =	simm.s32 @!p0 $0x1C02  }
0x49: {  	[timem:s3], [sflag:s2] =	dma.local @!p0 [hbm:s0], s1  }
0x4a: {  	s0 =	simm.s32 @!p0 $0x2  }
0x4b: {  	_ =	swait.ge @!p0 [sflag:s0], s1  }
0x4c: {  	s1 =	ssub.s32 @!p0 $0x0, s1;
	[sflag:s0] =	ssyncset.done @!p0 $0x0  }
0x4d: {  	[sflag:s0] =	ssyncadd.s32 @!p0 s1  }
0x4e: {  	[bflag:$0x3] =	sbarrier.arrive $0xFFFF  }
0x4f: {  	_ =	shalt  }

</sc_bundles>
